<compile_context>
chip_gen: v7x
topology: tpu7x:2x2x1
jax: 0.10.2.dev20260603
libtpu: 0.0.44.dev20260713+nightly
codegen_flags: <defaults>
</compile_context>

<pallas_src>
import functools

import jax
import jax.numpy as jnp
from jax import lax
from jax.experimental import pallas as pl
from jax.experimental.pallas import tpu as pltpu
from jax.experimental.pallas import tpu_sc as plsc

B = 16384
RANK = 16
NROWS = 1000000

DW = 131072
NCH = 8
FSTRIDE = DW * NCH

_info = plsc.get_sparse_core_info()
NC = _info.num_cores
NS = _info.num_subcores
L = _info.num_lanes
NW = NC * NS
BPW = B // NW
BLKS = BPW // L

_mesh = plsc.VectorSubcoreMesh(core_axis_name="c", subcore_axis_name="s")

_SC_PARAMS = pltpu.CompilerParams(
    needs_layout_passes=False, use_tc_tiling_on_sc=False)


def _detile_body(t_ref, flat_ref, sem):
    c = pl.program_id(0)
    cps = []
    for f in range(RANK):
        cps.append(pltpu.make_async_copy(
            t_ref.at[f],
            flat_ref.at[pl.ds(f * FSTRIDE + c * DW, DW)],
            sem,
        ))
    for cp in cps:
        cp.start()
    for cp in cps:
        cp.wait()


def _detile(t):
    return pl.pallas_call(
        _detile_body,
        grid=(NCH,),
        in_specs=[pl.BlockSpec((RANK, DW), lambda c: (0, c))],
        out_specs=pl.BlockSpec(memory_space=pl.ANY),
        out_shape=jax.ShapeDtypeStruct((RANK * FSTRIDE,), jnp.float32),
        scratch_shapes=[pltpu.SemaphoreType.DMA],
    )(t)


def _gather_feats(rows, idx_v, buf_v, sem):

    def blk(b, carry):
        ids = idx_v[pl.ds(b * L, L)]
        d = pl.ds(b * L, L)
        for f in range(RANK):
            pltpu.async_copy(rows[f].at[ids], buf_v.at[f, d], sem)
        return carry

    lax.fori_loop(0, BLKS, blk, 0)


@functools.partial(
    pl.kernel,
    mesh=_mesh,
    out_type=(
        jax.ShapeDtypeStruct((RANK * B,), jnp.float32),
        jax.ShapeDtypeStruct((RANK * B,), jnp.float32),
    ),
    scratch_types=[
        pltpu.VMEM((BPW,), jnp.int32),
        pltpu.VMEM((BPW,), jnp.int32),
        pltpu.VMEM((RANK, BPW), jnp.float32),
        pltpu.VMEM((RANK, BPW), jnp.float32),
        pltpu.SemaphoreType.DMA,
    ],
    compiler_params=_SC_PARAMS,
)
def _sc_items(it_hbm, pids_hbm, nids_hbm, pfeat_hbm, nfeat_hbm,
              pidx_v, nidx_v, pbuf_v, nbuf_v, sem):
    wid = lax.axis_index("s") * NC + lax.axis_index("c")
    sl = pl.ds(wid * BPW, BPW)

    pltpu.sync_copy(pids_hbm.at[sl], pidx_v)
    pltpu.sync_copy(nids_hbm.at[sl], nidx_v)

    irows = [it_hbm.at[pl.ds(f * FSTRIDE, NROWS)] for f in range(RANK)]
    _gather_feats(irows, pidx_v, pbuf_v, sem)
    _gather_feats(irows, nidx_v, nbuf_v, sem)

    proto = it_hbm.at[pl.ds(0, RANK * BPW)]
    pltpu.make_async_copy(proto, pbuf_v, sem).wait()
    pltpu.make_async_copy(proto, nbuf_v, sem).wait()

    for f in range(RANK):
        out = pl.ds(f * B + wid * BPW, BPW)
        pltpu.sync_copy(pbuf_v.at[f], pfeat_hbm.at[out])
        pltpu.sync_copy(nbuf_v.at[f], nfeat_hbm.at[out])


@functools.partial(
    pl.kernel,
    mesh=_mesh,
    out_type=(
        jax.ShapeDtypeStruct((B,), jnp.float32),
        jax.ShapeDtypeStruct((B,), jnp.float32),
    ),
    scratch_types=[
        pltpu.VMEM((BPW,), jnp.int32),
        pltpu.VMEM((RANK, BPW), jnp.float32),
        pltpu.VMEM((RANK, BPW), jnp.float32),
        pltpu.VMEM((RANK, BPW), jnp.float32),
        pltpu.VMEM((BPW,), jnp.float32),
        pltpu.VMEM((BPW,), jnp.float32),
        pltpu.SemaphoreType.DMA,
        pltpu.SemaphoreType.DMA,
    ],
    compiler_params=_SC_PARAMS,
)
def _sc_user_score(ut_hbm, uids_hbm, pfeat_hbm, nfeat_hbm,
                   outp_hbm, outn_hbm,
                   uidx_v, ubuf_v, pbuf_v, nbuf_v,
                   outp_v, outn_v, semG, semS):
    wid = lax.axis_index("s") * NC + lax.axis_index("c")
    sl = pl.ds(wid * BPW, BPW)

    pltpu.sync_copy(uids_hbm.at[sl], uidx_v)

    urows = [ut_hbm.at[pl.ds(f * FSTRIDE, NROWS)] for f in range(RANK)]
    _gather_feats(urows, uidx_v, ubuf_v, semG)

    stage = []
    for f in range(RANK):
        src = pl.ds(f * B + wid * BPW, BPW)
        stage.append(pltpu.async_copy(pfeat_hbm.at[src], pbuf_v.at[f], semS))
        stage.append(pltpu.async_copy(nfeat_hbm.at[src], nbuf_v.at[f], semS))
    for c in stage:
        c.wait()
    proto = ut_hbm.at[pl.ds(0, RANK * BPW)]
    pltpu.make_async_copy(proto, ubuf_v, semG).wait()

    def blk_body(b, carry):
        base = b * L
        accp = jnp.zeros((L,), jnp.float32)
        accn = jnp.zeros((L,), jnp.float32)
        for f in range(RANK):
            u = ubuf_v[f, pl.ds(base, L)]
            p = pbuf_v[f, pl.ds(base, L)]
            n = nbuf_v[f, pl.ds(base, L)]
            accp = accp + u * p
            accn = accn + u * n
        outp_v[pl.ds(base, L)] = accp
        outn_v[pl.ds(base, L)] = accn
        return carry

    lax.fori_loop(0, BLKS, blk_body, 0)

    pltpu.sync_copy(outp_v, outp_hbm.at[sl])
    pltpu.sync_copy(outn_v, outn_hbm.at[sl])


def kernel(user_ids, pos_items, neg_items, user_emb, item_emb):
    iflat = _detile(item_emb.T)
    pfeat, nfeat = _sc_items(iflat,
                             pos_items.astype(jnp.int32),
                             neg_items.astype(jnp.int32))
    uflat = _detile(user_emb.T)
    return _sc_user_score(uflat, user_ids.astype(jnp.int32), pfeat, nfeat)

# --- scband reference (transcript-rebuilt; emitter-appended) ---
"""Pipeline reference for scband-bpr-8057358647452 (READ-ONLY COPY).

The authoritative reference and input builder live on the scoring server;
editing this copy changes nothing except your own understanding.
"""

import jax, jax.numpy as jnp
import numpy as np

NUM_USERS = 1000000
NUM_ITEMS = 1000000
RANK = 16
BATCH = 16384


def setup_inputs(seed: int = 0) -> dict:
    key = jax.random.key(seed)
    k1, k2, k3, k4, k5 = jax.random.split(key, 5)
    user_ids = jax.random.randint(k1, (BATCH,), 0, NUM_USERS, dtype=jnp.int64 if jax.config.jax_enable_x64 else jnp.int32)
    pos_items = jax.random.randint(k2, (BATCH,), 0, NUM_ITEMS, dtype=jnp.int64 if jax.config.jax_enable_x64 else jnp.int32)
    neg_items = jax.random.randint(k3, (BATCH,), 0, NUM_ITEMS, dtype=jnp.int64 if jax.config.jax_enable_x64 else jnp.int32)
    user_emb = jax.random.normal(k4, (NUM_USERS, RANK), dtype=jnp.float32) * 0.01
    item_emb = jax.random.normal(k5, (NUM_ITEMS, RANK), dtype=jnp.float32) * 0.01
    return {
        "user_ids": user_ids,
        "pos_items": pos_items,
        "neg_items": neg_items,
        "user_emb": user_emb,
        "item_emb": item_emb,
    }


def _nmf_score(user_emb, item_emb, user_ids, item_ids):
    # NMF matrix-factorization score: dot(user_factor, item_factor)
    u = jnp.take(user_emb, user_ids, axis=0)  # [B, rank] gather
    v = jnp.take(item_emb, item_ids, axis=0)  # [B, rank] gather
    return jnp.sum(u * v, axis=-1)            # [B]


def reference(user_ids, pos_items, neg_items, user_emb, item_emb):
    pos_scores = _nmf_score(user_emb, item_emb, user_ids, pos_items)
    neg_scores = _nmf_score(user_emb, item_emb, user_ids, neg_items)
    return (pos_scores, neg_scores)

if __name__ == "__main__":
    import jax
    _d = setup_inputs()
    print(jax.jit(kernel)(*tuple(_d.values())))

</pallas_src>

<mosaic_0001>
#map = affine_map<(d0, d1) -> (0)>
module attributes {stable_mosaic.version = 14 : i64} {
  func.func @_sc_user_score(%arg0: i32, %arg1: i32, %arg2: memref<16777216xf32, #tpu.memory_space<hbm>>, %arg3: memref<16384xi32, #tpu.memory_space<hbm>>, %arg4: memref<262144xf32, #tpu.memory_space<hbm>>, %arg5: memref<262144xf32, #tpu.memory_space<hbm>>, %arg6: memref<16384xf32, #tpu.memory_space<hbm>>, %arg7: memref<16384xf32, #tpu.memory_space<hbm>>, %arg8: memref<512xi32, #tpu.memory_space<vmem>>, %arg9: memref<16x512xf32, #tpu.memory_space<vmem>>, %arg10: memref<16x512xf32, #tpu.memory_space<vmem>>, %arg11: memref<16x512xf32, #tpu.memory_space<vmem>>, %arg12: memref<512xf32, #tpu.memory_space<vmem>>, %arg13: memref<512xf32, #tpu.memory_space<vmem>>, %arg14: memref<!tpu.dma_semaphore, #tpu.memory_space<semaphore_mem>>, %arg15: memref<!tpu.dma_semaphore, #tpu.memory_space<semaphore_mem>>) attributes {dimension_semantics = [#tpu.dimension_semantics<core_parallel>, #tpu.dimension_semantics<subcore_parallel>], iteration_bounds = array<i64: 2, 16>, scalar_prefetch = 0 : i64, scratch_operands = 8 : i64, tpu.core_type = #tpu.core_type<sc_vector_subcore>, window_params = [{transform_indices = #map}, {transform_indices = #map}, {transform_indices = #map}, {transform_indices = #map}, {transform_indices = #map}, {transform_indices = #map}]} {
    %mul3A = arith.constant 2 : i32
    %mul3A_0 = arith.muli %arg1, %mul3A : i32
    %add3A = arith.addi %mul3A_0, %arg0 : i32
    %mul3A_1 = arith.constant 512 : i32
    %mul3A_2 = arith.muli %add3A, %mul3A_1 : i32
    "tpu.region"() ({
      %run_scoped3A = tpu.sem_alloc : memref<!tpu.dma_semaphore, #tpu.memory_space<semaphore_mem>>
      %dma_start3A_656 = tpu.memref_slice %arg3[%mul3A_2] : memref<16384xi32, #tpu.memory_space<hbm>> -> memref<512xi32, #tpu.memory_space<hbm>>
      %dma_start3A_657 = tpu.memref_slice %arg3[%mul3A_2] : memref<16384xi32, #tpu.memory_space<hbm>> -> memref<512xi32, #tpu.memory_space<hbm>>
      tpu.enqueue_dma source(%dma_start3A_657 : memref<512xi32, #tpu.memory_space<hbm>>) target(%arg8 : memref<512xi32, #tpu.memory_space<vmem>>) target_semaphore(%run_scoped3A : memref<!tpu.dma_semaphore, #tpu.memory_space<semaphore_mem>>)
      %dma_wait3A_658 = tpu.memref_slice %arg3[%mul3A_2] : memref<16384xi32, #tpu.memory_space<hbm>> -> memref<512xi32, #tpu.memory_space<hbm>>
      %dma_wait3A_659 = tpu.memref_slice %arg3[%mul3A_2] : memref<16384xi32, #tpu.memory_space<hbm>> -> memref<512xi32, #tpu.memory_space<hbm>>
      tpu.wait_dma2 semaphore(%run_scoped3A : memref<!tpu.dma_semaphore, #tpu.memory_space<semaphore_mem>>) src(%dma_wait3A_659 : memref<512xi32, #tpu.memory_space<hbm>>) dst(%arg8 : memref<512xi32, #tpu.memory_space<vmem>>)
      tpu.yield
    }) : () -> ()
    %scan3A = arith.constant 0 : i32
    %scan3A_3 = arith.constant 0 : i32
    %scan3A_4 = arith.constant 32 : i32
    %scan3A_5 = arith.addi %scan3A_3, %scan3A_4 : i32
    %scan3A_6 = arith.constant 1 : i32
    scf.for %scan3A_656 = %scan3A_3 to %scan3A_5 step %scan3A_6  : i32 {
      %mul3A_657 = arith.constant 16 : i32
      %mul3A_658 = arith.muli %scan3A_656, %mul3A_657 : i32
      %get3A = arith.index_cast %mul3A_658 : i32 to index
      %get3A_659 = tpu.vector_load %arg8[%get3A] {strides = array<i32>} : memref<512xi32, #tpu.memory_space<vmem>>, vector<16xi32>,
      %mul3A_660 = arith.constant 16 : i32
      %mul3A_661 = arith.muli %scan3A_656, %mul3A_660 : i32
      %dma_start3A_662 = arith.constant 0 : i32
      %dma_start3A_663 = tpu.memref_slice %arg9[%dma_start3A_662, %mul3A_661] : memref<16x512xf32, #tpu.memory_space<vmem>> -> memref<1x16xf32, #tpu.memory_space<vmem>>
      %dma_start3A_664 = tpu.memref_squeeze %dma_start3A_663 : memref<1x16xf32, #tpu.memory_space<vmem>> -> memref<16xf32, #tpu.memory_space<vmem>>
      %dma_start3A_665 = arith.constant 0 : i32
      %dma_start3A_666 = tpu.memref_slice %arg2[%dma_start3A_665] : memref<16777216xf32, #tpu.memory_space<hbm>> -> memref<1000000xf32, #tpu.memory_space<hbm>>
      %dma_start3A_667 = arith.constant 0 : i32
      %dma_start3A_668 = tpu.memref_slice %dma_start3A_666[%dma_start3A_667] : memref<1000000xf32, #tpu.memory_space<hbm>> -> memref<1000000xf32, #tpu.memory_space<hbm>>
      tpu.enqueue_indirect_dma source(%dma_start3A_668 : memref<1000000xf32, #tpu.memory_space<hbm>>) target(%dma_start3A_664 : memref<16xf32, #tpu.memory_space<vmem>>) offsets(%get3A_659 : vector<16xi32>) semaphore(%arg14 : memref<!tpu.dma_semaphore, #tpu.memory_space<semaphore_mem>>)
      %dma_start3A_669 = arith.constant 1 : i32
      %dma_start3A_670 = tpu.memref_slice %arg9[%dma_start3A_669, %mul3A_661] : memref<16x512xf32, #tpu.memory_space<vmem>> -> memref<1x16xf32, #tpu.memory_space<vmem>>
      %dma_start3A_671 = tpu.memref_squeeze %dma_start3A_670 : memref<1x16xf32, #tpu.memory_space<vmem>> -> memref<16xf32, #tpu.memory_space<vmem>>
      %dma_start3A_672 = arith.constant 1048576 : i32
      %dma_start3A_673 = tpu.memref_slice %arg2[%dma_start3A_672] : memref<16777216xf32, #tpu.memory_space<hbm>> -> memref<1000000xf32, #tpu.memory_space<hbm>>
      %dma_start3A_674 = arith.constant 0 : i32
      %dma_start3A_675 = tpu.memref_slice %dma_start3A_673[%dma_start3A_674] : memref<1000000xf32, #tpu.memory_space<hbm>> -> memref<1000000xf32, #tpu.memory_space<hbm>>
      tpu.enqueue_indirect_dma source(%dma_start3A_675 : memref<1000000xf32, #tpu.memory_space<hbm>>) target(%dma_start3A_671 : memref<16xf32, #tpu.memory_space<vmem>>) offsets(%get3A_659 : vector<16xi32>) semaphore(%arg14 : memref<!tpu.dma_semaphore, #tpu.memory_space<semaphore_mem>>)
      %dma_start3A_676 = arith.constant 2 : i32
      %dma_start3A_677 = tpu.memref_slice %arg9[%dma_start3A_676, %mul3A_661] : memref<16x512xf32, #tpu.memory_space<vmem>> -> memref<1x16xf32, #tpu.memory_space<vmem>>
      %dma_start3A_678 = tpu.memref_squeeze %dma_start3A_677 : memref<1x16xf32, #tpu.memory_space<vmem>> -> memref<16xf32, #tpu.memory_space<vmem>>
      %dma_start3A_679 = arith.constant 2097152 : i32
      %dma_start3A_680 = tpu.memref_slice %arg2[%dma_start3A_679] : memref<16777216xf32, #tpu.memory_space<hbm>> -> memref<1000000xf32, #tpu.memory_space<hbm>>
      %dma_start3A_681 = arith.constant 0 : i32
      %dma_start3A_682 = tpu.memref_slice %dma_start3A_680[%dma_start3A_681] : memref<1000000xf32, #tpu.memory_space<hbm>> -> memref<1000000xf32, #tpu.memory_space<hbm>>
      tpu.enqueue_indirect_dma source(%dma_start3A_682 : memref<1000000xf32, #tpu.memory_space<hbm>>) target(%dma_start3A_678 : memref<16xf32, #tpu.memory_space<vmem>>) offsets(%get3A_659 : vector<16xi32>) semaphore(%arg14 : memref<!tpu.dma_semaphore, #tpu.memory_space<semaphore_mem>>)
      %dma_start3A_683 = arith.constant 3 : i32
      %dma_start3A_684 = tpu.memref_slice %arg9[%dma_start3A_683, %mul3A_661] : memref<16x512xf32, #tpu.memory_space<vmem>> -> memref<1x16xf32, #tpu.memory_space<vmem>>
      %dma_start3A_685 = tpu.memref_squeeze %dma_start3A_684 : memref<1x16xf32, #tpu.memory_space<vmem>> -> memref<16xf32, #tpu.memory_space<vmem>>
      %dma_start3A_686 = arith.constant 3145728 : i32
      %dma_start3A_687 = tpu.memref_slice %arg2[%dma_start3A_686] : memref<16777216xf32, #tpu.memory_space<hbm>> -> memref<1000000xf32, #tpu.memory_space<hbm>>
      %dma_start3A_688 = arith.constant 0 : i32
      %dma_start3A_689 = tpu.memref_slice %dma_start3A_687[%dma_start3A_688] : memref<1000000xf32, #tpu.memory_space<hbm>> -> memref<1000000xf32, #tpu.memory_space<hbm>>
      tpu.enqueue_indirect_dma source(%dma_start3A_689 : memref<1000000xf32, #tpu.memory_space<hbm>>) target(%dma_start3A_685 : memref<16xf32, #tpu.memory_space<vmem>>) offsets(%get3A_659 : vector<16xi32>) semaphore(%arg14 : memref<!tpu.dma_semaphore, #tpu.memory_space<semaphore_mem>>)
      %dma_start3A_690 = arith.constant 4 : i32
      %dma_start3A_691 = tpu.memref_slice %arg9[%dma_start3A_690, %mul3A_661] : memref<16x512xf32, #tpu.memory_space<vmem>> -> memref<1x16xf32, #tpu.memory_space<vmem>>
      %dma_start3A_692 = tpu.memref_squeeze %dma_start3A_691 : memref<1x16xf32, #tpu.memory_space<vmem>> -> memref<16xf32, #tpu.memory_space<vmem>>
      %dma_start3A_693 = arith.constant 4194304 : i32
      %dma_start3A_694 = tpu.memref_slice %arg2[%dma_start3A_693] : memref<16777216xf32, #tpu.memory_space<hbm>> -> memref<1000000xf32, #tpu.memory_space<hbm>>
      %dma_start3A_695 = arith.constant 0 : i32
      %dma_start3A_696 = tpu.memref_slice %dma_start3A_694[%dma_start3A_695] : memref<1000000xf32, #tpu.memory_space<hbm>> -> memref<1000000xf32, #tpu.memory_space<hbm>>
      tpu.enqueue_indirect_dma source(%dma_start3A_696 : memref<1000000xf32, #tpu.memory_space<hbm>>) target(%dma_start3A_692 : memref<16xf32, #tpu.memory_space<vmem>>) offsets(%get3A_659 : vector<16xi32>) semaphore(%arg14 : memref<!tpu.dma_semaphore, #tpu.memory_space<semaphore_mem>>)
      %dma_start3A_697 = arith.constant 5 : i32
      %dma_start3A_698 = tpu.memref_slice %arg9[%dma_start3A_697, %mul3A_661] : memref<16x512xf32, #tpu.memory_space<vmem>> -> memref<1x16xf32, #tpu.memory_space<vmem>>
      %dma_start3A_699 = tpu.memref_squeeze %dma_start3A_698 : memref<1x16xf32, #tpu.memory_space<vmem>> -> memref<16xf32, #tpu.memory_space<vmem>>
      %dma_start3A_700 = arith.constant 5242880 : i32
      %dma_start3A_701 = tpu.memref_slice %arg2[%dma_start3A_700] : memref<16777216xf32, #tpu.memory_space<hbm>> -> memref<1000000xf32, #tpu.memory_space<hbm>>
      %dma_start3A_702 = arith.constant 0 : i32
      %dma_start3A_703 = tpu.memref_slice %dma_start3A_701[%dma_start3A_702] : memref<1000000xf32, #tpu.memory_space<hbm>> -> memref<1000000xf32, #tpu.memory_space<hbm>>
      tpu.enqueue_indirect_dma source(%dma_start3A_703 : memref<1000000xf32, #tpu.memory_space<hbm>>) target(%dma_start3A_699 : memref<16xf32, #tpu.memory_space<vmem>>) offsets(%get3A_659 : vector<16xi32>) semaphore(%arg14 : memref<!tpu.dma_semaphore, #tpu.memory_space<semaphore_mem>>)
      %dma_start3A_704 = arith.constant 6 : i32
      %dma_start3A_705 = tpu.memref_slice %arg9[%dma_start3A_704, %mul3A_661] : memref<16x512xf32, #tpu.memory_space<vmem>> -> memref<1x16xf32, #tpu.memory_space<vmem>>
      %dma_start3A_706 = tpu.memref_squeeze %dma_start3A_705 : memref<1x16xf32, #tpu.memory_space<vmem>> -> memref<16xf32, #tpu.memory_space<vmem>>
      %dma_start3A_707 = arith.constant 6291456 : i32
      %dma_start3A_708 = tpu.memref_slice %arg2[%dma_start3A_707] : memref<16777216xf32, #tpu.memory_space<hbm>> -> memref<1000000xf32, #tpu.memory_space<hbm>>
      %dma_start3A_709 = arith.constant 0 : i32
      %dma_start3A_710 = tpu.memref_slice %dma_start3A_708[%dma_start3A_709] : memref<1000000xf32, #tpu.memory_space<hbm>> -> memref<1000000xf32, #tpu.memory_space<hbm>>
      tpu.enqueue_indirect_dma source(%dma_start3A_710 : memref<1000000xf32, #tpu.memory_space<hbm>>) target(%dma_start3A_706 : memref<16xf32, #tpu.memory_space<vmem>>) offsets(%get3A_659 : vector<16xi32>) semaphore(%arg14 : memref<!tpu.dma_semaphore, #tpu.memory_space<semaphore_mem>>)
      %dma_start3A_711 = arith.constant 7 : i32
      %dma_start3A_712 = tpu.memref_slice %arg9[%dma_start3A_711, %mul3A_661] : memref<16x512xf32, #tpu.memory_space<vmem>> -> memref<1x16xf32, #tpu.memory_space<vmem>>
      %dma_start3A_713 = tpu.memref_squeeze %dma_start3A_712 : memref<1x16xf32, #tpu.memory_space<vmem>> -> memref<16xf32, #tpu.memory_space<vmem>>
      %dma_start3A_714 = arith.constant 7340032 : i32
      %dma_start3A_715 = tpu.memref_slice %arg2[%dma_start3A_714] : memref<16777216xf32, #tpu.memory_space<hbm>> -> memref<1000000xf32, #tpu.memory_space<hbm>>
      %dma_start3A_716 = arith.constant 0 : i32
      %dma_start3A_717 = tpu.memref_slice %dma_start3A_715[%dma_start3A_716] : memref<1000000xf32, #tpu.memory_space<hbm>> -> memref<1000000xf32, #tpu.memory_space<hbm>>
      tpu.enqueue_indirect_dma source(%dma_start3A_717 : memref<1000000xf32, #tpu.memory_space<hbm>>) target(%dma_start3A_713 : memref<16xf32, #tpu.memory_space<vmem>>) offsets(%get3A_659 : vector<16xi32>) semaphore(%arg14 : memref<!tpu.dma_semaphore, #tpu.memory_space<semaphore_mem>>)
      %dma_start3A_718 = arith.constant 8 : i32
      %dma_start3A_719 = tpu.memref_slice %arg9[%dma_start3A_718, %mul3A_661] : memref<16x512xf32, #tpu.memory_space<vmem>> -> memref<1x16xf32, #tpu.memory_space<vmem>>
      %dma_start3A_720 = tpu.memref_squeeze %dma_start3A_719 : memref<1x16xf32, #tpu.memory_space<vmem>> -> memref<16xf32, #tpu.memory_space<vmem>>
      %dma_start3A_721 = arith.constant 8388608 : i32
      %dma_start3A_722 = tpu.memref_slice %arg2[%dma_start3A_721] : memref<16777216xf32, #tpu.memory_space<hbm>> -> memref<1000000xf32, #tpu.memory_space<hbm>>
      %dma_start3A_723 = arith.constant 0 : i32
      %dma_start3A_724 = tpu.memref_slice %dma_start3A_722[%dma_start3A_723] : memref<1000000xf32, #tpu.memory_space<hbm>> -> memref<1000000xf32, #tpu.memory_space<hbm>>
      tpu.enqueue_indirect_dma source(%dma_start3A_724 : memref<1000000xf32, #tpu.memory_space<hbm>>) target(%dma_start3A_720 : memref<16xf32, #tpu.memory_space<vmem>>) offsets(%get3A_659 : vector<16xi32>) semaphore(%arg14 : memref<!tpu.dma_semaphore, #tpu.memory_space<semaphore_mem>>)
      %dma_start3A_725 = arith.constant 9 : i32
      %dma_start3A_726 = tpu.memref_slice %arg9[%dma_start3A_725, %mul3A_661] : memref<16x512xf32, #tpu.memory_space<vmem>> -> memref<1x16xf32, #tpu.memory_space<vmem>>
      %dma_start3A_727 = tpu.memref_squeeze %dma_start3A_726 : memref<1x16xf32, #tpu.memory_space<vmem>> -> memref<16xf32, #tpu.memory_space<vmem>>
      %dma_start3A_728 = arith.constant 9437184 : i32
      %dma_start3A_729 = tpu.memref_slice %arg2[%dma_start3A_728] : memref<16777216xf32, #tpu.memory_space<hbm>> -> memref<1000000xf32, #tpu.memory_space<hbm>>
      %dma_start3A_730 = arith.constant 0 : i32
      %dma_start3A_731 = tpu.memref_slice %dma_start3A_729[%dma_start3A_730] : memref<1000000xf32, #tpu.memory_space<hbm>> -> memref<1000000xf32, #tpu.memory_space<hbm>>
      tpu.enqueue_indirect_dma source(%dma_start3A_731 : memref<1000000xf32, #tpu.memory_space<hbm>>) target(%dma_start3A_727 : memref<16xf32, #tpu.memory_space<vmem>>) offsets(%get3A_659 : vector<16xi32>) semaphore(%arg14 : memref<!tpu.dma_semaphore, #tpu.memory_space<semaphore_mem>>)
      %dma_start3A_732 = arith.constant 10 : i32
      %dma_start3A_733 = tpu.memref_slice %arg9[%dma_start3A_732, %mul3A_661] : memref<16x512xf32, #tpu.memory_space<vmem>> -> memref<1x16xf32, #tpu.memory_space<vmem>>
      %dma_start3A_734 = tpu.memref_squeeze %dma_start3A_733 : memref<1x16xf32, #tpu.memory_space<vmem>> -> memref<16xf32, #tpu.memory_space<vmem>>
      %dma_start3A_735 = arith.constant 10485760 : i32
      %dma_start3A_736 = tpu.memref_slice %arg2[%dma_start3A_735] : memref<16777216xf32, #tpu.memory_space<hbm>> -> memref<1000000xf32, #tpu.memory_space<hbm>>
      %dma_start3A_737 = arith.constant 0 : i32
      %dma_start3A_738 = tpu.memref_slice %dma_start3A_736[%dma_start3A_737] : memref<1000000xf32, #tpu.memory_space<hbm>> -> memref<1000000xf32, #tpu.memory_space<hbm>>
      tpu.enqueue_indirect_dma source(%dma_start3A_738 : memref<1000000xf32, #tpu.memory_space<hbm>>) target(%dma_start3A_734 : memref<16xf32, #tpu.memory_space<vmem>>) offsets(%get3A_659 : vector<16xi32>) semaphore(%arg14 : memref<!tpu.dma_semaphore, #tpu.memory_space<semaphore_mem>>)
      %dma_start3A_739 = arith.constant 11 : i32
      %dma_start3A_740 = tpu.memref_slice %arg9[%dma_start3A_739, %mul3A_661] : memref<16x512xf32, #tpu.memory_space<vmem>> -> memref<1x16xf32, #tpu.memory_space<vmem>>
      %dma_start3A_741 = tpu.memref_squeeze %dma_start3A_740 : memref<1x16xf32, #tpu.memory_space<vmem>> -> memref<16xf32, #tpu.memory_space<vmem>>
      %dma_start3A_742 = arith.constant 11534336 : i32
      %dma_start3A_743 = tpu.memref_slice %arg2[%dma_start3A_742] : memref<16777216xf32, #tpu.memory_space<hbm>> -> memref<1000000xf32, #tpu.memory_space<hbm>>
      %dma_start3A_744 = arith.constant 0 : i32
      %dma_start3A_745 = tpu.memref_slice %dma_start3A_743[%dma_start3A_744] : memref<1000000xf32, #tpu.memory_space<hbm>> -> memref<1000000xf32, #tpu.memory_space<hbm>>
      tpu.enqueue_indirect_dma source(%dma_start3A_745 : memref<1000000xf32, #tpu.memory_space<hbm>>) target(%dma_start3A_741 : memref<16xf32, #tpu.memory_space<vmem>>) offsets(%get3A_659 : vector<16xi32>) semaphore(%arg14 : memref<!tpu.dma_semaphore, #tpu.memory_space<semaphore_mem>>)
      %dma_start3A_746 = arith.constant 12 : i32
      %dma_start3A_747 = tpu.memref_slice %arg9[%dma_start3A_746, %mul3A_661] : memref<16x512xf32, #tpu.memory_space<vmem>> -> memref<1x16xf32, #tpu.memory_space<vmem>>
      %dma_start3A_748 = tpu.memref_squeeze %dma_start3A_747 : memref<1x16xf32, #tpu.memory_space<vmem>> -> memref<16xf32, #tpu.memory_space<vmem>>
      %dma_start3A_749 = arith.constant 12582912 : i32
      %dma_start3A_750 = tpu.memref_slice %arg2[%dma_start3A_749] : memref<16777216xf32, #tpu.memory_space<hbm>> -> memref<1000000xf32, #tpu.memory_space<hbm>>
      %dma_start3A_751 = arith.constant 0 : i32
      %dma_start3A_752 = tpu.memref_slice %dma_start3A_750[%dma_start3A_751] : memref<1000000xf32, #tpu.memory_space<hbm>> -> memref<1000000xf32, #tpu.memory_space<hbm>>
      tpu.enqueue_indirect_dma source(%dma_start3A_752 : memref<1000000xf32, #tpu.memory_space<hbm>>) target(%dma_start3A_748 : memref<16xf32, #tpu.memory_space<vmem>>) offsets(%get3A_659 : vector<16xi32>) semaphore(%arg14 : memref<!tpu.dma_semaphore, #tpu.memory_space<semaphore_mem>>)
      %dma_start3A_753 = arith.constant 13 : i32
      %dma_start3A_754 = tpu.memref_slice %arg9[%dma_start3A_753, %mul3A_661] : memref<16x512xf32, #tpu.memory_space<vmem>> -> memref<1x16xf32, #tpu.memory_space<vmem>>
      %dma_start3A_755 = tpu.memref_squeeze %dma_start3A_754 : memref<1x16xf32, #tpu.memory_space<vmem>> -> memref<16xf32, #tpu.memory_space<vmem>>
      %dma_start3A_756 = arith.constant 13631488 : i32
      %dma_start3A_757 = tpu.memref_slice %arg2[%dma_start3A_756] : memref<16777216xf32, #tpu.memory_space<hbm>> -> memref<1000000xf32, #tpu.memory_space<hbm>>
      %dma_start3A_758 = arith.constant 0 : i32
      %dma_start3A_759 = tpu.memref_slice %dma_start3A_757[%dma_start3A_758] : memref<1000000xf32, #tpu.memory_space<hbm>> -> memref<1000000xf32, #tpu.memory_space<hbm>>
      tpu.enqueue_indirect_dma source(%dma_start3A_759 : memref<1000000xf32, #tpu.memory_space<hbm>>) target(%dma_start3A_755 : memref<16xf32, #tpu.memory_space<vmem>>) offsets(%get3A_659 : vector<16xi32>) semaphore(%arg14 : memref<!tpu.dma_semaphore, #tpu.memory_space<semaphore_mem>>)
      %dma_start3A_760 = arith.constant 14 : i32
      %dma_start3A_761 = tpu.memref_slice %arg9[%dma_start3A_760, %mul3A_661] : memref<16x512xf32, #tpu.memory_space<vmem>> -> memref<1x16xf32, #tpu.memory_space<vmem>>
      %dma_start3A_762 = tpu.memref_squeeze %dma_start3A_761 : memref<1x16xf32, #tpu.memory_space<vmem>> -> memref<16xf32, #tpu.memory_space<vmem>>
      %dma_start3A_763 = arith.constant 14680064 : i32
      %dma_start3A_764 = tpu.memref_slice %arg2[%dma_start3A_763] : memref<16777216xf32, #tpu.memory_space<hbm>> -> memref<1000000xf32, #tpu.memory_space<hbm>>
      %dma_start3A_765 = arith.constant 0 : i32
      %dma_start3A_766 = tpu.memref_slice %dma_start3A_764[%dma_start3A_765] : memref<1000000xf32, #tpu.memory_space<hbm>> -> memref<1000000xf32, #tpu.memory_space<hbm>>
      tpu.enqueue_indirect_dma source(%dma_start3A_766 : memref<1000000xf32, #tpu.memory_space<hbm>>) target(%dma_start3A_762 : memref<16xf32, #tpu.memory_space<vmem>>) offsets(%get3A_659 : vector<16xi32>) semaphore(%arg14 : memref<!tpu.dma_semaphore, #tpu.memory_space<semaphore_mem>>)
      %dma_start3A_767 = arith.constant 15 : i32
      %dma_start3A_768 = tpu.memref_slice %arg9[%dma_start3A_767, %mul3A_661] : memref<16x512xf32, #tpu.memory_space<vmem>> -> memref<1x16xf32, #tpu.memory_space<vmem>>
      %dma_start3A_769 = tpu.memref_squeeze %dma_start3A_768 : memref<1x16xf32, #tpu.memory_space<vmem>> -> memref<16xf32, #tpu.memory_space<vmem>>
      %dma_start3A_770 = arith.constant 15728640 : i32
      %dma_start3A_771 = tpu.memref_slice %arg2[%dma_start3A_770] : memref<16777216xf32, #tpu.memory_space<hbm>> -> memref<1000000xf32, #tpu.memory_space<hbm>>
      %dma_start3A_772 = arith.constant 0 : i32
      %dma_start3A_773 = tpu.memref_slice %dma_start3A_771[%dma_start3A_772] : memref<1000000xf32, #tpu.memory_space<hbm>> -> memref<1000000xf32, #tpu.memory_space<hbm>>
      tpu.enqueue_indirect_dma source(%dma_start3A_773 : memref<1000000xf32, #tpu.memory_space<hbm>>) target(%dma_start3A_769 : memref<16xf32, #tpu.memory_space<vmem>>) offsets(%get3A_659 : vector<16xi32>) semaphore(%arg14 : memref<!tpu.dma_semaphore, #tpu.memory_space<semaphore_mem>>)
    }
    %scan3A_7 = arith.constant 32 : i32
    %mul3A_8 = arith.constant 512 : i32
    %mul3A_9 = arith.muli %add3A, %mul3A_8 : i32
    %add3A_10 = arith.constant 0 : i32
    %add3A_11 = arith.addi %add3A_10, %mul3A_9 : i32
    %dma_start3A = arith.constant 0 : i32
    %dma_start3A_12 = arith.constant 0 : i32
    %dma_start3A_13 = tpu.memref_slice %arg10[%dma_start3A, %dma_start3A_12] : memref<16x512xf32, #tpu.memory_space<vmem>> -> memref<1x512xf32, #tpu.memory_space<vmem>>
    %dma_start3A_14 = tpu.memref_squeeze %dma_start3A_13 : memref<1x512xf32, #tpu.memory_space<vmem>> -> memref<512xf32, #tpu.memory_space<vmem>>
    %dma_start3A_15 = tpu.memref_slice %arg4[%add3A_11] : memref<262144xf32, #tpu.memory_space<hbm>> -> memref<512xf32, #tpu.memory_space<hbm>>
    %dma_start3A_16 = arith.constant 0 : i32
    %dma_start3A_17 = tpu.memref_slice %arg10[%dma_start3A, %dma_start3A_16] : memref<16x512xf32, #tpu.memory_space<vmem>> -> memref<1x512xf32, #tpu.memory_space<vmem>>
    %dma_start3A_18 = tpu.memref_squeeze %dma_start3A_17 : memref<1x512xf32, #tpu.memory_space<vmem>> -> memref<512xf32, #tpu.memory_space<vmem>>
    %dma_start3A_19 = tpu.memref_slice %arg4[%add3A_11] : memref<262144xf32, #tpu.memory_space<hbm>> -> memref<512xf32, #tpu.memory_space<hbm>>
    tpu.enqueue_dma source(%dma_start3A_19 : memref<512xf32, #tpu.memory_space<hbm>>) target(%dma_start3A_18 : memref<512xf32, #tpu.memory_space<vmem>>) target_semaphore(%arg15 : memref<!tpu.dma_semaphore, #tpu.memory_space<semaphore_mem>>)
    %dma_start3A_20 = arith.constant 0 : i32
    %dma_start3A_21 = arith.constant 0 : i32
    %dma_start3A_22 = tpu.memref_slice %arg11[%dma_start3A_20, %dma_start3A_21] : memref<16x512xf32, #tpu.memory_space<vmem>> -> memref<1x512xf32, #tpu.memory_space<vmem>>
    %dma_start3A_23 = tpu.memref_squeeze %dma_start3A_22 : memref<1x512xf32, #tpu.memory_space<vmem>> -> memref<512xf32, #tpu.memory_space<vmem>>
    %dma_start3A_24 = tpu.memref_slice %arg5[%add3A_11] : memref<262144xf32, #tpu.memory_space<hbm>> -> memref<512xf32, #tpu.memory_space<hbm>>
    %dma_start3A_25 = arith.constant 0 : i32
    %dma_start3A_26 = tpu.memref_slice %arg11[%dma_start3A_20, %dma_start3A_25] : memref<16x512xf32, #tpu.memory_space<vmem>> -> memref<1x512xf32, #tpu.memory_space<vmem>>
    %dma_start3A_27 = tpu.memref_squeeze %dma_start3A_26 : memref<1x512xf32, #tpu.memory_space<vmem>> -> memref<512xf32, #tpu.memory_space<vmem>>
    %dma_start3A_28 = tpu.memref_slice %arg5[%add3A_11] : memref<262144xf32, #tpu.memory_space<hbm>> -> memref<512xf32, #tpu.memory_space<hbm>>
    tpu.enqueue_dma source(%dma_start3A_28 : memref<512xf32, #tpu.memory_space<hbm>>) target(%dma_start3A_27 : memref<512xf32, #tpu.memory_space<vmem>>) target_semaphore(%arg15 : memref<!tpu.dma_semaphore, #tpu.memory_space<semaphore_mem>>)
    %mul3A_29 = arith.constant 512 : i32
    %mul3A_30 = arith.muli %add3A, %mul3A_29 : i32
    %add3A_31 = arith.constant 16384 : i32
    %add3A_32 = arith.addi %add3A_31, %mul3A_30 : i32
    %dma_start3A_33 = arith.constant 1 : i32
    %dma_start3A_34 = arith.constant 0 : i32
    %dma_start3A_35 = tpu.memref_slice %arg10[%dma_start3A_33, %dma_start3A_34] : memref<16x512xf32, #tpu.memory_space<vmem>> -> memref<1x512xf32, #tpu.memory_space<vmem>>
    %dma_start3A_36 = tpu.memref_squeeze %dma_start3A_35 : memref<1x512xf32, #tpu.memory_space<vmem>> -> memref<512xf32, #tpu.memory_space<vmem>>
    %dma_start3A_37 = tpu.memref_slice %arg4[%add3A_32] : memref<262144xf32, #tpu.memory_space<hbm>> -> memref<512xf32, #tpu.memory_space<hbm>>
    %dma_start3A_38 = arith.constant 0 : i32
    %dma_start3A_39 = tpu.memref_slice %arg10[%dma_start3A_33, %dma_start3A_38] : memref<16x512xf32, #tpu.memory_space<vmem>> -> memref<1x512xf32, #tpu.memory_space<vmem>>
    %dma_start3A_40 = tpu.memref_squeeze %dma_start3A_39 : memref<1x512xf32, #tpu.memory_space<vmem>> -> memref<512xf32, #tpu.memory_space<vmem>>
    %dma_start3A_41 = tpu.memref_slice %arg4[%add3A_32] : memref<262144xf32, #tpu.memory_space<hbm>> -> memref<512xf32, #tpu.memory_space<hbm>>
    tpu.enqueue_dma source(%dma_start3A_41 : memref<512xf32, #tpu.memory_space<hbm>>) target(%dma_start3A_40 : memref<512xf32, #tpu.memory_space<vmem>>) target_semaphore(%arg15 : memref<!tpu.dma_semaphore, #tpu.memory_space<semaphore_mem>>)
    %dma_start3A_42 = arith.constant 1 : i32
    %dma_start3A_43 = arith.constant 0 : i32
    %dma_start3A_44 = tpu.memref_slice %arg11[%dma_start3A_42, %dma_start3A_43] : memref<16x512xf32, #tpu.memory_space<vmem>> -> memref<1x512xf32, #tpu.memory_space<vmem>>
    %dma_start3A_45 = tpu.memref_squeeze %dma_start3A_44 : memref<1x512xf32, #tpu.memory_space<vmem>> -> memref<512xf32, #tpu.memory_space<vmem>>
    %dma_start3A_46 = tpu.memref_slice %arg5[%add3A_32] : memref<262144xf32, #tpu.memory_space<hbm>> -> memref<512xf32, #tpu.memory_space<hbm>>
    %dma_start3A_47 = arith.constant 0 : i32
    %dma_start3A_48 = tpu.memref_slice %arg11[%dma_start3A_42, %dma_start3A_47] : memref<16x512xf32, #tpu.memory_space<vmem>> -> memref<1x512xf32, #tpu.memory_space<vmem>>
    %dma_start3A_49 = tpu.memref_squeeze %dma_start3A_48 : memref<1x512xf32, #tpu.memory_space<vmem>> -> memref<512xf32, #tpu.memory_space<vmem>>
    %dma_start3A_50 = tpu.memref_slice %arg5[%add3A_32] : memref<262144xf32, #tpu.memory_space<hbm>> -> memref<512xf32, #tpu.memory_space<hbm>>
    tpu.enqueue_dma source(%dma_start3A_50 : memref<512xf32, #tpu.memory_space<hbm>>) target(%dma_start3A_49 : memref<512xf32, #tpu.memory_space<vmem>>) target_semaphore(%arg15 : memref<!tpu.dma_semaphore, #tpu.memory_space<semaphore_mem>>)
    %mul3A_51 = arith.constant 512 : i32
    %mul3A_52 = arith.muli %add3A, %mul3A_51 : i32
    %add3A_53 = arith.constant 32768 : i32
    %add3A_54 = arith.addi %add3A_53, %mul3A_52 : i32
    %dma_start3A_55 = arith.constant 2 : i32
    %dma_start3A_56 = arith.constant 0 : i32
    %dma_start3A_57 = tpu.memref_slice %arg10[%dma_start3A_55, %dma_start3A_56] : memref<16x512xf32, #tpu.memory_space<vmem>> -> memref<1x512xf32, #tpu.memory_space<vmem>>
    %dma_start3A_58 = tpu.memref_squeeze %dma_start3A_57 : memref<1x512xf32, #tpu.memory_space<vmem>> -> memref<512xf32, #tpu.memory_space<vmem>>
    %dma_start3A_59 = tpu.memref_slice %arg4[%add3A_54] : memref<262144xf32, #tpu.memory_space<hbm>> -> memref<512xf32, #tpu.memory_space<hbm>>
    %dma_start3A_60 = arith.constant 0 : i32
    %dma_start3A_61 = tpu.memref_slice %arg10[%dma_start3A_55, %dma_start3A_60] : memref<16x512xf32, #tpu.memory_space<vmem>> -> memref<1x512xf32, #tpu.memory_space<vmem>>
    %dma_start3A_62 = tpu.memref_squeeze %dma_start3A_61 : memref<1x512xf32, #tpu.memory_space<vmem>> -> memref<512xf32, #tpu.memory_space<vmem>>
    %dma_start3A_63 = tpu.memref_slice %arg4[%add3A_54] : memref<262144xf32, #tpu.memory_space<hbm>> -> memref<512xf32, #tpu.memory_space<hbm>>
    tpu.enqueue_dma source(%dma_start3A_63 : memref<512xf32, #tpu.memory_space<hbm>>) target(%dma_start3A_62 : memref<512xf32, #tpu.memory_space<vmem>>) target_semaphore(%arg15 : memref<!tpu.dma_semaphore, #tpu.memory_space<semaphore_mem>>)
    %dma_start3A_64 = arith.constant 2 : i32
    %dma_start3A_65 = arith.constant 0 : i32
    %dma_start3A_66 = tpu.memref_slice %arg11[%dma_start3A_64, %dma_start3A_65] : memref<16x512xf32, #tpu.memory_space<vmem>> -> memref<1x512xf32, #tpu.memory_space<vmem>>
    %dma_start3A_67 = tpu.memref_squeeze %dma_start3A_66 : memref<1x512xf32, #tpu.memory_space<vmem>> -> memref<512xf32, #tpu.memory_space<vmem>>
    %dma_start3A_68 = tpu.memref_slice %arg5[%add3A_54] : memref<262144xf32, #tpu.memory_space<hbm>> -> memref<512xf32, #tpu.memory_space<hbm>>
    %dma_start3A_69 = arith.constant 0 : i32
    %dma_start3A_70 = tpu.memref_slice %arg11[%dma_start3A_64, %dma_start3A_69] : memref<16x512xf32, #tpu.memory_space<vmem>> -> memref<1x512xf32, #tpu.memory_space<vmem>>
    %dma_start3A_71 = tpu.memref_squeeze %dma_start3A_70 : memref<1x512xf32, #tpu.memory_space<vmem>> -> memref<512xf32, #tpu.memory_space<vmem>>
    %dma_start3A_72 = tpu.memref_slice %arg5[%add3A_54] : memref<262144xf32, #tpu.memory_space<hbm>> -> memref<512xf32, #tpu.memory_space<hbm>>
    tpu.enqueue_dma source(%dma_start3A_72 : memref<512xf32, #tpu.memory_space<hbm>>) target(%dma_start3A_71 : memref<512xf32, #tpu.memory_space<vmem>>) target_semaphore(%arg15 : memref<!tpu.dma_semaphore, #tpu.memory_space<semaphore_mem>>)
    %mul3A_73 = arith.constant 512 : i32
    %mul3A_74 = arith.muli %add3A, %mul3A_73 : i32
    %add3A_75 = arith.constant 49152 : i32
    %add3A_76 = arith.addi %add3A_75, %mul3A_74 : i32
    %dma_start3A_77 = arith.constant 3 : i32
    %dma_start3A_78 = arith.constant 0 : i32
    %dma_start3A_79 = tpu.memref_slice %arg10[%dma_start3A_77, %dma_start3A_78] : memref<16x512xf32, #tpu.memory_space<vmem>> -> memref<1x512xf32, #tpu.memory_space<vmem>>
    %dma_start3A_80 = tpu.memref_squeeze %dma_start3A_79 : memref<1x512xf32, #tpu.memory_space<vmem>> -> memref<512xf32, #tpu.memory_space<vmem>>
    %dma_start3A_81 = tpu.memref_slice %arg4[%add3A_76] : memref<262144xf32, #tpu.memory_space<hbm>> -> memref<512xf32, #tpu.memory_space<hbm>>
    %dma_start3A_82 = arith.constant 0 : i32
    %dma_start3A_83 = tpu.memref_slice %arg10[%dma_start3A_77, %dma_start3A_82] : memref<16x512xf32, #tpu.memory_space<vmem>> -> memref<1x512xf32, #tpu.memory_space<vmem>>
    %dma_start3A_84 = tpu.memref_squeeze %dma_start3A_83 : memref<1x512xf32, #tpu.memory_space<vmem>> -> memref<512xf32, #tpu.memory_space<vmem>>
    %dma_start3A_85 = tpu.memref_slice %arg4[%add3A_76] : memref<262144xf32, #tpu.memory_space<hbm>> -> memref<512xf32, #tpu.memory_space<hbm>>
    tpu.enqueue_dma source(%dma_start3A_85 : memref<512xf32, #tpu.memory_space<hbm>>) target(%dma_start3A_84 : memref<512xf32, #tpu.memory_space<vmem>>) target_semaphore(%arg15 : memref<!tpu.dma_semaphore, #tpu.memory_space<semaphore_mem>>)
    %dma_start3A_86 = arith.constant 3 : i32
    %dma_start3A_87 = arith.constant 0 : i32
    %dma_start3A_88 = tpu.memref_slice %arg11[%dma_start3A_86, %dma_start3A_87] : memref<16x512xf32, #tpu.memory_space<vmem>> -> memref<1x512xf32, #tpu.memory_space<vmem>>
    %dma_start3A_89 = tpu.memref_squeeze %dma_start3A_88 : memref<1x512xf32, #tpu.memory_space<vmem>> -> memref<512xf32, #tpu.memory_space<vmem>>
    %dma_start3A_90 = tpu.memref_slice %arg5[%add3A_76] : memref<262144xf32, #tpu.memory_space<hbm>> -> memref<512xf32, #tpu.memory_space<hbm>>
    %dma_start3A_91 = arith.constant 0 : i32
    %dma_start3A_92 = tpu.memref_slice %arg11[%dma_start3A_86, %dma_start3A_91] : memref<16x512xf32, #tpu.memory_space<vmem>> -> memref<1x512xf32, #tpu.memory_space<vmem>>
    %dma_start3A_93 = tpu.memref_squeeze %dma_start3A_92 : memref<1x512xf32, #tpu.memory_space<vmem>> -> memref<512xf32, #tpu.memory_space<vmem>>
    %dma_start3A_94 = tpu.memref_slice %arg5[%add3A_76] : memref<262144xf32, #tpu.memory_space<hbm>> -> memref<512xf32, #tpu.memory_space<hbm>>
    tpu.enqueue_dma source(%dma_start3A_94 : memref<512xf32, #tpu.memory_space<hbm>>) target(%dma_start3A_93 : memref<512xf32, #tpu.memory_space<vmem>>) target_semaphore(%arg15 : memref<!tpu.dma_semaphore, #tpu.memory_space<semaphore_mem>>)
    %mul3A_95 = arith.constant 512 : i32
    %mul3A_96 = arith.muli %add3A, %mul3A_95 : i32
    %add3A_97 = arith.constant 65536 : i32
    %add3A_98 = arith.addi %add3A_97, %mul3A_96 : i32
    %dma_start3A_99 = arith.constant 4 : i32
    %dma_start3A_100 = arith.constant 0 : i32
    %dma_start3A_101 = tpu.memref_slice %arg10[%dma_start3A_99, %dma_start3A_100] : memref<16x512xf32, #tpu.memory_space<vmem>> -> memref<1x512xf32, #tpu.memory_space<vmem>>
    %dma_start3A_102 = tpu.memref_squeeze %dma_start3A_101 : memref<1x512xf32, #tpu.memory_space<vmem>> -> memref<512xf32, #tpu.memory_space<vmem>>
    %dma_start3A_103 = tpu.memref_slice %arg4[%add3A_98] : memref<262144xf32, #tpu.memory_space<hbm>> -> memref<512xf32, #tpu.memory_space<hbm>>
    %dma_start3A_104 = arith.constant 0 : i32
    %dma_start3A_105 = tpu.memref_slice %arg10[%dma_start3A_99, %dma_start3A_104] : memref<16x512xf32, #tpu.memory_space<vmem>> -> memref<1x512xf32, #tpu.memory_space<vmem>>
    %dma_start3A_106 = tpu.memref_squeeze %dma_start3A_105 : memref<1x512xf32, #tpu.memory_space<vmem>> -> memref<512xf32, #tpu.memory_space<vmem>>
    %dma_start3A_107 = tpu.memref_slice %arg4[%add3A_98] : memref<262144xf32, #tpu.memory_space<hbm>> -> memref<512xf32, #tpu.memory_space<hbm>>
    tpu.enqueue_dma source(%dma_start3A_107 : memref<512xf32, #tpu.memory_space<hbm>>) target(%dma_start3A_106 : memref<512xf32, #tpu.memory_space<vmem>>) target_semaphore(%arg15 : memref<!tpu.dma_semaphore, #tpu.memory_space<semaphore_mem>>)
    %dma_start3A_108 = arith.constant 4 : i32
    %dma_start3A_109 = arith.constant 0 : i32
    %dma_start3A_110 = tpu.memref_slice %arg11[%dma_start3A_108, %dma_start3A_109] : memref<16x512xf32, #tpu.memory_space<vmem>> -> memref<1x512xf32, #tpu.memory_space<vmem>>
    %dma_start3A_111 = tpu.memref_squeeze %dma_start3A_110 : memref<1x512xf32, #tpu.memory_space<vmem>> -> memref<512xf32, #tpu.memory_space<vmem>>
    %dma_start3A_112 = tpu.memref_slice %arg5[%add3A_98] : memref<262144xf32, #tpu.memory_space<hbm>> -> memref<512xf32, #tpu.memory_space<hbm>>
    %dma_start3A_113 = arith.constant 0 : i32
    %dma_start3A_114 = tpu.memref_slice %arg11[%dma_start3A_108, %dma_start3A_113] : memref<16x512xf32, #tpu.memory_space<vmem>> -> memref<1x512xf32, #tpu.memory_space<vmem>>
    %dma_start3A_115 = tpu.memref_squeeze %dma_start3A_114 : memref<1x512xf32, #tpu.memory_space<vmem>> -> memref<512xf32, #tpu.memory_space<vmem>>
    %dma_start3A_116 = tpu.memref_slice %arg5[%add3A_98] : memref<262144xf32, #tpu.memory_space<hbm>> -> memref<512xf32, #tpu.memory_space<hbm>>
    tpu.enqueue_dma source(%dma_start3A_116 : memref<512xf32, #tpu.memory_space<hbm>>) target(%dma_start3A_115 : memref<512xf32, #tpu.memory_space<vmem>>) target_semaphore(%arg15 : memref<!tpu.dma_semaphore, #tpu.memory_space<semaphore_mem>>)
    %mul3A_117 = arith.constant 512 : i32
    %mul3A_118 = arith.muli %add3A, %mul3A_117 : i32
    %add3A_119 = arith.constant 81920 : i32
    %add3A_120 = arith.addi %add3A_119, %mul3A_118 : i32
    %dma_start3A_121 = arith.constant 5 : i32
    %dma_start3A_122 = arith.constant 0 : i32
    %dma_start3A_123 = tpu.memref_slice %arg10[%dma_start3A_121, %dma_start3A_122] : memref<16x512xf32, #tpu.memory_space<vmem>> -> memref<1x512xf32, #tpu.memory_space<vmem>>
    %dma_start3A_124 = tpu.memref_squeeze %dma_start3A_123 : memref<1x512xf32, #tpu.memory_space<vmem>> -> memref<512xf32, #tpu.memory_space<vmem>>
    %dma_start3A_125 = tpu.memref_slice %arg4[%add3A_120] : memref<262144xf32, #tpu.memory_space<hbm>> -> memref<512xf32, #tpu.memory_space<hbm>>
    %dma_start3A_126 = arith.constant 0 : i32
    %dma_start3A_127 = tpu.memref_slice %arg10[%dma_start3A_121, %dma_start3A_126] : memref<16x512xf32, #tpu.memory_space<vmem>> -> memref<1x512xf32, #tpu.memory_space<vmem>>
    %dma_start3A_128 = tpu.memref_squeeze %dma_start3A_127 : memref<1x512xf32, #tpu.memory_space<vmem>> -> memref<512xf32, #tpu.memory_space<vmem>>
    %dma_start3A_129 = tpu.memref_slice %arg4[%add3A_120] : memref<262144xf32, #tpu.memory_space<hbm>> -> memref<512xf32, #tpu.memory_space<hbm>>
    tpu.enqueue_dma source(%dma_start3A_129 : memref<512xf32, #tpu.memory_space<hbm>>) target(%dma_start3A_128 : memref<512xf32, #tpu.memory_space<vmem>>) target_semaphore(%arg15 : memref<!tpu.dma_semaphore, #tpu.memory_space<semaphore_mem>>)
    %dma_start3A_130 = arith.constant 5 : i32
    %dma_start3A_131 = arith.constant 0 : i32
    %dma_start3A_132 = tpu.memref_slice %arg11[%dma_start3A_130, %dma_start3A_131] : memref<16x512xf32, #tpu.memory_space<vmem>> -> memref<1x512xf32, #tpu.memory_space<vmem>>
    %dma_start3A_133 = tpu.memref_squeeze %dma_start3A_132 : memref<1x512xf32, #tpu.memory_space<vmem>> -> memref<512xf32, #tpu.memory_space<vmem>>
    %dma_start3A_134 = tpu.memref_slice %arg5[%add3A_120] : memref<262144xf32, #tpu.memory_space<hbm>> -> memref<512xf32, #tpu.memory_space<hbm>>
    %dma_start3A_135 = arith.constant 0 : i32
    %dma_start3A_136 = tpu.memref_slice %arg11[%dma_start3A_130, %dma_start3A_135] : memref<16x512xf32, #tpu.memory_space<vmem>> -> memref<1x512xf32, #tpu.memory_space<vmem>>
    %dma_start3A_137 = tpu.memref_squeeze %dma_start3A_136 : memref<1x512xf32, #tpu.memory_space<vmem>> -> memref<512xf32, #tpu.memory_space<vmem>>
    %dma_start3A_138 = tpu.memref_slice %arg5[%add3A_120] : memref<262144xf32, #tpu.memory_space<hbm>> -> memref<512xf32, #tpu.memory_space<hbm>>
    tpu.enqueue_dma source(%dma_start3A_138 : memref<512xf32, #tpu.memory_space<hbm>>) target(%dma_start3A_137 : memref<512xf32, #tpu.memory_space<vmem>>) target_semaphore(%arg15 : memref<!tpu.dma_semaphore, #tpu.memory_space<semaphore_mem>>)
    %mul3A_139 = arith.constant 512 : i32
    %mul3A_140 = arith.muli %add3A, %mul3A_139 : i32
    %add3A_141 = arith.constant 98304 : i32
    %add3A_142 = arith.addi %add3A_141, %mul3A_140 : i32
    %dma_start3A_143 = arith.constant 6 : i32
    %dma_start3A_144 = arith.constant 0 : i32
    %dma_start3A_145 = tpu.memref_slice %arg10[%dma_start3A_143, %dma_start3A_144] : memref<16x512xf32, #tpu.memory_space<vmem>> -> memref<1x512xf32, #tpu.memory_space<vmem>>
    %dma_start3A_146 = tpu.memref_squeeze %dma_start3A_145 : memref<1x512xf32, #tpu.memory_space<vmem>> -> memref<512xf32, #tpu.memory_space<vmem>>
    %dma_start3A_147 = tpu.memref_slice %arg4[%add3A_142] : memref<262144xf32, #tpu.memory_space<hbm>> -> memref<512xf32, #tpu.memory_space<hbm>>
    %dma_start3A_148 = arith.constant 0 : i32
    %dma_start3A_149 = tpu.memref_slice %arg10[%dma_start3A_143, %dma_start3A_148] : memref<16x512xf32, #tpu.memory_space<vmem>> -> memref<1x512xf32, #tpu.memory_space<vmem>>
    %dma_start3A_150 = tpu.memref_squeeze %dma_start3A_149 : memref<1x512xf32, #tpu.memory_space<vmem>> -> memref<512xf32, #tpu.memory_space<vmem>>
    %dma_start3A_151 = tpu.memref_slice %arg4[%add3A_142] : memref<262144xf32, #tpu.memory_space<hbm>> -> memref<512xf32, #tpu.memory_space<hbm>>
    tpu.enqueue_dma source(%dma_start3A_151 : memref<512xf32, #tpu.memory_space<hbm>>) target(%dma_start3A_150 : memref<512xf32, #tpu.memory_space<vmem>>) target_semaphore(%arg15 : memref<!tpu.dma_semaphore, #tpu.memory_space<semaphore_mem>>)
    %dma_start3A_152 = arith.constant 6 : i32
    %dma_start3A_153 = arith.constant 0 : i32
    %dma_start3A_154 = tpu.memref_slice %arg11[%dma_start3A_152, %dma_start3A_153] : memref<16x512xf32, #tpu.memory_space<vmem>> -> memref<1x512xf32, #tpu.memory_space<vmem>>
    %dma_start3A_155 = tpu.memref_squeeze %dma_start3A_154 : memref<1x512xf32, #tpu.memory_space<vmem>> -> memref<512xf32, #tpu.memory_space<vmem>>
    %dma_start3A_156 = tpu.memref_slice %arg5[%add3A_142] : memref<262144xf32, #tpu.memory_space<hbm>> -> memref<512xf32, #tpu.memory_space<hbm>>
    %dma_start3A_157 = arith.constant 0 : i32
    %dma_start3A_158 = tpu.memref_slice %arg11[%dma_start3A_152, %dma_start3A_157] : memref<16x512xf32, #tpu.memory_space<vmem>> -> memref<1x512xf32, #tpu.memory_space<vmem>>
    %dma_start3A_159 = tpu.memref_squeeze %dma_start3A_158 : memref<1x512xf32, #tpu.memory_space<vmem>> -> memref<512xf32, #tpu.memory_space<vmem>>
    %dma_start3A_160 = tpu.memref_slice %arg5[%add3A_142] : memref<262144xf32, #tpu.memory_space<hbm>> -> memref<512xf32, #tpu.memory_space<hbm>>
    tpu.enqueue_dma source(%dma_start3A_160 : memref<512xf32, #tpu.memory_space<hbm>>) target(%dma_start3A_159 : memref<512xf32, #tpu.memory_space<vmem>>) target_semaphore(%arg15 : memref<!tpu.dma_semaphore, #tpu.memory_space<semaphore_mem>>)
    %mul3A_161 = arith.constant 512 : i32
    %mul3A_162 = arith.muli %add3A, %mul3A_161 : i32
    %add3A_163 = arith.constant 114688 : i32
    %add3A_164 = arith.addi %add3A_163, %mul3A_162 : i32
    %dma_start3A_165 = arith.constant 7 : i32
    %dma_start3A_166 = arith.constant 0 : i32
    %dma_start3A_167 = tpu.memref_slice %arg10[%dma_start3A_165, %dma_start3A_166] : memref<16x512xf32, #tpu.memory_space<vmem>> -> memref<1x512xf32, #tpu.memory_space<vmem>>
    %dma_start3A_168 = tpu.memref_squeeze %dma_start3A_167 : memref<1x512xf32, #tpu.memory_space<vmem>> -> memref<512xf32, #tpu.memory_space<vmem>>
    %dma_start3A_169 = tpu.memref_slice %arg4[%add3A_164] : memref<262144xf32, #tpu.memory_space<hbm>> -> memref<512xf32, #tpu.memory_space<hbm>>
    %dma_start3A_170 = arith.constant 0 : i32
    %dma_start3A_171 = tpu.memref_slice %arg10[%dma_start3A_165, %dma_start3A_170] : memref<16x512xf32, #tpu.memory_space<vmem>> -> memref<1x512xf32, #tpu.memory_space<vmem>>
    %dma_start3A_172 = tpu.memref_squeeze %dma_start3A_171 : memref<1x512xf32, #tpu.memory_space<vmem>> -> memref<512xf32, #tpu.memory_space<vmem>>
    %dma_start3A_173 = tpu.memref_slice %arg4[%add3A_164] : memref<262144xf32, #tpu.memory_space<hbm>> -> memref<512xf32, #tpu.memory_space<hbm>>
    tpu.enqueue_dma source(%dma_start3A_173 : memref<512xf32, #tpu.memory_space<hbm>>) target(%dma_start3A_172 : memref<512xf32, #tpu.memory_space<vmem>>) target_semaphore(%arg15 : memref<!tpu.dma_semaphore, #tpu.memory_space<semaphore_mem>>)
    %dma_start3A_174 = arith.constant 7 : i32
    %dma_start3A_175 = arith.constant 0 : i32
    %dma_start3A_176 = tpu.memref_slice %arg11[%dma_start3A_174, %dma_start3A_175] : memref<16x512xf32, #tpu.memory_space<vmem>> -> memref<1x512xf32, #tpu.memory_space<vmem>>
    %dma_start3A_177 = tpu.memref_squeeze %dma_start3A_176 : memref<1x512xf32, #tpu.memory_space<vmem>> -> memref<512xf32, #tpu.memory_space<vmem>>
    %dma_start3A_178 = tpu.memref_slice %arg5[%add3A_164] : memref<262144xf32, #tpu.memory_space<hbm>> -> memref<512xf32, #tpu.memory_space<hbm>>
    %dma_start3A_179 = arith.constant 0 : i32
    %dma_start3A_180 = tpu.memref_slice %arg11[%dma_start3A_174, %dma_start3A_179] : memref<16x512xf32, #tpu.memory_space<vmem>> -> memref<1x512xf32, #tpu.memory_space<vmem>>
    %dma_start3A_181 = tpu.memref_squeeze %dma_start3A_180 : memref<1x512xf32, #tpu.memory_space<vmem>> -> memref<512xf32, #tpu.memory_space<vmem>>
    %dma_start3A_182 = tpu.memref_slice %arg5[%add3A_164] : memref<262144xf32, #tpu.memory_space<hbm>> -> memref<512xf32, #tpu.memory_space<hbm>>
    tpu.enqueue_dma source(%dma_start3A_182 : memref<512xf32, #tpu.memory_space<hbm>>) target(%dma_start3A_181 : memref<512xf32, #tpu.memory_space<vmem>>) target_semaphore(%arg15 : memref<!tpu.dma_semaphore, #tpu.memory_space<semaphore_mem>>)
    %mul3A_183 = arith.constant 512 : i32
    %mul3A_184 = arith.muli %add3A, %mul3A_183 : i32
    %add3A_185 = arith.constant 131072 : i32
    %add3A_186 = arith.addi %add3A_185, %mul3A_184 : i32
    %dma_start3A_187 = arith.constant 8 : i32
    %dma_start3A_188 = arith.constant 0 : i32
    %dma_start3A_189 = tpu.memref_slice %arg10[%dma_start3A_187, %dma_start3A_188] : memref<16x512xf32, #tpu.memory_space<vmem>> -> memref<1x512xf32, #tpu.memory_space<vmem>>
    %dma_start3A_190 = tpu.memref_squeeze %dma_start3A_189 : memref<1x512xf32, #tpu.memory_space<vmem>> -> memref<512xf32, #tpu.memory_space<vmem>>
    %dma_start3A_191 = tpu.memref_slice %arg4[%add3A_186] : memref<262144xf32, #tpu.memory_space<hbm>> -> memref<512xf32, #tpu.memory_space<hbm>>
    %dma_start3A_192 = arith.constant 0 : i32
    %dma_start3A_193 = tpu.memref_slice %arg10[%dma_start3A_187, %dma_start3A_192] : memref<16x512xf32, #tpu.memory_space<vmem>> -> memref<1x512xf32, #tpu.memory_space<vmem>>
    %dma_start3A_194 = tpu.memref_squeeze %dma_start3A_193 : memref<1x512xf32, #tpu.memory_space<vmem>> -> memref<512xf32, #tpu.memory_space<vmem>>
    %dma_start3A_195 = tpu.memref_slice %arg4[%add3A_186] : memref<262144xf32, #tpu.memory_space<hbm>> -> memref<512xf32, #tpu.memory_space<hbm>>
    tpu.enqueue_dma source(%dma_start3A_195 : memref<512xf32, #tpu.memory_space<hbm>>) target(%dma_start3A_194 : memref<512xf32, #tpu.memory_space<vmem>>) target_semaphore(%arg15 : memref<!tpu.dma_semaphore, #tpu.memory_space<semaphore_mem>>)
    %dma_start3A_196 = arith.constant 8 : i32
    %dma_start3A_197 = arith.constant 0 : i32
    %dma_start3A_198 = tpu.memref_slice %arg11[%dma_start3A_196, %dma_start3A_197] : memref<16x512xf32, #tpu.memory_space<vmem>> -> memref<1x512xf32, #tpu.memory_space<vmem>>
    %dma_start3A_199 = tpu.memref_squeeze %dma_start3A_198 : memref<1x512xf32, #tpu.memory_space<vmem>> -> memref<512xf32, #tpu.memory_space<vmem>>
    %dma_start3A_200 = tpu.memref_slice %arg5[%add3A_186] : memref<262144xf32, #tpu.memory_space<hbm>> -> memref<512xf32, #tpu.memory_space<hbm>>
    %dma_start3A_201 = arith.constant 0 : i32
    %dma_start3A_202 = tpu.memref_slice %arg11[%dma_start3A_196, %dma_start3A_201] : memref<16x512xf32, #tpu.memory_space<vmem>> -> memref<1x512xf32, #tpu.memory_space<vmem>>
    %dma_start3A_203 = tpu.memref_squeeze %dma_start3A_202 : memref<1x512xf32, #tpu.memory_space<vmem>> -> memref<512xf32, #tpu.memory_space<vmem>>
    %dma_start3A_204 = tpu.memref_slice %arg5[%add3A_186] : memref<262144xf32, #tpu.memory_space<hbm>> -> memref<512xf32, #tpu.memory_space<hbm>>
    tpu.enqueue_dma source(%dma_start3A_204 : memref<512xf32, #tpu.memory_space<hbm>>) target(%dma_start3A_203 : memref<512xf32, #tpu.memory_space<vmem>>) target_semaphore(%arg15 : memref<!tpu.dma_semaphore, #tpu.memory_space<semaphore_mem>>)
    %mul3A_205 = arith.constant 512 : i32
    %mul3A_206 = arith.muli %add3A, %mul3A_205 : i32
    %add3A_207 = arith.constant 147456 : i32
    %add3A_208 = arith.addi %add3A_207, %mul3A_206 : i32
    %dma_start3A_209 = arith.constant 9 : i32
    %dma_start3A_210 = arith.constant 0 : i32
    %dma_start3A_211 = tpu.memref_slice %arg10[%dma_start3A_209, %dma_start3A_210] : memref<16x512xf32, #tpu.memory_space<vmem>> -> memref<1x512xf32, #tpu.memory_space<vmem>>
    %dma_start3A_212 = tpu.memref_squeeze %dma_start3A_211 : memref<1x512xf32, #tpu.memory_space<vmem>> -> memref<512xf32, #tpu.memory_space<vmem>>
    %dma_start3A_213 = tpu.memref_slice %arg4[%add3A_208] : memref<262144xf32, #tpu.memory_space<hbm>> -> memref<512xf32, #tpu.memory_space<hbm>>
    %dma_start3A_214 = arith.constant 0 : i32
    %dma_start3A_215 = tpu.memref_slice %arg10[%dma_start3A_209, %dma_start3A_214] : memref<16x512xf32, #tpu.memory_space<vmem>> -> memref<1x512xf32, #tpu.memory_space<vmem>>
    %dma_start3A_216 = tpu.memref_squeeze %dma_start3A_215 : memref<1x512xf32, #tpu.memory_space<vmem>> -> memref<512xf32, #tpu.memory_space<vmem>>
    %dma_start3A_217 = tpu.memref_slice %arg4[%add3A_208] : memref<262144xf32, #tpu.memory_space<hbm>> -> memref<512xf32, #tpu.memory_space<hbm>>
    tpu.enqueue_dma source(%dma_start3A_217 : memref<512xf32, #tpu.memory_space<hbm>>) target(%dma_start3A_216 : memref<512xf32, #tpu.memory_space<vmem>>) target_semaphore(%arg15 : memref<!tpu.dma_semaphore, #tpu.memory_space<semaphore_mem>>)
    %dma_start3A_218 = arith.constant 9 : i32
    %dma_start3A_219 = arith.constant 0 : i32
    %dma_start3A_220 = tpu.memref_slice %arg11[%dma_start3A_218, %dma_start3A_219] : memref<16x512xf32, #tpu.memory_space<vmem>> -> memref<1x512xf32, #tpu.memory_space<vmem>>
    %dma_start3A_221 = tpu.memref_squeeze %dma_start3A_220 : memref<1x512xf32, #tpu.memory_space<vmem>> -> memref<512xf32, #tpu.memory_space<vmem>>
    %dma_start3A_222 = tpu.memref_slice %arg5[%add3A_208] : memref<262144xf32, #tpu.memory_space<hbm>> -> memref<512xf32, #tpu.memory_space<hbm>>
    %dma_start3A_223 = arith.constant 0 : i32
    %dma_start3A_224 = tpu.memref_slice %arg11[%dma_start3A_218, %dma_start3A_223] : memref<16x512xf32, #tpu.memory_space<vmem>> -> memref<1x512xf32, #tpu.memory_space<vmem>>
    %dma_start3A_225 = tpu.memref_squeeze %dma_start3A_224 : memref<1x512xf32, #tpu.memory_space<vmem>> -> memref<512xf32, #tpu.memory_space<vmem>>
    %dma_start3A_226 = tpu.memref_slice %arg5[%add3A_208] : memref<262144xf32, #tpu.memory_space<hbm>> -> memref<512xf32, #tpu.memory_space<hbm>>
    tpu.enqueue_dma source(%dma_start3A_226 : memref<512xf32, #tpu.memory_space<hbm>>) target(%dma_start3A_225 : memref<512xf32, #tpu.memory_space<vmem>>) target_semaphore(%arg15 : memref<!tpu.dma_semaphore, #tpu.memory_space<semaphore_mem>>)
    %mul3A_227 = arith.constant 512 : i32
    %mul3A_228 = arith.muli %add3A, %mul3A_227 : i32
    %add3A_229 = arith.constant 163840 : i32
    %add3A_230 = arith.addi %add3A_229, %mul3A_228 : i32
    %dma_start3A_231 = arith.constant 10 : i32
    %dma_start3A_232 = arith.constant 0 : i32
    %dma_start3A_233 = tpu.memref_slice %arg10[%dma_start3A_231, %dma_start3A_232] : memref<16x512xf32, #tpu.memory_space<vmem>> -> memref<1x512xf32, #tpu.memory_space<vmem>>
    %dma_start3A_234 = tpu.memref_squeeze %dma_start3A_233 : memref<1x512xf32, #tpu.memory_space<vmem>> -> memref<512xf32, #tpu.memory_space<vmem>>
    %dma_start3A_235 = tpu.memref_slice %arg4[%add3A_230] : memref<262144xf32, #tpu.memory_space<hbm>> -> memref<512xf32, #tpu.memory_space<hbm>>
    %dma_start3A_236 = arith.constant 0 : i32
    %dma_start3A_237 = tpu.memref_slice %arg10[%dma_start3A_231, %dma_start3A_236] : memref<16x512xf32, #tpu.memory_space<vmem>> -> memref<1x512xf32, #tpu.memory_space<vmem>>
    %dma_start3A_238 = tpu.memref_squeeze %dma_start3A_237 : memref<1x512xf32, #tpu.memory_space<vmem>> -> memref<512xf32, #tpu.memory_space<vmem>>
    %dma_start3A_239 = tpu.memref_slice %arg4[%add3A_230] : memref<262144xf32, #tpu.memory_space<hbm>> -> memref<512xf32, #tpu.memory_space<hbm>>
    tpu.enqueue_dma source(%dma_start3A_239 : memref<512xf32, #tpu.memory_space<hbm>>) target(%dma_start3A_238 : memref<512xf32, #tpu.memory_space<vmem>>) target_semaphore(%arg15 : memref<!tpu.dma_semaphore, #tpu.memory_space<semaphore_mem>>)
    %dma_start3A_240 = arith.constant 10 : i32
    %dma_start3A_241 = arith.constant 0 : i32
    %dma_start3A_242 = tpu.memref_slice %arg11[%dma_start3A_240, %dma_start3A_241] : memref<16x512xf32, #tpu.memory_space<vmem>> -> memref<1x512xf32, #tpu.memory_space<vmem>>
    %dma_start3A_243 = tpu.memref_squeeze %dma_start3A_242 : memref<1x512xf32, #tpu.memory_space<vmem>> -> memref<512xf32, #tpu.memory_space<vmem>>
    %dma_start3A_244 = tpu.memref_slice %arg5[%add3A_230] : memref<262144xf32, #tpu.memory_space<hbm>> -> memref<512xf32, #tpu.memory_space<hbm>>
    %dma_start3A_245 = arith.constant 0 : i32
    %dma_start3A_246 = tpu.memref_slice %arg11[%dma_start3A_240, %dma_start3A_245] : memref<16x512xf32, #tpu.memory_space<vmem>> -> memref<1x512xf32, #tpu.memory_space<vmem>>
    %dma_start3A_247 = tpu.memref_squeeze %dma_start3A_246 : memref<1x512xf32, #tpu.memory_space<vmem>> -> memref<512xf32, #tpu.memory_space<vmem>>
    %dma_start3A_248 = tpu.memref_slice %arg5[%add3A_230] : memref<262144xf32, #tpu.memory_space<hbm>> -> memref<512xf32, #tpu.memory_space<hbm>>
    tpu.enqueue_dma source(%dma_start3A_248 : memref<512xf32, #tpu.memory_space<hbm>>) target(%dma_start3A_247 : memref<512xf32, #tpu.memory_space<vmem>>) target_semaphore(%arg15 : memref<!tpu.dma_semaphore, #tpu.memory_space<semaphore_mem>>)
    %mul3A_249 = arith.constant 512 : i32
    %mul3A_250 = arith.muli %add3A, %mul3A_249 : i32
    %add3A_251 = arith.constant 180224 : i32
    %add3A_252 = arith.addi %add3A_251, %mul3A_250 : i32
    %dma_start3A_253 = arith.constant 11 : i32
    %dma_start3A_254 = arith.constant 0 : i32
    %dma_start3A_255 = tpu.memref_slice %arg10[%dma_start3A_253, %dma_start3A_254] : memref<16x512xf32, #tpu.memory_space<vmem>> -> memref<1x512xf32, #tpu.memory_space<vmem>>
    %dma_start3A_256 = tpu.memref_squeeze %dma_start3A_255 : memref<1x512xf32, #tpu.memory_space<vmem>> -> memref<512xf32, #tpu.memory_space<vmem>>
    %dma_start3A_257 = tpu.memref_slice %arg4[%add3A_252] : memref<262144xf32, #tpu.memory_space<hbm>> -> memref<512xf32, #tpu.memory_space<hbm>>
    %dma_start3A_258 = arith.constant 0 : i32
    %dma_start3A_259 = tpu.memref_slice %arg10[%dma_start3A_253, %dma_start3A_258] : memref<16x512xf32, #tpu.memory_space<vmem>> -> memref<1x512xf32, #tpu.memory_space<vmem>>
    %dma_start3A_260 = tpu.memref_squeeze %dma_start3A_259 : memref<1x512xf32, #tpu.memory_space<vmem>> -> memref<512xf32, #tpu.memory_space<vmem>>
    %dma_start3A_261 = tpu.memref_slice %arg4[%add3A_252] : memref<262144xf32, #tpu.memory_space<hbm>> -> memref<512xf32, #tpu.memory_space<hbm>>
    tpu.enqueue_dma source(%dma_start3A_261 : memref<512xf32, #tpu.memory_space<hbm>>) target(%dma_start3A_260 : memref<512xf32, #tpu.memory_space<vmem>>) target_semaphore(%arg15 : memref<!tpu.dma_semaphore, #tpu.memory_space<semaphore_mem>>)
    %dma_start3A_262 = arith.constant 11 : i32
    %dma_start3A_263 = arith.constant 0 : i32
    %dma_start3A_264 = tpu.memref_slice %arg11[%dma_start3A_262, %dma_start3A_263] : memref<16x512xf32, #tpu.memory_space<vmem>> -> memref<1x512xf32, #tpu.memory_space<vmem>>
    %dma_start3A_265 = tpu.memref_squeeze %dma_start3A_264 : memref<1x512xf32, #tpu.memory_space<vmem>> -> memref<512xf32, #tpu.memory_space<vmem>>
    %dma_start3A_266 = tpu.memref_slice %arg5[%add3A_252] : memref<262144xf32, #tpu.memory_space<hbm>> -> memref<512xf32, #tpu.memory_space<hbm>>
    %dma_start3A_267 = arith.constant 0 : i32
    %dma_start3A_268 = tpu.memref_slice %arg11[%dma_start3A_262, %dma_start3A_267] : memref<16x512xf32, #tpu.memory_space<vmem>> -> memref<1x512xf32, #tpu.memory_space<vmem>>
    %dma_start3A_269 = tpu.memref_squeeze %dma_start3A_268 : memref<1x512xf32, #tpu.memory_space<vmem>> -> memref<512xf32, #tpu.memory_space<vmem>>
    %dma_start3A_270 = tpu.memref_slice %arg5[%add3A_252] : memref<262144xf32, #tpu.memory_space<hbm>> -> memref<512xf32, #tpu.memory_space<hbm>>
    tpu.enqueue_dma source(%dma_start3A_270 : memref<512xf32, #tpu.memory_space<hbm>>) target(%dma_start3A_269 : memref<512xf32, #tpu.memory_space<vmem>>) target_semaphore(%arg15 : memref<!tpu.dma_semaphore, #tpu.memory_space<semaphore_mem>>)
    %mul3A_271 = arith.constant 512 : i32
    %mul3A_272 = arith.muli %add3A, %mul3A_271 : i32
    %add3A_273 = arith.constant 196608 : i32
    %add3A_274 = arith.addi %add3A_273, %mul3A_272 : i32
    %dma_start3A_275 = arith.constant 12 : i32
    %dma_start3A_276 = arith.constant 0 : i32
    %dma_start3A_277 = tpu.memref_slice %arg10[%dma_start3A_275, %dma_start3A_276] : memref<16x512xf32, #tpu.memory_space<vmem>> -> memref<1x512xf32, #tpu.memory_space<vmem>>
    %dma_start3A_278 = tpu.memref_squeeze %dma_start3A_277 : memref<1x512xf32, #tpu.memory_space<vmem>> -> memref<512xf32, #tpu.memory_space<vmem>>
    %dma_start3A_279 = tpu.memref_slice %arg4[%add3A_274] : memref<262144xf32, #tpu.memory_space<hbm>> -> memref<512xf32, #tpu.memory_space<hbm>>
    %dma_start3A_280 = arith.constant 0 : i32
    %dma_start3A_281 = tpu.memref_slice %arg10[%dma_start3A_275, %dma_start3A_280] : memref<16x512xf32, #tpu.memory_space<vmem>> -> memref<1x512xf32, #tpu.memory_space<vmem>>
    %dma_start3A_282 = tpu.memref_squeeze %dma_start3A_281 : memref<1x512xf32, #tpu.memory_space<vmem>> -> memref<512xf32, #tpu.memory_space<vmem>>
    %dma_start3A_283 = tpu.memref_slice %arg4[%add3A_274] : memref<262144xf32, #tpu.memory_space<hbm>> -> memref<512xf32, #tpu.memory_space<hbm>>
    tpu.enqueue_dma source(%dma_start3A_283 : memref<512xf32, #tpu.memory_space<hbm>>) target(%dma_start3A_282 : memref<512xf32, #tpu.memory_space<vmem>>) target_semaphore(%arg15 : memref<!tpu.dma_semaphore, #tpu.memory_space<semaphore_mem>>)
    %dma_start3A_284 = arith.constant 12 : i32
    %dma_start3A_285 = arith.constant 0 : i32
    %dma_start3A_286 = tpu.memref_slice %arg11[%dma_start3A_284, %dma_start3A_285] : memref<16x512xf32, #tpu.memory_space<vmem>> -> memref<1x512xf32, #tpu.memory_space<vmem>>
    %dma_start3A_287 = tpu.memref_squeeze %dma_start3A_286 : memref<1x512xf32, #tpu.memory_space<vmem>> -> memref<512xf32, #tpu.memory_space<vmem>>
    %dma_start3A_288 = tpu.memref_slice %arg5[%add3A_274] : memref<262144xf32, #tpu.memory_space<hbm>> -> memref<512xf32, #tpu.memory_space<hbm>>
    %dma_start3A_289 = arith.constant 0 : i32
    %dma_start3A_290 = tpu.memref_slice %arg11[%dma_start3A_284, %dma_start3A_289] : memref<16x512xf32, #tpu.memory_space<vmem>> -> memref<1x512xf32, #tpu.memory_space<vmem>>
    %dma_start3A_291 = tpu.memref_squeeze %dma_start3A_290 : memref<1x512xf32, #tpu.memory_space<vmem>> -> memref<512xf32, #tpu.memory_space<vmem>>
    %dma_start3A_292 = tpu.memref_slice %arg5[%add3A_274] : memref<262144xf32, #tpu.memory_space<hbm>> -> memref<512xf32, #tpu.memory_space<hbm>>
    tpu.enqueue_dma source(%dma_start3A_292 : memref<512xf32, #tpu.memory_space<hbm>>) target(%dma_start3A_291 : memref<512xf32, #tpu.memory_space<vmem>>) target_semaphore(%arg15 : memref<!tpu.dma_semaphore, #tpu.memory_space<semaphore_mem>>)
    %mul3A_293 = arith.constant 512 : i32
    %mul3A_294 = arith.muli %add3A, %mul3A_293 : i32
    %add3A_295 = arith.constant 212992 : i32
    %add3A_296 = arith.addi %add3A_295, %mul3A_294 : i32
    %dma_start3A_297 = arith.constant 13 : i32
    %dma_start3A_298 = arith.constant 0 : i32
    %dma_start3A_299 = tpu.memref_slice %arg10[%dma_start3A_297, %dma_start3A_298] : memref<16x512xf32, #tpu.memory_space<vmem>> -> memref<1x512xf32, #tpu.memory_space<vmem>>
    %dma_start3A_300 = tpu.memref_squeeze %dma_start3A_299 : memref<1x512xf32, #tpu.memory_space<vmem>> -> memref<512xf32, #tpu.memory_space<vmem>>
    %dma_start3A_301 = tpu.memref_slice %arg4[%add3A_296] : memref<262144xf32, #tpu.memory_space<hbm>> -> memref<512xf32, #tpu.memory_space<hbm>>
    %dma_start3A_302 = arith.constant 0 : i32
    %dma_start3A_303 = tpu.memref_slice %arg10[%dma_start3A_297, %dma_start3A_302] : memref<16x512xf32, #tpu.memory_space<vmem>> -> memref<1x512xf32, #tpu.memory_space<vmem>>
    %dma_start3A_304 = tpu.memref_squeeze %dma_start3A_303 : memref<1x512xf32, #tpu.memory_space<vmem>> -> memref<512xf32, #tpu.memory_space<vmem>>
    %dma_start3A_305 = tpu.memref_slice %arg4[%add3A_296] : memref<262144xf32, #tpu.memory_space<hbm>> -> memref<512xf32, #tpu.memory_space<hbm>>
    tpu.enqueue_dma source(%dma_start3A_305 : memref<512xf32, #tpu.memory_space<hbm>>) target(%dma_start3A_304 : memref<512xf32, #tpu.memory_space<vmem>>) target_semaphore(%arg15 : memref<!tpu.dma_semaphore, #tpu.memory_space<semaphore_mem>>)
    %dma_start3A_306 = arith.constant 13 : i32
    %dma_start3A_307 = arith.constant 0 : i32
    %dma_start3A_308 = tpu.memref_slice %arg11[%dma_start3A_306, %dma_start3A_307] : memref<16x512xf32, #tpu.memory_space<vmem>> -> memref<1x512xf32, #tpu.memory_space<vmem>>
    %dma_start3A_309 = tpu.memref_squeeze %dma_start3A_308 : memref<1x512xf32, #tpu.memory_space<vmem>> -> memref<512xf32, #tpu.memory_space<vmem>>
    %dma_start3A_310 = tpu.memref_slice %arg5[%add3A_296] : memref<262144xf32, #tpu.memory_space<hbm>> -> memref<512xf32, #tpu.memory_space<hbm>>
    %dma_start3A_311 = arith.constant 0 : i32
    %dma_start3A_312 = tpu.memref_slice %arg11[%dma_start3A_306, %dma_start3A_311] : memref<16x512xf32, #tpu.memory_space<vmem>> -> memref<1x512xf32, #tpu.memory_space<vmem>>
    %dma_start3A_313 = tpu.memref_squeeze %dma_start3A_312 : memref<1x512xf32, #tpu.memory_space<vmem>> -> memref<512xf32, #tpu.memory_space<vmem>>
    %dma_start3A_314 = tpu.memref_slice %arg5[%add3A_296] : memref<262144xf32, #tpu.memory_space<hbm>> -> memref<512xf32, #tpu.memory_space<hbm>>
    tpu.enqueue_dma source(%dma_start3A_314 : memref<512xf32, #tpu.memory_space<hbm>>) target(%dma_start3A_313 : memref<512xf32, #tpu.memory_space<vmem>>) target_semaphore(%arg15 : memref<!tpu.dma_semaphore, #tpu.memory_space<semaphore_mem>>)
    %mul3A_315 = arith.constant 512 : i32
    %mul3A_316 = arith.muli %add3A, %mul3A_315 : i32
    %add3A_317 = arith.constant 229376 : i32
    %add3A_318 = arith.addi %add3A_317, %mul3A_316 : i32
    %dma_start3A_319 = arith.constant 14 : i32
    %dma_start3A_320 = arith.constant 0 : i32
    %dma_start3A_321 = tpu.memref_slice %arg10[%dma_start3A_319, %dma_start3A_320] : memref<16x512xf32, #tpu.memory_space<vmem>> -> memref<1x512xf32, #tpu.memory_space<vmem>>
    %dma_start3A_322 = tpu.memref_squeeze %dma_start3A_321 : memref<1x512xf32, #tpu.memory_space<vmem>> -> memref<512xf32, #tpu.memory_space<vmem>>
    %dma_start3A_323 = tpu.memref_slice %arg4[%add3A_318] : memref<262144xf32, #tpu.memory_space<hbm>> -> memref<512xf32, #tpu.memory_space<hbm>>
    %dma_start3A_324 = arith.constant 0 : i32
    %dma_start3A_325 = tpu.memref_slice %arg10[%dma_start3A_319, %dma_start3A_324] : memref<16x512xf32, #tpu.memory_space<vmem>> -> memref<1x512xf32, #tpu.memory_space<vmem>>
    %dma_start3A_326 = tpu.memref_squeeze %dma_start3A_325 : memref<1x512xf32, #tpu.memory_space<vmem>> -> memref<512xf32, #tpu.memory_space<vmem>>
    %dma_start3A_327 = tpu.memref_slice %arg4[%add3A_318] : memref<262144xf32, #tpu.memory_space<hbm>> -> memref<512xf32, #tpu.memory_space<hbm>>
    tpu.enqueue_dma source(%dma_start3A_327 : memref<512xf32, #tpu.memory_space<hbm>>) target(%dma_start3A_326 : memref<512xf32, #tpu.memory_space<vmem>>) target_semaphore(%arg15 : memref<!tpu.dma_semaphore, #tpu.memory_space<semaphore_mem>>)
    %dma_start3A_328 = arith.constant 14 : i32
    %dma_start3A_329 = arith.constant 0 : i32
    %dma_start3A_330 = tpu.memref_slice %arg11[%dma_start3A_328, %dma_start3A_329] : memref<16x512xf32, #tpu.memory_space<vmem>> -> memref<1x512xf32, #tpu.memory_space<vmem>>
    %dma_start3A_331 = tpu.memref_squeeze %dma_start3A_330 : memref<1x512xf32, #tpu.memory_space<vmem>> -> memref<512xf32, #tpu.memory_space<vmem>>
    %dma_start3A_332 = tpu.memref_slice %arg5[%add3A_318] : memref<262144xf32, #tpu.memory_space<hbm>> -> memref<512xf32, #tpu.memory_space<hbm>>
    %dma_start3A_333 = arith.constant 0 : i32
    %dma_start3A_334 = tpu.memref_slice %arg11[%dma_start3A_328, %dma_start3A_333] : memref<16x512xf32, #tpu.memory_space<vmem>> -> memref<1x512xf32, #tpu.memory_space<vmem>>
    %dma_start3A_335 = tpu.memref_squeeze %dma_start3A_334 : memref<1x512xf32, #tpu.memory_space<vmem>> -> memref<512xf32, #tpu.memory_space<vmem>>
    %dma_start3A_336 = tpu.memref_slice %arg5[%add3A_318] : memref<262144xf32, #tpu.memory_space<hbm>> -> memref<512xf32, #tpu.memory_space<hbm>>
    tpu.enqueue_dma source(%dma_start3A_336 : memref<512xf32, #tpu.memory_space<hbm>>) target(%dma_start3A_335 : memref<512xf32, #tpu.memory_space<vmem>>) target_semaphore(%arg15 : memref<!tpu.dma_semaphore, #tpu.memory_space<semaphore_mem>>)
    %mul3A_337 = arith.constant 512 : i32
    %mul3A_338 = arith.muli %add3A, %mul3A_337 : i32
    %add3A_339 = arith.constant 245760 : i32
    %add3A_340 = arith.addi %add3A_339, %mul3A_338 : i32
    %dma_start3A_341 = arith.constant 15 : i32
    %dma_start3A_342 = arith.constant 0 : i32
    %dma_start3A_343 = tpu.memref_slice %arg10[%dma_start3A_341, %dma_start3A_342] : memref<16x512xf32, #tpu.memory_space<vmem>> -> memref<1x512xf32, #tpu.memory_space<vmem>>
    %dma_start3A_344 = tpu.memref_squeeze %dma_start3A_343 : memref<1x512xf32, #tpu.memory_space<vmem>> -> memref<512xf32, #tpu.memory_space<vmem>>
    %dma_start3A_345 = tpu.memref_slice %arg4[%add3A_340] : memref<262144xf32, #tpu.memory_space<hbm>> -> memref<512xf32, #tpu.memory_space<hbm>>
    %dma_start3A_346 = arith.constant 0 : i32
    %dma_start3A_347 = tpu.memref_slice %arg10[%dma_start3A_341, %dma_start3A_346] : memref<16x512xf32, #tpu.memory_space<vmem>> -> memref<1x512xf32, #tpu.memory_space<vmem>>
    %dma_start3A_348 = tpu.memref_squeeze %dma_start3A_347 : memref<1x512xf32, #tpu.memory_space<vmem>> -> memref<512xf32, #tpu.memory_space<vmem>>
    %dma_start3A_349 = tpu.memref_slice %arg4[%add3A_340] : memref<262144xf32, #tpu.memory_space<hbm>> -> memref<512xf32, #tpu.memory_space<hbm>>
    tpu.enqueue_dma source(%dma_start3A_349 : memref<512xf32, #tpu.memory_space<hbm>>) target(%dma_start3A_348 : memref<512xf32, #tpu.memory_space<vmem>>) target_semaphore(%arg15 : memref<!tpu.dma_semaphore, #tpu.memory_space<semaphore_mem>>)
    %dma_start3A_350 = arith.constant 15 : i32
    %dma_start3A_351 = arith.constant 0 : i32
    %dma_start3A_352 = tpu.memref_slice %arg11[%dma_start3A_350, %dma_start3A_351] : memref<16x512xf32, #tpu.memory_space<vmem>> -> memref<1x512xf32, #tpu.memory_space<vmem>>
    %dma_start3A_353 = tpu.memref_squeeze %dma_start3A_352 : memref<1x512xf32, #tpu.memory_space<vmem>> -> memref<512xf32, #tpu.memory_space<vmem>>
    %dma_start3A_354 = tpu.memref_slice %arg5[%add3A_340] : memref<262144xf32, #tpu.memory_space<hbm>> -> memref<512xf32, #tpu.memory_space<hbm>>
    %dma_start3A_355 = arith.constant 0 : i32
    %dma_start3A_356 = tpu.memref_slice %arg11[%dma_start3A_350, %dma_start3A_355] : memref<16x512xf32, #tpu.memory_space<vmem>> -> memref<1x512xf32, #tpu.memory_space<vmem>>
    %dma_start3A_357 = tpu.memref_squeeze %dma_start3A_356 : memref<1x512xf32, #tpu.memory_space<vmem>> -> memref<512xf32, #tpu.memory_space<vmem>>
    %dma_start3A_358 = tpu.memref_slice %arg5[%add3A_340] : memref<262144xf32, #tpu.memory_space<hbm>> -> memref<512xf32, #tpu.memory_space<hbm>>
    tpu.enqueue_dma source(%dma_start3A_358 : memref<512xf32, #tpu.memory_space<hbm>>) target(%dma_start3A_357 : memref<512xf32, #tpu.memory_space<vmem>>) target_semaphore(%arg15 : memref<!tpu.dma_semaphore, #tpu.memory_space<semaphore_mem>>)
    %dma_wait3A = arith.constant 0 : i32
    %dma_wait3A_359 = arith.constant 0 : i32
    %dma_wait3A_360 = tpu.memref_slice %arg10[%dma_wait3A, %dma_wait3A_359] : memref<16x512xf32, #tpu.memory_space<vmem>> -> memref<1x512xf32, #tpu.memory_space<vmem>>
    %dma_wait3A_361 = tpu.memref_squeeze %dma_wait3A_360 : memref<1x512xf32, #tpu.memory_space<vmem>> -> memref<512xf32, #tpu.memory_space<vmem>>
    %dma_wait3A_362 = tpu.memref_slice %arg4[%add3A_11] : memref<262144xf32, #tpu.memory_space<hbm>> -> memref<512xf32, #tpu.memory_space<hbm>>
    %dma_wait3A_363 = arith.constant 0 : i32
    %dma_wait3A_364 = tpu.memref_slice %arg10[%dma_wait3A, %dma_wait3A_363] : memref<16x512xf32, #tpu.memory_space<vmem>> -> memref<1x512xf32, #tpu.memory_space<vmem>>
    %dma_wait3A_365 = tpu.memref_squeeze %dma_wait3A_364 : memref<1x512xf32, #tpu.memory_space<vmem>> -> memref<512xf32, #tpu.memory_space<vmem>>
    %dma_wait3A_366 = tpu.memref_slice %arg4[%add3A_11] : memref<262144xf32, #tpu.memory_space<hbm>> -> memref<512xf32, #tpu.memory_space<hbm>>
    tpu.wait_dma2 semaphore(%arg15 : memref<!tpu.dma_semaphore, #tpu.memory_space<semaphore_mem>>) src(%dma_wait3A_366 : memref<512xf32, #tpu.memory_space<hbm>>) dst(%dma_wait3A_365 : memref<512xf32, #tpu.memory_space<vmem>>)
    %dma_wait3A_367 = arith.constant 0 : i32
    %dma_wait3A_368 = arith.constant 0 : i32
    %dma_wait3A_369 = tpu.memref_slice %arg11[%dma_wait3A_367, %dma_wait3A_368] : memref<16x512xf32, #tpu.memory_space<vmem>> -> memref<1x512xf32, #tpu.memory_space<vmem>>
    %dma_wait3A_370 = tpu.memref_squeeze %dma_wait3A_369 : memref<1x512xf32, #tpu.memory_space<vmem>> -> memref<512xf32, #tpu.memory_space<vmem>>
    %dma_wait3A_371 = tpu.memref_slice %arg5[%add3A_11] : memref<262144xf32, #tpu.memory_space<hbm>> -> memref<512xf32, #tpu.memory_space<hbm>>
    %dma_wait3A_372 = arith.constant 0 : i32
    %dma_wait3A_373 = tpu.memref_slice %arg11[%dma_wait3A_367, %dma_wait3A_372] : memref<16x512xf32, #tpu.memory_space<vmem>> -> memref<1x512xf32, #tpu.memory_space<vmem>>
    %dma_wait3A_374 = tpu.memref_squeeze %dma_wait3A_373 : memref<1x512xf32, #tpu.memory_space<vmem>> -> memref<512xf32, #tpu.memory_space<vmem>>
    %dma_wait3A_375 = tpu.memref_slice %arg5[%add3A_11] : memref<262144xf32, #tpu.memory_space<hbm>> -> memref<512xf32, #tpu.memory_space<hbm>>
    tpu.wait_dma2 semaphore(%arg15 : memref<!tpu.dma_semaphore, #tpu.memory_space<semaphore_mem>>) src(%dma_wait3A_375 : memref<512xf32, #tpu.memory_space<hbm>>) dst(%dma_wait3A_374 : memref<512xf32, #tpu.memory_space<vmem>>)
    %dma_wait3A_376 = arith.constant 1 : i32
    %dma_wait3A_377 = arith.constant 0 : i32
    %dma_wait3A_378 = tpu.memref_slice %arg10[%dma_wait3A_376, %dma_wait3A_377] : memref<16x512xf32, #tpu.memory_space<vmem>> -> memref<1x512xf32, #tpu.memory_space<vmem>>
    %dma_wait3A_379 = tpu.memref_squeeze %dma_wait3A_378 : memref<1x512xf32, #tpu.memory_space<vmem>> -> memref<512xf32, #tpu.memory_space<vmem>>
    %dma_wait3A_380 = tpu.memref_slice %arg4[%add3A_32] : memref<262144xf32, #tpu.memory_space<hbm>> -> memref<512xf32, #tpu.memory_space<hbm>>
    %dma_wait3A_381 = arith.constant 0 : i32
    %dma_wait3A_382 = tpu.memref_slice %arg10[%dma_wait3A_376, %dma_wait3A_381] : memref<16x512xf32, #tpu.memory_space<vmem>> -> memref<1x512xf32, #tpu.memory_space<vmem>>
    %dma_wait3A_383 = tpu.memref_squeeze %dma_wait3A_382 : memref<1x512xf32, #tpu.memory_space<vmem>> -> memref<512xf32, #tpu.memory_space<vmem>>
    %dma_wait3A_384 = tpu.memref_slice %arg4[%add3A_32] : memref<262144xf32, #tpu.memory_space<hbm>> -> memref<512xf32, #tpu.memory_space<hbm>>
    tpu.wait_dma2 semaphore(%arg15 : memref<!tpu.dma_semaphore, #tpu.memory_space<semaphore_mem>>) src(%dma_wait3A_384 : memref<512xf32, #tpu.memory_space<hbm>>) dst(%dma_wait3A_383 : memref<512xf32, #tpu.memory_space<vmem>>)
    %dma_wait3A_385 = arith.constant 1 : i32
    %dma_wait3A_386 = arith.constant 0 : i32
    %dma_wait3A_387 = tpu.memref_slice %arg11[%dma_wait3A_385, %dma_wait3A_386] : memref<16x512xf32, #tpu.memory_space<vmem>> -> memref<1x512xf32, #tpu.memory_space<vmem>>
    %dma_wait3A_388 = tpu.memref_squeeze %dma_wait3A_387 : memref<1x512xf32, #tpu.memory_space<vmem>> -> memref<512xf32, #tpu.memory_space<vmem>>
    %dma_wait3A_389 = tpu.memref_slice %arg5[%add3A_32] : memref<262144xf32, #tpu.memory_space<hbm>> -> memref<512xf32, #tpu.memory_space<hbm>>
    %dma_wait3A_390 = arith.constant 0 : i32
    %dma_wait3A_391 = tpu.memref_slice %arg11[%dma_wait3A_385, %dma_wait3A_390] : memref<16x512xf32, #tpu.memory_space<vmem>> -> memref<1x512xf32, #tpu.memory_space<vmem>>
    %dma_wait3A_392 = tpu.memref_squeeze %dma_wait3A_391 : memref<1x512xf32, #tpu.memory_space<vmem>> -> memref<512xf32, #tpu.memory_space<vmem>>
    %dma_wait3A_393 = tpu.memref_slice %arg5[%add3A_32] : memref<262144xf32, #tpu.memory_space<hbm>> -> memref<512xf32, #tpu.memory_space<hbm>>
    tpu.wait_dma2 semaphore(%arg15 : memref<!tpu.dma_semaphore, #tpu.memory_space<semaphore_mem>>) src(%dma_wait3A_393 : memref<512xf32, #tpu.memory_space<hbm>>) dst(%dma_wait3A_392 : memref<512xf32, #tpu.memory_space<vmem>>)
    %dma_wait3A_394 = arith.constant 2 : i32
    %dma_wait3A_395 = arith.constant 0 : i32
    %dma_wait3A_396 = tpu.memref_slice %arg10[%dma_wait3A_394, %dma_wait3A_395] : memref<16x512xf32, #tpu.memory_space<vmem>> -> memref<1x512xf32, #tpu.memory_space<vmem>>
    %dma_wait3A_397 = tpu.memref_squeeze %dma_wait3A_396 : memref<1x512xf32, #tpu.memory_space<vmem>> -> memref<512xf32, #tpu.memory_space<vmem>>
    %dma_wait3A_398 = tpu.memref_slice %arg4[%add3A_54] : memref<262144xf32, #tpu.memory_space<hbm>> -> memref<512xf32, #tpu.memory_space<hbm>>
    %dma_wait3A_399 = arith.constant 0 : i32
    %dma_wait3A_400 = tpu.memref_slice %arg10[%dma_wait3A_394, %dma_wait3A_399] : memref<16x512xf32, #tpu.memory_space<vmem>> -> memref<1x512xf32, #tpu.memory_space<vmem>>
    %dma_wait3A_401 = tpu.memref_squeeze %dma_wait3A_400 : memref<1x512xf32, #tpu.memory_space<vmem>> -> memref<512xf32, #tpu.memory_space<vmem>>
    %dma_wait3A_402 = tpu.memref_slice %arg4[%add3A_54] : memref<262144xf32, #tpu.memory_space<hbm>> -> memref<512xf32, #tpu.memory_space<hbm>>
    tpu.wait_dma2 semaphore(%arg15 : memref<!tpu.dma_semaphore, #tpu.memory_space<semaphore_mem>>) src(%dma_wait3A_402 : memref<512xf32, #tpu.memory_space<hbm>>) dst(%dma_wait3A_401 : memref<512xf32, #tpu.memory_space<vmem>>)
    %dma_wait3A_403 = arith.constant 2 : i32
    %dma_wait3A_404 = arith.constant 0 : i32
    %dma_wait3A_405 = tpu.memref_slice %arg11[%dma_wait3A_403, %dma_wait3A_404] : memref<16x512xf32, #tpu.memory_space<vmem>> -> memref<1x512xf32, #tpu.memory_space<vmem>>
    %dma_wait3A_406 = tpu.memref_squeeze %dma_wait3A_405 : memref<1x512xf32, #tpu.memory_space<vmem>> -> memref<512xf32, #tpu.memory_space<vmem>>
    %dma_wait3A_407 = tpu.memref_slice %arg5[%add3A_54] : memref<262144xf32, #tpu.memory_space<hbm>> -> memref<512xf32, #tpu.memory_space<hbm>>
    %dma_wait3A_408 = arith.constant 0 : i32
    %dma_wait3A_409 = tpu.memref_slice %arg11[%dma_wait3A_403, %dma_wait3A_408] : memref<16x512xf32, #tpu.memory_space<vmem>> -> memref<1x512xf32, #tpu.memory_space<vmem>>
    %dma_wait3A_410 = tpu.memref_squeeze %dma_wait3A_409 : memref<1x512xf32, #tpu.memory_space<vmem>> -> memref<512xf32, #tpu.memory_space<vmem>>
    %dma_wait3A_411 = tpu.memref_slice %arg5[%add3A_54] : memref<262144xf32, #tpu.memory_space<hbm>> -> memref<512xf32, #tpu.memory_space<hbm>>
    tpu.wait_dma2 semaphore(%arg15 : memref<!tpu.dma_semaphore, #tpu.memory_space<semaphore_mem>>) src(%dma_wait3A_411 : memref<512xf32, #tpu.memory_space<hbm>>) dst(%dma_wait3A_410 : memref<512xf32, #tpu.memory_space<vmem>>)
    %dma_wait3A_412 = arith.constant 3 : i32
    %dma_wait3A_413 = arith.constant 0 : i32
    %dma_wait3A_414 = tpu.memref_slice %arg10[%dma_wait3A_412, %dma_wait3A_413] : memref<16x512xf32, #tpu.memory_space<vmem>> -> memref<1x512xf32, #tpu.memory_space<vmem>>
    %dma_wait3A_415 = tpu.memref_squeeze %dma_wait3A_414 : memref<1x512xf32, #tpu.memory_space<vmem>> -> memref<512xf32, #tpu.memory_space<vmem>>
    %dma_wait3A_416 = tpu.memref_slice %arg4[%add3A_76] : memref<262144xf32, #tpu.memory_space<hbm>> -> memref<512xf32, #tpu.memory_space<hbm>>
    %dma_wait3A_417 = arith.constant 0 : i32
    %dma_wait3A_418 = tpu.memref_slice %arg10[%dma_wait3A_412, %dma_wait3A_417] : memref<16x512xf32, #tpu.memory_space<vmem>> -> memref<1x512xf32, #tpu.memory_space<vmem>>
    %dma_wait3A_419 = tpu.memref_squeeze %dma_wait3A_418 : memref<1x512xf32, #tpu.memory_space<vmem>> -> memref<512xf32, #tpu.memory_space<vmem>>
    %dma_wait3A_420 = tpu.memref_slice %arg4[%add3A_76] : memref<262144xf32, #tpu.memory_space<hbm>> -> memref<512xf32, #tpu.memory_space<hbm>>
    tpu.wait_dma2 semaphore(%arg15 : memref<!tpu.dma_semaphore, #tpu.memory_space<semaphore_mem>>) src(%dma_wait3A_420 : memref<512xf32, #tpu.memory_space<hbm>>) dst(%dma_wait3A_419 : memref<512xf32, #tpu.memory_space<vmem>>)
    %dma_wait3A_421 = arith.constant 3 : i32
    %dma_wait3A_422 = arith.constant 0 : i32
    %dma_wait3A_423 = tpu.memref_slice %arg11[%dma_wait3A_421, %dma_wait3A_422] : memref<16x512xf32, #tpu.memory_space<vmem>> -> memref<1x512xf32, #tpu.memory_space<vmem>>
    %dma_wait3A_424 = tpu.memref_squeeze %dma_wait3A_423 : memref<1x512xf32, #tpu.memory_space<vmem>> -> memref<512xf32, #tpu.memory_space<vmem>>
    %dma_wait3A_425 = tpu.memref_slice %arg5[%add3A_76] : memref<262144xf32, #tpu.memory_space<hbm>> -> memref<512xf32, #tpu.memory_space<hbm>>
    %dma_wait3A_426 = arith.constant 0 : i32
    %dma_wait3A_427 = tpu.memref_slice %arg11[%dma_wait3A_421, %dma_wait3A_426] : memref<16x512xf32, #tpu.memory_space<vmem>> -> memref<1x512xf32, #tpu.memory_space<vmem>>
    %dma_wait3A_428 = tpu.memref_squeeze %dma_wait3A_427 : memref<1x512xf32, #tpu.memory_space<vmem>> -> memref<512xf32, #tpu.memory_space<vmem>>
    %dma_wait3A_429 = tpu.memref_slice %arg5[%add3A_76] : memref<262144xf32, #tpu.memory_space<hbm>> -> memref<512xf32, #tpu.memory_space<hbm>>
    tpu.wait_dma2 semaphore(%arg15 : memref<!tpu.dma_semaphore, #tpu.memory_space<semaphore_mem>>) src(%dma_wait3A_429 : memref<512xf32, #tpu.memory_space<hbm>>) dst(%dma_wait3A_428 : memref<512xf32, #tpu.memory_space<vmem>>)
    %dma_wait3A_430 = arith.constant 4 : i32
    %dma_wait3A_431 = arith.constant 0 : i32
    %dma_wait3A_432 = tpu.memref_slice %arg10[%dma_wait3A_430, %dma_wait3A_431] : memref<16x512xf32, #tpu.memory_space<vmem>> -> memref<1x512xf32, #tpu.memory_space<vmem>>
    %dma_wait3A_433 = tpu.memref_squeeze %dma_wait3A_432 : memref<1x512xf32, #tpu.memory_space<vmem>> -> memref<512xf32, #tpu.memory_space<vmem>>
    %dma_wait3A_434 = tpu.memref_slice %arg4[%add3A_98] : memref<262144xf32, #tpu.memory_space<hbm>> -> memref<512xf32, #tpu.memory_space<hbm>>
    %dma_wait3A_435 = arith.constant 0 : i32
    %dma_wait3A_436 = tpu.memref_slice %arg10[%dma_wait3A_430, %dma_wait3A_435] : memref<16x512xf32, #tpu.memory_space<vmem>> -> memref<1x512xf32, #tpu.memory_space<vmem>>
    %dma_wait3A_437 = tpu.memref_squeeze %dma_wait3A_436 : memref<1x512xf32, #tpu.memory_space<vmem>> -> memref<512xf32, #tpu.memory_space<vmem>>
    %dma_wait3A_438 = tpu.memref_slice %arg4[%add3A_98] : memref<262144xf32, #tpu.memory_space<hbm>> -> memref<512xf32, #tpu.memory_space<hbm>>
    tpu.wait_dma2 semaphore(%arg15 : memref<!tpu.dma_semaphore, #tpu.memory_space<semaphore_mem>>) src(%dma_wait3A_438 : memref<512xf32, #tpu.memory_space<hbm>>) dst(%dma_wait3A_437 : memref<512xf32, #tpu.memory_space<vmem>>)
    %dma_wait3A_439 = arith.constant 4 : i32
    %dma_wait3A_440 = arith.constant 0 : i32
    %dma_wait3A_441 = tpu.memref_slice %arg11[%dma_wait3A_439, %dma_wait3A_440] : memref<16x512xf32, #tpu.memory_space<vmem>> -> memref<1x512xf32, #tpu.memory_space<vmem>>
    %dma_wait3A_442 = tpu.memref_squeeze %dma_wait3A_441 : memref<1x512xf32, #tpu.memory_space<vmem>> -> memref<512xf32, #tpu.memory_space<vmem>>
    %dma_wait3A_443 = tpu.memref_slice %arg5[%add3A_98] : memref<262144xf32, #tpu.memory_space<hbm>> -> memref<512xf32, #tpu.memory_space<hbm>>
    %dma_wait3A_444 = arith.constant 0 : i32
    %dma_wait3A_445 = tpu.memref_slice %arg11[%dma_wait3A_439, %dma_wait3A_444] : memref<16x512xf32, #tpu.memory_space<vmem>> -> memref<1x512xf32, #tpu.memory_space<vmem>>
    %dma_wait3A_446 = tpu.memref_squeeze %dma_wait3A_445 : memref<1x512xf32, #tpu.memory_space<vmem>> -> memref<512xf32, #tpu.memory_space<vmem>>
    %dma_wait3A_447 = tpu.memref_slice %arg5[%add3A_98] : memref<262144xf32, #tpu.memory_space<hbm>> -> memref<512xf32, #tpu.memory_space<hbm>>
    tpu.wait_dma2 semaphore(%arg15 : memref<!tpu.dma_semaphore, #tpu.memory_space<semaphore_mem>>) src(%dma_wait3A_447 : memref<512xf32, #tpu.memory_space<hbm>>) dst(%dma_wait3A_446 : memref<512xf32, #tpu.memory_space<vmem>>)
    %dma_wait3A_448 = arith.constant 5 : i32
    %dma_wait3A_449 = arith.constant 0 : i32
    %dma_wait3A_450 = tpu.memref_slice %arg10[%dma_wait3A_448, %dma_wait3A_449] : memref<16x512xf32, #tpu.memory_space<vmem>> -> memref<1x512xf32, #tpu.memory_space<vmem>>
    %dma_wait3A_451 = tpu.memref_squeeze %dma_wait3A_450 : memref<1x512xf32, #tpu.memory_space<vmem>> -> memref<512xf32, #tpu.memory_space<vmem>>
    %dma_wait3A_452 = tpu.memref_slice %arg4[%add3A_120] : memref<262144xf32, #tpu.memory_space<hbm>> -> memref<512xf32, #tpu.memory_space<hbm>>
    %dma_wait3A_453 = arith.constant 0 : i32
    %dma_wait3A_454 = tpu.memref_slice %arg10[%dma_wait3A_448, %dma_wait3A_453] : memref<16x512xf32, #tpu.memory_space<vmem>> -> memref<1x512xf32, #tpu.memory_space<vmem>>
    %dma_wait3A_455 = tpu.memref_squeeze %dma_wait3A_454 : memref<1x512xf32, #tpu.memory_space<vmem>> -> memref<512xf32, #tpu.memory_space<vmem>>
    %dma_wait3A_456 = tpu.memref_slice %arg4[%add3A_120] : memref<262144xf32, #tpu.memory_space<hbm>> -> memref<512xf32, #tpu.memory_space<hbm>>
    tpu.wait_dma2 semaphore(%arg15 : memref<!tpu.dma_semaphore, #tpu.memory_space<semaphore_mem>>) src(%dma_wait3A_456 : memref<512xf32, #tpu.memory_space<hbm>>) dst(%dma_wait3A_455 : memref<512xf32, #tpu.memory_space<vmem>>)
    %dma_wait3A_457 = arith.constant 5 : i32
    %dma_wait3A_458 = arith.constant 0 : i32
    %dma_wait3A_459 = tpu.memref_slice %arg11[%dma_wait3A_457, %dma_wait3A_458] : memref<16x512xf32, #tpu.memory_space<vmem>> -> memref<1x512xf32, #tpu.memory_space<vmem>>
    %dma_wait3A_460 = tpu.memref_squeeze %dma_wait3A_459 : memref<1x512xf32, #tpu.memory_space<vmem>> -> memref<512xf32, #tpu.memory_space<vmem>>
    %dma_wait3A_461 = tpu.memref_slice %arg5[%add3A_120] : memref<262144xf32, #tpu.memory_space<hbm>> -> memref<512xf32, #tpu.memory_space<hbm>>
    %dma_wait3A_462 = arith.constant 0 : i32
    %dma_wait3A_463 = tpu.memref_slice %arg11[%dma_wait3A_457, %dma_wait3A_462] : memref<16x512xf32, #tpu.memory_space<vmem>> -> memref<1x512xf32, #tpu.memory_space<vmem>>
    %dma_wait3A_464 = tpu.memref_squeeze %dma_wait3A_463 : memref<1x512xf32, #tpu.memory_space<vmem>> -> memref<512xf32, #tpu.memory_space<vmem>>
    %dma_wait3A_465 = tpu.memref_slice %arg5[%add3A_120] : memref<262144xf32, #tpu.memory_space<hbm>> -> memref<512xf32, #tpu.memory_space<hbm>>
    tpu.wait_dma2 semaphore(%arg15 : memref<!tpu.dma_semaphore, #tpu.memory_space<semaphore_mem>>) src(%dma_wait3A_465 : memref<512xf32, #tpu.memory_space<hbm>>) dst(%dma_wait3A_464 : memref<512xf32, #tpu.memory_space<vmem>>)
    %dma_wait3A_466 = arith.constant 6 : i32
    %dma_wait3A_467 = arith.constant 0 : i32
    %dma_wait3A_468 = tpu.memref_slice %arg10[%dma_wait3A_466, %dma_wait3A_467] : memref<16x512xf32, #tpu.memory_space<vmem>> -> memref<1x512xf32, #tpu.memory_space<vmem>>
    %dma_wait3A_469 = tpu.memref_squeeze %dma_wait3A_468 : memref<1x512xf32, #tpu.memory_space<vmem>> -> memref<512xf32, #tpu.memory_space<vmem>>
    %dma_wait3A_470 = tpu.memref_slice %arg4[%add3A_142] : memref<262144xf32, #tpu.memory_space<hbm>> -> memref<512xf32, #tpu.memory_space<hbm>>
    %dma_wait3A_471 = arith.constant 0 : i32
    %dma_wait3A_472 = tpu.memref_slice %arg10[%dma_wait3A_466, %dma_wait3A_471] : memref<16x512xf32, #tpu.memory_space<vmem>> -> memref<1x512xf32, #tpu.memory_space<vmem>>
    %dma_wait3A_473 = tpu.memref_squeeze %dma_wait3A_472 : memref<1x512xf32, #tpu.memory_space<vmem>> -> memref<512xf32, #tpu.memory_space<vmem>>
    %dma_wait3A_474 = tpu.memref_slice %arg4[%add3A_142] : memref<262144xf32, #tpu.memory_space<hbm>> -> memref<512xf32, #tpu.memory_space<hbm>>
    tpu.wait_dma2 semaphore(%arg15 : memref<!tpu.dma_semaphore, #tpu.memory_space<semaphore_mem>>) src(%dma_wait3A_474 : memref<512xf32, #tpu.memory_space<hbm>>) dst(%dma_wait3A_473 : memref<512xf32, #tpu.memory_space<vmem>>)
    %dma_wait3A_475 = arith.constant 6 : i32
    %dma_wait3A_476 = arith.constant 0 : i32
    %dma_wait3A_477 = tpu.memref_slice %arg11[%dma_wait3A_475, %dma_wait3A_476] : memref<16x512xf32, #tpu.memory_space<vmem>> -> memref<1x512xf32, #tpu.memory_space<vmem>>
    %dma_wait3A_478 = tpu.memref_squeeze %dma_wait3A_477 : memref<1x512xf32, #tpu.memory_space<vmem>> -> memref<512xf32, #tpu.memory_space<vmem>>
    %dma_wait3A_479 = tpu.memref_slice %arg5[%add3A_142] : memref<262144xf32, #tpu.memory_space<hbm>> -> memref<512xf32, #tpu.memory_space<hbm>>
    %dma_wait3A_480 = arith.constant 0 : i32
    %dma_wait3A_481 = tpu.memref_slice %arg11[%dma_wait3A_475, %dma_wait3A_480] : memref<16x512xf32, #tpu.memory_space<vmem>> -> memref<1x512xf32, #tpu.memory_space<vmem>>
    %dma_wait3A_482 = tpu.memref_squeeze %dma_wait3A_481 : memref<1x512xf32, #tpu.memory_space<vmem>> -> memref<512xf32, #tpu.memory_space<vmem>>
    %dma_wait3A_483 = tpu.memref_slice %arg5[%add3A_142] : memref<262144xf32, #tpu.memory_space<hbm>> -> memref<512xf32, #tpu.memory_space<hbm>>
    tpu.wait_dma2 semaphore(%arg15 : memref<!tpu.dma_semaphore, #tpu.memory_space<semaphore_mem>>) src(%dma_wait3A_483 : memref<512xf32, #tpu.memory_space<hbm>>) dst(%dma_wait3A_482 : memref<512xf32, #tpu.memory_space<vmem>>)
    %dma_wait3A_484 = arith.constant 7 : i32
    %dma_wait3A_485 = arith.constant 0 : i32
    %dma_wait3A_486 = tpu.memref_slice %arg10[%dma_wait3A_484, %dma_wait3A_485] : memref<16x512xf32, #tpu.memory_space<vmem>> -> memref<1x512xf32, #tpu.memory_space<vmem>>
    %dma_wait3A_487 = tpu.memref_squeeze %dma_wait3A_486 : memref<1x512xf32, #tpu.memory_space<vmem>> -> memref<512xf32, #tpu.memory_space<vmem>>
    %dma_wait3A_488 = tpu.memref_slice %arg4[%add3A_164] : memref<262144xf32, #tpu.memory_space<hbm>> -> memref<512xf32, #tpu.memory_space<hbm>>
    %dma_wait3A_489 = arith.constant 0 : i32
    %dma_wait3A_490 = tpu.memref_slice %arg10[%dma_wait3A_484, %dma_wait3A_489] : memref<16x512xf32, #tpu.memory_space<vmem>> -> memref<1x512xf32, #tpu.memory_space<vmem>>
    %dma_wait3A_491 = tpu.memref_squeeze %dma_wait3A_490 : memref<1x512xf32, #tpu.memory_space<vmem>> -> memref<512xf32, #tpu.memory_space<vmem>>
    %dma_wait3A_492 = tpu.memref_slice %arg4[%add3A_164] : memref<262144xf32, #tpu.memory_space<hbm>> -> memref<512xf32, #tpu.memory_space<hbm>>
    tpu.wait_dma2 semaphore(%arg15 : memref<!tpu.dma_semaphore, #tpu.memory_space<semaphore_mem>>) src(%dma_wait3A_492 : memref<512xf32, #tpu.memory_space<hbm>>) dst(%dma_wait3A_491 : memref<512xf32, #tpu.memory_space<vmem>>)
    %dma_wait3A_493 = arith.constant 7 : i32
    %dma_wait3A_494 = arith.constant 0 : i32
    %dma_wait3A_495 = tpu.memref_slice %arg11[%dma_wait3A_493, %dma_wait3A_494] : memref<16x512xf32, #tpu.memory_space<vmem>> -> memref<1x512xf32, #tpu.memory_space<vmem>>
    %dma_wait3A_496 = tpu.memref_squeeze %dma_wait3A_495 : memref<1x512xf32, #tpu.memory_space<vmem>> -> memref<512xf32, #tpu.memory_space<vmem>>
    %dma_wait3A_497 = tpu.memref_slice %arg5[%add3A_164] : memref<262144xf32, #tpu.memory_space<hbm>> -> memref<512xf32, #tpu.memory_space<hbm>>
    %dma_wait3A_498 = arith.constant 0 : i32
    %dma_wait3A_499 = tpu.memref_slice %arg11[%dma_wait3A_493, %dma_wait3A_498] : memref<16x512xf32, #tpu.memory_space<vmem>> -> memref<1x512xf32, #tpu.memory_space<vmem>>
    %dma_wait3A_500 = tpu.memref_squeeze %dma_wait3A_499 : memref<1x512xf32, #tpu.memory_space<vmem>> -> memref<512xf32, #tpu.memory_space<vmem>>
    %dma_wait3A_501 = tpu.memref_slice %arg5[%add3A_164] : memref<262144xf32, #tpu.memory_space<hbm>> -> memref<512xf32, #tpu.memory_space<hbm>>
    tpu.wait_dma2 semaphore(%arg15 : memref<!tpu.dma_semaphore, #tpu.memory_space<semaphore_mem>>) src(%dma_wait3A_501 : memref<512xf32, #tpu.memory_space<hbm>>) dst(%dma_wait3A_500 : memref<512xf32, #tpu.memory_space<vmem>>)
    %dma_wait3A_502 = arith.constant 8 : i32
    %dma_wait3A_503 = arith.constant 0 : i32
    %dma_wait3A_504 = tpu.memref_slice %arg10[%dma_wait3A_502, %dma_wait3A_503] : memref<16x512xf32, #tpu.memory_space<vmem>> -> memref<1x512xf32, #tpu.memory_space<vmem>>
    %dma_wait3A_505 = tpu.memref_squeeze %dma_wait3A_504 : memref<1x512xf32, #tpu.memory_space<vmem>> -> memref<512xf32, #tpu.memory_space<vmem>>
    %dma_wait3A_506 = tpu.memref_slice %arg4[%add3A_186] : memref<262144xf32, #tpu.memory_space<hbm>> -> memref<512xf32, #tpu.memory_space<hbm>>
    %dma_wait3A_507 = arith.constant 0 : i32
    %dma_wait3A_508 = tpu.memref_slice %arg10[%dma_wait3A_502, %dma_wait3A_507] : memref<16x512xf32, #tpu.memory_space<vmem>> -> memref<1x512xf32, #tpu.memory_space<vmem>>
    %dma_wait3A_509 = tpu.memref_squeeze %dma_wait3A_508 : memref<1x512xf32, #tpu.memory_space<vmem>> -> memref<512xf32, #tpu.memory_space<vmem>>
    %dma_wait3A_510 = tpu.memref_slice %arg4[%add3A_186] : memref<262144xf32, #tpu.memory_space<hbm>> -> memref<512xf32, #tpu.memory_space<hbm>>
    tpu.wait_dma2 semaphore(%arg15 : memref<!tpu.dma_semaphore, #tpu.memory_space<semaphore_mem>>) src(%dma_wait3A_510 : memref<512xf32, #tpu.memory_space<hbm>>) dst(%dma_wait3A_509 : memref<512xf32, #tpu.memory_space<vmem>>)
    %dma_wait3A_511 = arith.constant 8 : i32
    %dma_wait3A_512 = arith.constant 0 : i32
    %dma_wait3A_513 = tpu.memref_slice %arg11[%dma_wait3A_511, %dma_wait3A_512] : memref<16x512xf32, #tpu.memory_space<vmem>> -> memref<1x512xf32, #tpu.memory_space<vmem>>
    %dma_wait3A_514 = tpu.memref_squeeze %dma_wait3A_513 : memref<1x512xf32, #tpu.memory_space<vmem>> -> memref<512xf32, #tpu.memory_space<vmem>>
    %dma_wait3A_515 = tpu.memref_slice %arg5[%add3A_186] : memref<262144xf32, #tpu.memory_space<hbm>> -> memref<512xf32, #tpu.memory_space<hbm>>
    %dma_wait3A_516 = arith.constant 0 : i32
    %dma_wait3A_517 = tpu.memref_slice %arg11[%dma_wait3A_511, %dma_wait3A_516] : memref<16x512xf32, #tpu.memory_space<vmem>> -> memref<1x512xf32, #tpu.memory_space<vmem>>
    %dma_wait3A_518 = tpu.memref_squeeze %dma_wait3A_517 : memref<1x512xf32, #tpu.memory_space<vmem>> -> memref<512xf32, #tpu.memory_space<vmem>>
    %dma_wait3A_519 = tpu.memref_slice %arg5[%add3A_186] : memref<262144xf32, #tpu.memory_space<hbm>> -> memref<512xf32, #tpu.memory_space<hbm>>
    tpu.wait_dma2 semaphore(%arg15 : memref<!tpu.dma_semaphore, #tpu.memory_space<semaphore_mem>>) src(%dma_wait3A_519 : memref<512xf32, #tpu.memory_space<hbm>>) dst(%dma_wait3A_518 : memref<512xf32, #tpu.memory_space<vmem>>)
    %dma_wait3A_520 = arith.constant 9 : i32
    %dma_wait3A_521 = arith.constant 0 : i32
    %dma_wait3A_522 = tpu.memref_slice %arg10[%dma_wait3A_520, %dma_wait3A_521] : memref<16x512xf32, #tpu.memory_space<vmem>> -> memref<1x512xf32, #tpu.memory_space<vmem>>
    %dma_wait3A_523 = tpu.memref_squeeze %dma_wait3A_522 : memref<1x512xf32, #tpu.memory_space<vmem>> -> memref<512xf32, #tpu.memory_space<vmem>>
    %dma_wait3A_524 = tpu.memref_slice %arg4[%add3A_208] : memref<262144xf32, #tpu.memory_space<hbm>> -> memref<512xf32, #tpu.memory_space<hbm>>
    %dma_wait3A_525 = arith.constant 0 : i32
    %dma_wait3A_526 = tpu.memref_slice %arg10[%dma_wait3A_520, %dma_wait3A_525] : memref<16x512xf32, #tpu.memory_space<vmem>> -> memref<1x512xf32, #tpu.memory_space<vmem>>
    %dma_wait3A_527 = tpu.memref_squeeze %dma_wait3A_526 : memref<1x512xf32, #tpu.memory_space<vmem>> -> memref<512xf32, #tpu.memory_space<vmem>>
    %dma_wait3A_528 = tpu.memref_slice %arg4[%add3A_208] : memref<262144xf32, #tpu.memory_space<hbm>> -> memref<512xf32, #tpu.memory_space<hbm>>
    tpu.wait_dma2 semaphore(%arg15 : memref<!tpu.dma_semaphore, #tpu.memory_space<semaphore_mem>>) src(%dma_wait3A_528 : memref<512xf32, #tpu.memory_space<hbm>>) dst(%dma_wait3A_527 : memref<512xf32, #tpu.memory_space<vmem>>)
    %dma_wait3A_529 = arith.constant 9 : i32
    %dma_wait3A_530 = arith.constant 0 : i32
    %dma_wait3A_531 = tpu.memref_slice %arg11[%dma_wait3A_529, %dma_wait3A_530] : memref<16x512xf32, #tpu.memory_space<vmem>> -> memref<1x512xf32, #tpu.memory_space<vmem>>
    %dma_wait3A_532 = tpu.memref_squeeze %dma_wait3A_531 : memref<1x512xf32, #tpu.memory_space<vmem>> -> memref<512xf32, #tpu.memory_space<vmem>>
    %dma_wait3A_533 = tpu.memref_slice %arg5[%add3A_208] : memref<262144xf32, #tpu.memory_space<hbm>> -> memref<512xf32, #tpu.memory_space<hbm>>
    %dma_wait3A_534 = arith.constant 0 : i32
    %dma_wait3A_535 = tpu.memref_slice %arg11[%dma_wait3A_529, %dma_wait3A_534] : memref<16x512xf32, #tpu.memory_space<vmem>> -> memref<1x512xf32, #tpu.memory_space<vmem>>
    %dma_wait3A_536 = tpu.memref_squeeze %dma_wait3A_535 : memref<1x512xf32, #tpu.memory_space<vmem>> -> memref<512xf32, #tpu.memory_space<vmem>>
    %dma_wait3A_537 = tpu.memref_slice %arg5[%add3A_208] : memref<262144xf32, #tpu.memory_space<hbm>> -> memref<512xf32, #tpu.memory_space<hbm>>
    tpu.wait_dma2 semaphore(%arg15 : memref<!tpu.dma_semaphore, #tpu.memory_space<semaphore_mem>>) src(%dma_wait3A_537 : memref<512xf32, #tpu.memory_space<hbm>>) dst(%dma_wait3A_536 : memref<512xf32, #tpu.memory_space<vmem>>)
    %dma_wait3A_538 = arith.constant 10 : i32
    %dma_wait3A_539 = arith.constant 0 : i32
    %dma_wait3A_540 = tpu.memref_slice %arg10[%dma_wait3A_538, %dma_wait3A_539] : memref<16x512xf32, #tpu.memory_space<vmem>> -> memref<1x512xf32, #tpu.memory_space<vmem>>
    %dma_wait3A_541 = tpu.memref_squeeze %dma_wait3A_540 : memref<1x512xf32, #tpu.memory_space<vmem>> -> memref<512xf32, #tpu.memory_space<vmem>>
    %dma_wait3A_542 = tpu.memref_slice %arg4[%add3A_230] : memref<262144xf32, #tpu.memory_space<hbm>> -> memref<512xf32, #tpu.memory_space<hbm>>
    %dma_wait3A_543 = arith.constant 0 : i32
    %dma_wait3A_544 = tpu.memref_slice %arg10[%dma_wait3A_538, %dma_wait3A_543] : memref<16x512xf32, #tpu.memory_space<vmem>> -> memref<1x512xf32, #tpu.memory_space<vmem>>
    %dma_wait3A_545 = tpu.memref_squeeze %dma_wait3A_544 : memref<1x512xf32, #tpu.memory_space<vmem>> -> memref<512xf32, #tpu.memory_space<vmem>>
    %dma_wait3A_546 = tpu.memref_slice %arg4[%add3A_230] : memref<262144xf32, #tpu.memory_space<hbm>> -> memref<512xf32, #tpu.memory_space<hbm>>
    tpu.wait_dma2 semaphore(%arg15 : memref<!tpu.dma_semaphore, #tpu.memory_space<semaphore_mem>>) src(%dma_wait3A_546 : memref<512xf32, #tpu.memory_space<hbm>>) dst(%dma_wait3A_545 : memref<512xf32, #tpu.memory_space<vmem>>)
    %dma_wait3A_547 = arith.constant 10 : i32
    %dma_wait3A_548 = arith.constant 0 : i32
    %dma_wait3A_549 = tpu.memref_slice %arg11[%dma_wait3A_547, %dma_wait3A_548] : memref<16x512xf32, #tpu.memory_space<vmem>> -> memref<1x512xf32, #tpu.memory_space<vmem>>
    %dma_wait3A_550 = tpu.memref_squeeze %dma_wait3A_549 : memref<1x512xf32, #tpu.memory_space<vmem>> -> memref<512xf32, #tpu.memory_space<vmem>>
    %dma_wait3A_551 = tpu.memref_slice %arg5[%add3A_230] : memref<262144xf32, #tpu.memory_space<hbm>> -> memref<512xf32, #tpu.memory_space<hbm>>
    %dma_wait3A_552 = arith.constant 0 : i32
    %dma_wait3A_553 = tpu.memref_slice %arg11[%dma_wait3A_547, %dma_wait3A_552] : memref<16x512xf32, #tpu.memory_space<vmem>> -> memref<1x512xf32, #tpu.memory_space<vmem>>
    %dma_wait3A_554 = tpu.memref_squeeze %dma_wait3A_553 : memref<1x512xf32, #tpu.memory_space<vmem>> -> memref<512xf32, #tpu.memory_space<vmem>>
    %dma_wait3A_555 = tpu.memref_slice %arg5[%add3A_230] : memref<262144xf32, #tpu.memory_space<hbm>> -> memref<512xf32, #tpu.memory_space<hbm>>
    tpu.wait_dma2 semaphore(%arg15 : memref<!tpu.dma_semaphore, #tpu.memory_space<semaphore_mem>>) src(%dma_wait3A_555 : memref<512xf32, #tpu.memory_space<hbm>>) dst(%dma_wait3A_554 : memref<512xf32, #tpu.memory_space<vmem>>)
    %dma_wait3A_556 = arith.constant 11 : i32
    %dma_wait3A_557 = arith.constant 0 : i32
    %dma_wait3A_558 = tpu.memref_slice %arg10[%dma_wait3A_556, %dma_wait3A_557] : memref<16x512xf32, #tpu.memory_space<vmem>> -> memref<1x512xf32, #tpu.memory_space<vmem>>
    %dma_wait3A_559 = tpu.memref_squeeze %dma_wait3A_558 : memref<1x512xf32, #tpu.memory_space<vmem>> -> memref<512xf32, #tpu.memory_space<vmem>>
    %dma_wait3A_560 = tpu.memref_slice %arg4[%add3A_252] : memref<262144xf32, #tpu.memory_space<hbm>> -> memref<512xf32, #tpu.memory_space<hbm>>
    %dma_wait3A_561 = arith.constant 0 : i32
    %dma_wait3A_562 = tpu.memref_slice %arg10[%dma_wait3A_556, %dma_wait3A_561] : memref<16x512xf32, #tpu.memory_space<vmem>> -> memref<1x512xf32, #tpu.memory_space<vmem>>
    %dma_wait3A_563 = tpu.memref_squeeze %dma_wait3A_562 : memref<1x512xf32, #tpu.memory_space<vmem>> -> memref<512xf32, #tpu.memory_space<vmem>>
    %dma_wait3A_564 = tpu.memref_slice %arg4[%add3A_252] : memref<262144xf32, #tpu.memory_space<hbm>> -> memref<512xf32, #tpu.memory_space<hbm>>
    tpu.wait_dma2 semaphore(%arg15 : memref<!tpu.dma_semaphore, #tpu.memory_space<semaphore_mem>>) src(%dma_wait3A_564 : memref<512xf32, #tpu.memory_space<hbm>>) dst(%dma_wait3A_563 : memref<512xf32, #tpu.memory_space<vmem>>)
    %dma_wait3A_565 = arith.constant 11 : i32
    %dma_wait3A_566 = arith.constant 0 : i32
    %dma_wait3A_567 = tpu.memref_slice %arg11[%dma_wait3A_565, %dma_wait3A_566] : memref<16x512xf32, #tpu.memory_space<vmem>> -> memref<1x512xf32, #tpu.memory_space<vmem>>
    %dma_wait3A_568 = tpu.memref_squeeze %dma_wait3A_567 : memref<1x512xf32, #tpu.memory_space<vmem>> -> memref<512xf32, #tpu.memory_space<vmem>>
    %dma_wait3A_569 = tpu.memref_slice %arg5[%add3A_252] : memref<262144xf32, #tpu.memory_space<hbm>> -> memref<512xf32, #tpu.memory_space<hbm>>
    %dma_wait3A_570 = arith.constant 0 : i32
    %dma_wait3A_571 = tpu.memref_slice %arg11[%dma_wait3A_565, %dma_wait3A_570] : memref<16x512xf32, #tpu.memory_space<vmem>> -> memref<1x512xf32, #tpu.memory_space<vmem>>
    %dma_wait3A_572 = tpu.memref_squeeze %dma_wait3A_571 : memref<1x512xf32, #tpu.memory_space<vmem>> -> memref<512xf32, #tpu.memory_space<vmem>>
    %dma_wait3A_573 = tpu.memref_slice %arg5[%add3A_252] : memref<262144xf32, #tpu.memory_space<hbm>> -> memref<512xf32, #tpu.memory_space<hbm>>
    tpu.wait_dma2 semaphore(%arg15 : memref<!tpu.dma_semaphore, #tpu.memory_space<semaphore_mem>>) src(%dma_wait3A_573 : memref<512xf32, #tpu.memory_space<hbm>>) dst(%dma_wait3A_572 : memref<512xf32, #tpu.memory_space<vmem>>)
    %dma_wait3A_574 = arith.constant 12 : i32
    %dma_wait3A_575 = arith.constant 0 : i32
    %dma_wait3A_576 = tpu.memref_slice %arg10[%dma_wait3A_574, %dma_wait3A_575] : memref<16x512xf32, #tpu.memory_space<vmem>> -> memref<1x512xf32, #tpu.memory_space<vmem>>
    %dma_wait3A_577 = tpu.memref_squeeze %dma_wait3A_576 : memref<1x512xf32, #tpu.memory_space<vmem>> -> memref<512xf32, #tpu.memory_space<vmem>>
    %dma_wait3A_578 = tpu.memref_slice %arg4[%add3A_274] : memref<262144xf32, #tpu.memory_space<hbm>> -> memref<512xf32, #tpu.memory_space<hbm>>
    %dma_wait3A_579 = arith.constant 0 : i32
    %dma_wait3A_580 = tpu.memref_slice %arg10[%dma_wait3A_574, %dma_wait3A_579] : memref<16x512xf32, #tpu.memory_space<vmem>> -> memref<1x512xf32, #tpu.memory_space<vmem>>
    %dma_wait3A_581 = tpu.memref_squeeze %dma_wait3A_580 : memref<1x512xf32, #tpu.memory_space<vmem>> -> memref<512xf32, #tpu.memory_space<vmem>>
    %dma_wait3A_582 = tpu.memref_slice %arg4[%add3A_274] : memref<262144xf32, #tpu.memory_space<hbm>> -> memref<512xf32, #tpu.memory_space<hbm>>
    tpu.wait_dma2 semaphore(%arg15 : memref<!tpu.dma_semaphore, #tpu.memory_space<semaphore_mem>>) src(%dma_wait3A_582 : memref<512xf32, #tpu.memory_space<hbm>>) dst(%dma_wait3A_581 : memref<512xf32, #tpu.memory_space<vmem>>)
    %dma_wait3A_583 = arith.constant 12 : i32
    %dma_wait3A_584 = arith.constant 0 : i32
    %dma_wait3A_585 = tpu.memref_slice %arg11[%dma_wait3A_583, %dma_wait3A_584] : memref<16x512xf32, #tpu.memory_space<vmem>> -> memref<1x512xf32, #tpu.memory_space<vmem>>
    %dma_wait3A_586 = tpu.memref_squeeze %dma_wait3A_585 : memref<1x512xf32, #tpu.memory_space<vmem>> -> memref<512xf32, #tpu.memory_space<vmem>>
    %dma_wait3A_587 = tpu.memref_slice %arg5[%add3A_274] : memref<262144xf32, #tpu.memory_space<hbm>> -> memref<512xf32, #tpu.memory_space<hbm>>
    %dma_wait3A_588 = arith.constant 0 : i32
    %dma_wait3A_589 = tpu.memref_slice %arg11[%dma_wait3A_583, %dma_wait3A_588] : memref<16x512xf32, #tpu.memory_space<vmem>> -> memref<1x512xf32, #tpu.memory_space<vmem>>
    %dma_wait3A_590 = tpu.memref_squeeze %dma_wait3A_589 : memref<1x512xf32, #tpu.memory_space<vmem>> -> memref<512xf32, #tpu.memory_space<vmem>>
    %dma_wait3A_591 = tpu.memref_slice %arg5[%add3A_274] : memref<262144xf32, #tpu.memory_space<hbm>> -> memref<512xf32, #tpu.memory_space<hbm>>
    tpu.wait_dma2 semaphore(%arg15 : memref<!tpu.dma_semaphore, #tpu.memory_space<semaphore_mem>>) src(%dma_wait3A_591 : memref<512xf32, #tpu.memory_space<hbm>>) dst(%dma_wait3A_590 : memref<512xf32, #tpu.memory_space<vmem>>)
    %dma_wait3A_592 = arith.constant 13 : i32
    %dma_wait3A_593 = arith.constant 0 : i32
    %dma_wait3A_594 = tpu.memref_slice %arg10[%dma_wait3A_592, %dma_wait3A_593] : memref<16x512xf32, #tpu.memory_space<vmem>> -> memref<1x512xf32, #tpu.memory_space<vmem>>
    %dma_wait3A_595 = tpu.memref_squeeze %dma_wait3A_594 : memref<1x512xf32, #tpu.memory_space<vmem>> -> memref<512xf32, #tpu.memory_space<vmem>>
    %dma_wait3A_596 = tpu.memref_slice %arg4[%add3A_296] : memref<262144xf32, #tpu.memory_space<hbm>> -> memref<512xf32, #tpu.memory_space<hbm>>
    %dma_wait3A_597 = arith.constant 0 : i32
    %dma_wait3A_598 = tpu.memref_slice %arg10[%dma_wait3A_592, %dma_wait3A_597] : memref<16x512xf32, #tpu.memory_space<vmem>> -> memref<1x512xf32, #tpu.memory_space<vmem>>
    %dma_wait3A_599 = tpu.memref_squeeze %dma_wait3A_598 : memref<1x512xf32, #tpu.memory_space<vmem>> -> memref<512xf32, #tpu.memory_space<vmem>>
    %dma_wait3A_600 = tpu.memref_slice %arg4[%add3A_296] : memref<262144xf32, #tpu.memory_space<hbm>> -> memref<512xf32, #tpu.memory_space<hbm>>
    tpu.wait_dma2 semaphore(%arg15 : memref<!tpu.dma_semaphore, #tpu.memory_space<semaphore_mem>>) src(%dma_wait3A_600 : memref<512xf32, #tpu.memory_space<hbm>>) dst(%dma_wait3A_599 : memref<512xf32, #tpu.memory_space<vmem>>)
    %dma_wait3A_601 = arith.constant 13 : i32
    %dma_wait3A_602 = arith.constant 0 : i32
    %dma_wait3A_603 = tpu.memref_slice %arg11[%dma_wait3A_601, %dma_wait3A_602] : memref<16x512xf32, #tpu.memory_space<vmem>> -> memref<1x512xf32, #tpu.memory_space<vmem>>
    %dma_wait3A_604 = tpu.memref_squeeze %dma_wait3A_603 : memref<1x512xf32, #tpu.memory_space<vmem>> -> memref<512xf32, #tpu.memory_space<vmem>>
    %dma_wait3A_605 = tpu.memref_slice %arg5[%add3A_296] : memref<262144xf32, #tpu.memory_space<hbm>> -> memref<512xf32, #tpu.memory_space<hbm>>
    %dma_wait3A_606 = arith.constant 0 : i32
    %dma_wait3A_607 = tpu.memref_slice %arg11[%dma_wait3A_601, %dma_wait3A_606] : memref<16x512xf32, #tpu.memory_space<vmem>> -> memref<1x512xf32, #tpu.memory_space<vmem>>
    %dma_wait3A_608 = tpu.memref_squeeze %dma_wait3A_607 : memref<1x512xf32, #tpu.memory_space<vmem>> -> memref<512xf32, #tpu.memory_space<vmem>>
    %dma_wait3A_609 = tpu.memref_slice %arg5[%add3A_296] : memref<262144xf32, #tpu.memory_space<hbm>> -> memref<512xf32, #tpu.memory_space<hbm>>
    tpu.wait_dma2 semaphore(%arg15 : memref<!tpu.dma_semaphore, #tpu.memory_space<semaphore_mem>>) src(%dma_wait3A_609 : memref<512xf32, #tpu.memory_space<hbm>>) dst(%dma_wait3A_608 : memref<512xf32, #tpu.memory_space<vmem>>)
    %dma_wait3A_610 = arith.constant 14 : i32
    %dma_wait3A_611 = arith.constant 0 : i32
    %dma_wait3A_612 = tpu.memref_slice %arg10[%dma_wait3A_610, %dma_wait3A_611] : memref<16x512xf32, #tpu.memory_space<vmem>> -> memref<1x512xf32, #tpu.memory_space<vmem>>
    %dma_wait3A_613 = tpu.memref_squeeze %dma_wait3A_612 : memref<1x512xf32, #tpu.memory_space<vmem>> -> memref<512xf32, #tpu.memory_space<vmem>>
    %dma_wait3A_614 = tpu.memref_slice %arg4[%add3A_318] : memref<262144xf32, #tpu.memory_space<hbm>> -> memref<512xf32, #tpu.memory_space<hbm>>
    %dma_wait3A_615 = arith.constant 0 : i32
    %dma_wait3A_616 = tpu.memref_slice %arg10[%dma_wait3A_610, %dma_wait3A_615] : memref<16x512xf32, #tpu.memory_space<vmem>> -> memref<1x512xf32, #tpu.memory_space<vmem>>
    %dma_wait3A_617 = tpu.memref_squeeze %dma_wait3A_616 : memref<1x512xf32, #tpu.memory_space<vmem>> -> memref<512xf32, #tpu.memory_space<vmem>>
    %dma_wait3A_618 = tpu.memref_slice %arg4[%add3A_318] : memref<262144xf32, #tpu.memory_space<hbm>> -> memref<512xf32, #tpu.memory_space<hbm>>
    tpu.wait_dma2 semaphore(%arg15 : memref<!tpu.dma_semaphore, #tpu.memory_space<semaphore_mem>>) src(%dma_wait3A_618 : memref<512xf32, #tpu.memory_space<hbm>>) dst(%dma_wait3A_617 : memref<512xf32, #tpu.memory_space<vmem>>)
    %dma_wait3A_619 = arith.constant 14 : i32
    %dma_wait3A_620 = arith.constant 0 : i32
    %dma_wait3A_621 = tpu.memref_slice %arg11[%dma_wait3A_619, %dma_wait3A_620] : memref<16x512xf32, #tpu.memory_space<vmem>> -> memref<1x512xf32, #tpu.memory_space<vmem>>
    %dma_wait3A_622 = tpu.memref_squeeze %dma_wait3A_621 : memref<1x512xf32, #tpu.memory_space<vmem>> -> memref<512xf32, #tpu.memory_space<vmem>>
    %dma_wait3A_623 = tpu.memref_slice %arg5[%add3A_318] : memref<262144xf32, #tpu.memory_space<hbm>> -> memref<512xf32, #tpu.memory_space<hbm>>
    %dma_wait3A_624 = arith.constant 0 : i32
    %dma_wait3A_625 = tpu.memref_slice %arg11[%dma_wait3A_619, %dma_wait3A_624] : memref<16x512xf32, #tpu.memory_space<vmem>> -> memref<1x512xf32, #tpu.memory_space<vmem>>
    %dma_wait3A_626 = tpu.memref_squeeze %dma_wait3A_625 : memref<1x512xf32, #tpu.memory_space<vmem>> -> memref<512xf32, #tpu.memory_space<vmem>>
    %dma_wait3A_627 = tpu.memref_slice %arg5[%add3A_318] : memref<262144xf32, #tpu.memory_space<hbm>> -> memref<512xf32, #tpu.memory_space<hbm>>
    tpu.wait_dma2 semaphore(%arg15 : memref<!tpu.dma_semaphore, #tpu.memory_space<semaphore_mem>>) src(%dma_wait3A_627 : memref<512xf32, #tpu.memory_space<hbm>>) dst(%dma_wait3A_626 : memref<512xf32, #tpu.memory_space<vmem>>)
    %dma_wait3A_628 = arith.constant 15 : i32
    %dma_wait3A_629 = arith.constant 0 : i32
    %dma_wait3A_630 = tpu.memref_slice %arg10[%dma_wait3A_628, %dma_wait3A_629] : memref<16x512xf32, #tpu.memory_space<vmem>> -> memref<1x512xf32, #tpu.memory_space<vmem>>
    %dma_wait3A_631 = tpu.memref_squeeze %dma_wait3A_630 : memref<1x512xf32, #tpu.memory_space<vmem>> -> memref<512xf32, #tpu.memory_space<vmem>>
    %dma_wait3A_632 = tpu.memref_slice %arg4[%add3A_340] : memref<262144xf32, #tpu.memory_space<hbm>> -> memref<512xf32, #tpu.memory_space<hbm>>
    %dma_wait3A_633 = arith.constant 0 : i32
    %dma_wait3A_634 = tpu.memref_slice %arg10[%dma_wait3A_628, %dma_wait3A_633] : memref<16x512xf32, #tpu.memory_space<vmem>> -> memref<1x512xf32, #tpu.memory_space<vmem>>
    %dma_wait3A_635 = tpu.memref_squeeze %dma_wait3A_634 : memref<1x512xf32, #tpu.memory_space<vmem>> -> memref<512xf32, #tpu.memory_space<vmem>>
    %dma_wait3A_636 = tpu.memref_slice %arg4[%add3A_340] : memref<262144xf32, #tpu.memory_space<hbm>> -> memref<512xf32, #tpu.memory_space<hbm>>
    tpu.wait_dma2 semaphore(%arg15 : memref<!tpu.dma_semaphore, #tpu.memory_space<semaphore_mem>>) src(%dma_wait3A_636 : memref<512xf32, #tpu.memory_space<hbm>>) dst(%dma_wait3A_635 : memref<512xf32, #tpu.memory_space<vmem>>)
    %dma_wait3A_637 = arith.constant 15 : i32
    %dma_wait3A_638 = arith.constant 0 : i32
    %dma_wait3A_639 = tpu.memref_slice %arg11[%dma_wait3A_637, %dma_wait3A_638] : memref<16x512xf32, #tpu.memory_space<vmem>> -> memref<1x512xf32, #tpu.memory_space<vmem>>
    %dma_wait3A_640 = tpu.memref_squeeze %dma_wait3A_639 : memref<1x512xf32, #tpu.memory_space<vmem>> -> memref<512xf32, #tpu.memory_space<vmem>>
    %dma_wait3A_641 = tpu.memref_slice %arg5[%add3A_340] : memref<262144xf32, #tpu.memory_space<hbm>> -> memref<512xf32, #tpu.memory_space<hbm>>
    %dma_wait3A_642 = arith.constant 0 : i32
    %dma_wait3A_643 = tpu.memref_slice %arg11[%dma_wait3A_637, %dma_wait3A_642] : memref<16x512xf32, #tpu.memory_space<vmem>> -> memref<1x512xf32, #tpu.memory_space<vmem>>
    %dma_wait3A_644 = tpu.memref_squeeze %dma_wait3A_643 : memref<1x512xf32, #tpu.memory_space<vmem>> -> memref<512xf32, #tpu.memory_space<vmem>>
    %dma_wait3A_645 = tpu.memref_slice %arg5[%add3A_340] : memref<262144xf32, #tpu.memory_space<hbm>> -> memref<512xf32, #tpu.memory_space<hbm>>
    tpu.wait_dma2 semaphore(%arg15 : memref<!tpu.dma_semaphore, #tpu.memory_space<semaphore_mem>>) src(%dma_wait3A_645 : memref<512xf32, #tpu.memory_space<hbm>>) dst(%dma_wait3A_644 : memref<512xf32, #tpu.memory_space<vmem>>)
    %dma_wait3A_646 = arith.constant 0 : i32
    %dma_wait3A_647 = tpu.memref_slice %arg2[%dma_wait3A_646] : memref<16777216xf32, #tpu.memory_space<hbm>> -> memref<8192xf32, #tpu.memory_space<hbm>>
    %dma_wait3A_648 = arith.constant 0 : i32
    %dma_wait3A_649 = tpu.memref_slice %arg2[%dma_wait3A_648] : memref<16777216xf32, #tpu.memory_space<hbm>> -> memref<8192xf32, #tpu.memory_space<hbm>>
    tpu.wait_dma2 semaphore(%arg14 : memref<!tpu.dma_semaphore, #tpu.memory_space<semaphore_mem>>) src(%dma_wait3A_649 : memref<8192xf32, #tpu.memory_space<hbm>>) dst(%arg9 : memref<16x512xf32, #tpu.memory_space<vmem>>)
    %scan3A_650 = arith.constant 0 : i32
    %scan3A_651 = arith.constant 0 : i32
    %scan3A_652 = arith.constant 32 : i32
    %scan3A_653 = arith.addi %scan3A_651, %scan3A_652 : i32
    %scan3A_654 = arith.constant 1 : i32
    scf.for %scan3A_656 = %scan3A_651 to %scan3A_653 step %scan3A_654  : i32 {
      %mul3A_657 = arith.constant 16 : i32
      %mul3A_658 = arith.muli %scan3A_656, %mul3A_657 : i32
      %broadcast_in_dim3A = arith.constant 0.000000e+00 : f32
      %broadcast_in_dim3A_659 = vector.broadcast %broadcast_in_dim3A : f32 to vector<16xf32>
      %broadcast_in_dim3A_660 = arith.constant 0.000000e+00 : f32
      %broadcast_in_dim3A_661 = vector.broadcast %broadcast_in_dim3A_660 : f32 to vector<16xf32>
      %get3A = arith.constant 0 : i32
      %get3A_662 = arith.index_cast %get3A : i32 to index
      %get3A_663 = arith.index_cast %mul3A_658 : i32 to index
      %get3A_664 = tpu.vector_load %arg9[%get3A_662, %get3A_663] {strides = array<i32>} : memref<16x512xf32, #tpu.memory_space<vmem>>, vector<16xf32>,
      %get3A_665 = arith.constant 0 : i32
      %get3A_666 = arith.index_cast %get3A_665 : i32 to index
      %get3A_667 = arith.index_cast %mul3A_658 : i32 to index
      %get3A_668 = tpu.vector_load %arg10[%get3A_666, %get3A_667] {strides = array<i32>} : memref<16x512xf32, #tpu.memory_space<vmem>>, vector<16xf32>,
      %get3A_669 = arith.constant 0 : i32
      %get3A_670 = arith.index_cast %get3A_669 : i32 to index
      %get3A_671 = arith.index_cast %mul3A_658 : i32 to index
      %get3A_672 = tpu.vector_load %arg11[%get3A_670, %get3A_671] {strides = array<i32>} : memref<16x512xf32, #tpu.memory_space<vmem>>, vector<16xf32>,
      %mul3A_673 = arith.mulf %get3A_664, %get3A_668 : vector<16xf32>
      %add3A_674 = arith.addf %broadcast_in_dim3A_659, %mul3A_673 : vector<16xf32>
      %mul3A_675 = arith.mulf %get3A_664, %get3A_672 : vector<16xf32>
      %add3A_676 = arith.addf %broadcast_in_dim3A_661, %mul3A_675 : vector<16xf32>
      %get3A_677 = arith.constant 1 : i32
      %get3A_678 = arith.index_cast %get3A_677 : i32 to index
      %get3A_679 = arith.index_cast %mul3A_658 : i32 to index
      %get3A_680 = tpu.vector_load %arg9[%get3A_678, %get3A_679] {strides = array<i32>} : memref<16x512xf32, #tpu.memory_space<vmem>>, vector<16xf32>,
      %get3A_681 = arith.constant 1 : i32
      %get3A_682 = arith.index_cast %get3A_681 : i32 to index
      %get3A_683 = arith.index_cast %mul3A_658 : i32 to index
      %get3A_684 = tpu.vector_load %arg10[%get3A_682, %get3A_683] {strides = array<i32>} : memref<16x512xf32, #tpu.memory_space<vmem>>, vector<16xf32>,
      %get3A_685 = arith.constant 1 : i32
      %get3A_686 = arith.index_cast %get3A_685 : i32 to index
      %get3A_687 = arith.index_cast %mul3A_658 : i32 to index
      %get3A_688 = tpu.vector_load %arg11[%get3A_686, %get3A_687] {strides = array<i32>} : memref<16x512xf32, #tpu.memory_space<vmem>>, vector<16xf32>,
      %mul3A_689 = arith.mulf %get3A_680, %get3A_684 : vector<16xf32>
      %add3A_690 = arith.addf %add3A_674, %mul3A_689 : vector<16xf32>
      %mul3A_691 = arith.mulf %get3A_680, %get3A_688 : vector<16xf32>
      %add3A_692 = arith.addf %add3A_676, %mul3A_691 : vector<16xf32>
      %get3A_693 = arith.constant 2 : i32
      %get3A_694 = arith.index_cast %get3A_693 : i32 to index
      %get3A_695 = arith.index_cast %mul3A_658 : i32 to index
      %get3A_696 = tpu.vector_load %arg9[%get3A_694, %get3A_695] {strides = array<i32>} : memref<16x512xf32, #tpu.memory_space<vmem>>, vector<16xf32>,
      %get3A_697 = arith.constant 2 : i32
      %get3A_698 = arith.index_cast %get3A_697 : i32 to index
      %get3A_699 = arith.index_cast %mul3A_658 : i32 to index
      %get3A_700 = tpu.vector_load %arg10[%get3A_698, %get3A_699] {strides = array<i32>} : memref<16x512xf32, #tpu.memory_space<vmem>>, vector<16xf32>,
      %get3A_701 = arith.constant 2 : i32
      %get3A_702 = arith.index_cast %get3A_701 : i32 to index
      %get3A_703 = arith.index_cast %mul3A_658 : i32 to index
      %get3A_704 = tpu.vector_load %arg11[%get3A_702, %get3A_703] {strides = array<i32>} : memref<16x512xf32, #tpu.memory_space<vmem>>, vector<16xf32>,
      %mul3A_705 = arith.mulf %get3A_696, %get3A_700 : vector<16xf32>
      %add3A_706 = arith.addf %add3A_690, %mul3A_705 : vector<16xf32>
      %mul3A_707 = arith.mulf %get3A_696, %get3A_704 : vector<16xf32>
      %add3A_708 = arith.addf %add3A_692, %mul3A_707 : vector<16xf32>
      %get3A_709 = arith.constant 3 : i32
      %get3A_710 = arith.index_cast %get3A_709 : i32 to index
      %get3A_711 = arith.index_cast %mul3A_658 : i32 to index
      %get3A_712 = tpu.vector_load %arg9[%get3A_710, %get3A_711] {strides = array<i32>} : memref<16x512xf32, #tpu.memory_space<vmem>>, vector<16xf32>,
      %get3A_713 = arith.constant 3 : i32
      %get3A_714 = arith.index_cast %get3A_713 : i32 to index
      %get3A_715 = arith.index_cast %mul3A_658 : i32 to index
      %get3A_716 = tpu.vector_load %arg10[%get3A_714, %get3A_715] {strides = array<i32>} : memref<16x512xf32, #tpu.memory_space<vmem>>, vector<16xf32>,
      %get3A_717 = arith.constant 3 : i32
      %get3A_718 = arith.index_cast %get3A_717 : i32 to index
      %get3A_719 = arith.index_cast %mul3A_658 : i32 to index
      %get3A_720 = tpu.vector_load %arg11[%get3A_718, %get3A_719] {strides = array<i32>} : memref<16x512xf32, #tpu.memory_space<vmem>>, vector<16xf32>,
      %mul3A_721 = arith.mulf %get3A_712, %get3A_716 : vector<16xf32>
      %add3A_722 = arith.addf %add3A_706, %mul3A_721 : vector<16xf32>
      %mul3A_723 = arith.mulf %get3A_712, %get3A_720 : vector<16xf32>
      %add3A_724 = arith.addf %add3A_708, %mul3A_723 : vector<16xf32>
      %get3A_725 = arith.constant 4 : i32
      %get3A_726 = arith.index_cast %get3A_725 : i32 to index
      %get3A_727 = arith.index_cast %mul3A_658 : i32 to index
      %get3A_728 = tpu.vector_load %arg9[%get3A_726, %get3A_727] {strides = array<i32>} : memref<16x512xf32, #tpu.memory_space<vmem>>, vector<16xf32>,
      %get3A_729 = arith.constant 4 : i32
      %get3A_730 = arith.index_cast %get3A_729 : i32 to index
      %get3A_731 = arith.index_cast %mul3A_658 : i32 to index
      %get3A_732 = tpu.vector_load %arg10[%get3A_730, %get3A_731] {strides = array<i32>} : memref<16x512xf32, #tpu.memory_space<vmem>>, vector<16xf32>,
      %get3A_733 = arith.constant 4 : i32
      %get3A_734 = arith.index_cast %get3A_733 : i32 to index
      %get3A_735 = arith.index_cast %mul3A_658 : i32 to index
      %get3A_736 = tpu.vector_load %arg11[%get3A_734, %get3A_735] {strides = array<i32>} : memref<16x512xf32, #tpu.memory_space<vmem>>, vector<16xf32>,
      %mul3A_737 = arith.mulf %get3A_728, %get3A_732 : vector<16xf32>
      %add3A_738 = arith.addf %add3A_722, %mul3A_737 : vector<16xf32>
      %mul3A_739 = arith.mulf %get3A_728, %get3A_736 : vector<16xf32>
      %add3A_740 = arith.addf %add3A_724, %mul3A_739 : vector<16xf32>
      %get3A_741 = arith.constant 5 : i32
      %get3A_742 = arith.index_cast %get3A_741 : i32 to index
      %get3A_743 = arith.index_cast %mul3A_658 : i32 to index
      %get3A_744 = tpu.vector_load %arg9[%get3A_742, %get3A_743] {strides = array<i32>} : memref<16x512xf32, #tpu.memory_space<vmem>>, vector<16xf32>,
      %get3A_745 = arith.constant 5 : i32
      %get3A_746 = arith.index_cast %get3A_745 : i32 to index
      %get3A_747 = arith.index_cast %mul3A_658 : i32 to index
      %get3A_748 = tpu.vector_load %arg10[%get3A_746, %get3A_747] {strides = array<i32>} : memref<16x512xf32, #tpu.memory_space<vmem>>, vector<16xf32>,
      %get3A_749 = arith.constant 5 : i32
      %get3A_750 = arith.index_cast %get3A_749 : i32 to index
      %get3A_751 = arith.index_cast %mul3A_658 : i32 to index
      %get3A_752 = tpu.vector_load %arg11[%get3A_750, %get3A_751] {strides = array<i32>} : memref<16x512xf32, #tpu.memory_space<vmem>>, vector<16xf32>,
      %mul3A_753 = arith.mulf %get3A_744, %get3A_748 : vector<16xf32>
      %add3A_754 = arith.addf %add3A_738, %mul3A_753 : vector<16xf32>
      %mul3A_755 = arith.mulf %get3A_744, %get3A_752 : vector<16xf32>
      %add3A_756 = arith.addf %add3A_740, %mul3A_755 : vector<16xf32>
      %get3A_757 = arith.constant 6 : i32
      %get3A_758 = arith.index_cast %get3A_757 : i32 to index
      %get3A_759 = arith.index_cast %mul3A_658 : i32 to index
      %get3A_760 = tpu.vector_load %arg9[%get3A_758, %get3A_759] {strides = array<i32>} : memref<16x512xf32, #tpu.memory_space<vmem>>, vector<16xf32>,
      %get3A_761 = arith.constant 6 : i32
      %get3A_762 = arith.index_cast %get3A_761 : i32 to index
      %get3A_763 = arith.index_cast %mul3A_658 : i32 to index
      %get3A_764 = tpu.vector_load %arg10[%get3A_762, %get3A_763] {strides = array<i32>} : memref<16x512xf32, #tpu.memory_space<vmem>>, vector<16xf32>,
      %get3A_765 = arith.constant 6 : i32
      %get3A_766 = arith.index_cast %get3A_765 : i32 to index
      %get3A_767 = arith.index_cast %mul3A_658 : i32 to index
      %get3A_768 = tpu.vector_load %arg11[%get3A_766, %get3A_767] {strides = array<i32>} : memref<16x512xf32, #tpu.memory_space<vmem>>, vector<16xf32>,
      %mul3A_769 = arith.mulf %get3A_760, %get3A_764 : vector<16xf32>
      %add3A_770 = arith.addf %add3A_754, %mul3A_769 : vector<16xf32>
      %mul3A_771 = arith.mulf %get3A_760, %get3A_768 : vector<16xf32>
      %add3A_772 = arith.addf %add3A_756, %mul3A_771 : vector<16xf32>
      %get3A_773 = arith.constant 7 : i32
      %get3A_774 = arith.index_cast %get3A_773 : i32 to index
      %get3A_775 = arith.index_cast %mul3A_658 : i32 to index
      %get3A_776 = tpu.vector_load %arg9[%get3A_774, %get3A_775] {strides = array<i32>} : memref<16x512xf32, #tpu.memory_space<vmem>>, vector<16xf32>,
      %get3A_777 = arith.constant 7 : i32
      %get3A_778 = arith.index_cast %get3A_777 : i32 to index
      %get3A_779 = arith.index_cast %mul3A_658 : i32 to index
      %get3A_780 = tpu.vector_load %arg10[%get3A_778, %get3A_779] {strides = array<i32>} : memref<16x512xf32, #tpu.memory_space<vmem>>, vector<16xf32>,
      %get3A_781 = arith.constant 7 : i32
      %get3A_782 = arith.index_cast %get3A_781 : i32 to index
      %get3A_783 = arith.index_cast %mul3A_658 : i32 to index
      %get3A_784 = tpu.vector_load %arg11[%get3A_782, %get3A_783] {strides = array<i32>} : memref<16x512xf32, #tpu.memory_space<vmem>>, vector<16xf32>,
      %mul3A_785 = arith.mulf %get3A_776, %get3A_780 : vector<16xf32>
      %add3A_786 = arith.addf %add3A_770, %mul3A_785 : vector<16xf32>
      %mul3A_787 = arith.mulf %get3A_776, %get3A_784 : vector<16xf32>
      %add3A_788 = arith.addf %add3A_772, %mul3A_787 : vector<16xf32>
      %get3A_789 = arith.constant 8 : i32
      %get3A_790 = arith.index_cast %get3A_789 : i32 to index
      %get3A_791 = arith.index_cast %mul3A_658 : i32 to index
      %get3A_792 = tpu.vector_load %arg9[%get3A_790, %get3A_791] {strides = array<i32>} : memref<16x512xf32, #tpu.memory_space<vmem>>, vector<16xf32>,
      %get3A_793 = arith.constant 8 : i32
      %get3A_794 = arith.index_cast %get3A_793 : i32 to index
      %get3A_795 = arith.index_cast %mul3A_658 : i32 to index
      %get3A_796 = tpu.vector_load %arg10[%get3A_794, %get3A_795] {strides = array<i32>} : memref<16x512xf32, #tpu.memory_space<vmem>>, vector<16xf32>,
      %get3A_797 = arith.constant 8 : i32
      %get3A_798 = arith.index_cast %get3A_797 : i32 to index
      %get3A_799 = arith.index_cast %mul3A_658 : i32 to index
      %get3A_800 = tpu.vector_load %arg11[%get3A_798, %get3A_799] {strides = array<i32>} : memref<16x512xf32, #tpu.memory_space<vmem>>, vector<16xf32>,
      %mul3A_801 = arith.mulf %get3A_792, %get3A_796 : vector<16xf32>
      %add3A_802 = arith.addf %add3A_786, %mul3A_801 : vector<16xf32>
      %mul3A_803 = arith.mulf %get3A_792, %get3A_800 : vector<16xf32>
      %add3A_804 = arith.addf %add3A_788, %mul3A_803 : vector<16xf32>
      %get3A_805 = arith.constant 9 : i32
      %get3A_806 = arith.index_cast %get3A_805 : i32 to index
      %get3A_807 = arith.index_cast %mul3A_658 : i32 to index
      %get3A_808 = tpu.vector_load %arg9[%get3A_806, %get3A_807] {strides = array<i32>} : memref<16x512xf32, #tpu.memory_space<vmem>>, vector<16xf32>,
      %get3A_809 = arith.constant 9 : i32
      %get3A_810 = arith.index_cast %get3A_809 : i32 to index
      %get3A_811 = arith.index_cast %mul3A_658 : i32 to index
      %get3A_812 = tpu.vector_load %arg10[%get3A_810, %get3A_811] {strides = array<i32>} : memref<16x512xf32, #tpu.memory_space<vmem>>, vector<16xf32>,
      %get3A_813 = arith.constant 9 : i32
      %get3A_814 = arith.index_cast %get3A_813 : i32 to index
      %get3A_815 = arith.index_cast %mul3A_658 : i32 to index
      %get3A_816 = tpu.vector_load %arg11[%get3A_814, %get3A_815] {strides = array<i32>} : memref<16x512xf32, #tpu.memory_space<vmem>>, vector<16xf32>,
      %mul3A_817 = arith.mulf %get3A_808, %get3A_812 : vector<16xf32>
      %add3A_818 = arith.addf %add3A_802, %mul3A_817 : vector<16xf32>
      %mul3A_819 = arith.mulf %get3A_808, %get3A_816 : vector<16xf32>
      %add3A_820 = arith.addf %add3A_804, %mul3A_819 : vector<16xf32>
      %get3A_821 = arith.constant 10 : i32
      %get3A_822 = arith.index_cast %get3A_821 : i32 to index
      %get3A_823 = arith.index_cast %mul3A_658 : i32 to index
      %get3A_824 = tpu.vector_load %arg9[%get3A_822, %get3A_823] {strides = array<i32>} : memref<16x512xf32, #tpu.memory_space<vmem>>, vector<16xf32>,
      %get3A_825 = arith.constant 10 : i32
      %get3A_826 = arith.index_cast %get3A_825 : i32 to index
      %get3A_827 = arith.index_cast %mul3A_658 : i32 to index
      %get3A_828 = tpu.vector_load %arg10[%get3A_826, %get3A_827] {strides = array<i32>} : memref<16x512xf32, #tpu.memory_space<vmem>>, vector<16xf32>,
      %get3A_829 = arith.constant 10 : i32
      %get3A_830 = arith.index_cast %get3A_829 : i32 to index
      %get3A_831 = arith.index_cast %mul3A_658 : i32 to index
      %get3A_832 = tpu.vector_load %arg11[%get3A_830, %get3A_831] {strides = array<i32>} : memref<16x512xf32, #tpu.memory_space<vmem>>, vector<16xf32>,
      %mul3A_833 = arith.mulf %get3A_824, %get3A_828 : vector<16xf32>
      %add3A_834 = arith.addf %add3A_818, %mul3A_833 : vector<16xf32>
      %mul3A_835 = arith.mulf %get3A_824, %get3A_832 : vector<16xf32>
      %add3A_836 = arith.addf %add3A_820, %mul3A_835 : vector<16xf32>
      %get3A_837 = arith.constant 11 : i32
      %get3A_838 = arith.index_cast %get3A_837 : i32 to index
      %get3A_839 = arith.index_cast %mul3A_658 : i32 to index
      %get3A_840 = tpu.vector_load %arg9[%get3A_838, %get3A_839] {strides = array<i32>} : memref<16x512xf32, #tpu.memory_space<vmem>>, vector<16xf32>,
      %get3A_841 = arith.constant 11 : i32
      %get3A_842 = arith.index_cast %get3A_841 : i32 to index
      %get3A_843 = arith.index_cast %mul3A_658 : i32 to index
      %get3A_844 = tpu.vector_load %arg10[%get3A_842, %get3A_843] {strides = array<i32>} : memref<16x512xf32, #tpu.memory_space<vmem>>, vector<16xf32>,
      %get3A_845 = arith.constant 11 : i32
      %get3A_846 = arith.index_cast %get3A_845 : i32 to index
      %get3A_847 = arith.index_cast %mul3A_658 : i32 to index
      %get3A_848 = tpu.vector_load %arg11[%get3A_846, %get3A_847] {strides = array<i32>} : memref<16x512xf32, #tpu.memory_space<vmem>>, vector<16xf32>,
      %mul3A_849 = arith.mulf %get3A_840, %get3A_844 : vector<16xf32>
      %add3A_850 = arith.addf %add3A_834, %mul3A_849 : vector<16xf32>
      %mul3A_851 = arith.mulf %get3A_840, %get3A_848 : vector<16xf32>
      %add3A_852 = arith.addf %add3A_836, %mul3A_851 : vector<16xf32>
      %get3A_853 = arith.constant 12 : i32
      %get3A_854 = arith.index_cast %get3A_853 : i32 to index
      %get3A_855 = arith.index_cast %mul3A_658 : i32 to index
      %get3A_856 = tpu.vector_load %arg9[%get3A_854, %get3A_855] {strides = array<i32>} : memref<16x512xf32, #tpu.memory_space<vmem>>, vector<16xf32>,
      %get3A_857 = arith.constant 12 : i32
      %get3A_858 = arith.index_cast %get3A_857 : i32 to index
      %get3A_859 = arith.index_cast %mul3A_658 : i32 to index
      %get3A_860 = tpu.vector_load %arg10[%get3A_858, %get3A_859] {strides = array<i32>} : memref<16x512xf32, #tpu.memory_space<vmem>>, vector<16xf32>,
      %get3A_861 = arith.constant 12 : i32
      %get3A_862 = arith.index_cast %get3A_861 : i32 to index
      %get3A_863 = arith.index_cast %mul3A_658 : i32 to index
      %get3A_864 = tpu.vector_load %arg11[%get3A_862, %get3A_863] {strides = array<i32>} : memref<16x512xf32, #tpu.memory_space<vmem>>, vector<16xf32>,
      %mul3A_865 = arith.mulf %get3A_856, %get3A_860 : vector<16xf32>
      %add3A_866 = arith.addf %add3A_850, %mul3A_865 : vector<16xf32>
      %mul3A_867 = arith.mulf %get3A_856, %get3A_864 : vector<16xf32>
      %add3A_868 = arith.addf %add3A_852, %mul3A_867 : vector<16xf32>
      %get3A_869 = arith.constant 13 : i32
      %get3A_870 = arith.index_cast %get3A_869 : i32 to index
      %get3A_871 = arith.index_cast %mul3A_658 : i32 to index
      %get3A_872 = tpu.vector_load %arg9[%get3A_870, %get3A_871] {strides = array<i32>} : memref<16x512xf32, #tpu.memory_space<vmem>>, vector<16xf32>,
      %get3A_873 = arith.constant 13 : i32
      %get3A_874 = arith.index_cast %get3A_873 : i32 to index
      %get3A_875 = arith.index_cast %mul3A_658 : i32 to index
      %get3A_876 = tpu.vector_load %arg10[%get3A_874, %get3A_875] {strides = array<i32>} : memref<16x512xf32, #tpu.memory_space<vmem>>, vector<16xf32>,
      %get3A_877 = arith.constant 13 : i32
      %get3A_878 = arith.index_cast %get3A_877 : i32 to index
      %get3A_879 = arith.index_cast %mul3A_658 : i32 to index
      %get3A_880 = tpu.vector_load %arg11[%get3A_878, %get3A_879] {strides = array<i32>} : memref<16x512xf32, #tpu.memory_space<vmem>>, vector<16xf32>,
      %mul3A_881 = arith.mulf %get3A_872, %get3A_876 : vector<16xf32>
      %add3A_882 = arith.addf %add3A_866, %mul3A_881 : vector<16xf32>
      %mul3A_883 = arith.mulf %get3A_872, %get3A_880 : vector<16xf32>
      %add3A_884 = arith.addf %add3A_868, %mul3A_883 : vector<16xf32>
      %get3A_885 = arith.constant 14 : i32
      %get3A_886 = arith.index_cast %get3A_885 : i32 to index
      %get3A_887 = arith.index_cast %mul3A_658 : i32 to index
      %get3A_888 = tpu.vector_load %arg9[%get3A_886, %get3A_887] {strides = array<i32>} : memref<16x512xf32, #tpu.memory_space<vmem>>, vector<16xf32>,
      %get3A_889 = arith.constant 14 : i32
      %get3A_890 = arith.index_cast %get3A_889 : i32 to index
      %get3A_891 = arith.index_cast %mul3A_658 : i32 to index
      %get3A_892 = tpu.vector_load %arg10[%get3A_890, %get3A_891] {strides = array<i32>} : memref<16x512xf32, #tpu.memory_space<vmem>>, vector<16xf32>,
      %get3A_893 = arith.constant 14 : i32
      %get3A_894 = arith.index_cast %get3A_893 : i32 to index
      %get3A_895 = arith.index_cast %mul3A_658 : i32 to index
      %get3A_896 = tpu.vector_load %arg11[%get3A_894, %get3A_895] {strides = array<i32>} : memref<16x512xf32, #tpu.memory_space<vmem>>, vector<16xf32>,
      %mul3A_897 = arith.mulf %get3A_888, %get3A_892 : vector<16xf32>
      %add3A_898 = arith.addf %add3A_882, %mul3A_897 : vector<16xf32>
      %mul3A_899 = arith.mulf %get3A_888, %get3A_896 : vector<16xf32>
      %add3A_900 = arith.addf %add3A_884, %mul3A_899 : vector<16xf32>
      %get3A_901 = arith.constant 15 : i32
      %get3A_902 = arith.index_cast %get3A_901 : i32 to index
      %get3A_903 = arith.index_cast %mul3A_658 : i32 to index
      %get3A_904 = tpu.vector_load %arg9[%get3A_902, %get3A_903] {strides = array<i32>} : memref<16x512xf32, #tpu.memory_space<vmem>>, vector<16xf32>,
      %get3A_905 = arith.constant 15 : i32
      %get3A_906 = arith.index_cast %get3A_905 : i32 to index
      %get3A_907 = arith.index_cast %mul3A_658 : i32 to index
      %get3A_908 = tpu.vector_load %arg10[%get3A_906, %get3A_907] {strides = array<i32>} : memref<16x512xf32, #tpu.memory_space<vmem>>, vector<16xf32>,
      %get3A_909 = arith.constant 15 : i32
      %get3A_910 = arith.index_cast %get3A_909 : i32 to index
      %get3A_911 = arith.index_cast %mul3A_658 : i32 to index
      %get3A_912 = tpu.vector_load %arg11[%get3A_910, %get3A_911] {strides = array<i32>} : memref<16x512xf32, #tpu.memory_space<vmem>>, vector<16xf32>,
      %mul3A_913 = arith.mulf %get3A_904, %get3A_908 : vector<16xf32>
      %add3A_914 = arith.addf %add3A_898, %mul3A_913 : vector<16xf32>
      %mul3A_915 = arith.mulf %get3A_904, %get3A_912 : vector<16xf32>
      %add3A_916 = arith.addf %add3A_900, %mul3A_915 : vector<16xf32>
      %swap3A = arith.index_cast %mul3A_658 : i32 to index
      %swap3A_917 = tpu.vector_load %arg12[%swap3A] {strides = array<i32>} : memref<512xf32, #tpu.memory_space<vmem>>, vector<16xf32>,
      tpu.vector_store %arg12[%swap3A], %add3A_914 {strides = array<i32>} : memref<512xf32, #tpu.memory_space<vmem>>, vector<16xf32>,
      %swap3A_918 = arith.index_cast %mul3A_658 : i32 to index
      %swap3A_919 = tpu.vector_load %arg13[%swap3A_918] {strides = array<i32>} : memref<512xf32, #tpu.memory_space<vmem>>, vector<16xf32>,
      tpu.vector_store %arg13[%swap3A_918], %add3A_916 {strides = array<i32>} : memref<512xf32, #tpu.memory_space<vmem>>, vector<16xf32>,
    }
    %scan3A_655 = arith.constant 32 : i32
    "tpu.region"() ({
      %run_scoped3A = tpu.sem_alloc : memref<!tpu.dma_semaphore, #tpu.memory_space<semaphore_mem>>
      %dma_start3A_656 = tpu.memref_slice %arg6[%mul3A_2] : memref<16384xf32, #tpu.memory_space<hbm>> -> memref<512xf32, #tpu.memory_space<hbm>>
      %dma_start3A_657 = tpu.memref_slice %arg6[%mul3A_2] : memref<16384xf32, #tpu.memory_space<hbm>> -> memref<512xf32, #tpu.memory_space<hbm>>
      tpu.enqueue_dma source(%arg12 : memref<512xf32, #tpu.memory_space<vmem>>) target(%dma_start3A_657 : memref<512xf32, #tpu.memory_space<hbm>>) target_semaphore(%run_scoped3A : memref<!tpu.dma_semaphore, #tpu.memory_space<semaphore_mem>>)
      %dma_wait3A_658 = tpu.memref_slice %arg6[%mul3A_2] : memref<16384xf32, #tpu.memory_space<hbm>> -> memref<512xf32, #tpu.memory_space<hbm>>
      %dma_wait3A_659 = tpu.memref_slice %arg6[%mul3A_2] : memref<16384xf32, #tpu.memory_space<hbm>> -> memref<512xf32, #tpu.memory_space<hbm>>
      tpu.wait_dma2 semaphore(%run_scoped3A : memref<!tpu.dma_semaphore, #tpu.memory_space<semaphore_mem>>) src(%arg12 : memref<512xf32, #tpu.memory_space<vmem>>) dst(%dma_wait3A_659 : memref<512xf32, #tpu.memory_space<hbm>>)
      tpu.yield
    }) : () -> ()
    "tpu.region"() ({
      %run_scoped3A = tpu.sem_alloc : memref<!tpu.dma_semaphore, #tpu.memory_space<semaphore_mem>>
      %dma_start3A_656 = tpu.memref_slice %arg7[%mul3A_2] : memref<16384xf32, #tpu.memory_space<hbm>> -> memref<512xf32, #tpu.memory_space<hbm>>
      %dma_start3A_657 = tpu.memref_slice %arg7[%mul3A_2] : memref<16384xf32, #tpu.memory_space<hbm>> -> memref<512xf32, #tpu.memory_space<hbm>>
      tpu.enqueue_dma source(%arg13 : memref<512xf32, #tpu.memory_space<vmem>>) target(%dma_start3A_657 : memref<512xf32, #tpu.memory_space<hbm>>) target_semaphore(%run_scoped3A : memref<!tpu.dma_semaphore, #tpu.memory_space<semaphore_mem>>)
      %dma_wait3A_658 = tpu.memref_slice %arg7[%mul3A_2] : memref<16384xf32, #tpu.memory_space<hbm>> -> memref<512xf32, #tpu.memory_space<hbm>>
      %dma_wait3A_659 = tpu.memref_slice %arg7[%mul3A_2] : memref<16384xf32, #tpu.memory_space<hbm>> -> memref<512xf32, #tpu.memory_space<hbm>>
      tpu.wait_dma2 semaphore(%run_scoped3A : memref<!tpu.dma_semaphore, #tpu.memory_space<semaphore_mem>>) src(%arg13 : memref<512xf32, #tpu.memory_space<vmem>>) dst(%dma_wait3A_659 : memref<512xf32, #tpu.memory_space<hbm>>)
      tpu.yield
    }) : () -> ()
    return
  }
}

#map = affine_map<(d0, d1) -> (0)>
module attributes {stable_mosaic.version = 14 : i64} {
  func.func @_sc_items(%arg0: i32, %arg1: i32, %arg2: memref<16777216xf32, #tpu.memory_space<hbm>>, %arg3: memref<16384xi32, #tpu.memory_space<hbm>>, %arg4: memref<16384xi32, #tpu.memory_space<hbm>>, %arg5: memref<262144xf32, #tpu.memory_space<hbm>>, %arg6: memref<262144xf32, #tpu.memory_space<hbm>>, %arg7: memref<512xi32, #tpu.memory_space<vmem>>, %arg8: memref<512xi32, #tpu.memory_space<vmem>>, %arg9: memref<16x512xf32, #tpu.memory_space<vmem>>, %arg10: memref<16x512xf32, #tpu.memory_space<vmem>>, %arg11: memref<!tpu.dma_semaphore, #tpu.memory_space<semaphore_mem>>) attributes {dimension_semantics = [#tpu.dimension_semantics<core_parallel>, #tpu.dimension_semantics<subcore_parallel>], iteration_bounds = array<i64: 2, 16>, scalar_prefetch = 0 : i64, scratch_operands = 5 : i64, tpu.core_type = #tpu.core_type<sc_vector_subcore>, window_params = [{transform_indices = #map}, {transform_indices = #map}, {transform_indices = #map}, {transform_indices = #map}, {transform_indices = #map}]} {
    %mul3A = arith.constant 2 : i32
    %mul3A_0 = arith.muli %arg1, %mul3A : i32
    %add3A = arith.addi %mul3A_0, %arg0 : i32
    %mul3A_1 = arith.constant 512 : i32
    %mul3A_2 = arith.muli %add3A, %mul3A_1 : i32
    "tpu.region"() ({
      %run_scoped3A_116 = tpu.sem_alloc : memref<!tpu.dma_semaphore, #tpu.memory_space<semaphore_mem>>
      %dma_start3A = tpu.memref_slice %arg3[%mul3A_2] : memref<16384xi32, #tpu.memory_space<hbm>> -> memref<512xi32, #tpu.memory_space<hbm>>
      %dma_start3A_117 = tpu.memref_slice %arg3[%mul3A_2] : memref<16384xi32, #tpu.memory_space<hbm>> -> memref<512xi32, #tpu.memory_space<hbm>>
      tpu.enqueue_dma source(%dma_start3A_117 : memref<512xi32, #tpu.memory_space<hbm>>) target(%arg7 : memref<512xi32, #tpu.memory_space<vmem>>) target_semaphore(%run_scoped3A_116 : memref<!tpu.dma_semaphore, #tpu.memory_space<semaphore_mem>>)
      %dma_wait3A_118 = tpu.memref_slice %arg3[%mul3A_2] : memref<16384xi32, #tpu.memory_space<hbm>> -> memref<512xi32, #tpu.memory_space<hbm>>
      %dma_wait3A_119 = tpu.memref_slice %arg3[%mul3A_2] : memref<16384xi32, #tpu.memory_space<hbm>> -> memref<512xi32, #tpu.memory_space<hbm>>
      tpu.wait_dma2 semaphore(%run_scoped3A_116 : memref<!tpu.dma_semaphore, #tpu.memory_space<semaphore_mem>>) src(%dma_wait3A_119 : memref<512xi32, #tpu.memory_space<hbm>>) dst(%arg7 : memref<512xi32, #tpu.memory_space<vmem>>)
      tpu.yield
    }) : () -> ()
    "tpu.region"() ({
      %run_scoped3A_116 = tpu.sem_alloc : memref<!tpu.dma_semaphore, #tpu.memory_space<semaphore_mem>>
      %dma_start3A = tpu.memref_slice %arg4[%mul3A_2] : memref<16384xi32, #tpu.memory_space<hbm>> -> memref<512xi32, #tpu.memory_space<hbm>>
      %dma_start3A_117 = tpu.memref_slice %arg4[%mul3A_2] : memref<16384xi32, #tpu.memory_space<hbm>> -> memref<512xi32, #tpu.memory_space<hbm>>
      tpu.enqueue_dma source(%dma_start3A_117 : memref<512xi32, #tpu.memory_space<hbm>>) target(%arg8 : memref<512xi32, #tpu.memory_space<vmem>>) target_semaphore(%run_scoped3A_116 : memref<!tpu.dma_semaphore, #tpu.memory_space<semaphore_mem>>)
      %dma_wait3A_118 = tpu.memref_slice %arg4[%mul3A_2] : memref<16384xi32, #tpu.memory_space<hbm>> -> memref<512xi32, #tpu.memory_space<hbm>>
      %dma_wait3A_119 = tpu.memref_slice %arg4[%mul3A_2] : memref<16384xi32, #tpu.memory_space<hbm>> -> memref<512xi32, #tpu.memory_space<hbm>>
      tpu.wait_dma2 semaphore(%run_scoped3A_116 : memref<!tpu.dma_semaphore, #tpu.memory_space<semaphore_mem>>) src(%dma_wait3A_119 : memref<512xi32, #tpu.memory_space<hbm>>) dst(%arg8 : memref<512xi32, #tpu.memory_space<vmem>>)
      tpu.yield
    }) : () -> ()
    %scan3A = arith.constant 0 : i32
    %scan3A_3 = arith.constant 0 : i32
    %scan3A_4 = arith.constant 32 : i32
    %scan3A_5 = arith.addi %scan3A_3, %scan3A_4 : i32
    %scan3A_6 = arith.constant 1 : i32
    scf.for %scan3A_116 = %scan3A_3 to %scan3A_5 step %scan3A_6  : i32 {
      %mul3A_117 = arith.constant 16 : i32
      %mul3A_118 = arith.muli %scan3A_116, %mul3A_117 : i32
      %get3A = arith.index_cast %mul3A_118 : i32 to index
      %get3A_119 = tpu.vector_load %arg7[%get3A] {strides = array<i32>} : memref<512xi32, #tpu.memory_space<vmem>>, vector<16xi32>,
      %mul3A_120 = arith.constant 16 : i32
      %mul3A_121 = arith.muli %scan3A_116, %mul3A_120 : i32
      %dma_start3A = arith.constant 0 : i32
      %dma_start3A_122 = tpu.memref_slice %arg9[%dma_start3A, %mul3A_121] : memref<16x512xf32, #tpu.memory_space<vmem>> -> memref<1x16xf32, #tpu.memory_space<vmem>>
      %dma_start3A_123 = tpu.memref_squeeze %dma_start3A_122 : memref<1x16xf32, #tpu.memory_space<vmem>> -> memref<16xf32, #tpu.memory_space<vmem>>
      %dma_start3A_124 = arith.constant 0 : i32
      %dma_start3A_125 = tpu.memref_slice %arg2[%dma_start3A_124] : memref<16777216xf32, #tpu.memory_space<hbm>> -> memref<1000000xf32, #tpu.memory_space<hbm>>
      %dma_start3A_126 = arith.constant 0 : i32
      %dma_start3A_127 = tpu.memref_slice %dma_start3A_125[%dma_start3A_126] : memref<1000000xf32, #tpu.memory_space<hbm>> -> memref<1000000xf32, #tpu.memory_space<hbm>>
      tpu.enqueue_indirect_dma source(%dma_start3A_127 : memref<1000000xf32, #tpu.memory_space<hbm>>) target(%dma_start3A_123 : memref<16xf32, #tpu.memory_space<vmem>>) offsets(%get3A_119 : vector<16xi32>) semaphore(%arg11 : memref<!tpu.dma_semaphore, #tpu.memory_space<semaphore_mem>>)
      %dma_start3A_128 = arith.constant 1 : i32
      %dma_start3A_129 = tpu.memref_slice %arg9[%dma_start3A_128, %mul3A_121] : memref<16x512xf32, #tpu.memory_space<vmem>> -> memref<1x16xf32, #tpu.memory_space<vmem>>
      %dma_start3A_130 = tpu.memref_squeeze %dma_start3A_129 : memref<1x16xf32, #tpu.memory_space<vmem>> -> memref<16xf32, #tpu.memory_space<vmem>>
      %dma_start3A_131 = arith.constant 1048576 : i32
      %dma_start3A_132 = tpu.memref_slice %arg2[%dma_start3A_131] : memref<16777216xf32, #tpu.memory_space<hbm>> -> memref<1000000xf32, #tpu.memory_space<hbm>>
      %dma_start3A_133 = arith.constant 0 : i32
      %dma_start3A_134 = tpu.memref_slice %dma_start3A_132[%dma_start3A_133] : memref<1000000xf32, #tpu.memory_space<hbm>> -> memref<1000000xf32, #tpu.memory_space<hbm>>
      tpu.enqueue_indirect_dma source(%dma_start3A_134 : memref<1000000xf32, #tpu.memory_space<hbm>>) target(%dma_start3A_130 : memref<16xf32, #tpu.memory_space<vmem>>) offsets(%get3A_119 : vector<16xi32>) semaphore(%arg11 : memref<!tpu.dma_semaphore, #tpu.memory_space<semaphore_mem>>)
      %dma_start3A_135 = arith.constant 2 : i32
      %dma_start3A_136 = tpu.memref_slice %arg9[%dma_start3A_135, %mul3A_121] : memref<16x512xf32, #tpu.memory_space<vmem>> -> memref<1x16xf32, #tpu.memory_space<vmem>>
      %dma_start3A_137 = tpu.memref_squeeze %dma_start3A_136 : memref<1x16xf32, #tpu.memory_space<vmem>> -> memref<16xf32, #tpu.memory_space<vmem>>
      %dma_start3A_138 = arith.constant 2097152 : i32
      %dma_start3A_139 = tpu.memref_slice %arg2[%dma_start3A_138] : memref<16777216xf32, #tpu.memory_space<hbm>> -> memref<1000000xf32, #tpu.memory_space<hbm>>
      %dma_start3A_140 = arith.constant 0 : i32
      %dma_start3A_141 = tpu.memref_slice %dma_start3A_139[%dma_start3A_140] : memref<1000000xf32, #tpu.memory_space<hbm>> -> memref<1000000xf32, #tpu.memory_space<hbm>>
      tpu.enqueue_indirect_dma source(%dma_start3A_141 : memref<1000000xf32, #tpu.memory_space<hbm>>) target(%dma_start3A_137 : memref<16xf32, #tpu.memory_space<vmem>>) offsets(%get3A_119 : vector<16xi32>) semaphore(%arg11 : memref<!tpu.dma_semaphore, #tpu.memory_space<semaphore_mem>>)
      %dma_start3A_142 = arith.constant 3 : i32
      %dma_start3A_143 = tpu.memref_slice %arg9[%dma_start3A_142, %mul3A_121] : memref<16x512xf32, #tpu.memory_space<vmem>> -> memref<1x16xf32, #tpu.memory_space<vmem>>
      %dma_start3A_144 = tpu.memref_squeeze %dma_start3A_143 : memref<1x16xf32, #tpu.memory_space<vmem>> -> memref<16xf32, #tpu.memory_space<vmem>>
      %dma_start3A_145 = arith.constant 3145728 : i32
      %dma_start3A_146 = tpu.memref_slice %arg2[%dma_start3A_145] : memref<16777216xf32, #tpu.memory_space<hbm>> -> memref<1000000xf32, #tpu.memory_space<hbm>>
      %dma_start3A_147 = arith.constant 0 : i32
      %dma_start3A_148 = tpu.memref_slice %dma_start3A_146[%dma_start3A_147] : memref<1000000xf32, #tpu.memory_space<hbm>> -> memref<1000000xf32, #tpu.memory_space<hbm>>
      tpu.enqueue_indirect_dma source(%dma_start3A_148 : memref<1000000xf32, #tpu.memory_space<hbm>>) target(%dma_start3A_144 : memref<16xf32, #tpu.memory_space<vmem>>) offsets(%get3A_119 : vector<16xi32>) semaphore(%arg11 : memref<!tpu.dma_semaphore, #tpu.memory_space<semaphore_mem>>)
      %dma_start3A_149 = arith.constant 4 : i32
      %dma_start3A_150 = tpu.memref_slice %arg9[%dma_start3A_149, %mul3A_121] : memref<16x512xf32, #tpu.memory_space<vmem>> -> memref<1x16xf32, #tpu.memory_space<vmem>>
      %dma_start3A_151 = tpu.memref_squeeze %dma_start3A_150 : memref<1x16xf32, #tpu.memory_space<vmem>> -> memref<16xf32, #tpu.memory_space<vmem>>
      %dma_start3A_152 = arith.constant 4194304 : i32
      %dma_start3A_153 = tpu.memref_slice %arg2[%dma_start3A_152] : memref<16777216xf32, #tpu.memory_space<hbm>> -> memref<1000000xf32, #tpu.memory_space<hbm>>
      %dma_start3A_154 = arith.constant 0 : i32
      %dma_start3A_155 = tpu.memref_slice %dma_start3A_153[%dma_start3A_154] : memref<1000000xf32, #tpu.memory_space<hbm>> -> memref<1000000xf32, #tpu.memory_space<hbm>>
      tpu.enqueue_indirect_dma source(%dma_start3A_155 : memref<1000000xf32, #tpu.memory_space<hbm>>) target(%dma_start3A_151 : memref<16xf32, #tpu.memory_space<vmem>>) offsets(%get3A_119 : vector<16xi32>) semaphore(%arg11 : memref<!tpu.dma_semaphore, #tpu.memory_space<semaphore_mem>>)
      %dma_start3A_156 = arith.constant 5 : i32
      %dma_start3A_157 = tpu.memref_slice %arg9[%dma_start3A_156, %mul3A_121] : memref<16x512xf32, #tpu.memory_space<vmem>> -> memref<1x16xf32, #tpu.memory_space<vmem>>
      %dma_start3A_158 = tpu.memref_squeeze %dma_start3A_157 : memref<1x16xf32, #tpu.memory_space<vmem>> -> memref<16xf32, #tpu.memory_space<vmem>>
      %dma_start3A_159 = arith.constant 5242880 : i32
      %dma_start3A_160 = tpu.memref_slice %arg2[%dma_start3A_159] : memref<16777216xf32, #tpu.memory_space<hbm>> -> memref<1000000xf32, #tpu.memory_space<hbm>>
      %dma_start3A_161 = arith.constant 0 : i32
      %dma_start3A_162 = tpu.memref_slice %dma_start3A_160[%dma_start3A_161] : memref<1000000xf32, #tpu.memory_space<hbm>> -> memref<1000000xf32, #tpu.memory_space<hbm>>
      tpu.enqueue_indirect_dma source(%dma_start3A_162 : memref<1000000xf32, #tpu.memory_space<hbm>>) target(%dma_start3A_158 : memref<16xf32, #tpu.memory_space<vmem>>) offsets(%get3A_119 : vector<16xi32>) semaphore(%arg11 : memref<!tpu.dma_semaphore, #tpu.memory_space<semaphore_mem>>)
      %dma_start3A_163 = arith.constant 6 : i32
      %dma_start3A_164 = tpu.memref_slice %arg9[%dma_start3A_163, %mul3A_121] : memref<16x512xf32, #tpu.memory_space<vmem>> -> memref<1x16xf32, #tpu.memory_space<vmem>>
      %dma_start3A_165 = tpu.memref_squeeze %dma_start3A_164 : memref<1x16xf32, #tpu.memory_space<vmem>> -> memref<16xf32, #tpu.memory_space<vmem>>
      %dma_start3A_166 = arith.constant 6291456 : i32
      %dma_start3A_167 = tpu.memref_slice %arg2[%dma_start3A_166] : memref<16777216xf32, #tpu.memory_space<hbm>> -> memref<1000000xf32, #tpu.memory_space<hbm>>
      %dma_start3A_168 = arith.constant 0 : i32
      %dma_start3A_169 = tpu.memref_slice %dma_start3A_167[%dma_start3A_168] : memref<1000000xf32, #tpu.memory_space<hbm>> -> memref<1000000xf32, #tpu.memory_space<hbm>>
      tpu.enqueue_indirect_dma source(%dma_start3A_169 : memref<1000000xf32, #tpu.memory_space<hbm>>) target(%dma_start3A_165 : memref<16xf32, #tpu.memory_space<vmem>>) offsets(%get3A_119 : vector<16xi32>) semaphore(%arg11 : memref<!tpu.dma_semaphore, #tpu.memory_space<semaphore_mem>>)
      %dma_start3A_170 = arith.constant 7 : i32
      %dma_start3A_171 = tpu.memref_slice %arg9[%dma_start3A_170, %mul3A_121] : memref<16x512xf32, #tpu.memory_space<vmem>> -> memref<1x16xf32, #tpu.memory_space<vmem>>
      %dma_start3A_172 = tpu.memref_squeeze %dma_start3A_171 : memref<1x16xf32, #tpu.memory_space<vmem>> -> memref<16xf32, #tpu.memory_space<vmem>>
      %dma_start3A_173 = arith.constant 7340032 : i32
      %dma_start3A_174 = tpu.memref_slice %arg2[%dma_start3A_173] : memref<16777216xf32, #tpu.memory_space<hbm>> -> memref<1000000xf32, #tpu.memory_space<hbm>>
      %dma_start3A_175 = arith.constant 0 : i32
      %dma_start3A_176 = tpu.memref_slice %dma_start3A_174[%dma_start3A_175] : memref<1000000xf32, #tpu.memory_space<hbm>> -> memref<1000000xf32, #tpu.memory_space<hbm>>
      tpu.enqueue_indirect_dma source(%dma_start3A_176 : memref<1000000xf32, #tpu.memory_space<hbm>>) target(%dma_start3A_172 : memref<16xf32, #tpu.memory_space<vmem>>) offsets(%get3A_119 : vector<16xi32>) semaphore(%arg11 : memref<!tpu.dma_semaphore, #tpu.memory_space<semaphore_mem>>)
      %dma_start3A_177 = arith.constant 8 : i32
      %dma_start3A_178 = tpu.memref_slice %arg9[%dma_start3A_177, %mul3A_121] : memref<16x512xf32, #tpu.memory_space<vmem>> -> memref<1x16xf32, #tpu.memory_space<vmem>>
      %dma_start3A_179 = tpu.memref_squeeze %dma_start3A_178 : memref<1x16xf32, #tpu.memory_space<vmem>> -> memref<16xf32, #tpu.memory_space<vmem>>
      %dma_start3A_180 = arith.constant 8388608 : i32
      %dma_start3A_181 = tpu.memref_slice %arg2[%dma_start3A_180] : memref<16777216xf32, #tpu.memory_space<hbm>> -> memref<1000000xf32, #tpu.memory_space<hbm>>
      %dma_start3A_182 = arith.constant 0 : i32
      %dma_start3A_183 = tpu.memref_slice %dma_start3A_181[%dma_start3A_182] : memref<1000000xf32, #tpu.memory_space<hbm>> -> memref<1000000xf32, #tpu.memory_space<hbm>>
      tpu.enqueue_indirect_dma source(%dma_start3A_183 : memref<1000000xf32, #tpu.memory_space<hbm>>) target(%dma_start3A_179 : memref<16xf32, #tpu.memory_space<vmem>>) offsets(%get3A_119 : vector<16xi32>) semaphore(%arg11 : memref<!tpu.dma_semaphore, #tpu.memory_space<semaphore_mem>>)
      %dma_start3A_184 = arith.constant 9 : i32
      %dma_start3A_185 = tpu.memref_slice %arg9[%dma_start3A_184, %mul3A_121] : memref<16x512xf32, #tpu.memory_space<vmem>> -> memref<1x16xf32, #tpu.memory_space<vmem>>
      %dma_start3A_186 = tpu.memref_squeeze %dma_start3A_185 : memref<1x16xf32, #tpu.memory_space<vmem>> -> memref<16xf32, #tpu.memory_space<vmem>>
      %dma_start3A_187 = arith.constant 9437184 : i32
      %dma_start3A_188 = tpu.memref_slice %arg2[%dma_start3A_187] : memref<16777216xf32, #tpu.memory_space<hbm>> -> memref<1000000xf32, #tpu.memory_space<hbm>>
      %dma_start3A_189 = arith.constant 0 : i32
      %dma_start3A_190 = tpu.memref_slice %dma_start3A_188[%dma_start3A_189] : memref<1000000xf32, #tpu.memory_space<hbm>> -> memref<1000000xf32, #tpu.memory_space<hbm>>
      tpu.enqueue_indirect_dma source(%dma_start3A_190 : memref<1000000xf32, #tpu.memory_space<hbm>>) target(%dma_start3A_186 : memref<16xf32, #tpu.memory_space<vmem>>) offsets(%get3A_119 : vector<16xi32>) semaphore(%arg11 : memref<!tpu.dma_semaphore, #tpu.memory_space<semaphore_mem>>)
      %dma_start3A_191 = arith.constant 10 : i32
      %dma_start3A_192 = tpu.memref_slice %arg9[%dma_start3A_191, %mul3A_121] : memref<16x512xf32, #tpu.memory_space<vmem>> -> memref<1x16xf32, #tpu.memory_space<vmem>>
      %dma_start3A_193 = tpu.memref_squeeze %dma_start3A_192 : memref<1x16xf32, #tpu.memory_space<vmem>> -> memref<16xf32, #tpu.memory_space<vmem>>
      %dma_start3A_194 = arith.constant 10485760 : i32
      %dma_start3A_195 = tpu.memref_slice %arg2[%dma_start3A_194] : memref<16777216xf32, #tpu.memory_space<hbm>> -> memref<1000000xf32, #tpu.memory_space<hbm>>
      %dma_start3A_196 = arith.constant 0 : i32
      %dma_start3A_197 = tpu.memref_slice %dma_start3A_195[%dma_start3A_196] : memref<1000000xf32, #tpu.memory_space<hbm>> -> memref<1000000xf32, #tpu.memory_space<hbm>>
      tpu.enqueue_indirect_dma source(%dma_start3A_197 : memref<1000000xf32, #tpu.memory_space<hbm>>) target(%dma_start3A_193 : memref<16xf32, #tpu.memory_space<vmem>>) offsets(%get3A_119 : vector<16xi32>) semaphore(%arg11 : memref<!tpu.dma_semaphore, #tpu.memory_space<semaphore_mem>>)
      %dma_start3A_198 = arith.constant 11 : i32
      %dma_start3A_199 = tpu.memref_slice %arg9[%dma_start3A_198, %mul3A_121] : memref<16x512xf32, #tpu.memory_space<vmem>> -> memref<1x16xf32, #tpu.memory_space<vmem>>
      %dma_start3A_200 = tpu.memref_squeeze %dma_start3A_199 : memref<1x16xf32, #tpu.memory_space<vmem>> -> memref<16xf32, #tpu.memory_space<vmem>>
      %dma_start3A_201 = arith.constant 11534336 : i32
      %dma_start3A_202 = tpu.memref_slice %arg2[%dma_start3A_201] : memref<16777216xf32, #tpu.memory_space<hbm>> -> memref<1000000xf32, #tpu.memory_space<hbm>>
      %dma_start3A_203 = arith.constant 0 : i32
      %dma_start3A_204 = tpu.memref_slice %dma_start3A_202[%dma_start3A_203] : memref<1000000xf32, #tpu.memory_space<hbm>> -> memref<1000000xf32, #tpu.memory_space<hbm>>
      tpu.enqueue_indirect_dma source(%dma_start3A_204 : memref<1000000xf32, #tpu.memory_space<hbm>>) target(%dma_start3A_200 : memref<16xf32, #tpu.memory_space<vmem>>) offsets(%get3A_119 : vector<16xi32>) semaphore(%arg11 : memref<!tpu.dma_semaphore, #tpu.memory_space<semaphore_mem>>)
      %dma_start3A_205 = arith.constant 12 : i32
      %dma_start3A_206 = tpu.memref_slice %arg9[%dma_start3A_205, %mul3A_121] : memref<16x512xf32, #tpu.memory_space<vmem>> -> memref<1x16xf32, #tpu.memory_space<vmem>>
      %dma_start3A_207 = tpu.memref_squeeze %dma_start3A_206 : memref<1x16xf32, #tpu.memory_space<vmem>> -> memref<16xf32, #tpu.memory_space<vmem>>
      %dma_start3A_208 = arith.constant 12582912 : i32
      %dma_start3A_209 = tpu.memref_slice %arg2[%dma_start3A_208] : memref<16777216xf32, #tpu.memory_space<hbm>> -> memref<1000000xf32, #tpu.memory_space<hbm>>
      %dma_start3A_210 = arith.constant 0 : i32
      %dma_start3A_211 = tpu.memref_slice %dma_start3A_209[%dma_start3A_210] : memref<1000000xf32, #tpu.memory_space<hbm>> -> memref<1000000xf32, #tpu.memory_space<hbm>>
      tpu.enqueue_indirect_dma source(%dma_start3A_211 : memref<1000000xf32, #tpu.memory_space<hbm>>) target(%dma_start3A_207 : memref<16xf32, #tpu.memory_space<vmem>>) offsets(%get3A_119 : vector<16xi32>) semaphore(%arg11 : memref<!tpu.dma_semaphore, #tpu.memory_space<semaphore_mem>>)
      %dma_start3A_212 = arith.constant 13 : i32
      %dma_start3A_213 = tpu.memref_slice %arg9[%dma_start3A_212, %mul3A_121] : memref<16x512xf32, #tpu.memory_space<vmem>> -> memref<1x16xf32, #tpu.memory_space<vmem>>
      %dma_start3A_214 = tpu.memref_squeeze %dma_start3A_213 : memref<1x16xf32, #tpu.memory_space<vmem>> -> memref<16xf32, #tpu.memory_space<vmem>>
      %dma_start3A_215 = arith.constant 13631488 : i32
      %dma_start3A_216 = tpu.memref_slice %arg2[%dma_start3A_215] : memref<16777216xf32, #tpu.memory_space<hbm>> -> memref<1000000xf32, #tpu.memory_space<hbm>>
      %dma_start3A_217 = arith.constant 0 : i32
      %dma_start3A_218 = tpu.memref_slice %dma_start3A_216[%dma_start3A_217] : memref<1000000xf32, #tpu.memory_space<hbm>> -> memref<1000000xf32, #tpu.memory_space<hbm>>
      tpu.enqueue_indirect_dma source(%dma_start3A_218 : memref<1000000xf32, #tpu.memory_space<hbm>>) target(%dma_start3A_214 : memref<16xf32, #tpu.memory_space<vmem>>) offsets(%get3A_119 : vector<16xi32>) semaphore(%arg11 : memref<!tpu.dma_semaphore, #tpu.memory_space<semaphore_mem>>)
      %dma_start3A_219 = arith.constant 14 : i32
      %dma_start3A_220 = tpu.memref_slice %arg9[%dma_start3A_219, %mul3A_121] : memref<16x512xf32, #tpu.memory_space<vmem>> -> memref<1x16xf32, #tpu.memory_space<vmem>>
      %dma_start3A_221 = tpu.memref_squeeze %dma_start3A_220 : memref<1x16xf32, #tpu.memory_space<vmem>> -> memref<16xf32, #tpu.memory_space<vmem>>
      %dma_start3A_222 = arith.constant 14680064 : i32
      %dma_start3A_223 = tpu.memref_slice %arg2[%dma_start3A_222] : memref<16777216xf32, #tpu.memory_space<hbm>> -> memref<1000000xf32, #tpu.memory_space<hbm>>
      %dma_start3A_224 = arith.constant 0 : i32
      %dma_start3A_225 = tpu.memref_slice %dma_start3A_223[%dma_start3A_224] : memref<1000000xf32, #tpu.memory_space<hbm>> -> memref<1000000xf32, #tpu.memory_space<hbm>>
      tpu.enqueue_indirect_dma source(%dma_start3A_225 : memref<1000000xf32, #tpu.memory_space<hbm>>) target(%dma_start3A_221 : memref<16xf32, #tpu.memory_space<vmem>>) offsets(%get3A_119 : vector<16xi32>) semaphore(%arg11 : memref<!tpu.dma_semaphore, #tpu.memory_space<semaphore_mem>>)
      %dma_start3A_226 = arith.constant 15 : i32
      %dma_start3A_227 = tpu.memref_slice %arg9[%dma_start3A_226, %mul3A_121] : memref<16x512xf32, #tpu.memory_space<vmem>> -> memref<1x16xf32, #tpu.memory_space<vmem>>
      %dma_start3A_228 = tpu.memref_squeeze %dma_start3A_227 : memref<1x16xf32, #tpu.memory_space<vmem>> -> memref<16xf32, #tpu.memory_space<vmem>>
      %dma_start3A_229 = arith.constant 15728640 : i32
      %dma_start3A_230 = tpu.memref_slice %arg2[%dma_start3A_229] : memref<16777216xf32, #tpu.memory_space<hbm>> -> memref<1000000xf32, #tpu.memory_space<hbm>>
      %dma_start3A_231 = arith.constant 0 : i32
      %dma_start3A_232 = tpu.memref_slice %dma_start3A_230[%dma_start3A_231] : memref<1000000xf32, #tpu.memory_space<hbm>> -> memref<1000000xf32, #tpu.memory_space<hbm>>
      tpu.enqueue_indirect_dma source(%dma_start3A_232 : memref<1000000xf32, #tpu.memory_space<hbm>>) target(%dma_start3A_228 : memref<16xf32, #tpu.memory_space<vmem>>) offsets(%get3A_119 : vector<16xi32>) semaphore(%arg11 : memref<!tpu.dma_semaphore, #tpu.memory_space<semaphore_mem>>)
    }
    %scan3A_7 = arith.constant 32 : i32
    %scan3A_8 = arith.constant 0 : i32
    %scan3A_9 = arith.constant 0 : i32
    %scan3A_10 = arith.constant 32 : i32
    %scan3A_11 = arith.addi %scan3A_9, %scan3A_10 : i32
    %scan3A_12 = arith.constant 1 : i32
    scf.for %scan3A_116 = %scan3A_9 to %scan3A_11 step %scan3A_12  : i32 {
      %mul3A_117 = arith.constant 16 : i32
      %mul3A_118 = arith.muli %scan3A_116, %mul3A_117 : i32
      %get3A = arith.index_cast %mul3A_118 : i32 to index
      %get3A_119 = tpu.vector_load %arg8[%get3A] {strides = array<i32>} : memref<512xi32, #tpu.memory_space<vmem>>, vector<16xi32>,
      %mul3A_120 = arith.constant 16 : i32
      %mul3A_121 = arith.muli %scan3A_116, %mul3A_120 : i32
      %dma_start3A = arith.constant 0 : i32
      %dma_start3A_122 = tpu.memref_slice %arg10[%dma_start3A, %mul3A_121] : memref<16x512xf32, #tpu.memory_space<vmem>> -> memref<1x16xf32, #tpu.memory_space<vmem>>
      %dma_start3A_123 = tpu.memref_squeeze %dma_start3A_122 : memref<1x16xf32, #tpu.memory_space<vmem>> -> memref<16xf32, #tpu.memory_space<vmem>>
      %dma_start3A_124 = arith.constant 0 : i32
      %dma_start3A_125 = tpu.memref_slice %arg2[%dma_start3A_124] : memref<16777216xf32, #tpu.memory_space<hbm>> -> memref<1000000xf32, #tpu.memory_space<hbm>>
      %dma_start3A_126 = arith.constant 0 : i32
      %dma_start3A_127 = tpu.memref_slice %dma_start3A_125[%dma_start3A_126] : memref<1000000xf32, #tpu.memory_space<hbm>> -> memref<1000000xf32, #tpu.memory_space<hbm>>
      tpu.enqueue_indirect_dma source(%dma_start3A_127 : memref<1000000xf32, #tpu.memory_space<hbm>>) target(%dma_start3A_123 : memref<16xf32, #tpu.memory_space<vmem>>) offsets(%get3A_119 : vector<16xi32>) semaphore(%arg11 : memref<!tpu.dma_semaphore, #tpu.memory_space<semaphore_mem>>)
      %dma_start3A_128 = arith.constant 1 : i32
      %dma_start3A_129 = tpu.memref_slice %arg10[%dma_start3A_128, %mul3A_121] : memref<16x512xf32, #tpu.memory_space<vmem>> -> memref<1x16xf32, #tpu.memory_space<vmem>>
      %dma_start3A_130 = tpu.memref_squeeze %dma_start3A_129 : memref<1x16xf32, #tpu.memory_space<vmem>> -> memref<16xf32, #tpu.memory_space<vmem>>
      %dma_start3A_131 = arith.constant 1048576 : i32
      %dma_start3A_132 = tpu.memref_slice %arg2[%dma_start3A_131] : memref<16777216xf32, #tpu.memory_space<hbm>> -> memref<1000000xf32, #tpu.memory_space<hbm>>
      %dma_start3A_133 = arith.constant 0 : i32
      %dma_start3A_134 = tpu.memref_slice %dma_start3A_132[%dma_start3A_133] : memref<1000000xf32, #tpu.memory_space<hbm>> -> memref<1000000xf32, #tpu.memory_space<hbm>>
      tpu.enqueue_indirect_dma source(%dma_start3A_134 : memref<1000000xf32, #tpu.memory_space<hbm>>) target(%dma_start3A_130 : memref<16xf32, #tpu.memory_space<vmem>>) offsets(%get3A_119 : vector<16xi32>) semaphore(%arg11 : memref<!tpu.dma_semaphore, #tpu.memory_space<semaphore_mem>>)
      %dma_start3A_135 = arith.constant 2 : i32
      %dma_start3A_136 = tpu.memref_slice %arg10[%dma_start3A_135, %mul3A_121] : memref<16x512xf32, #tpu.memory_space<vmem>> -> memref<1x16xf32, #tpu.memory_space<vmem>>
      %dma_start3A_137 = tpu.memref_squeeze %dma_start3A_136 : memref<1x16xf32, #tpu.memory_space<vmem>> -> memref<16xf32, #tpu.memory_space<vmem>>
      %dma_start3A_138 = arith.constant 2097152 : i32
      %dma_start3A_139 = tpu.memref_slice %arg2[%dma_start3A_138] : memref<16777216xf32, #tpu.memory_space<hbm>> -> memref<1000000xf32, #tpu.memory_space<hbm>>
      %dma_start3A_140 = arith.constant 0 : i32
      %dma_start3A_141 = tpu.memref_slice %dma_start3A_139[%dma_start3A_140] : memref<1000000xf32, #tpu.memory_space<hbm>> -> memref<1000000xf32, #tpu.memory_space<hbm>>
      tpu.enqueue_indirect_dma source(%dma_start3A_141 : memref<1000000xf32, #tpu.memory_space<hbm>>) target(%dma_start3A_137 : memref<16xf32, #tpu.memory_space<vmem>>) offsets(%get3A_119 : vector<16xi32>) semaphore(%arg11 : memref<!tpu.dma_semaphore, #tpu.memory_space<semaphore_mem>>)
      %dma_start3A_142 = arith.constant 3 : i32
      %dma_start3A_143 = tpu.memref_slice %arg10[%dma_start3A_142, %mul3A_121] : memref<16x512xf32, #tpu.memory_space<vmem>> -> memref<1x16xf32, #tpu.memory_space<vmem>>
      %dma_start3A_144 = tpu.memref_squeeze %dma_start3A_143 : memref<1x16xf32, #tpu.memory_space<vmem>> -> memref<16xf32, #tpu.memory_space<vmem>>
      %dma_start3A_145 = arith.constant 3145728 : i32
      %dma_start3A_146 = tpu.memref_slice %arg2[%dma_start3A_145] : memref<16777216xf32, #tpu.memory_space<hbm>> -> memref<1000000xf32, #tpu.memory_space<hbm>>
      %dma_start3A_147 = arith.constant 0 : i32
      %dma_start3A_148 = tpu.memref_slice %dma_start3A_146[%dma_start3A_147] : memref<1000000xf32, #tpu.memory_space<hbm>> -> memref<1000000xf32, #tpu.memory_space<hbm>>
      tpu.enqueue_indirect_dma source(%dma_start3A_148 : memref<1000000xf32, #tpu.memory_space<hbm>>) target(%dma_start3A_144 : memref<16xf32, #tpu.memory_space<vmem>>) offsets(%get3A_119 : vector<16xi32>) semaphore(%arg11 : memref<!tpu.dma_semaphore, #tpu.memory_space<semaphore_mem>>)
      %dma_start3A_149 = arith.constant 4 : i32
      %dma_start3A_150 = tpu.memref_slice %arg10[%dma_start3A_149, %mul3A_121] : memref<16x512xf32, #tpu.memory_space<vmem>> -> memref<1x16xf32, #tpu.memory_space<vmem>>
      %dma_start3A_151 = tpu.memref_squeeze %dma_start3A_150 : memref<1x16xf32, #tpu.memory_space<vmem>> -> memref<16xf32, #tpu.memory_space<vmem>>
      %dma_start3A_152 = arith.constant 4194304 : i32
      %dma_start3A_153 = tpu.memref_slice %arg2[%dma_start3A_152] : memref<16777216xf32, #tpu.memory_space<hbm>> -> memref<1000000xf32, #tpu.memory_space<hbm>>
      %dma_start3A_154 = arith.constant 0 : i32
      %dma_start3A_155 = tpu.memref_slice %dma_start3A_153[%dma_start3A_154] : memref<1000000xf32, #tpu.memory_space<hbm>> -> memref<1000000xf32, #tpu.memory_space<hbm>>
      tpu.enqueue_indirect_dma source(%dma_start3A_155 : memref<1000000xf32, #tpu.memory_space<hbm>>) target(%dma_start3A_151 : memref<16xf32, #tpu.memory_space<vmem>>) offsets(%get3A_119 : vector<16xi32>) semaphore(%arg11 : memref<!tpu.dma_semaphore, #tpu.memory_space<semaphore_mem>>)
      %dma_start3A_156 = arith.constant 5 : i32
      %dma_start3A_157 = tpu.memref_slice %arg10[%dma_start3A_156, %mul3A_121] : memref<16x512xf32, #tpu.memory_space<vmem>> -> memref<1x16xf32, #tpu.memory_space<vmem>>
      %dma_start3A_158 = tpu.memref_squeeze %dma_start3A_157 : memref<1x16xf32, #tpu.memory_space<vmem>> -> memref<16xf32, #tpu.memory_space<vmem>>
      %dma_start3A_159 = arith.constant 5242880 : i32
      %dma_start3A_160 = tpu.memref_slice %arg2[%dma_start3A_159] : memref<16777216xf32, #tpu.memory_space<hbm>> -> memref<1000000xf32, #tpu.memory_space<hbm>>
      %dma_start3A_161 = arith.constant 0 : i32
      %dma_start3A_162 = tpu.memref_slice %dma_start3A_160[%dma_start3A_161] : memref<1000000xf32, #tpu.memory_space<hbm>> -> memref<1000000xf32, #tpu.memory_space<hbm>>
      tpu.enqueue_indirect_dma source(%dma_start3A_162 : memref<1000000xf32, #tpu.memory_space<hbm>>) target(%dma_start3A_158 : memref<16xf32, #tpu.memory_space<vmem>>) offsets(%get3A_119 : vector<16xi32>) semaphore(%arg11 : memref<!tpu.dma_semaphore, #tpu.memory_space<semaphore_mem>>)
      %dma_start3A_163 = arith.constant 6 : i32
      %dma_start3A_164 = tpu.memref_slice %arg10[%dma_start3A_163, %mul3A_121] : memref<16x512xf32, #tpu.memory_space<vmem>> -> memref<1x16xf32, #tpu.memory_space<vmem>>
      %dma_start3A_165 = tpu.memref_squeeze %dma_start3A_164 : memref<1x16xf32, #tpu.memory_space<vmem>> -> memref<16xf32, #tpu.memory_space<vmem>>
      %dma_start3A_166 = arith.constant 6291456 : i32
      %dma_start3A_167 = tpu.memref_slice %arg2[%dma_start3A_166] : memref<16777216xf32, #tpu.memory_space<hbm>> -> memref<1000000xf32, #tpu.memory_space<hbm>>
      %dma_start3A_168 = arith.constant 0 : i32
      %dma_start3A_169 = tpu.memref_slice %dma_start3A_167[%dma_start3A_168] : memref<1000000xf32, #tpu.memory_space<hbm>> -> memref<1000000xf32, #tpu.memory_space<hbm>>
      tpu.enqueue_indirect_dma source(%dma_start3A_169 : memref<1000000xf32, #tpu.memory_space<hbm>>) target(%dma_start3A_165 : memref<16xf32, #tpu.memory_space<vmem>>) offsets(%get3A_119 : vector<16xi32>) semaphore(%arg11 : memref<!tpu.dma_semaphore, #tpu.memory_space<semaphore_mem>>)
      %dma_start3A_170 = arith.constant 7 : i32
      %dma_start3A_171 = tpu.memref_slice %arg10[%dma_start3A_170, %mul3A_121] : memref<16x512xf32, #tpu.memory_space<vmem>> -> memref<1x16xf32, #tpu.memory_space<vmem>>
      %dma_start3A_172 = tpu.memref_squeeze %dma_start3A_171 : memref<1x16xf32, #tpu.memory_space<vmem>> -> memref<16xf32, #tpu.memory_space<vmem>>
      %dma_start3A_173 = arith.constant 7340032 : i32
      %dma_start3A_174 = tpu.memref_slice %arg2[%dma_start3A_173] : memref<16777216xf32, #tpu.memory_space<hbm>> -> memref<1000000xf32, #tpu.memory_space<hbm>>
      %dma_start3A_175 = arith.constant 0 : i32
      %dma_start3A_176 = tpu.memref_slice %dma_start3A_174[%dma_start3A_175] : memref<1000000xf32, #tpu.memory_space<hbm>> -> memref<1000000xf32, #tpu.memory_space<hbm>>
      tpu.enqueue_indirect_dma source(%dma_start3A_176 : memref<1000000xf32, #tpu.memory_space<hbm>>) target(%dma_start3A_172 : memref<16xf32, #tpu.memory_space<vmem>>) offsets(%get3A_119 : vector<16xi32>) semaphore(%arg11 : memref<!tpu.dma_semaphore, #tpu.memory_space<semaphore_mem>>)
      %dma_start3A_177 = arith.constant 8 : i32
      %dma_start3A_178 = tpu.memref_slice %arg10[%dma_start3A_177, %mul3A_121] : memref<16x512xf32, #tpu.memory_space<vmem>> -> memref<1x16xf32, #tpu.memory_space<vmem>>
      %dma_start3A_179 = tpu.memref_squeeze %dma_start3A_178 : memref<1x16xf32, #tpu.memory_space<vmem>> -> memref<16xf32, #tpu.memory_space<vmem>>
      %dma_start3A_180 = arith.constant 8388608 : i32
      %dma_start3A_181 = tpu.memref_slice %arg2[%dma_start3A_180] : memref<16777216xf32, #tpu.memory_space<hbm>> -> memref<1000000xf32, #tpu.memory_space<hbm>>
      %dma_start3A_182 = arith.constant 0 : i32
      %dma_start3A_183 = tpu.memref_slice %dma_start3A_181[%dma_start3A_182] : memref<1000000xf32, #tpu.memory_space<hbm>> -> memref<1000000xf32, #tpu.memory_space<hbm>>
      tpu.enqueue_indirect_dma source(%dma_start3A_183 : memref<1000000xf32, #tpu.memory_space<hbm>>) target(%dma_start3A_179 : memref<16xf32, #tpu.memory_space<vmem>>) offsets(%get3A_119 : vector<16xi32>) semaphore(%arg11 : memref<!tpu.dma_semaphore, #tpu.memory_space<semaphore_mem>>)
      %dma_start3A_184 = arith.constant 9 : i32
      %dma_start3A_185 = tpu.memref_slice %arg10[%dma_start3A_184, %mul3A_121] : memref<16x512xf32, #tpu.memory_space<vmem>> -> memref<1x16xf32, #tpu.memory_space<vmem>>
      %dma_start3A_186 = tpu.memref_squeeze %dma_start3A_185 : memref<1x16xf32, #tpu.memory_space<vmem>> -> memref<16xf32, #tpu.memory_space<vmem>>
      %dma_start3A_187 = arith.constant 9437184 : i32
      %dma_start3A_188 = tpu.memref_slice %arg2[%dma_start3A_187] : memref<16777216xf32, #tpu.memory_space<hbm>> -> memref<1000000xf32, #tpu.memory_space<hbm>>
      %dma_start3A_189 = arith.constant 0 : i32
      %dma_start3A_190 = tpu.memref_slice %dma_start3A_188[%dma_start3A_189] : memref<1000000xf32, #tpu.memory_space<hbm>> -> memref<1000000xf32, #tpu.memory_space<hbm>>
      tpu.enqueue_indirect_dma source(%dma_start3A_190 : memref<1000000xf32, #tpu.memory_space<hbm>>) target(%dma_start3A_186 : memref<16xf32, #tpu.memory_space<vmem>>) offsets(%get3A_119 : vector<16xi32>) semaphore(%arg11 : memref<!tpu.dma_semaphore, #tpu.memory_space<semaphore_mem>>)
      %dma_start3A_191 = arith.constant 10 : i32
      %dma_start3A_192 = tpu.memref_slice %arg10[%dma_start3A_191, %mul3A_121] : memref<16x512xf32, #tpu.memory_space<vmem>> -> memref<1x16xf32, #tpu.memory_space<vmem>>
      %dma_start3A_193 = tpu.memref_squeeze %dma_start3A_192 : memref<1x16xf32, #tpu.memory_space<vmem>> -> memref<16xf32, #tpu.memory_space<vmem>>
      %dma_start3A_194 = arith.constant 10485760 : i32
      %dma_start3A_195 = tpu.memref_slice %arg2[%dma_start3A_194] : memref<16777216xf32, #tpu.memory_space<hbm>> -> memref<1000000xf32, #tpu.memory_space<hbm>>
      %dma_start3A_196 = arith.constant 0 : i32
      %dma_start3A_197 = tpu.memref_slice %dma_start3A_195[%dma_start3A_196] : memref<1000000xf32, #tpu.memory_space<hbm>> -> memref<1000000xf32, #tpu.memory_space<hbm>>
      tpu.enqueue_indirect_dma source(%dma_start3A_197 : memref<1000000xf32, #tpu.memory_space<hbm>>) target(%dma_start3A_193 : memref<16xf32, #tpu.memory_space<vmem>>) offsets(%get3A_119 : vector<16xi32>) semaphore(%arg11 : memref<!tpu.dma_semaphore, #tpu.memory_space<semaphore_mem>>)
      %dma_start3A_198 = arith.constant 11 : i32
      %dma_start3A_199 = tpu.memref_slice %arg10[%dma_start3A_198, %mul3A_121] : memref<16x512xf32, #tpu.memory_space<vmem>> -> memref<1x16xf32, #tpu.memory_space<vmem>>
      %dma_start3A_200 = tpu.memref_squeeze %dma_start3A_199 : memref<1x16xf32, #tpu.memory_space<vmem>> -> memref<16xf32, #tpu.memory_space<vmem>>
      %dma_start3A_201 = arith.constant 11534336 : i32
      %dma_start3A_202 = tpu.memref_slice %arg2[%dma_start3A_201] : memref<16777216xf32, #tpu.memory_space<hbm>> -> memref<1000000xf32, #tpu.memory_space<hbm>>
      %dma_start3A_203 = arith.constant 0 : i32
      %dma_start3A_204 = tpu.memref_slice %dma_start3A_202[%dma_start3A_203] : memref<1000000xf32, #tpu.memory_space<hbm>> -> memref<1000000xf32, #tpu.memory_space<hbm>>
      tpu.enqueue_indirect_dma source(%dma_start3A_204 : memref<1000000xf32, #tpu.memory_space<hbm>>) target(%dma_start3A_200 : memref<16xf32, #tpu.memory_space<vmem>>) offsets(%get3A_119 : vector<16xi32>) semaphore(%arg11 : memref<!tpu.dma_semaphore, #tpu.memory_space<semaphore_mem>>)
      %dma_start3A_205 = arith.constant 12 : i32
      %dma_start3A_206 = tpu.memref_slice %arg10[%dma_start3A_205, %mul3A_121] : memref<16x512xf32, #tpu.memory_space<vmem>> -> memref<1x16xf32, #tpu.memory_space<vmem>>
      %dma_start3A_207 = tpu.memref_squeeze %dma_start3A_206 : memref<1x16xf32, #tpu.memory_space<vmem>> -> memref<16xf32, #tpu.memory_space<vmem>>
      %dma_start3A_208 = arith.constant 12582912 : i32
      %dma_start3A_209 = tpu.memref_slice %arg2[%dma_start3A_208] : memref<16777216xf32, #tpu.memory_space<hbm>> -> memref<1000000xf32, #tpu.memory_space<hbm>>
      %dma_start3A_210 = arith.constant 0 : i32
      %dma_start3A_211 = tpu.memref_slice %dma_start3A_209[%dma_start3A_210] : memref<1000000xf32, #tpu.memory_space<hbm>> -> memref<1000000xf32, #tpu.memory_space<hbm>>
      tpu.enqueue_indirect_dma source(%dma_start3A_211 : memref<1000000xf32, #tpu.memory_space<hbm>>) target(%dma_start3A_207 : memref<16xf32, #tpu.memory_space<vmem>>) offsets(%get3A_119 : vector<16xi32>) semaphore(%arg11 : memref<!tpu.dma_semaphore, #tpu.memory_space<semaphore_mem>>)
      %dma_start3A_212 = arith.constant 13 : i32
      %dma_start3A_213 = tpu.memref_slice %arg10[%dma_start3A_212, %mul3A_121] : memref<16x512xf32, #tpu.memory_space<vmem>> -> memref<1x16xf32, #tpu.memory_space<vmem>>
      %dma_start3A_214 = tpu.memref_squeeze %dma_start3A_213 : memref<1x16xf32, #tpu.memory_space<vmem>> -> memref<16xf32, #tpu.memory_space<vmem>>
      %dma_start3A_215 = arith.constant 13631488 : i32
      %dma_start3A_216 = tpu.memref_slice %arg2[%dma_start3A_215] : memref<16777216xf32, #tpu.memory_space<hbm>> -> memref<1000000xf32, #tpu.memory_space<hbm>>
      %dma_start3A_217 = arith.constant 0 : i32
      %dma_start3A_218 = tpu.memref_slice %dma_start3A_216[%dma_start3A_217] : memref<1000000xf32, #tpu.memory_space<hbm>> -> memref<1000000xf32, #tpu.memory_space<hbm>>
      tpu.enqueue_indirect_dma source(%dma_start3A_218 : memref<1000000xf32, #tpu.memory_space<hbm>>) target(%dma_start3A_214 : memref<16xf32, #tpu.memory_space<vmem>>) offsets(%get3A_119 : vector<16xi32>) semaphore(%arg11 : memref<!tpu.dma_semaphore, #tpu.memory_space<semaphore_mem>>)
      %dma_start3A_219 = arith.constant 14 : i32
      %dma_start3A_220 = tpu.memref_slice %arg10[%dma_start3A_219, %mul3A_121] : memref<16x512xf32, #tpu.memory_space<vmem>> -> memref<1x16xf32, #tpu.memory_space<vmem>>
      %dma_start3A_221 = tpu.memref_squeeze %dma_start3A_220 : memref<1x16xf32, #tpu.memory_space<vmem>> -> memref<16xf32, #tpu.memory_space<vmem>>
      %dma_start3A_222 = arith.constant 14680064 : i32
      %dma_start3A_223 = tpu.memref_slice %arg2[%dma_start3A_222] : memref<16777216xf32, #tpu.memory_space<hbm>> -> memref<1000000xf32, #tpu.memory_space<hbm>>
      %dma_start3A_224 = arith.constant 0 : i32
      %dma_start3A_225 = tpu.memref_slice %dma_start3A_223[%dma_start3A_224] : memref<1000000xf32, #tpu.memory_space<hbm>> -> memref<1000000xf32, #tpu.memory_space<hbm>>
      tpu.enqueue_indirect_dma source(%dma_start3A_225 : memref<1000000xf32, #tpu.memory_space<hbm>>) target(%dma_start3A_221 : memref<16xf32, #tpu.memory_space<vmem>>) offsets(%get3A_119 : vector<16xi32>) semaphore(%arg11 : memref<!tpu.dma_semaphore, #tpu.memory_space<semaphore_mem>>)
      %dma_start3A_226 = arith.constant 15 : i32
      %dma_start3A_227 = tpu.memref_slice %arg10[%dma_start3A_226, %mul3A_121] : memref<16x512xf32, #tpu.memory_space<vmem>> -> memref<1x16xf32, #tpu.memory_space<vmem>>
      %dma_start3A_228 = tpu.memref_squeeze %dma_start3A_227 : memref<1x16xf32, #tpu.memory_space<vmem>> -> memref<16xf32, #tpu.memory_space<vmem>>
      %dma_start3A_229 = arith.constant 15728640 : i32
      %dma_start3A_230 = tpu.memref_slice %arg2[%dma_start3A_229] : memref<16777216xf32, #tpu.memory_space<hbm>> -> memref<1000000xf32, #tpu.memory_space<hbm>>
      %dma_start3A_231 = arith.constant 0 : i32
      %dma_start3A_232 = tpu.memref_slice %dma_start3A_230[%dma_start3A_231] : memref<1000000xf32, #tpu.memory_space<hbm>> -> memref<1000000xf32, #tpu.memory_space<hbm>>
      tpu.enqueue_indirect_dma source(%dma_start3A_232 : memref<1000000xf32, #tpu.memory_space<hbm>>) target(%dma_start3A_228 : memref<16xf32, #tpu.memory_space<vmem>>) offsets(%get3A_119 : vector<16xi32>) semaphore(%arg11 : memref<!tpu.dma_semaphore, #tpu.memory_space<semaphore_mem>>)
    }
    %scan3A_13 = arith.constant 32 : i32
    %dma_wait3A = arith.constant 0 : i32
    %dma_wait3A_14 = tpu.memref_slice %arg2[%dma_wait3A] : memref<16777216xf32, #tpu.memory_space<hbm>> -> memref<8192xf32, #tpu.memory_space<hbm>>
    %dma_wait3A_15 = arith.constant 0 : i32
    %dma_wait3A_16 = tpu.memref_slice %arg2[%dma_wait3A_15] : memref<16777216xf32, #tpu.memory_space<hbm>> -> memref<8192xf32, #tpu.memory_space<hbm>>
    tpu.wait_dma2 semaphore(%arg11 : memref<!tpu.dma_semaphore, #tpu.memory_space<semaphore_mem>>) src(%dma_wait3A_16 : memref<8192xf32, #tpu.memory_space<hbm>>) dst(%arg9 : memref<16x512xf32, #tpu.memory_space<vmem>>)
    %dma_wait3A_17 = arith.constant 0 : i32
    %dma_wait3A_18 = tpu.memref_slice %arg2[%dma_wait3A_17] : memref<16777216xf32, #tpu.memory_space<hbm>> -> memref<8192xf32, #tpu.memory_space<hbm>>
    %dma_wait3A_19 = arith.constant 0 : i32
    %dma_wait3A_20 = tpu.memref_slice %arg2[%dma_wait3A_19] : memref<16777216xf32, #tpu.memory_space<hbm>> -> memref<8192xf32, #tpu.memory_space<hbm>>
    tpu.wait_dma2 semaphore(%arg11 : memref<!tpu.dma_semaphore, #tpu.memory_space<semaphore_mem>>) src(%dma_wait3A_20 : memref<8192xf32, #tpu.memory_space<hbm>>) dst(%arg10 : memref<16x512xf32, #tpu.memory_space<vmem>>)
    %mul3A_21 = arith.constant 512 : i32
    %mul3A_22 = arith.muli %add3A, %mul3A_21 : i32
    %add3A_23 = arith.constant 0 : i32
    %add3A_24 = arith.addi %add3A_23, %mul3A_22 : i32
    %run_scoped3A = arith.constant 0 : i32
    "tpu.region"() ({
      %run_scoped3A_116 = tpu.sem_alloc : memref<!tpu.dma_semaphore, #tpu.memory_space<semaphore_mem>>
      %dma_start3A = arith.constant 0 : i32
      %dma_start3A_117 = tpu.memref_slice %arg9[%run_scoped3A, %dma_start3A] : memref<16x512xf32, #tpu.memory_space<vmem>> -> memref<1x512xf32, #tpu.memory_space<vmem>>
      %dma_start3A_118 = tpu.memref_squeeze %dma_start3A_117 : memref<1x512xf32, #tpu.memory_space<vmem>> -> memref<512xf32, #tpu.memory_space<vmem>>
      %dma_start3A_119 = tpu.memref_slice %arg5[%add3A_24] : memref<262144xf32, #tpu.memory_space<hbm>> -> memref<512xf32, #tpu.memory_space<hbm>>
      %dma_start3A_120 = tpu.memref_slice %arg5[%add3A_24] : memref<262144xf32, #tpu.memory_space<hbm>> -> memref<512xf32, #tpu.memory_space<hbm>>
      %dma_start3A_121 = arith.constant 0 : i32
      %dma_start3A_122 = tpu.memref_slice %arg9[%run_scoped3A, %dma_start3A_121] : memref<16x512xf32, #tpu.memory_space<vmem>> -> memref<1x512xf32, #tpu.memory_space<vmem>>
      %dma_start3A_123 = tpu.memref_squeeze %dma_start3A_122 : memref<1x512xf32, #tpu.memory_space<vmem>> -> memref<512xf32, #tpu.memory_space<vmem>>
      tpu.enqueue_dma source(%dma_start3A_123 : memref<512xf32, #tpu.memory_space<vmem>>) target(%dma_start3A_120 : memref<512xf32, #tpu.memory_space<hbm>>) target_semaphore(%run_scoped3A_116 : memref<!tpu.dma_semaphore, #tpu.memory_space<semaphore_mem>>)
      %dma_wait3A_124 = arith.constant 0 : i32
      %dma_wait3A_125 = tpu.memref_slice %arg9[%run_scoped3A, %dma_wait3A_124] : memref<16x512xf32, #tpu.memory_space<vmem>> -> memref<1x512xf32, #tpu.memory_space<vmem>>
      %dma_wait3A_126 = tpu.memref_squeeze %dma_wait3A_125 : memref<1x512xf32, #tpu.memory_space<vmem>> -> memref<512xf32, #tpu.memory_space<vmem>>
      %dma_wait3A_127 = tpu.memref_slice %arg5[%add3A_24] : memref<262144xf32, #tpu.memory_space<hbm>> -> memref<512xf32, #tpu.memory_space<hbm>>
      %dma_wait3A_128 = tpu.memref_slice %arg5[%add3A_24] : memref<262144xf32, #tpu.memory_space<hbm>> -> memref<512xf32, #tpu.memory_space<hbm>>
      %dma_wait3A_129 = arith.constant 0 : i32
      %dma_wait3A_130 = tpu.memref_slice %arg9[%run_scoped3A, %dma_wait3A_129] : memref<16x512xf32, #tpu.memory_space<vmem>> -> memref<1x512xf32, #tpu.memory_space<vmem>>
      %dma_wait3A_131 = tpu.memref_squeeze %dma_wait3A_130 : memref<1x512xf32, #tpu.memory_space<vmem>> -> memref<512xf32, #tpu.memory_space<vmem>>
      tpu.wait_dma2 semaphore(%run_scoped3A_116 : memref<!tpu.dma_semaphore, #tpu.memory_space<semaphore_mem>>) src(%dma_wait3A_131 : memref<512xf32, #tpu.memory_space<vmem>>) dst(%dma_wait3A_128 : memref<512xf32, #tpu.memory_space<hbm>>)
      tpu.yield
    }) : () -> ()
    %run_scoped3A_25 = arith.constant 0 : i32
    "tpu.region"() ({
      %run_scoped3A_116 = tpu.sem_alloc : memref<!tpu.dma_semaphore, #tpu.memory_space<semaphore_mem>>
      %dma_start3A = arith.constant 0 : i32
      %dma_start3A_117 = tpu.memref_slice %arg10[%run_scoped3A_25, %dma_start3A] : memref<16x512xf32, #tpu.memory_space<vmem>> -> memref<1x512xf32, #tpu.memory_space<vmem>>
      %dma_start3A_118 = tpu.memref_squeeze %dma_start3A_117 : memref<1x512xf32, #tpu.memory_space<vmem>> -> memref<512xf32, #tpu.memory_space<vmem>>
      %dma_start3A_119 = tpu.memref_slice %arg6[%add3A_24] : memref<262144xf32, #tpu.memory_space<hbm>> -> memref<512xf32, #tpu.memory_space<hbm>>
      %dma_start3A_120 = tpu.memref_slice %arg6[%add3A_24] : memref<262144xf32, #tpu.memory_space<hbm>> -> memref<512xf32, #tpu.memory_space<hbm>>
      %dma_start3A_121 = arith.constant 0 : i32
      %dma_start3A_122 = tpu.memref_slice %arg10[%run_scoped3A_25, %dma_start3A_121] : memref<16x512xf32, #tpu.memory_space<vmem>> -> memref<1x512xf32, #tpu.memory_space<vmem>>
      %dma_start3A_123 = tpu.memref_squeeze %dma_start3A_122 : memref<1x512xf32, #tpu.memory_space<vmem>> -> memref<512xf32, #tpu.memory_space<vmem>>
      tpu.enqueue_dma source(%dma_start3A_123 : memref<512xf32, #tpu.memory_space<vmem>>) target(%dma_start3A_120 : memref<512xf32, #tpu.memory_space<hbm>>) target_semaphore(%run_scoped3A_116 : memref<!tpu.dma_semaphore, #tpu.memory_space<semaphore_mem>>)
      %dma_wait3A_124 = arith.constant 0 : i32
      %dma_wait3A_125 = tpu.memref_slice %arg10[%run_scoped3A_25, %dma_wait3A_124] : memref<16x512xf32, #tpu.memory_space<vmem>> -> memref<1x512xf32, #tpu.memory_space<vmem>>
      %dma_wait3A_126 = tpu.memref_squeeze %dma_wait3A_125 : memref<1x512xf32, #tpu.memory_space<vmem>> -> memref<512xf32, #tpu.memory_space<vmem>>
      %dma_wait3A_127 = tpu.memref_slice %arg6[%add3A_24] : memref<262144xf32, #tpu.memory_space<hbm>> -> memref<512xf32, #tpu.memory_space<hbm>>
      %dma_wait3A_128 = tpu.memref_slice %arg6[%add3A_24] : memref<262144xf32, #tpu.memory_space<hbm>> -> memref<512xf32, #tpu.memory_space<hbm>>
      %dma_wait3A_129 = arith.constant 0 : i32
      %dma_wait3A_130 = tpu.memref_slice %arg10[%run_scoped3A_25, %dma_wait3A_129] : memref<16x512xf32, #tpu.memory_space<vmem>> -> memref<1x512xf32, #tpu.memory_space<vmem>>
      %dma_wait3A_131 = tpu.memref_squeeze %dma_wait3A_130 : memref<1x512xf32, #tpu.memory_space<vmem>> -> memref<512xf32, #tpu.memory_space<vmem>>
      tpu.wait_dma2 semaphore(%run_scoped3A_116 : memref<!tpu.dma_semaphore, #tpu.memory_space<semaphore_mem>>) src(%dma_wait3A_131 : memref<512xf32, #tpu.memory_space<vmem>>) dst(%dma_wait3A_128 : memref<512xf32, #tpu.memory_space<hbm>>)
      tpu.yield
    }) : () -> ()
    %mul3A_26 = arith.constant 512 : i32
    %mul3A_27 = arith.muli %add3A, %mul3A_26 : i32
    %add3A_28 = arith.constant 16384 : i32
    %add3A_29 = arith.addi %add3A_28, %mul3A_27 : i32
    %run_scoped3A_30 = arith.constant 1 : i32
    "tpu.region"() ({
      %run_scoped3A_116 = tpu.sem_alloc : memref<!tpu.dma_semaphore, #tpu.memory_space<semaphore_mem>>
      %dma_start3A = arith.constant 0 : i32
      %dma_start3A_117 = tpu.memref_slice %arg9[%run_scoped3A_30, %dma_start3A] : memref<16x512xf32, #tpu.memory_space<vmem>> -> memref<1x512xf32, #tpu.memory_space<vmem>>
      %dma_start3A_118 = tpu.memref_squeeze %dma_start3A_117 : memref<1x512xf32, #tpu.memory_space<vmem>> -> memref<512xf32, #tpu.memory_space<vmem>>
      %dma_start3A_119 = tpu.memref_slice %arg5[%add3A_29] : memref<262144xf32, #tpu.memory_space<hbm>> -> memref<512xf32, #tpu.memory_space<hbm>>
      %dma_start3A_120 = tpu.memref_slice %arg5[%add3A_29] : memref<262144xf32, #tpu.memory_space<hbm>> -> memref<512xf32, #tpu.memory_space<hbm>>
      %dma_start3A_121 = arith.constant 0 : i32
      %dma_start3A_122 = tpu.memref_slice %arg9[%run_scoped3A_30, %dma_start3A_121] : memref<16x512xf32, #tpu.memory_space<vmem>> -> memref<1x512xf32, #tpu.memory_space<vmem>>
      %dma_start3A_123 = tpu.memref_squeeze %dma_start3A_122 : memref<1x512xf32, #tpu.memory_space<vmem>> -> memref<512xf32, #tpu.memory_space<vmem>>
      tpu.enqueue_dma source(%dma_start3A_123 : memref<512xf32, #tpu.memory_space<vmem>>) target(%dma_start3A_120 : memref<512xf32, #tpu.memory_space<hbm>>) target_semaphore(%run_scoped3A_116 : memref<!tpu.dma_semaphore, #tpu.memory_space<semaphore_mem>>)
      %dma_wait3A_124 = arith.constant 0 : i32
      %dma_wait3A_125 = tpu.memref_slice %arg9[%run_scoped3A_30, %dma_wait3A_124] : memref<16x512xf32, #tpu.memory_space<vmem>> -> memref<1x512xf32, #tpu.memory_space<vmem>>
      %dma_wait3A_126 = tpu.memref_squeeze %dma_wait3A_125 : memref<1x512xf32, #tpu.memory_space<vmem>> -> memref<512xf32, #tpu.memory_space<vmem>>
      %dma_wait3A_127 = tpu.memref_slice %arg5[%add3A_29] : memref<262144xf32, #tpu.memory_space<hbm>> -> memref<512xf32, #tpu.memory_space<hbm>>
      %dma_wait3A_128 = tpu.memref_slice %arg5[%add3A_29] : memref<262144xf32, #tpu.memory_space<hbm>> -> memref<512xf32, #tpu.memory_space<hbm>>
      %dma_wait3A_129 = arith.constant 0 : i32
      %dma_wait3A_130 = tpu.memref_slice %arg9[%run_scoped3A_30, %dma_wait3A_129] : memref<16x512xf32, #tpu.memory_space<vmem>> -> memref<1x512xf32, #tpu.memory_space<vmem>>
      %dma_wait3A_131 = tpu.memref_squeeze %dma_wait3A_130 : memref<1x512xf32, #tpu.memory_space<vmem>> -> memref<512xf32, #tpu.memory_space<vmem>>
      tpu.wait_dma2 semaphore(%run_scoped3A_116 : memref<!tpu.dma_semaphore, #tpu.memory_space<semaphore_mem>>) src(%dma_wait3A_131 : memref<512xf32, #tpu.memory_space<vmem>>) dst(%dma_wait3A_128 : memref<512xf32, #tpu.memory_space<hbm>>)
      tpu.yield
    }) : () -> ()
    %run_scoped3A_31 = arith.constant 1 : i32
    "tpu.region"() ({
      %run_scoped3A_116 = tpu.sem_alloc : memref<!tpu.dma_semaphore, #tpu.memory_space<semaphore_mem>>
      %dma_start3A = arith.constant 0 : i32
      %dma_start3A_117 = tpu.memref_slice %arg10[%run_scoped3A_31, %dma_start3A] : memref<16x512xf32, #tpu.memory_space<vmem>> -> memref<1x512xf32, #tpu.memory_space<vmem>>
      %dma_start3A_118 = tpu.memref_squeeze %dma_start3A_117 : memref<1x512xf32, #tpu.memory_space<vmem>> -> memref<512xf32, #tpu.memory_space<vmem>>
      %dma_start3A_119 = tpu.memref_slice %arg6[%add3A_29] : memref<262144xf32, #tpu.memory_space<hbm>> -> memref<512xf32, #tpu.memory_space<hbm>>
      %dma_start3A_120 = tpu.memref_slice %arg6[%add3A_29] : memref<262144xf32, #tpu.memory_space<hbm>> -> memref<512xf32, #tpu.memory_space<hbm>>
      %dma_start3A_121 = arith.constant 0 : i32
      %dma_start3A_122 = tpu.memref_slice %arg10[%run_scoped3A_31, %dma_start3A_121] : memref<16x512xf32, #tpu.memory_space<vmem>> -> memref<1x512xf32, #tpu.memory_space<vmem>>
      %dma_start3A_123 = tpu.memref_squeeze %dma_start3A_122 : memref<1x512xf32, #tpu.memory_space<vmem>> -> memref<512xf32, #tpu.memory_space<vmem>>
      tpu.enqueue_dma source(%dma_start3A_123 : memref<512xf32, #tpu.memory_space<vmem>>) target(%dma_start3A_120 : memref<512xf32, #tpu.memory_space<hbm>>) target_semaphore(%run_scoped3A_116 : memref<!tpu.dma_semaphore, #tpu.memory_space<semaphore_mem>>)
      %dma_wait3A_124 = arith.constant 0 : i32
      %dma_wait3A_125 = tpu.memref_slice %arg10[%run_scoped3A_31, %dma_wait3A_124] : memref<16x512xf32, #tpu.memory_space<vmem>> -> memref<1x512xf32, #tpu.memory_space<vmem>>
      %dma_wait3A_126 = tpu.memref_squeeze %dma_wait3A_125 : memref<1x512xf32, #tpu.memory_space<vmem>> -> memref<512xf32, #tpu.memory_space<vmem>>
      %dma_wait3A_127 = tpu.memref_slice %arg6[%add3A_29] : memref<262144xf32, #tpu.memory_space<hbm>> -> memref<512xf32, #tpu.memory_space<hbm>>
      %dma_wait3A_128 = tpu.memref_slice %arg6[%add3A_29] : memref<262144xf32, #tpu.memory_space<hbm>> -> memref<512xf32, #tpu.memory_space<hbm>>
      %dma_wait3A_129 = arith.constant 0 : i32
      %dma_wait3A_130 = tpu.memref_slice %arg10[%run_scoped3A_31, %dma_wait3A_129] : memref<16x512xf32, #tpu.memory_space<vmem>> -> memref<1x512xf32, #tpu.memory_space<vmem>>
      %dma_wait3A_131 = tpu.memref_squeeze %dma_wait3A_130 : memref<1x512xf32, #tpu.memory_space<vmem>> -> memref<512xf32, #tpu.memory_space<vmem>>
      tpu.wait_dma2 semaphore(%run_scoped3A_116 : memref<!tpu.dma_semaphore, #tpu.memory_space<semaphore_mem>>) src(%dma_wait3A_131 : memref<512xf32, #tpu.memory_space<vmem>>) dst(%dma_wait3A_128 : memref<512xf32, #tpu.memory_space<hbm>>)
      tpu.yield
    }) : () -> ()
    %mul3A_32 = arith.constant 512 : i32
    %mul3A_33 = arith.muli %add3A, %mul3A_32 : i32
    %add3A_34 = arith.constant 32768 : i32
    %add3A_35 = arith.addi %add3A_34, %mul3A_33 : i32
    %run_scoped3A_36 = arith.constant 2 : i32
    "tpu.region"() ({
      %run_scoped3A_116 = tpu.sem_alloc : memref<!tpu.dma_semaphore, #tpu.memory_space<semaphore_mem>>
      %dma_start3A = arith.constant 0 : i32
      %dma_start3A_117 = tpu.memref_slice %arg9[%run_scoped3A_36, %dma_start3A] : memref<16x512xf32, #tpu.memory_space<vmem>> -> memref<1x512xf32, #tpu.memory_space<vmem>>
      %dma_start3A_118 = tpu.memref_squeeze %dma_start3A_117 : memref<1x512xf32, #tpu.memory_space<vmem>> -> memref<512xf32, #tpu.memory_space<vmem>>
      %dma_start3A_119 = tpu.memref_slice %arg5[%add3A_35] : memref<262144xf32, #tpu.memory_space<hbm>> -> memref<512xf32, #tpu.memory_space<hbm>>
      %dma_start3A_120 = tpu.memref_slice %arg5[%add3A_35] : memref<262144xf32, #tpu.memory_space<hbm>> -> memref<512xf32, #tpu.memory_space<hbm>>
      %dma_start3A_121 = arith.constant 0 : i32
      %dma_start3A_122 = tpu.memref_slice %arg9[%run_scoped3A_36, %dma_start3A_121] : memref<16x512xf32, #tpu.memory_space<vmem>> -> memref<1x512xf32, #tpu.memory_space<vmem>>
      %dma_start3A_123 = tpu.memref_squeeze %dma_start3A_122 : memref<1x512xf32, #tpu.memory_space<vmem>> -> memref<512xf32, #tpu.memory_space<vmem>>
      tpu.enqueue_dma source(%dma_start3A_123 : memref<512xf32, #tpu.memory_space<vmem>>) target(%dma_start3A_120 : memref<512xf32, #tpu.memory_space<hbm>>) target_semaphore(%run_scoped3A_116 : memref<!tpu.dma_semaphore, #tpu.memory_space<semaphore_mem>>)
      %dma_wait3A_124 = arith.constant 0 : i32
      %dma_wait3A_125 = tpu.memref_slice %arg9[%run_scoped3A_36, %dma_wait3A_124] : memref<16x512xf32, #tpu.memory_space<vmem>> -> memref<1x512xf32, #tpu.memory_space<vmem>>
      %dma_wait3A_126 = tpu.memref_squeeze %dma_wait3A_125 : memref<1x512xf32, #tpu.memory_space<vmem>> -> memref<512xf32, #tpu.memory_space<vmem>>
      %dma_wait3A_127 = tpu.memref_slice %arg5[%add3A_35] : memref<262144xf32, #tpu.memory_space<hbm>> -> memref<512xf32, #tpu.memory_space<hbm>>
      %dma_wait3A_128 = tpu.memref_slice %arg5[%add3A_35] : memref<262144xf32, #tpu.memory_space<hbm>> -> memref<512xf32, #tpu.memory_space<hbm>>
      %dma_wait3A_129 = arith.constant 0 : i32
      %dma_wait3A_130 = tpu.memref_slice %arg9[%run_scoped3A_36, %dma_wait3A_129] : memref<16x512xf32, #tpu.memory_space<vmem>> -> memref<1x512xf32, #tpu.memory_space<vmem>>
      %dma_wait3A_131 = tpu.memref_squeeze %dma_wait3A_130 : memref<1x512xf32, #tpu.memory_space<vmem>> -> memref<512xf32, #tpu.memory_space<vmem>>
      tpu.wait_dma2 semaphore(%run_scoped3A_116 : memref<!tpu.dma_semaphore, #tpu.memory_space<semaphore_mem>>) src(%dma_wait3A_131 : memref<512xf32, #tpu.memory_space<vmem>>) dst(%dma_wait3A_128 : memref<512xf32, #tpu.memory_space<hbm>>)
      tpu.yield
    }) : () -> ()
    %run_scoped3A_37 = arith.constant 2 : i32
    "tpu.region"() ({
      %run_scoped3A_116 = tpu.sem_alloc : memref<!tpu.dma_semaphore, #tpu.memory_space<semaphore_mem>>
      %dma_start3A = arith.constant 0 : i32
      %dma_start3A_117 = tpu.memref_slice %arg10[%run_scoped3A_37, %dma_start3A] : memref<16x512xf32, #tpu.memory_space<vmem>> -> memref<1x512xf32, #tpu.memory_space<vmem>>
      %dma_start3A_118 = tpu.memref_squeeze %dma_start3A_117 : memref<1x512xf32, #tpu.memory_space<vmem>> -> memref<512xf32, #tpu.memory_space<vmem>>
      %dma_start3A_119 = tpu.memref_slice %arg6[%add3A_35] : memref<262144xf32, #tpu.memory_space<hbm>> -> memref<512xf32, #tpu.memory_space<hbm>>
      %dma_start3A_120 = tpu.memref_slice %arg6[%add3A_35] : memref<262144xf32, #tpu.memory_space<hbm>> -> memref<512xf32, #tpu.memory_space<hbm>>
      %dma_start3A_121 = arith.constant 0 : i32
      %dma_start3A_122 = tpu.memref_slice %arg10[%run_scoped3A_37, %dma_start3A_121] : memref<16x512xf32, #tpu.memory_space<vmem>> -> memref<1x512xf32, #tpu.memory_space<vmem>>
      %dma_start3A_123 = tpu.memref_squeeze %dma_start3A_122 : memref<1x512xf32, #tpu.memory_space<vmem>> -> memref<512xf32, #tpu.memory_space<vmem>>
      tpu.enqueue_dma source(%dma_start3A_123 : memref<512xf32, #tpu.memory_space<vmem>>) target(%dma_start3A_120 : memref<512xf32, #tpu.memory_space<hbm>>) target_semaphore(%run_scoped3A_116 : memref<!tpu.dma_semaphore, #tpu.memory_space<semaphore_mem>>)
      %dma_wait3A_124 = arith.constant 0 : i32
      %dma_wait3A_125 = tpu.memref_slice %arg10[%run_scoped3A_37, %dma_wait3A_124] : memref<16x512xf32, #tpu.memory_space<vmem>> -> memref<1x512xf32, #tpu.memory_space<vmem>>
      %dma_wait3A_126 = tpu.memref_squeeze %dma_wait3A_125 : memref<1x512xf32, #tpu.memory_space<vmem>> -> memref<512xf32, #tpu.memory_space<vmem>>
      %dma_wait3A_127 = tpu.memref_slice %arg6[%add3A_35] : memref<262144xf32, #tpu.memory_space<hbm>> -> memref<512xf32, #tpu.memory_space<hbm>>
      %dma_wait3A_128 = tpu.memref_slice %arg6[%add3A_35] : memref<262144xf32, #tpu.memory_space<hbm>> -> memref<512xf32, #tpu.memory_space<hbm>>
      %dma_wait3A_129 = arith.constant 0 : i32
      %dma_wait3A_130 = tpu.memref_slice %arg10[%run_scoped3A_37, %dma_wait3A_129] : memref<16x512xf32, #tpu.memory_space<vmem>> -> memref<1x512xf32, #tpu.memory_space<vmem>>
      %dma_wait3A_131 = tpu.memref_squeeze %dma_wait3A_130 : memref<1x512xf32, #tpu.memory_space<vmem>> -> memref<512xf32, #tpu.memory_space<vmem>>
      tpu.wait_dma2 semaphore(%run_scoped3A_116 : memref<!tpu.dma_semaphore, #tpu.memory_space<semaphore_mem>>) src(%dma_wait3A_131 : memref<512xf32, #tpu.memory_space<vmem>>) dst(%dma_wait3A_128 : memref<512xf32, #tpu.memory_space<hbm>>)
      tpu.yield
    }) : () -> ()
    %mul3A_38 = arith.constant 512 : i32
    %mul3A_39 = arith.muli %add3A, %mul3A_38 : i32
    %add3A_40 = arith.constant 49152 : i32
    %add3A_41 = arith.addi %add3A_40, %mul3A_39 : i32
    %run_scoped3A_42 = arith.constant 3 : i32
    "tpu.region"() ({
      %run_scoped3A_116 = tpu.sem_alloc : memref<!tpu.dma_semaphore, #tpu.memory_space<semaphore_mem>>
      %dma_start3A = arith.constant 0 : i32
      %dma_start3A_117 = tpu.memref_slice %arg9[%run_scoped3A_42, %dma_start3A] : memref<16x512xf32, #tpu.memory_space<vmem>> -> memref<1x512xf32, #tpu.memory_space<vmem>>
      %dma_start3A_118 = tpu.memref_squeeze %dma_start3A_117 : memref<1x512xf32, #tpu.memory_space<vmem>> -> memref<512xf32, #tpu.memory_space<vmem>>
      %dma_start3A_119 = tpu.memref_slice %arg5[%add3A_41] : memref<262144xf32, #tpu.memory_space<hbm>> -> memref<512xf32, #tpu.memory_space<hbm>>
      %dma_start3A_120 = tpu.memref_slice %arg5[%add3A_41] : memref<262144xf32, #tpu.memory_space<hbm>> -> memref<512xf32, #tpu.memory_space<hbm>>
      %dma_start3A_121 = arith.constant 0 : i32
      %dma_start3A_122 = tpu.memref_slice %arg9[%run_scoped3A_42, %dma_start3A_121] : memref<16x512xf32, #tpu.memory_space<vmem>> -> memref<1x512xf32, #tpu.memory_space<vmem>>
      %dma_start3A_123 = tpu.memref_squeeze %dma_start3A_122 : memref<1x512xf32, #tpu.memory_space<vmem>> -> memref<512xf32, #tpu.memory_space<vmem>>
      tpu.enqueue_dma source(%dma_start3A_123 : memref<512xf32, #tpu.memory_space<vmem>>) target(%dma_start3A_120 : memref<512xf32, #tpu.memory_space<hbm>>) target_semaphore(%run_scoped3A_116 : memref<!tpu.dma_semaphore, #tpu.memory_space<semaphore_mem>>)
      %dma_wait3A_124 = arith.constant 0 : i32
      %dma_wait3A_125 = tpu.memref_slice %arg9[%run_scoped3A_42, %dma_wait3A_124] : memref<16x512xf32, #tpu.memory_space<vmem>> -> memref<1x512xf32, #tpu.memory_space<vmem>>
      %dma_wait3A_126 = tpu.memref_squeeze %dma_wait3A_125 : memref<1x512xf32, #tpu.memory_space<vmem>> -> memref<512xf32, #tpu.memory_space<vmem>>
      %dma_wait3A_127 = tpu.memref_slice %arg5[%add3A_41] : memref<262144xf32, #tpu.memory_space<hbm>> -> memref<512xf32, #tpu.memory_space<hbm>>
      %dma_wait3A_128 = tpu.memref_slice %arg5[%add3A_41] : memref<262144xf32, #tpu.memory_space<hbm>> -> memref<512xf32, #tpu.memory_space<hbm>>
      %dma_wait3A_129 = arith.constant 0 : i32
      %dma_wait3A_130 = tpu.memref_slice %arg9[%run_scoped3A_42, %dma_wait3A_129] : memref<16x512xf32, #tpu.memory_space<vmem>> -> memref<1x512xf32, #tpu.memory_space<vmem>>
      %dma_wait3A_131 = tpu.memref_squeeze %dma_wait3A_130 : memref<1x512xf32, #tpu.memory_space<vmem>> -> memref<512xf32, #tpu.memory_space<vmem>>
      tpu.wait_dma2 semaphore(%run_scoped3A_116 : memref<!tpu.dma_semaphore, #tpu.memory_space<semaphore_mem>>) src(%dma_wait3A_131 : memref<512xf32, #tpu.memory_space<vmem>>) dst(%dma_wait3A_128 : memref<512xf32, #tpu.memory_space<hbm>>)
      tpu.yield
    }) : () -> ()
    %run_scoped3A_43 = arith.constant 3 : i32
    "tpu.region"() ({
      %run_scoped3A_116 = tpu.sem_alloc : memref<!tpu.dma_semaphore, #tpu.memory_space<semaphore_mem>>
      %dma_start3A = arith.constant 0 : i32
      %dma_start3A_117 = tpu.memref_slice %arg10[%run_scoped3A_43, %dma_start3A] : memref<16x512xf32, #tpu.memory_space<vmem>> -> memref<1x512xf32, #tpu.memory_space<vmem>>
      %dma_start3A_118 = tpu.memref_squeeze %dma_start3A_117 : memref<1x512xf32, #tpu.memory_space<vmem>> -> memref<512xf32, #tpu.memory_space<vmem>>
      %dma_start3A_119 = tpu.memref_slice %arg6[%add3A_41] : memref<262144xf32, #tpu.memory_space<hbm>> -> memref<512xf32, #tpu.memory_space<hbm>>
      %dma_start3A_120 = tpu.memref_slice %arg6[%add3A_41] : memref<262144xf32, #tpu.memory_space<hbm>> -> memref<512xf32, #tpu.memory_space<hbm>>
      %dma_start3A_121 = arith.constant 0 : i32
      %dma_start3A_122 = tpu.memref_slice %arg10[%run_scoped3A_43, %dma_start3A_121] : memref<16x512xf32, #tpu.memory_space<vmem>> -> memref<1x512xf32, #tpu.memory_space<vmem>>
      %dma_start3A_123 = tpu.memref_squeeze %dma_start3A_122 : memref<1x512xf32, #tpu.memory_space<vmem>> -> memref<512xf32, #tpu.memory_space<vmem>>
      tpu.enqueue_dma source(%dma_start3A_123 : memref<512xf32, #tpu.memory_space<vmem>>) target(%dma_start3A_120 : memref<512xf32, #tpu.memory_space<hbm>>) target_semaphore(%run_scoped3A_116 : memref<!tpu.dma_semaphore, #tpu.memory_space<semaphore_mem>>)
      %dma_wait3A_124 = arith.constant 0 : i32
      %dma_wait3A_125 = tpu.memref_slice %arg10[%run_scoped3A_43, %dma_wait3A_124] : memref<16x512xf32, #tpu.memory_space<vmem>> -> memref<1x512xf32, #tpu.memory_space<vmem>>
      %dma_wait3A_126 = tpu.memref_squeeze %dma_wait3A_125 : memref<1x512xf32, #tpu.memory_space<vmem>> -> memref<512xf32, #tpu.memory_space<vmem>>
      %dma_wait3A_127 = tpu.memref_slice %arg6[%add3A_41] : memref<262144xf32, #tpu.memory_space<hbm>> -> memref<512xf32, #tpu.memory_space<hbm>>
      %dma_wait3A_128 = tpu.memref_slice %arg6[%add3A_41] : memref<262144xf32, #tpu.memory_space<hbm>> -> memref<512xf32, #tpu.memory_space<hbm>>
      %dma_wait3A_129 = arith.constant 0 : i32
      %dma_wait3A_130 = tpu.memref_slice %arg10[%run_scoped3A_43, %dma_wait3A_129] : memref<16x512xf32, #tpu.memory_space<vmem>> -> memref<1x512xf32, #tpu.memory_space<vmem>>
      %dma_wait3A_131 = tpu.memref_squeeze %dma_wait3A_130 : memref<1x512xf32, #tpu.memory_space<vmem>> -> memref<512xf32, #tpu.memory_space<vmem>>
      tpu.wait_dma2 semaphore(%run_scoped3A_116 : memref<!tpu.dma_semaphore, #tpu.memory_space<semaphore_mem>>) src(%dma_wait3A_131 : memref<512xf32, #tpu.memory_space<vmem>>) dst(%dma_wait3A_128 : memref<512xf32, #tpu.memory_space<hbm>>)
      tpu.yield
    }) : () -> ()
    %mul3A_44 = arith.constant 512 : i32
    %mul3A_45 = arith.muli %add3A, %mul3A_44 : i32
    %add3A_46 = arith.constant 65536 : i32
    %add3A_47 = arith.addi %add3A_46, %mul3A_45 : i32
    %run_scoped3A_48 = arith.constant 4 : i32
    "tpu.region"() ({
      %run_scoped3A_116 = tpu.sem_alloc : memref<!tpu.dma_semaphore, #tpu.memory_space<semaphore_mem>>
      %dma_start3A = arith.constant 0 : i32
      %dma_start3A_117 = tpu.memref_slice %arg9[%run_scoped3A_48, %dma_start3A] : memref<16x512xf32, #tpu.memory_space<vmem>> -> memref<1x512xf32, #tpu.memory_space<vmem>>
      %dma_start3A_118 = tpu.memref_squeeze %dma_start3A_117 : memref<1x512xf32, #tpu.memory_space<vmem>> -> memref<512xf32, #tpu.memory_space<vmem>>
      %dma_start3A_119 = tpu.memref_slice %arg5[%add3A_47] : memref<262144xf32, #tpu.memory_space<hbm>> -> memref<512xf32, #tpu.memory_space<hbm>>
      %dma_start3A_120 = tpu.memref_slice %arg5[%add3A_47] : memref<262144xf32, #tpu.memory_space<hbm>> -> memref<512xf32, #tpu.memory_space<hbm>>
      %dma_start3A_121 = arith.constant 0 : i32
      %dma_start3A_122 = tpu.memref_slice %arg9[%run_scoped3A_48, %dma_start3A_121] : memref<16x512xf32, #tpu.memory_space<vmem>> -> memref<1x512xf32, #tpu.memory_space<vmem>>
      %dma_start3A_123 = tpu.memref_squeeze %dma_start3A_122 : memref<1x512xf32, #tpu.memory_space<vmem>> -> memref<512xf32, #tpu.memory_space<vmem>>
      tpu.enqueue_dma source(%dma_start3A_123 : memref<512xf32, #tpu.memory_space<vmem>>) target(%dma_start3A_120 : memref<512xf32, #tpu.memory_space<hbm>>) target_semaphore(%run_scoped3A_116 : memref<!tpu.dma_semaphore, #tpu.memory_space<semaphore_mem>>)
      %dma_wait3A_124 = arith.constant 0 : i32
      %dma_wait3A_125 = tpu.memref_slice %arg9[%run_scoped3A_48, %dma_wait3A_124] : memref<16x512xf32, #tpu.memory_space<vmem>> -> memref<1x512xf32, #tpu.memory_space<vmem>>
      %dma_wait3A_126 = tpu.memref_squeeze %dma_wait3A_125 : memref<1x512xf32, #tpu.memory_space<vmem>> -> memref<512xf32, #tpu.memory_space<vmem>>
      %dma_wait3A_127 = tpu.memref_slice %arg5[%add3A_47] : memref<262144xf32, #tpu.memory_space<hbm>> -> memref<512xf32, #tpu.memory_space<hbm>>
      %dma_wait3A_128 = tpu.memref_slice %arg5[%add3A_47] : memref<262144xf32, #tpu.memory_space<hbm>> -> memref<512xf32, #tpu.memory_space<hbm>>
      %dma_wait3A_129 = arith.constant 0 : i32
      %dma_wait3A_130 = tpu.memref_slice %arg9[%run_scoped3A_48, %dma_wait3A_129] : memref<16x512xf32, #tpu.memory_space<vmem>> -> memref<1x512xf32, #tpu.memory_space<vmem>>
      %dma_wait3A_131 = tpu.memref_squeeze %dma_wait3A_130 : memref<1x512xf32, #tpu.memory_space<vmem>> -> memref<512xf32, #tpu.memory_space<vmem>>
      tpu.wait_dma2 semaphore(%run_scoped3A_116 : memref<!tpu.dma_semaphore, #tpu.memory_space<semaphore_mem>>) src(%dma_wait3A_131 : memref<512xf32, #tpu.memory_space<vmem>>) dst(%dma_wait3A_128 : memref<512xf32, #tpu.memory_space<hbm>>)
      tpu.yield
    }) : () -> ()
    %run_scoped3A_49 = arith.constant 4 : i32
    "tpu.region"() ({
      %run_scoped3A_116 = tpu.sem_alloc : memref<!tpu.dma_semaphore, #tpu.memory_space<semaphore_mem>>
      %dma_start3A = arith.constant 0 : i32
      %dma_start3A_117 = tpu.memref_slice %arg10[%run_scoped3A_49, %dma_start3A] : memref<16x512xf32, #tpu.memory_space<vmem>> -> memref<1x512xf32, #tpu.memory_space<vmem>>
      %dma_start3A_118 = tpu.memref_squeeze %dma_start3A_117 : memref<1x512xf32, #tpu.memory_space<vmem>> -> memref<512xf32, #tpu.memory_space<vmem>>
      %dma_start3A_119 = tpu.memref_slice %arg6[%add3A_47] : memref<262144xf32, #tpu.memory_space<hbm>> -> memref<512xf32, #tpu.memory_space<hbm>>
      %dma_start3A_120 = tpu.memref_slice %arg6[%add3A_47] : memref<262144xf32, #tpu.memory_space<hbm>> -> memref<512xf32, #tpu.memory_space<hbm>>
      %dma_start3A_121 = arith.constant 0 : i32
      %dma_start3A_122 = tpu.memref_slice %arg10[%run_scoped3A_49, %dma_start3A_121] : memref<16x512xf32, #tpu.memory_space<vmem>> -> memref<1x512xf32, #tpu.memory_space<vmem>>
      %dma_start3A_123 = tpu.memref_squeeze %dma_start3A_122 : memref<1x512xf32, #tpu.memory_space<vmem>> -> memref<512xf32, #tpu.memory_space<vmem>>
      tpu.enqueue_dma source(%dma_start3A_123 : memref<512xf32, #tpu.memory_space<vmem>>) target(%dma_start3A_120 : memref<512xf32, #tpu.memory_space<hbm>>) target_semaphore(%run_scoped3A_116 : memref<!tpu.dma_semaphore, #tpu.memory_space<semaphore_mem>>)
      %dma_wait3A_124 = arith.constant 0 : i32
      %dma_wait3A_125 = tpu.memref_slice %arg10[%run_scoped3A_49, %dma_wait3A_124] : memref<16x512xf32, #tpu.memory_space<vmem>> -> memref<1x512xf32, #tpu.memory_space<vmem>>
      %dma_wait3A_126 = tpu.memref_squeeze %dma_wait3A_125 : memref<1x512xf32, #tpu.memory_space<vmem>> -> memref<512xf32, #tpu.memory_space<vmem>>
      %dma_wait3A_127 = tpu.memref_slice %arg6[%add3A_47] : memref<262144xf32, #tpu.memory_space<hbm>> -> memref<512xf32, #tpu.memory_space<hbm>>
      %dma_wait3A_128 = tpu.memref_slice %arg6[%add3A_47] : memref<262144xf32, #tpu.memory_space<hbm>> -> memref<512xf32, #tpu.memory_space<hbm>>
      %dma_wait3A_129 = arith.constant 0 : i32
      %dma_wait3A_130 = tpu.memref_slice %arg10[%run_scoped3A_49, %dma_wait3A_129] : memref<16x512xf32, #tpu.memory_space<vmem>> -> memref<1x512xf32, #tpu.memory_space<vmem>>
      %dma_wait3A_131 = tpu.memref_squeeze %dma_wait3A_130 : memref<1x512xf32, #tpu.memory_space<vmem>> -> memref<512xf32, #tpu.memory_space<vmem>>
      tpu.wait_dma2 semaphore(%run_scoped3A_116 : memref<!tpu.dma_semaphore, #tpu.memory_space<semaphore_mem>>) src(%dma_wait3A_131 : memref<512xf32, #tpu.memory_space<vmem>>) dst(%dma_wait3A_128 : memref<512xf32, #tpu.memory_space<hbm>>)
      tpu.yield
    }) : () -> ()
    %mul3A_50 = arith.constant 512 : i32
    %mul3A_51 = arith.muli %add3A, %mul3A_50 : i32
    %add3A_52 = arith.constant 81920 : i32
    %add3A_53 = arith.addi %add3A_52, %mul3A_51 : i32
    %run_scoped3A_54 = arith.constant 5 : i32
    "tpu.region"() ({
      %run_scoped3A_116 = tpu.sem_alloc : memref<!tpu.dma_semaphore, #tpu.memory_space<semaphore_mem>>
      %dma_start3A = arith.constant 0 : i32
      %dma_start3A_117 = tpu.memref_slice %arg9[%run_scoped3A_54, %dma_start3A] : memref<16x512xf32, #tpu.memory_space<vmem>> -> memref<1x512xf32, #tpu.memory_space<vmem>>
      %dma_start3A_118 = tpu.memref_squeeze %dma_start3A_117 : memref<1x512xf32, #tpu.memory_space<vmem>> -> memref<512xf32, #tpu.memory_space<vmem>>
      %dma_start3A_119 = tpu.memref_slice %arg5[%add3A_53] : memref<262144xf32, #tpu.memory_space<hbm>> -> memref<512xf32, #tpu.memory_space<hbm>>
      %dma_start3A_120 = tpu.memref_slice %arg5[%add3A_53] : memref<262144xf32, #tpu.memory_space<hbm>> -> memref<512xf32, #tpu.memory_space<hbm>>
      %dma_start3A_121 = arith.constant 0 : i32
      %dma_start3A_122 = tpu.memref_slice %arg9[%run_scoped3A_54, %dma_start3A_121] : memref<16x512xf32, #tpu.memory_space<vmem>> -> memref<1x512xf32, #tpu.memory_space<vmem>>
      %dma_start3A_123 = tpu.memref_squeeze %dma_start3A_122 : memref<1x512xf32, #tpu.memory_space<vmem>> -> memref<512xf32, #tpu.memory_space<vmem>>
      tpu.enqueue_dma source(%dma_start3A_123 : memref<512xf32, #tpu.memory_space<vmem>>) target(%dma_start3A_120 : memref<512xf32, #tpu.memory_space<hbm>>) target_semaphore(%run_scoped3A_116 : memref<!tpu.dma_semaphore, #tpu.memory_space<semaphore_mem>>)
      %dma_wait3A_124 = arith.constant 0 : i32
      %dma_wait3A_125 = tpu.memref_slice %arg9[%run_scoped3A_54, %dma_wait3A_124] : memref<16x512xf32, #tpu.memory_space<vmem>> -> memref<1x512xf32, #tpu.memory_space<vmem>>
      %dma_wait3A_126 = tpu.memref_squeeze %dma_wait3A_125 : memref<1x512xf32, #tpu.memory_space<vmem>> -> memref<512xf32, #tpu.memory_space<vmem>>
      %dma_wait3A_127 = tpu.memref_slice %arg5[%add3A_53] : memref<262144xf32, #tpu.memory_space<hbm>> -> memref<512xf32, #tpu.memory_space<hbm>>
      %dma_wait3A_128 = tpu.memref_slice %arg5[%add3A_53] : memref<262144xf32, #tpu.memory_space<hbm>> -> memref<512xf32, #tpu.memory_space<hbm>>
      %dma_wait3A_129 = arith.constant 0 : i32
      %dma_wait3A_130 = tpu.memref_slice %arg9[%run_scoped3A_54, %dma_wait3A_129] : memref<16x512xf32, #tpu.memory_space<vmem>> -> memref<1x512xf32, #tpu.memory_space<vmem>>
      %dma_wait3A_131 = tpu.memref_squeeze %dma_wait3A_130 : memref<1x512xf32, #tpu.memory_space<vmem>> -> memref<512xf32, #tpu.memory_space<vmem>>
      tpu.wait_dma2 semaphore(%run_scoped3A_116 : memref<!tpu.dma_semaphore, #tpu.memory_space<semaphore_mem>>) src(%dma_wait3A_131 : memref<512xf32, #tpu.memory_space<vmem>>) dst(%dma_wait3A_128 : memref<512xf32, #tpu.memory_space<hbm>>)
      tpu.yield
    }) : () -> ()
    %run_scoped3A_55 = arith.constant 5 : i32
    "tpu.region"() ({
      %run_scoped3A_116 = tpu.sem_alloc : memref<!tpu.dma_semaphore, #tpu.memory_space<semaphore_mem>>
      %dma_start3A = arith.constant 0 : i32
      %dma_start3A_117 = tpu.memref_slice %arg10[%run_scoped3A_55, %dma_start3A] : memref<16x512xf32, #tpu.memory_space<vmem>> -> memref<1x512xf32, #tpu.memory_space<vmem>>
      %dma_start3A_118 = tpu.memref_squeeze %dma_start3A_117 : memref<1x512xf32, #tpu.memory_space<vmem>> -> memref<512xf32, #tpu.memory_space<vmem>>
      %dma_start3A_119 = tpu.memref_slice %arg6[%add3A_53] : memref<262144xf32, #tpu.memory_space<hbm>> -> memref<512xf32, #tpu.memory_space<hbm>>
      %dma_start3A_120 = tpu.memref_slice %arg6[%add3A_53] : memref<262144xf32, #tpu.memory_space<hbm>> -> memref<512xf32, #tpu.memory_space<hbm>>
      %dma_start3A_121 = arith.constant 0 : i32
      %dma_start3A_122 = tpu.memref_slice %arg10[%run_scoped3A_55, %dma_start3A_121] : memref<16x512xf32, #tpu.memory_space<vmem>> -> memref<1x512xf32, #tpu.memory_space<vmem>>
      %dma_start3A_123 = tpu.memref_squeeze %dma_start3A_122 : memref<1x512xf32, #tpu.memory_space<vmem>> -> memref<512xf32, #tpu.memory_space<vmem>>
      tpu.enqueue_dma source(%dma_start3A_123 : memref<512xf32, #tpu.memory_space<vmem>>) target(%dma_start3A_120 : memref<512xf32, #tpu.memory_space<hbm>>) target_semaphore(%run_scoped3A_116 : memref<!tpu.dma_semaphore, #tpu.memory_space<semaphore_mem>>)
      %dma_wait3A_124 = arith.constant 0 : i32
      %dma_wait3A_125 = tpu.memref_slice %arg10[%run_scoped3A_55, %dma_wait3A_124] : memref<16x512xf32, #tpu.memory_space<vmem>> -> memref<1x512xf32, #tpu.memory_space<vmem>>
      %dma_wait3A_126 = tpu.memref_squeeze %dma_wait3A_125 : memref<1x512xf32, #tpu.memory_space<vmem>> -> memref<512xf32, #tpu.memory_space<vmem>>
      %dma_wait3A_127 = tpu.memref_slice %arg6[%add3A_53] : memref<262144xf32, #tpu.memory_space<hbm>> -> memref<512xf32, #tpu.memory_space<hbm>>
      %dma_wait3A_128 = tpu.memref_slice %arg6[%add3A_53] : memref<262144xf32, #tpu.memory_space<hbm>> -> memref<512xf32, #tpu.memory_space<hbm>>
      %dma_wait3A_129 = arith.constant 0 : i32
      %dma_wait3A_130 = tpu.memref_slice %arg10[%run_scoped3A_55, %dma_wait3A_129] : memref<16x512xf32, #tpu.memory_space<vmem>> -> memref<1x512xf32, #tpu.memory_space<vmem>>
      %dma_wait3A_131 = tpu.memref_squeeze %dma_wait3A_130 : memref<1x512xf32, #tpu.memory_space<vmem>> -> memref<512xf32, #tpu.memory_space<vmem>>
      tpu.wait_dma2 semaphore(%run_scoped3A_116 : memref<!tpu.dma_semaphore, #tpu.memory_space<semaphore_mem>>) src(%dma_wait3A_131 : memref<512xf32, #tpu.memory_space<vmem>>) dst(%dma_wait3A_128 : memref<512xf32, #tpu.memory_space<hbm>>)
      tpu.yield
    }) : () -> ()
    %mul3A_56 = arith.constant 512 : i32
    %mul3A_57 = arith.muli %add3A, %mul3A_56 : i32
    %add3A_58 = arith.constant 98304 : i32
    %add3A_59 = arith.addi %add3A_58, %mul3A_57 : i32
    %run_scoped3A_60 = arith.constant 6 : i32
    "tpu.region"() ({
      %run_scoped3A_116 = tpu.sem_alloc : memref<!tpu.dma_semaphore, #tpu.memory_space<semaphore_mem>>
      %dma_start3A = arith.constant 0 : i32
      %dma_start3A_117 = tpu.memref_slice %arg9[%run_scoped3A_60, %dma_start3A] : memref<16x512xf32, #tpu.memory_space<vmem>> -> memref<1x512xf32, #tpu.memory_space<vmem>>
      %dma_start3A_118 = tpu.memref_squeeze %dma_start3A_117 : memref<1x512xf32, #tpu.memory_space<vmem>> -> memref<512xf32, #tpu.memory_space<vmem>>
      %dma_start3A_119 = tpu.memref_slice %arg5[%add3A_59] : memref<262144xf32, #tpu.memory_space<hbm>> -> memref<512xf32, #tpu.memory_space<hbm>>
      %dma_start3A_120 = tpu.memref_slice %arg5[%add3A_59] : memref<262144xf32, #tpu.memory_space<hbm>> -> memref<512xf32, #tpu.memory_space<hbm>>
      %dma_start3A_121 = arith.constant 0 : i32
      %dma_start3A_122 = tpu.memref_slice %arg9[%run_scoped3A_60, %dma_start3A_121] : memref<16x512xf32, #tpu.memory_space<vmem>> -> memref<1x512xf32, #tpu.memory_space<vmem>>
      %dma_start3A_123 = tpu.memref_squeeze %dma_start3A_122 : memref<1x512xf32, #tpu.memory_space<vmem>> -> memref<512xf32, #tpu.memory_space<vmem>>
      tpu.enqueue_dma source(%dma_start3A_123 : memref<512xf32, #tpu.memory_space<vmem>>) target(%dma_start3A_120 : memref<512xf32, #tpu.memory_space<hbm>>) target_semaphore(%run_scoped3A_116 : memref<!tpu.dma_semaphore, #tpu.memory_space<semaphore_mem>>)
      %dma_wait3A_124 = arith.constant 0 : i32
      %dma_wait3A_125 = tpu.memref_slice %arg9[%run_scoped3A_60, %dma_wait3A_124] : memref<16x512xf32, #tpu.memory_space<vmem>> -> memref<1x512xf32, #tpu.memory_space<vmem>>
      %dma_wait3A_126 = tpu.memref_squeeze %dma_wait3A_125 : memref<1x512xf32, #tpu.memory_space<vmem>> -> memref<512xf32, #tpu.memory_space<vmem>>
      %dma_wait3A_127 = tpu.memref_slice %arg5[%add3A_59] : memref<262144xf32, #tpu.memory_space<hbm>> -> memref<512xf32, #tpu.memory_space<hbm>>
      %dma_wait3A_128 = tpu.memref_slice %arg5[%add3A_59] : memref<262144xf32, #tpu.memory_space<hbm>> -> memref<512xf32, #tpu.memory_space<hbm>>
      %dma_wait3A_129 = arith.constant 0 : i32
      %dma_wait3A_130 = tpu.memref_slice %arg9[%run_scoped3A_60, %dma_wait3A_129] : memref<16x512xf32, #tpu.memory_space<vmem>> -> memref<1x512xf32, #tpu.memory_space<vmem>>
      %dma_wait3A_131 = tpu.memref_squeeze %dma_wait3A_130 : memref<1x512xf32, #tpu.memory_space<vmem>> -> memref<512xf32, #tpu.memory_space<vmem>>
      tpu.wait_dma2 semaphore(%run_scoped3A_116 : memref<!tpu.dma_semaphore, #tpu.memory_space<semaphore_mem>>) src(%dma_wait3A_131 : memref<512xf32, #tpu.memory_space<vmem>>) dst(%dma_wait3A_128 : memref<512xf32, #tpu.memory_space<hbm>>)
      tpu.yield
    }) : () -> ()
    %run_scoped3A_61 = arith.constant 6 : i32
    "tpu.region"() ({
      %run_scoped3A_116 = tpu.sem_alloc : memref<!tpu.dma_semaphore, #tpu.memory_space<semaphore_mem>>
      %dma_start3A = arith.constant 0 : i32
      %dma_start3A_117 = tpu.memref_slice %arg10[%run_scoped3A_61, %dma_start3A] : memref<16x512xf32, #tpu.memory_space<vmem>> -> memref<1x512xf32, #tpu.memory_space<vmem>>
      %dma_start3A_118 = tpu.memref_squeeze %dma_start3A_117 : memref<1x512xf32, #tpu.memory_space<vmem>> -> memref<512xf32, #tpu.memory_space<vmem>>
      %dma_start3A_119 = tpu.memref_slice %arg6[%add3A_59] : memref<262144xf32, #tpu.memory_space<hbm>> -> memref<512xf32, #tpu.memory_space<hbm>>
      %dma_start3A_120 = tpu.memref_slice %arg6[%add3A_59] : memref<262144xf32, #tpu.memory_space<hbm>> -> memref<512xf32, #tpu.memory_space<hbm>>
      %dma_start3A_121 = arith.constant 0 : i32
      %dma_start3A_122 = tpu.memref_slice %arg10[%run_scoped3A_61, %dma_start3A_121] : memref<16x512xf32, #tpu.memory_space<vmem>> -> memref<1x512xf32, #tpu.memory_space<vmem>>
      %dma_start3A_123 = tpu.memref_squeeze %dma_start3A_122 : memref<1x512xf32, #tpu.memory_space<vmem>> -> memref<512xf32, #tpu.memory_space<vmem>>
      tpu.enqueue_dma source(%dma_start3A_123 : memref<512xf32, #tpu.memory_space<vmem>>) target(%dma_start3A_120 : memref<512xf32, #tpu.memory_space<hbm>>) target_semaphore(%run_scoped3A_116 : memref<!tpu.dma_semaphore, #tpu.memory_space<semaphore_mem>>)
      %dma_wait3A_124 = arith.constant 0 : i32
      %dma_wait3A_125 = tpu.memref_slice %arg10[%run_scoped3A_61, %dma_wait3A_124] : memref<16x512xf32, #tpu.memory_space<vmem>> -> memref<1x512xf32, #tpu.memory_space<vmem>>
      %dma_wait3A_126 = tpu.memref_squeeze %dma_wait3A_125 : memref<1x512xf32, #tpu.memory_space<vmem>> -> memref<512xf32, #tpu.memory_space<vmem>>
      %dma_wait3A_127 = tpu.memref_slice %arg6[%add3A_59] : memref<262144xf32, #tpu.memory_space<hbm>> -> memref<512xf32, #tpu.memory_space<hbm>>
      %dma_wait3A_128 = tpu.memref_slice %arg6[%add3A_59] : memref<262144xf32, #tpu.memory_space<hbm>> -> memref<512xf32, #tpu.memory_space<hbm>>
      %dma_wait3A_129 = arith.constant 0 : i32
      %dma_wait3A_130 = tpu.memref_slice %arg10[%run_scoped3A_61, %dma_wait3A_129] : memref<16x512xf32, #tpu.memory_space<vmem>> -> memref<1x512xf32, #tpu.memory_space<vmem>>
      %dma_wait3A_131 = tpu.memref_squeeze %dma_wait3A_130 : memref<1x512xf32, #tpu.memory_space<vmem>> -> memref<512xf32, #tpu.memory_space<vmem>>
      tpu.wait_dma2 semaphore(%run_scoped3A_116 : memref<!tpu.dma_semaphore, #tpu.memory_space<semaphore_mem>>) src(%dma_wait3A_131 : memref<512xf32, #tpu.memory_space<vmem>>) dst(%dma_wait3A_128 : memref<512xf32, #tpu.memory_space<hbm>>)
      tpu.yield
    }) : () -> ()
    %mul3A_62 = arith.constant 512 : i32
    %mul3A_63 = arith.muli %add3A, %mul3A_62 : i32
    %add3A_64 = arith.constant 114688 : i32
    %add3A_65 = arith.addi %add3A_64, %mul3A_63 : i32
    %run_scoped3A_66 = arith.constant 7 : i32
    "tpu.region"() ({
      %run_scoped3A_116 = tpu.sem_alloc : memref<!tpu.dma_semaphore, #tpu.memory_space<semaphore_mem>>
      %dma_start3A = arith.constant 0 : i32
      %dma_start3A_117 = tpu.memref_slice %arg9[%run_scoped3A_66, %dma_start3A] : memref<16x512xf32, #tpu.memory_space<vmem>> -> memref<1x512xf32, #tpu.memory_space<vmem>>
      %dma_start3A_118 = tpu.memref_squeeze %dma_start3A_117 : memref<1x512xf32, #tpu.memory_space<vmem>> -> memref<512xf32, #tpu.memory_space<vmem>>
      %dma_start3A_119 = tpu.memref_slice %arg5[%add3A_65] : memref<262144xf32, #tpu.memory_space<hbm>> -> memref<512xf32, #tpu.memory_space<hbm>>
      %dma_start3A_120 = tpu.memref_slice %arg5[%add3A_65] : memref<262144xf32, #tpu.memory_space<hbm>> -> memref<512xf32, #tpu.memory_space<hbm>>
      %dma_start3A_121 = arith.constant 0 : i32
      %dma_start3A_122 = tpu.memref_slice %arg9[%run_scoped3A_66, %dma_start3A_121] : memref<16x512xf32, #tpu.memory_space<vmem>> -> memref<1x512xf32, #tpu.memory_space<vmem>>
      %dma_start3A_123 = tpu.memref_squeeze %dma_start3A_122 : memref<1x512xf32, #tpu.memory_space<vmem>> -> memref<512xf32, #tpu.memory_space<vmem>>
      tpu.enqueue_dma source(%dma_start3A_123 : memref<512xf32, #tpu.memory_space<vmem>>) target(%dma_start3A_120 : memref<512xf32, #tpu.memory_space<hbm>>) target_semaphore(%run_scoped3A_116 : memref<!tpu.dma_semaphore, #tpu.memory_space<semaphore_mem>>)
      %dma_wait3A_124 = arith.constant 0 : i32
      %dma_wait3A_125 = tpu.memref_slice %arg9[%run_scoped3A_66, %dma_wait3A_124] : memref<16x512xf32, #tpu.memory_space<vmem>> -> memref<1x512xf32, #tpu.memory_space<vmem>>
      %dma_wait3A_126 = tpu.memref_squeeze %dma_wait3A_125 : memref<1x512xf32, #tpu.memory_space<vmem>> -> memref<512xf32, #tpu.memory_space<vmem>>
      %dma_wait3A_127 = tpu.memref_slice %arg5[%add3A_65] : memref<262144xf32, #tpu.memory_space<hbm>> -> memref<512xf32, #tpu.memory_space<hbm>>
      %dma_wait3A_128 = tpu.memref_slice %arg5[%add3A_65] : memref<262144xf32, #tpu.memory_space<hbm>> -> memref<512xf32, #tpu.memory_space<hbm>>
      %dma_wait3A_129 = arith.constant 0 : i32
      %dma_wait3A_130 = tpu.memref_slice %arg9[%run_scoped3A_66, %dma_wait3A_129] : memref<16x512xf32, #tpu.memory_space<vmem>> -> memref<1x512xf32, #tpu.memory_space<vmem>>
      %dma_wait3A_131 = tpu.memref_squeeze %dma_wait3A_130 : memref<1x512xf32, #tpu.memory_space<vmem>> -> memref<512xf32, #tpu.memory_space<vmem>>
      tpu.wait_dma2 semaphore(%run_scoped3A_116 : memref<!tpu.dma_semaphore, #tpu.memory_space<semaphore_mem>>) src(%dma_wait3A_131 : memref<512xf32, #tpu.memory_space<vmem>>) dst(%dma_wait3A_128 : memref<512xf32, #tpu.memory_space<hbm>>)
      tpu.yield
    }) : () -> ()
    %run_scoped3A_67 = arith.constant 7 : i32
    "tpu.region"() ({
      %run_scoped3A_116 = tpu.sem_alloc : memref<!tpu.dma_semaphore, #tpu.memory_space<semaphore_mem>>
      %dma_start3A = arith.constant 0 : i32
      %dma_start3A_117 = tpu.memref_slice %arg10[%run_scoped3A_67, %dma_start3A] : memref<16x512xf32, #tpu.memory_space<vmem>> -> memref<1x512xf32, #tpu.memory_space<vmem>>
      %dma_start3A_118 = tpu.memref_squeeze %dma_start3A_117 : memref<1x512xf32, #tpu.memory_space<vmem>> -> memref<512xf32, #tpu.memory_space<vmem>>
      %dma_start3A_119 = tpu.memref_slice %arg6[%add3A_65] : memref<262144xf32, #tpu.memory_space<hbm>> -> memref<512xf32, #tpu.memory_space<hbm>>
      %dma_start3A_120 = tpu.memref_slice %arg6[%add3A_65] : memref<262144xf32, #tpu.memory_space<hbm>> -> memref<512xf32, #tpu.memory_space<hbm>>
      %dma_start3A_121 = arith.constant 0 : i32
      %dma_start3A_122 = tpu.memref_slice %arg10[%run_scoped3A_67, %dma_start3A_121] : memref<16x512xf32, #tpu.memory_space<vmem>> -> memref<1x512xf32, #tpu.memory_space<vmem>>
      %dma_start3A_123 = tpu.memref_squeeze %dma_start3A_122 : memref<1x512xf32, #tpu.memory_space<vmem>> -> memref<512xf32, #tpu.memory_space<vmem>>
      tpu.enqueue_dma source(%dma_start3A_123 : memref<512xf32, #tpu.memory_space<vmem>>) target(%dma_start3A_120 : memref<512xf32, #tpu.memory_space<hbm>>) target_semaphore(%run_scoped3A_116 : memref<!tpu.dma_semaphore, #tpu.memory_space<semaphore_mem>>)
      %dma_wait3A_124 = arith.constant 0 : i32
      %dma_wait3A_125 = tpu.memref_slice %arg10[%run_scoped3A_67, %dma_wait3A_124] : memref<16x512xf32, #tpu.memory_space<vmem>> -> memref<1x512xf32, #tpu.memory_space<vmem>>
      %dma_wait3A_126 = tpu.memref_squeeze %dma_wait3A_125 : memref<1x512xf32, #tpu.memory_space<vmem>> -> memref<512xf32, #tpu.memory_space<vmem>>
      %dma_wait3A_127 = tpu.memref_slice %arg6[%add3A_65] : memref<262144xf32, #tpu.memory_space<hbm>> -> memref<512xf32, #tpu.memory_space<hbm>>
      %dma_wait3A_128 = tpu.memref_slice %arg6[%add3A_65] : memref<262144xf32, #tpu.memory_space<hbm>> -> memref<512xf32, #tpu.memory_space<hbm>>
      %dma_wait3A_129 = arith.constant 0 : i32
      %dma_wait3A_130 = tpu.memref_slice %arg10[%run_scoped3A_67, %dma_wait3A_129] : memref<16x512xf32, #tpu.memory_space<vmem>> -> memref<1x512xf32, #tpu.memory_space<vmem>>
      %dma_wait3A_131 = tpu.memref_squeeze %dma_wait3A_130 : memref<1x512xf32, #tpu.memory_space<vmem>> -> memref<512xf32, #tpu.memory_space<vmem>>
      tpu.wait_dma2 semaphore(%run_scoped3A_116 : memref<!tpu.dma_semaphore, #tpu.memory_space<semaphore_mem>>) src(%dma_wait3A_131 : memref<512xf32, #tpu.memory_space<vmem>>) dst(%dma_wait3A_128 : memref<512xf32, #tpu.memory_space<hbm>>)
      tpu.yield
    }) : () -> ()
    %mul3A_68 = arith.constant 512 : i32
    %mul3A_69 = arith.muli %add3A, %mul3A_68 : i32
    %add3A_70 = arith.constant 131072 : i32
    %add3A_71 = arith.addi %add3A_70, %mul3A_69 : i32
    %run_scoped3A_72 = arith.constant 8 : i32
    "tpu.region"() ({
      %run_scoped3A_116 = tpu.sem_alloc : memref<!tpu.dma_semaphore, #tpu.memory_space<semaphore_mem>>
      %dma_start3A = arith.constant 0 : i32
      %dma_start3A_117 = tpu.memref_slice %arg9[%run_scoped3A_72, %dma_start3A] : memref<16x512xf32, #tpu.memory_space<vmem>> -> memref<1x512xf32, #tpu.memory_space<vmem>>
      %dma_start3A_118 = tpu.memref_squeeze %dma_start3A_117 : memref<1x512xf32, #tpu.memory_space<vmem>> -> memref<512xf32, #tpu.memory_space<vmem>>
      %dma_start3A_119 = tpu.memref_slice %arg5[%add3A_71] : memref<262144xf32, #tpu.memory_space<hbm>> -> memref<512xf32, #tpu.memory_space<hbm>>
      %dma_start3A_120 = tpu.memref_slice %arg5[%add3A_71] : memref<262144xf32, #tpu.memory_space<hbm>> -> memref<512xf32, #tpu.memory_space<hbm>>
      %dma_start3A_121 = arith.constant 0 : i32
      %dma_start3A_122 = tpu.memref_slice %arg9[%run_scoped3A_72, %dma_start3A_121] : memref<16x512xf32, #tpu.memory_space<vmem>> -> memref<1x512xf32, #tpu.memory_space<vmem>>
      %dma_start3A_123 = tpu.memref_squeeze %dma_start3A_122 : memref<1x512xf32, #tpu.memory_space<vmem>> -> memref<512xf32, #tpu.memory_space<vmem>>
      tpu.enqueue_dma source(%dma_start3A_123 : memref<512xf32, #tpu.memory_space<vmem>>) target(%dma_start3A_120 : memref<512xf32, #tpu.memory_space<hbm>>) target_semaphore(%run_scoped3A_116 : memref<!tpu.dma_semaphore, #tpu.memory_space<semaphore_mem>>)
      %dma_wait3A_124 = arith.constant 0 : i32
      %dma_wait3A_125 = tpu.memref_slice %arg9[%run_scoped3A_72, %dma_wait3A_124] : memref<16x512xf32, #tpu.memory_space<vmem>> -> memref<1x512xf32, #tpu.memory_space<vmem>>
      %dma_wait3A_126 = tpu.memref_squeeze %dma_wait3A_125 : memref<1x512xf32, #tpu.memory_space<vmem>> -> memref<512xf32, #tpu.memory_space<vmem>>
      %dma_wait3A_127 = tpu.memref_slice %arg5[%add3A_71] : memref<262144xf32, #tpu.memory_space<hbm>> -> memref<512xf32, #tpu.memory_space<hbm>>
      %dma_wait3A_128 = tpu.memref_slice %arg5[%add3A_71] : memref<262144xf32, #tpu.memory_space<hbm>> -> memref<512xf32, #tpu.memory_space<hbm>>
      %dma_wait3A_129 = arith.constant 0 : i32
      %dma_wait3A_130 = tpu.memref_slice %arg9[%run_scoped3A_72, %dma_wait3A_129] : memref<16x512xf32, #tpu.memory_space<vmem>> -> memref<1x512xf32, #tpu.memory_space<vmem>>
      %dma_wait3A_131 = tpu.memref_squeeze %dma_wait3A_130 : memref<1x512xf32, #tpu.memory_space<vmem>> -> memref<512xf32, #tpu.memory_space<vmem>>
      tpu.wait_dma2 semaphore(%run_scoped3A_116 : memref<!tpu.dma_semaphore, #tpu.memory_space<semaphore_mem>>) src(%dma_wait3A_131 : memref<512xf32, #tpu.memory_space<vmem>>) dst(%dma_wait3A_128 : memref<512xf32, #tpu.memory_space<hbm>>)
      tpu.yield
    }) : () -> ()
    %run_scoped3A_73 = arith.constant 8 : i32
    "tpu.region"() ({
      %run_scoped3A_116 = tpu.sem_alloc : memref<!tpu.dma_semaphore, #tpu.memory_space<semaphore_mem>>
      %dma_start3A = arith.constant 0 : i32
      %dma_start3A_117 = tpu.memref_slice %arg10[%run_scoped3A_73, %dma_start3A] : memref<16x512xf32, #tpu.memory_space<vmem>> -> memref<1x512xf32, #tpu.memory_space<vmem>>
      %dma_start3A_118 = tpu.memref_squeeze %dma_start3A_117 : memref<1x512xf32, #tpu.memory_space<vmem>> -> memref<512xf32, #tpu.memory_space<vmem>>
      %dma_start3A_119 = tpu.memref_slice %arg6[%add3A_71] : memref<262144xf32, #tpu.memory_space<hbm>> -> memref<512xf32, #tpu.memory_space<hbm>>
      %dma_start3A_120 = tpu.memref_slice %arg6[%add3A_71] : memref<262144xf32, #tpu.memory_space<hbm>> -> memref<512xf32, #tpu.memory_space<hbm>>
      %dma_start3A_121 = arith.constant 0 : i32
      %dma_start3A_122 = tpu.memref_slice %arg10[%run_scoped3A_73, %dma_start3A_121] : memref<16x512xf32, #tpu.memory_space<vmem>> -> memref<1x512xf32, #tpu.memory_space<vmem>>
      %dma_start3A_123 = tpu.memref_squeeze %dma_start3A_122 : memref<1x512xf32, #tpu.memory_space<vmem>> -> memref<512xf32, #tpu.memory_space<vmem>>
      tpu.enqueue_dma source(%dma_start3A_123 : memref<512xf32, #tpu.memory_space<vmem>>) target(%dma_start3A_120 : memref<512xf32, #tpu.memory_space<hbm>>) target_semaphore(%run_scoped3A_116 : memref<!tpu.dma_semaphore, #tpu.memory_space<semaphore_mem>>)
      %dma_wait3A_124 = arith.constant 0 : i32
      %dma_wait3A_125 = tpu.memref_slice %arg10[%run_scoped3A_73, %dma_wait3A_124] : memref<16x512xf32, #tpu.memory_space<vmem>> -> memref<1x512xf32, #tpu.memory_space<vmem>>
      %dma_wait3A_126 = tpu.memref_squeeze %dma_wait3A_125 : memref<1x512xf32, #tpu.memory_space<vmem>> -> memref<512xf32, #tpu.memory_space<vmem>>
      %dma_wait3A_127 = tpu.memref_slice %arg6[%add3A_71] : memref<262144xf32, #tpu.memory_space<hbm>> -> memref<512xf32, #tpu.memory_space<hbm>>
      %dma_wait3A_128 = tpu.memref_slice %arg6[%add3A_71] : memref<262144xf32, #tpu.memory_space<hbm>> -> memref<512xf32, #tpu.memory_space<hbm>>
      %dma_wait3A_129 = arith.constant 0 : i32
      %dma_wait3A_130 = tpu.memref_slice %arg10[%run_scoped3A_73, %dma_wait3A_129] : memref<16x512xf32, #tpu.memory_space<vmem>> -> memref<1x512xf32, #tpu.memory_space<vmem>>
      %dma_wait3A_131 = tpu.memref_squeeze %dma_wait3A_130 : memref<1x512xf32, #tpu.memory_space<vmem>> -> memref<512xf32, #tpu.memory_space<vmem>>
      tpu.wait_dma2 semaphore(%run_scoped3A_116 : memref<!tpu.dma_semaphore, #tpu.memory_space<semaphore_mem>>) src(%dma_wait3A_131 : memref<512xf32, #tpu.memory_space<vmem>>) dst(%dma_wait3A_128 : memref<512xf32, #tpu.memory_space<hbm>>)
      tpu.yield
    }) : () -> ()
    %mul3A_74 = arith.constant 512 : i32
    %mul3A_75 = arith.muli %add3A, %mul3A_74 : i32
    %add3A_76 = arith.constant 147456 : i32
    %add3A_77 = arith.addi %add3A_76, %mul3A_75 : i32
    %run_scoped3A_78 = arith.constant 9 : i32
    "tpu.region"() ({
      %run_scoped3A_116 = tpu.sem_alloc : memref<!tpu.dma_semaphore, #tpu.memory_space<semaphore_mem>>
      %dma_start3A = arith.constant 0 : i32
      %dma_start3A_117 = tpu.memref_slice %arg9[%run_scoped3A_78, %dma_start3A] : memref<16x512xf32, #tpu.memory_space<vmem>> -> memref<1x512xf32, #tpu.memory_space<vmem>>
      %dma_start3A_118 = tpu.memref_squeeze %dma_start3A_117 : memref<1x512xf32, #tpu.memory_space<vmem>> -> memref<512xf32, #tpu.memory_space<vmem>>
      %dma_start3A_119 = tpu.memref_slice %arg5[%add3A_77] : memref<262144xf32, #tpu.memory_space<hbm>> -> memref<512xf32, #tpu.memory_space<hbm>>
      %dma_start3A_120 = tpu.memref_slice %arg5[%add3A_77] : memref<262144xf32, #tpu.memory_space<hbm>> -> memref<512xf32, #tpu.memory_space<hbm>>
      %dma_start3A_121 = arith.constant 0 : i32
      %dma_start3A_122 = tpu.memref_slice %arg9[%run_scoped3A_78, %dma_start3A_121] : memref<16x512xf32, #tpu.memory_space<vmem>> -> memref<1x512xf32, #tpu.memory_space<vmem>>
      %dma_start3A_123 = tpu.memref_squeeze %dma_start3A_122 : memref<1x512xf32, #tpu.memory_space<vmem>> -> memref<512xf32, #tpu.memory_space<vmem>>
      tpu.enqueue_dma source(%dma_start3A_123 : memref<512xf32, #tpu.memory_space<vmem>>) target(%dma_start3A_120 : memref<512xf32, #tpu.memory_space<hbm>>) target_semaphore(%run_scoped3A_116 : memref<!tpu.dma_semaphore, #tpu.memory_space<semaphore_mem>>)
      %dma_wait3A_124 = arith.constant 0 : i32
      %dma_wait3A_125 = tpu.memref_slice %arg9[%run_scoped3A_78, %dma_wait3A_124] : memref<16x512xf32, #tpu.memory_space<vmem>> -> memref<1x512xf32, #tpu.memory_space<vmem>>
      %dma_wait3A_126 = tpu.memref_squeeze %dma_wait3A_125 : memref<1x512xf32, #tpu.memory_space<vmem>> -> memref<512xf32, #tpu.memory_space<vmem>>
      %dma_wait3A_127 = tpu.memref_slice %arg5[%add3A_77] : memref<262144xf32, #tpu.memory_space<hbm>> -> memref<512xf32, #tpu.memory_space<hbm>>
      %dma_wait3A_128 = tpu.memref_slice %arg5[%add3A_77] : memref<262144xf32, #tpu.memory_space<hbm>> -> memref<512xf32, #tpu.memory_space<hbm>>
      %dma_wait3A_129 = arith.constant 0 : i32
      %dma_wait3A_130 = tpu.memref_slice %arg9[%run_scoped3A_78, %dma_wait3A_129] : memref<16x512xf32, #tpu.memory_space<vmem>> -> memref<1x512xf32, #tpu.memory_space<vmem>>
      %dma_wait3A_131 = tpu.memref_squeeze %dma_wait3A_130 : memref<1x512xf32, #tpu.memory_space<vmem>> -> memref<512xf32, #tpu.memory_space<vmem>>
      tpu.wait_dma2 semaphore(%run_scoped3A_116 : memref<!tpu.dma_semaphore, #tpu.memory_space<semaphore_mem>>) src(%dma_wait3A_131 : memref<512xf32, #tpu.memory_space<vmem>>) dst(%dma_wait3A_128 : memref<512xf32, #tpu.memory_space<hbm>>)
      tpu.yield
    }) : () -> ()
    %run_scoped3A_79 = arith.constant 9 : i32
    "tpu.region"() ({
      %run_scoped3A_116 = tpu.sem_alloc : memref<!tpu.dma_semaphore, #tpu.memory_space<semaphore_mem>>
      %dma_start3A = arith.constant 0 : i32
      %dma_start3A_117 = tpu.memref_slice %arg10[%run_scoped3A_79, %dma_start3A] : memref<16x512xf32, #tpu.memory_space<vmem>> -> memref<1x512xf32, #tpu.memory_space<vmem>>
      %dma_start3A_118 = tpu.memref_squeeze %dma_start3A_117 : memref<1x512xf32, #tpu.memory_space<vmem>> -> memref<512xf32, #tpu.memory_space<vmem>>
      %dma_start3A_119 = tpu.memref_slice %arg6[%add3A_77] : memref<262144xf32, #tpu.memory_space<hbm>> -> memref<512xf32, #tpu.memory_space<hbm>>
      %dma_start3A_120 = tpu.memref_slice %arg6[%add3A_77] : memref<262144xf32, #tpu.memory_space<hbm>> -> memref<512xf32, #tpu.memory_space<hbm>>
      %dma_start3A_121 = arith.constant 0 : i32
      %dma_start3A_122 = tpu.memref_slice %arg10[%run_scoped3A_79, %dma_start3A_121] : memref<16x512xf32, #tpu.memory_space<vmem>> -> memref<1x512xf32, #tpu.memory_space<vmem>>
      %dma_start3A_123 = tpu.memref_squeeze %dma_start3A_122 : memref<1x512xf32, #tpu.memory_space<vmem>> -> memref<512xf32, #tpu.memory_space<vmem>>
      tpu.enqueue_dma source(%dma_start3A_123 : memref<512xf32, #tpu.memory_space<vmem>>) target(%dma_start3A_120 : memref<512xf32, #tpu.memory_space<hbm>>) target_semaphore(%run_scoped3A_116 : memref<!tpu.dma_semaphore, #tpu.memory_space<semaphore_mem>>)
      %dma_wait3A_124 = arith.constant 0 : i32
      %dma_wait3A_125 = tpu.memref_slice %arg10[%run_scoped3A_79, %dma_wait3A_124] : memref<16x512xf32, #tpu.memory_space<vmem>> -> memref<1x512xf32, #tpu.memory_space<vmem>>
      %dma_wait3A_126 = tpu.memref_squeeze %dma_wait3A_125 : memref<1x512xf32, #tpu.memory_space<vmem>> -> memref<512xf32, #tpu.memory_space<vmem>>
      %dma_wait3A_127 = tpu.memref_slice %arg6[%add3A_77] : memref<262144xf32, #tpu.memory_space<hbm>> -> memref<512xf32, #tpu.memory_space<hbm>>
      %dma_wait3A_128 = tpu.memref_slice %arg6[%add3A_77] : memref<262144xf32, #tpu.memory_space<hbm>> -> memref<512xf32, #tpu.memory_space<hbm>>
      %dma_wait3A_129 = arith.constant 0 : i32
      %dma_wait3A_130 = tpu.memref_slice %arg10[%run_scoped3A_79, %dma_wait3A_129] : memref<16x512xf32, #tpu.memory_space<vmem>> -> memref<1x512xf32, #tpu.memory_space<vmem>>
      %dma_wait3A_131 = tpu.memref_squeeze %dma_wait3A_130 : memref<1x512xf32, #tpu.memory_space<vmem>> -> memref<512xf32, #tpu.memory_space<vmem>>
      tpu.wait_dma2 semaphore(%run_scoped3A_116 : memref<!tpu.dma_semaphore, #tpu.memory_space<semaphore_mem>>) src(%dma_wait3A_131 : memref<512xf32, #tpu.memory_space<vmem>>) dst(%dma_wait3A_128 : memref<512xf32, #tpu.memory_space<hbm>>)
      tpu.yield
    }) : () -> ()
    %mul3A_80 = arith.constant 512 : i32
    %mul3A_81 = arith.muli %add3A, %mul3A_80 : i32
    %add3A_82 = arith.constant 163840 : i32
    %add3A_83 = arith.addi %add3A_82, %mul3A_81 : i32
    %run_scoped3A_84 = arith.constant 10 : i32
    "tpu.region"() ({
      %run_scoped3A_116 = tpu.sem_alloc : memref<!tpu.dma_semaphore, #tpu.memory_space<semaphore_mem>>
      %dma_start3A = arith.constant 0 : i32
      %dma_start3A_117 = tpu.memref_slice %arg9[%run_scoped3A_84, %dma_start3A] : memref<16x512xf32, #tpu.memory_space<vmem>> -> memref<1x512xf32, #tpu.memory_space<vmem>>
      %dma_start3A_118 = tpu.memref_squeeze %dma_start3A_117 : memref<1x512xf32, #tpu.memory_space<vmem>> -> memref<512xf32, #tpu.memory_space<vmem>>
      %dma_start3A_119 = tpu.memref_slice %arg5[%add3A_83] : memref<262144xf32, #tpu.memory_space<hbm>> -> memref<512xf32, #tpu.memory_space<hbm>>
      %dma_start3A_120 = tpu.memref_slice %arg5[%add3A_83] : memref<262144xf32, #tpu.memory_space<hbm>> -> memref<512xf32, #tpu.memory_space<hbm>>
      %dma_start3A_121 = arith.constant 0 : i32
      %dma_start3A_122 = tpu.memref_slice %arg9[%run_scoped3A_84, %dma_start3A_121] : memref<16x512xf32, #tpu.memory_space<vmem>> -> memref<1x512xf32, #tpu.memory_space<vmem>>
      %dma_start3A_123 = tpu.memref_squeeze %dma_start3A_122 : memref<1x512xf32, #tpu.memory_space<vmem>> -> memref<512xf32, #tpu.memory_space<vmem>>
      tpu.enqueue_dma source(%dma_start3A_123 : memref<512xf32, #tpu.memory_space<vmem>>) target(%dma_start3A_120 : memref<512xf32, #tpu.memory_space<hbm>>) target_semaphore(%run_scoped3A_116 : memref<!tpu.dma_semaphore, #tpu.memory_space<semaphore_mem>>)
      %dma_wait3A_124 = arith.constant 0 : i32
      %dma_wait3A_125 = tpu.memref_slice %arg9[%run_scoped3A_84, %dma_wait3A_124] : memref<16x512xf32, #tpu.memory_space<vmem>> -> memref<1x512xf32, #tpu.memory_space<vmem>>
      %dma_wait3A_126 = tpu.memref_squeeze %dma_wait3A_125 : memref<1x512xf32, #tpu.memory_space<vmem>> -> memref<512xf32, #tpu.memory_space<vmem>>
      %dma_wait3A_127 = tpu.memref_slice %arg5[%add3A_83] : memref<262144xf32, #tpu.memory_space<hbm>> -> memref<512xf32, #tpu.memory_space<hbm>>
      %dma_wait3A_128 = tpu.memref_slice %arg5[%add3A_83] : memref<262144xf32, #tpu.memory_space<hbm>> -> memref<512xf32, #tpu.memory_space<hbm>>
      %dma_wait3A_129 = arith.constant 0 : i32
      %dma_wait3A_130 = tpu.memref_slice %arg9[%run_scoped3A_84, %dma_wait3A_129] : memref<16x512xf32, #tpu.memory_space<vmem>> -> memref<1x512xf32, #tpu.memory_space<vmem>>
      %dma_wait3A_131 = tpu.memref_squeeze %dma_wait3A_130 : memref<1x512xf32, #tpu.memory_space<vmem>> -> memref<512xf32, #tpu.memory_space<vmem>>
      tpu.wait_dma2 semaphore(%run_scoped3A_116 : memref<!tpu.dma_semaphore, #tpu.memory_space<semaphore_mem>>) src(%dma_wait3A_131 : memref<512xf32, #tpu.memory_space<vmem>>) dst(%dma_wait3A_128 : memref<512xf32, #tpu.memory_space<hbm>>)
      tpu.yield
    }) : () -> ()
    %run_scoped3A_85 = arith.constant 10 : i32
    "tpu.region"() ({
      %run_scoped3A_116 = tpu.sem_alloc : memref<!tpu.dma_semaphore, #tpu.memory_space<semaphore_mem>>
      %dma_start3A = arith.constant 0 : i32
      %dma_start3A_117 = tpu.memref_slice %arg10[%run_scoped3A_85, %dma_start3A] : memref<16x512xf32, #tpu.memory_space<vmem>> -> memref<1x512xf32, #tpu.memory_space<vmem>>
      %dma_start3A_118 = tpu.memref_squeeze %dma_start3A_117 : memref<1x512xf32, #tpu.memory_space<vmem>> -> memref<512xf32, #tpu.memory_space<vmem>>
      %dma_start3A_119 = tpu.memref_slice %arg6[%add3A_83] : memref<262144xf32, #tpu.memory_space<hbm>> -> memref<512xf32, #tpu.memory_space<hbm>>
      %dma_start3A_120 = tpu.memref_slice %arg6[%add3A_83] : memref<262144xf32, #tpu.memory_space<hbm>> -> memref<512xf32, #tpu.memory_space<hbm>>
      %dma_start3A_121 = arith.constant 0 : i32
      %dma_start3A_122 = tpu.memref_slice %arg10[%run_scoped3A_85, %dma_start3A_121] : memref<16x512xf32, #tpu.memory_space<vmem>> -> memref<1x512xf32, #tpu.memory_space<vmem>>
      %dma_start3A_123 = tpu.memref_squeeze %dma_start3A_122 : memref<1x512xf32, #tpu.memory_space<vmem>> -> memref<512xf32, #tpu.memory_space<vmem>>
      tpu.enqueue_dma source(%dma_start3A_123 : memref<512xf32, #tpu.memory_space<vmem>>) target(%dma_start3A_120 : memref<512xf32, #tpu.memory_space<hbm>>) target_semaphore(%run_scoped3A_116 : memref<!tpu.dma_semaphore, #tpu.memory_space<semaphore_mem>>)
      %dma_wait3A_124 = arith.constant 0 : i32
      %dma_wait3A_125 = tpu.memref_slice %arg10[%run_scoped3A_85, %dma_wait3A_124] : memref<16x512xf32, #tpu.memory_space<vmem>> -> memref<1x512xf32, #tpu.memory_space<vmem>>
      %dma_wait3A_126 = tpu.memref_squeeze %dma_wait3A_125 : memref<1x512xf32, #tpu.memory_space<vmem>> -> memref<512xf32, #tpu.memory_space<vmem>>
      %dma_wait3A_127 = tpu.memref_slice %arg6[%add3A_83] : memref<262144xf32, #tpu.memory_space<hbm>> -> memref<512xf32, #tpu.memory_space<hbm>>
      %dma_wait3A_128 = tpu.memref_slice %arg6[%add3A_83] : memref<262144xf32, #tpu.memory_space<hbm>> -> memref<512xf32, #tpu.memory_space<hbm>>
      %dma_wait3A_129 = arith.constant 0 : i32
      %dma_wait3A_130 = tpu.memref_slice %arg10[%run_scoped3A_85, %dma_wait3A_129] : memref<16x512xf32, #tpu.memory_space<vmem>> -> memref<1x512xf32, #tpu.memory_space<vmem>>
      %dma_wait3A_131 = tpu.memref_squeeze %dma_wait3A_130 : memref<1x512xf32, #tpu.memory_space<vmem>> -> memref<512xf32, #tpu.memory_space<vmem>>
      tpu.wait_dma2 semaphore(%run_scoped3A_116 : memref<!tpu.dma_semaphore, #tpu.memory_space<semaphore_mem>>) src(%dma_wait3A_131 : memref<512xf32, #tpu.memory_space<vmem>>) dst(%dma_wait3A_128 : memref<512xf32, #tpu.memory_space<hbm>>)
      tpu.yield
    }) : () -> ()
    %mul3A_86 = arith.constant 512 : i32
    %mul3A_87 = arith.muli %add3A, %mul3A_86 : i32
    %add3A_88 = arith.constant 180224 : i32
    %add3A_89 = arith.addi %add3A_88, %mul3A_87 : i32
    %run_scoped3A_90 = arith.constant 11 : i32
    "tpu.region"() ({
      %run_scoped3A_116 = tpu.sem_alloc : memref<!tpu.dma_semaphore, #tpu.memory_space<semaphore_mem>>
      %dma_start3A = arith.constant 0 : i32
      %dma_start3A_117 = tpu.memref_slice %arg9[%run_scoped3A_90, %dma_start3A] : memref<16x512xf32, #tpu.memory_space<vmem>> -> memref<1x512xf32, #tpu.memory_space<vmem>>
      %dma_start3A_118 = tpu.memref_squeeze %dma_start3A_117 : memref<1x512xf32, #tpu.memory_space<vmem>> -> memref<512xf32, #tpu.memory_space<vmem>>
      %dma_start3A_119 = tpu.memref_slice %arg5[%add3A_89] : memref<262144xf32, #tpu.memory_space<hbm>> -> memref<512xf32, #tpu.memory_space<hbm>>
      %dma_start3A_120 = tpu.memref_slice %arg5[%add3A_89] : memref<262144xf32, #tpu.memory_space<hbm>> -> memref<512xf32, #tpu.memory_space<hbm>>
      %dma_start3A_121 = arith.constant 0 : i32
      %dma_start3A_122 = tpu.memref_slice %arg9[%run_scoped3A_90, %dma_start3A_121] : memref<16x512xf32, #tpu.memory_space<vmem>> -> memref<1x512xf32, #tpu.memory_space<vmem>>
      %dma_start3A_123 = tpu.memref_squeeze %dma_start3A_122 : memref<1x512xf32, #tpu.memory_space<vmem>> -> memref<512xf32, #tpu.memory_space<vmem>>
      tpu.enqueue_dma source(%dma_start3A_123 : memref<512xf32, #tpu.memory_space<vmem>>) target(%dma_start3A_120 : memref<512xf32, #tpu.memory_space<hbm>>) target_semaphore(%run_scoped3A_116 : memref<!tpu.dma_semaphore, #tpu.memory_space<semaphore_mem>>)
      %dma_wait3A_124 = arith.constant 0 : i32
      %dma_wait3A_125 = tpu.memref_slice %arg9[%run_scoped3A_90, %dma_wait3A_124] : memref<16x512xf32, #tpu.memory_space<vmem>> -> memref<1x512xf32, #tpu.memory_space<vmem>>
      %dma_wait3A_126 = tpu.memref_squeeze %dma_wait3A_125 : memref<1x512xf32, #tpu.memory_space<vmem>> -> memref<512xf32, #tpu.memory_space<vmem>>
      %dma_wait3A_127 = tpu.memref_slice %arg5[%add3A_89] : memref<262144xf32, #tpu.memory_space<hbm>> -> memref<512xf32, #tpu.memory_space<hbm>>
      %dma_wait3A_128 = tpu.memref_slice %arg5[%add3A_89] : memref<262144xf32, #tpu.memory_space<hbm>> -> memref<512xf32, #tpu.memory_space<hbm>>
      %dma_wait3A_129 = arith.constant 0 : i32
      %dma_wait3A_130 = tpu.memref_slice %arg9[%run_scoped3A_90, %dma_wait3A_129] : memref<16x512xf32, #tpu.memory_space<vmem>> -> memref<1x512xf32, #tpu.memory_space<vmem>>
      %dma_wait3A_131 = tpu.memref_squeeze %dma_wait3A_130 : memref<1x512xf32, #tpu.memory_space<vmem>> -> memref<512xf32, #tpu.memory_space<vmem>>
      tpu.wait_dma2 semaphore(%run_scoped3A_116 : memref<!tpu.dma_semaphore, #tpu.memory_space<semaphore_mem>>) src(%dma_wait3A_131 : memref<512xf32, #tpu.memory_space<vmem>>) dst(%dma_wait3A_128 : memref<512xf32, #tpu.memory_space<hbm>>)
      tpu.yield
    }) : () -> ()
    %run_scoped3A_91 = arith.constant 11 : i32
    "tpu.region"() ({
      %run_scoped3A_116 = tpu.sem_alloc : memref<!tpu.dma_semaphore, #tpu.memory_space<semaphore_mem>>
      %dma_start3A = arith.constant 0 : i32
      %dma_start3A_117 = tpu.memref_slice %arg10[%run_scoped3A_91, %dma_start3A] : memref<16x512xf32, #tpu.memory_space<vmem>> -> memref<1x512xf32, #tpu.memory_space<vmem>>
      %dma_start3A_118 = tpu.memref_squeeze %dma_start3A_117 : memref<1x512xf32, #tpu.memory_space<vmem>> -> memref<512xf32, #tpu.memory_space<vmem>>
      %dma_start3A_119 = tpu.memref_slice %arg6[%add3A_89] : memref<262144xf32, #tpu.memory_space<hbm>> -> memref<512xf32, #tpu.memory_space<hbm>>
      %dma_start3A_120 = tpu.memref_slice %arg6[%add3A_89] : memref<262144xf32, #tpu.memory_space<hbm>> -> memref<512xf32, #tpu.memory_space<hbm>>
      %dma_start3A_121 = arith.constant 0 : i32
      %dma_start3A_122 = tpu.memref_slice %arg10[%run_scoped3A_91, %dma_start3A_121] : memref<16x512xf32, #tpu.memory_space<vmem>> -> memref<1x512xf32, #tpu.memory_space<vmem>>
      %dma_start3A_123 = tpu.memref_squeeze %dma_start3A_122 : memref<1x512xf32, #tpu.memory_space<vmem>> -> memref<512xf32, #tpu.memory_space<vmem>>
      tpu.enqueue_dma source(%dma_start3A_123 : memref<512xf32, #tpu.memory_space<vmem>>) target(%dma_start3A_120 : memref<512xf32, #tpu.memory_space<hbm>>) target_semaphore(%run_scoped3A_116 : memref<!tpu.dma_semaphore, #tpu.memory_space<semaphore_mem>>)
      %dma_wait3A_124 = arith.constant 0 : i32
      %dma_wait3A_125 = tpu.memref_slice %arg10[%run_scoped3A_91, %dma_wait3A_124] : memref<16x512xf32, #tpu.memory_space<vmem>> -> memref<1x512xf32, #tpu.memory_space<vmem>>
      %dma_wait3A_126 = tpu.memref_squeeze %dma_wait3A_125 : memref<1x512xf32, #tpu.memory_space<vmem>> -> memref<512xf32, #tpu.memory_space<vmem>>
      %dma_wait3A_127 = tpu.memref_slice %arg6[%add3A_89] : memref<262144xf32, #tpu.memory_space<hbm>> -> memref<512xf32, #tpu.memory_space<hbm>>
      %dma_wait3A_128 = tpu.memref_slice %arg6[%add3A_89] : memref<262144xf32, #tpu.memory_space<hbm>> -> memref<512xf32, #tpu.memory_space<hbm>>
      %dma_wait3A_129 = arith.constant 0 : i32
      %dma_wait3A_130 = tpu.memref_slice %arg10[%run_scoped3A_91, %dma_wait3A_129] : memref<16x512xf32, #tpu.memory_space<vmem>> -> memref<1x512xf32, #tpu.memory_space<vmem>>
      %dma_wait3A_131 = tpu.memref_squeeze %dma_wait3A_130 : memref<1x512xf32, #tpu.memory_space<vmem>> -> memref<512xf32, #tpu.memory_space<vmem>>
      tpu.wait_dma2 semaphore(%run_scoped3A_116 : memref<!tpu.dma_semaphore, #tpu.memory_space<semaphore_mem>>) src(%dma_wait3A_131 : memref<512xf32, #tpu.memory_space<vmem>>) dst(%dma_wait3A_128 : memref<512xf32, #tpu.memory_space<hbm>>)
      tpu.yield
    }) : () -> ()
    %mul3A_92 = arith.constant 512 : i32
    %mul3A_93 = arith.muli %add3A, %mul3A_92 : i32
    %add3A_94 = arith.constant 196608 : i32
    %add3A_95 = arith.addi %add3A_94, %mul3A_93 : i32
    %run_scoped3A_96 = arith.constant 12 : i32
    "tpu.region"() ({
      %run_scoped3A_116 = tpu.sem_alloc : memref<!tpu.dma_semaphore, #tpu.memory_space<semaphore_mem>>
      %dma_start3A = arith.constant 0 : i32
      %dma_start3A_117 = tpu.memref_slice %arg9[%run_scoped3A_96, %dma_start3A] : memref<16x512xf32, #tpu.memory_space<vmem>> -> memref<1x512xf32, #tpu.memory_space<vmem>>
      %dma_start3A_118 = tpu.memref_squeeze %dma_start3A_117 : memref<1x512xf32, #tpu.memory_space<vmem>> -> memref<512xf32, #tpu.memory_space<vmem>>
      %dma_start3A_119 = tpu.memref_slice %arg5[%add3A_95] : memref<262144xf32, #tpu.memory_space<hbm>> -> memref<512xf32, #tpu.memory_space<hbm>>
      %dma_start3A_120 = tpu.memref_slice %arg5[%add3A_95] : memref<262144xf32, #tpu.memory_space<hbm>> -> memref<512xf32, #tpu.memory_space<hbm>>
      %dma_start3A_121 = arith.constant 0 : i32
      %dma_start3A_122 = tpu.memref_slice %arg9[%run_scoped3A_96, %dma_start3A_121] : memref<16x512xf32, #tpu.memory_space<vmem>> -> memref<1x512xf32, #tpu.memory_space<vmem>>
      %dma_start3A_123 = tpu.memref_squeeze %dma_start3A_122 : memref<1x512xf32, #tpu.memory_space<vmem>> -> memref<512xf32, #tpu.memory_space<vmem>>
      tpu.enqueue_dma source(%dma_start3A_123 : memref<512xf32, #tpu.memory_space<vmem>>) target(%dma_start3A_120 : memref<512xf32, #tpu.memory_space<hbm>>) target_semaphore(%run_scoped3A_116 : memref<!tpu.dma_semaphore, #tpu.memory_space<semaphore_mem>>)
      %dma_wait3A_124 = arith.constant 0 : i32
      %dma_wait3A_125 = tpu.memref_slice %arg9[%run_scoped3A_96, %dma_wait3A_124] : memref<16x512xf32, #tpu.memory_space<vmem>> -> memref<1x512xf32, #tpu.memory_space<vmem>>
      %dma_wait3A_126 = tpu.memref_squeeze %dma_wait3A_125 : memref<1x512xf32, #tpu.memory_space<vmem>> -> memref<512xf32, #tpu.memory_space<vmem>>
      %dma_wait3A_127 = tpu.memref_slice %arg5[%add3A_95] : memref<262144xf32, #tpu.memory_space<hbm>> -> memref<512xf32, #tpu.memory_space<hbm>>
      %dma_wait3A_128 = tpu.memref_slice %arg5[%add3A_95] : memref<262144xf32, #tpu.memory_space<hbm>> -> memref<512xf32, #tpu.memory_space<hbm>>
      %dma_wait3A_129 = arith.constant 0 : i32
      %dma_wait3A_130 = tpu.memref_slice %arg9[%run_scoped3A_96, %dma_wait3A_129] : memref<16x512xf32, #tpu.memory_space<vmem>> -> memref<1x512xf32, #tpu.memory_space<vmem>>
      %dma_wait3A_131 = tpu.memref_squeeze %dma_wait3A_130 : memref<1x512xf32, #tpu.memory_space<vmem>> -> memref<512xf32, #tpu.memory_space<vmem>>
      tpu.wait_dma2 semaphore(%run_scoped3A_116 : memref<!tpu.dma_semaphore, #tpu.memory_space<semaphore_mem>>) src(%dma_wait3A_131 : memref<512xf32, #tpu.memory_space<vmem>>) dst(%dma_wait3A_128 : memref<512xf32, #tpu.memory_space<hbm>>)
      tpu.yield
    }) : () -> ()
    %run_scoped3A_97 = arith.constant 12 : i32
    "tpu.region"() ({
      %run_scoped3A_116 = tpu.sem_alloc : memref<!tpu.dma_semaphore, #tpu.memory_space<semaphore_mem>>
      %dma_start3A = arith.constant 0 : i32
      %dma_start3A_117 = tpu.memref_slice %arg10[%run_scoped3A_97, %dma_start3A] : memref<16x512xf32, #tpu.memory_space<vmem>> -> memref<1x512xf32, #tpu.memory_space<vmem>>
      %dma_start3A_118 = tpu.memref_squeeze %dma_start3A_117 : memref<1x512xf32, #tpu.memory_space<vmem>> -> memref<512xf32, #tpu.memory_space<vmem>>
      %dma_start3A_119 = tpu.memref_slice %arg6[%add3A_95] : memref<262144xf32, #tpu.memory_space<hbm>> -> memref<512xf32, #tpu.memory_space<hbm>>
      %dma_start3A_120 = tpu.memref_slice %arg6[%add3A_95] : memref<262144xf32, #tpu.memory_space<hbm>> -> memref<512xf32, #tpu.memory_space<hbm>>
      %dma_start3A_121 = arith.constant 0 : i32
      %dma_start3A_122 = tpu.memref_slice %arg10[%run_scoped3A_97, %dma_start3A_121] : memref<16x512xf32, #tpu.memory_space<vmem>> -> memref<1x512xf32, #tpu.memory_space<vmem>>
      %dma_start3A_123 = tpu.memref_squeeze %dma_start3A_122 : memref<1x512xf32, #tpu.memory_space<vmem>> -> memref<512xf32, #tpu.memory_space<vmem>>
      tpu.enqueue_dma source(%dma_start3A_123 : memref<512xf32, #tpu.memory_space<vmem>>) target(%dma_start3A_120 : memref<512xf32, #tpu.memory_space<hbm>>) target_semaphore(%run_scoped3A_116 : memref<!tpu.dma_semaphore, #tpu.memory_space<semaphore_mem>>)
      %dma_wait3A_124 = arith.constant 0 : i32
      %dma_wait3A_125 = tpu.memref_slice %arg10[%run_scoped3A_97, %dma_wait3A_124] : memref<16x512xf32, #tpu.memory_space<vmem>> -> memref<1x512xf32, #tpu.memory_space<vmem>>
      %dma_wait3A_126 = tpu.memref_squeeze %dma_wait3A_125 : memref<1x512xf32, #tpu.memory_space<vmem>> -> memref<512xf32, #tpu.memory_space<vmem>>
      %dma_wait3A_127 = tpu.memref_slice %arg6[%add3A_95] : memref<262144xf32, #tpu.memory_space<hbm>> -> memref<512xf32, #tpu.memory_space<hbm>>
      %dma_wait3A_128 = tpu.memref_slice %arg6[%add3A_95] : memref<262144xf32, #tpu.memory_space<hbm>> -> memref<512xf32, #tpu.memory_space<hbm>>
      %dma_wait3A_129 = arith.constant 0 : i32
      %dma_wait3A_130 = tpu.memref_slice %arg10[%run_scoped3A_97, %dma_wait3A_129] : memref<16x512xf32, #tpu.memory_space<vmem>> -> memref<1x512xf32, #tpu.memory_space<vmem>>
      %dma_wait3A_131 = tpu.memref_squeeze %dma_wait3A_130 : memref<1x512xf32, #tpu.memory_space<vmem>> -> memref<512xf32, #tpu.memory_space<vmem>>
      tpu.wait_dma2 semaphore(%run_scoped3A_116 : memref<!tpu.dma_semaphore, #tpu.memory_space<semaphore_mem>>) src(%dma_wait3A_131 : memref<512xf32, #tpu.memory_space<vmem>>) dst(%dma_wait3A_128 : memref<512xf32, #tpu.memory_space<hbm>>)
      tpu.yield
    }) : () -> ()
    %mul3A_98 = arith.constant 512 : i32
    %mul3A_99 = arith.muli %add3A, %mul3A_98 : i32
    %add3A_100 = arith.constant 212992 : i32
    %add3A_101 = arith.addi %add3A_100, %mul3A_99 : i32
    %run_scoped3A_102 = arith.constant 13 : i32
    "tpu.region"() ({
      %run_scoped3A_116 = tpu.sem_alloc : memref<!tpu.dma_semaphore, #tpu.memory_space<semaphore_mem>>
      %dma_start3A = arith.constant 0 : i32
      %dma_start3A_117 = tpu.memref_slice %arg9[%run_scoped3A_102, %dma_start3A] : memref<16x512xf32, #tpu.memory_space<vmem>> -> memref<1x512xf32, #tpu.memory_space<vmem>>
      %dma_start3A_118 = tpu.memref_squeeze %dma_start3A_117 : memref<1x512xf32, #tpu.memory_space<vmem>> -> memref<512xf32, #tpu.memory_space<vmem>>
      %dma_start3A_119 = tpu.memref_slice %arg5[%add3A_101] : memref<262144xf32, #tpu.memory_space<hbm>> -> memref<512xf32, #tpu.memory_space<hbm>>
      %dma_start3A_120 = tpu.memref_slice %arg5[%add3A_101] : memref<262144xf32, #tpu.memory_space<hbm>> -> memref<512xf32, #tpu.memory_space<hbm>>
      %dma_start3A_121 = arith.constant 0 : i32
      %dma_start3A_122 = tpu.memref_slice %arg9[%run_scoped3A_102, %dma_start3A_121] : memref<16x512xf32, #tpu.memory_space<vmem>> -> memref<1x512xf32, #tpu.memory_space<vmem>>
      %dma_start3A_123 = tpu.memref_squeeze %dma_start3A_122 : memref<1x512xf32, #tpu.memory_space<vmem>> -> memref<512xf32, #tpu.memory_space<vmem>>
      tpu.enqueue_dma source(%dma_start3A_123 : memref<512xf32, #tpu.memory_space<vmem>>) target(%dma_start3A_120 : memref<512xf32, #tpu.memory_space<hbm>>) target_semaphore(%run_scoped3A_116 : memref<!tpu.dma_semaphore, #tpu.memory_space<semaphore_mem>>)
      %dma_wait3A_124 = arith.constant 0 : i32
      %dma_wait3A_125 = tpu.memref_slice %arg9[%run_scoped3A_102, %dma_wait3A_124] : memref<16x512xf32, #tpu.memory_space<vmem>> -> memref<1x512xf32, #tpu.memory_space<vmem>>
      %dma_wait3A_126 = tpu.memref_squeeze %dma_wait3A_125 : memref<1x512xf32, #tpu.memory_space<vmem>> -> memref<512xf32, #tpu.memory_space<vmem>>
      %dma_wait3A_127 = tpu.memref_slice %arg5[%add3A_101] : memref<262144xf32, #tpu.memory_space<hbm>> -> memref<512xf32, #tpu.memory_space<hbm>>
      %dma_wait3A_128 = tpu.memref_slice %arg5[%add3A_101] : memref<262144xf32, #tpu.memory_space<hbm>> -> memref<512xf32, #tpu.memory_space<hbm>>
      %dma_wait3A_129 = arith.constant 0 : i32
      %dma_wait3A_130 = tpu.memref_slice %arg9[%run_scoped3A_102, %dma_wait3A_129] : memref<16x512xf32, #tpu.memory_space<vmem>> -> memref<1x512xf32, #tpu.memory_space<vmem>>
      %dma_wait3A_131 = tpu.memref_squeeze %dma_wait3A_130 : memref<1x512xf32, #tpu.memory_space<vmem>> -> memref<512xf32, #tpu.memory_space<vmem>>
      tpu.wait_dma2 semaphore(%run_scoped3A_116 : memref<!tpu.dma_semaphore, #tpu.memory_space<semaphore_mem>>) src(%dma_wait3A_131 : memref<512xf32, #tpu.memory_space<vmem>>) dst(%dma_wait3A_128 : memref<512xf32, #tpu.memory_space<hbm>>)
      tpu.yield
    }) : () -> ()
    %run_scoped3A_103 = arith.constant 13 : i32
    "tpu.region"() ({
      %run_scoped3A_116 = tpu.sem_alloc : memref<!tpu.dma_semaphore, #tpu.memory_space<semaphore_mem>>
      %dma_start3A = arith.constant 0 : i32
      %dma_start3A_117 = tpu.memref_slice %arg10[%run_scoped3A_103, %dma_start3A] : memref<16x512xf32, #tpu.memory_space<vmem>> -> memref<1x512xf32, #tpu.memory_space<vmem>>
      %dma_start3A_118 = tpu.memref_squeeze %dma_start3A_117 : memref<1x512xf32, #tpu.memory_space<vmem>> -> memref<512xf32, #tpu.memory_space<vmem>>
      %dma_start3A_119 = tpu.memref_slice %arg6[%add3A_101] : memref<262144xf32, #tpu.memory_space<hbm>> -> memref<512xf32, #tpu.memory_space<hbm>>
      %dma_start3A_120 = tpu.memref_slice %arg6[%add3A_101] : memref<262144xf32, #tpu.memory_space<hbm>> -> memref<512xf32, #tpu.memory_space<hbm>>
      %dma_start3A_121 = arith.constant 0 : i32
      %dma_start3A_122 = tpu.memref_slice %arg10[%run_scoped3A_103, %dma_start3A_121] : memref<16x512xf32, #tpu.memory_space<vmem>> -> memref<1x512xf32, #tpu.memory_space<vmem>>
      %dma_start3A_123 = tpu.memref_squeeze %dma_start3A_122 : memref<1x512xf32, #tpu.memory_space<vmem>> -> memref<512xf32, #tpu.memory_space<vmem>>
      tpu.enqueue_dma source(%dma_start3A_123 : memref<512xf32, #tpu.memory_space<vmem>>) target(%dma_start3A_120 : memref<512xf32, #tpu.memory_space<hbm>>) target_semaphore(%run_scoped3A_116 : memref<!tpu.dma_semaphore, #tpu.memory_space<semaphore_mem>>)
      %dma_wait3A_124 = arith.constant 0 : i32
      %dma_wait3A_125 = tpu.memref_slice %arg10[%run_scoped3A_103, %dma_wait3A_124] : memref<16x512xf32, #tpu.memory_space<vmem>> -> memref<1x512xf32, #tpu.memory_space<vmem>>
      %dma_wait3A_126 = tpu.memref_squeeze %dma_wait3A_125 : memref<1x512xf32, #tpu.memory_space<vmem>> -> memref<512xf32, #tpu.memory_space<vmem>>
      %dma_wait3A_127 = tpu.memref_slice %arg6[%add3A_101] : memref<262144xf32, #tpu.memory_space<hbm>> -> memref<512xf32, #tpu.memory_space<hbm>>
      %dma_wait3A_128 = tpu.memref_slice %arg6[%add3A_101] : memref<262144xf32, #tpu.memory_space<hbm>> -> memref<512xf32, #tpu.memory_space<hbm>>
      %dma_wait3A_129 = arith.constant 0 : i32
      %dma_wait3A_130 = tpu.memref_slice %arg10[%run_scoped3A_103, %dma_wait3A_129] : memref<16x512xf32, #tpu.memory_space<vmem>> -> memref<1x512xf32, #tpu.memory_space<vmem>>
      %dma_wait3A_131 = tpu.memref_squeeze %dma_wait3A_130 : memref<1x512xf32, #tpu.memory_space<vmem>> -> memref<512xf32, #tpu.memory_space<vmem>>
      tpu.wait_dma2 semaphore(%run_scoped3A_116 : memref<!tpu.dma_semaphore, #tpu.memory_space<semaphore_mem>>) src(%dma_wait3A_131 : memref<512xf32, #tpu.memory_space<vmem>>) dst(%dma_wait3A_128 : memref<512xf32, #tpu.memory_space<hbm>>)
      tpu.yield
    }) : () -> ()
    %mul3A_104 = arith.constant 512 : i32
    %mul3A_105 = arith.muli %add3A, %mul3A_104 : i32
    %add3A_106 = arith.constant 229376 : i32
    %add3A_107 = arith.addi %add3A_106, %mul3A_105 : i32
    %run_scoped3A_108 = arith.constant 14 : i32
    "tpu.region"() ({
      %run_scoped3A_116 = tpu.sem_alloc : memref<!tpu.dma_semaphore, #tpu.memory_space<semaphore_mem>>
      %dma_start3A = arith.constant 0 : i32
      %dma_start3A_117 = tpu.memref_slice %arg9[%run_scoped3A_108, %dma_start3A] : memref<16x512xf32, #tpu.memory_space<vmem>> -> memref<1x512xf32, #tpu.memory_space<vmem>>
      %dma_start3A_118 = tpu.memref_squeeze %dma_start3A_117 : memref<1x512xf32, #tpu.memory_space<vmem>> -> memref<512xf32, #tpu.memory_space<vmem>>
      %dma_start3A_119 = tpu.memref_slice %arg5[%add3A_107] : memref<262144xf32, #tpu.memory_space<hbm>> -> memref<512xf32, #tpu.memory_space<hbm>>
      %dma_start3A_120 = tpu.memref_slice %arg5[%add3A_107] : memref<262144xf32, #tpu.memory_space<hbm>> -> memref<512xf32, #tpu.memory_space<hbm>>
      %dma_start3A_121 = arith.constant 0 : i32
      %dma_start3A_122 = tpu.memref_slice %arg9[%run_scoped3A_108, %dma_start3A_121] : memref<16x512xf32, #tpu.memory_space<vmem>> -> memref<1x512xf32, #tpu.memory_space<vmem>>
      %dma_start3A_123 = tpu.memref_squeeze %dma_start3A_122 : memref<1x512xf32, #tpu.memory_space<vmem>> -> memref<512xf32, #tpu.memory_space<vmem>>
      tpu.enqueue_dma source(%dma_start3A_123 : memref<512xf32, #tpu.memory_space<vmem>>) target(%dma_start3A_120 : memref<512xf32, #tpu.memory_space<hbm>>) target_semaphore(%run_scoped3A_116 : memref<!tpu.dma_semaphore, #tpu.memory_space<semaphore_mem>>)
      %dma_wait3A_124 = arith.constant 0 : i32
      %dma_wait3A_125 = tpu.memref_slice %arg9[%run_scoped3A_108, %dma_wait3A_124] : memref<16x512xf32, #tpu.memory_space<vmem>> -> memref<1x512xf32, #tpu.memory_space<vmem>>
      %dma_wait3A_126 = tpu.memref_squeeze %dma_wait3A_125 : memref<1x512xf32, #tpu.memory_space<vmem>> -> memref<512xf32, #tpu.memory_space<vmem>>
      %dma_wait3A_127 = tpu.memref_slice %arg5[%add3A_107] : memref<262144xf32, #tpu.memory_space<hbm>> -> memref<512xf32, #tpu.memory_space<hbm>>
      %dma_wait3A_128 = tpu.memref_slice %arg5[%add3A_107] : memref<262144xf32, #tpu.memory_space<hbm>> -> memref<512xf32, #tpu.memory_space<hbm>>
      %dma_wait3A_129 = arith.constant 0 : i32
      %dma_wait3A_130 = tpu.memref_slice %arg9[%run_scoped3A_108, %dma_wait3A_129] : memref<16x512xf32, #tpu.memory_space<vmem>> -> memref<1x512xf32, #tpu.memory_space<vmem>>
      %dma_wait3A_131 = tpu.memref_squeeze %dma_wait3A_130 : memref<1x512xf32, #tpu.memory_space<vmem>> -> memref<512xf32, #tpu.memory_space<vmem>>
      tpu.wait_dma2 semaphore(%run_scoped3A_116 : memref<!tpu.dma_semaphore, #tpu.memory_space<semaphore_mem>>) src(%dma_wait3A_131 : memref<512xf32, #tpu.memory_space<vmem>>) dst(%dma_wait3A_128 : memref<512xf32, #tpu.memory_space<hbm>>)
      tpu.yield
    }) : () -> ()
    %run_scoped3A_109 = arith.constant 14 : i32
    "tpu.region"() ({
      %run_scoped3A_116 = tpu.sem_alloc : memref<!tpu.dma_semaphore, #tpu.memory_space<semaphore_mem>>
      %dma_start3A = arith.constant 0 : i32
      %dma_start3A_117 = tpu.memref_slice %arg10[%run_scoped3A_109, %dma_start3A] : memref<16x512xf32, #tpu.memory_space<vmem>> -> memref<1x512xf32, #tpu.memory_space<vmem>>
      %dma_start3A_118 = tpu.memref_squeeze %dma_start3A_117 : memref<1x512xf32, #tpu.memory_space<vmem>> -> memref<512xf32, #tpu.memory_space<vmem>>
      %dma_start3A_119 = tpu.memref_slice %arg6[%add3A_107] : memref<262144xf32, #tpu.memory_space<hbm>> -> memref<512xf32, #tpu.memory_space<hbm>>
      %dma_start3A_120 = tpu.memref_slice %arg6[%add3A_107] : memref<262144xf32, #tpu.memory_space<hbm>> -> memref<512xf32, #tpu.memory_space<hbm>>
      %dma_start3A_121 = arith.constant 0 : i32
      %dma_start3A_122 = tpu.memref_slice %arg10[%run_scoped3A_109, %dma_start3A_121] : memref<16x512xf32, #tpu.memory_space<vmem>> -> memref<1x512xf32, #tpu.memory_space<vmem>>
      %dma_start3A_123 = tpu.memref_squeeze %dma_start3A_122 : memref<1x512xf32, #tpu.memory_space<vmem>> -> memref<512xf32, #tpu.memory_space<vmem>>
      tpu.enqueue_dma source(%dma_start3A_123 : memref<512xf32, #tpu.memory_space<vmem>>) target(%dma_start3A_120 : memref<512xf32, #tpu.memory_space<hbm>>) target_semaphore(%run_scoped3A_116 : memref<!tpu.dma_semaphore, #tpu.memory_space<semaphore_mem>>)
      %dma_wait3A_124 = arith.constant 0 : i32
      %dma_wait3A_125 = tpu.memref_slice %arg10[%run_scoped3A_109, %dma_wait3A_124] : memref<16x512xf32, #tpu.memory_space<vmem>> -> memref<1x512xf32, #tpu.memory_space<vmem>>
      %dma_wait3A_126 = tpu.memref_squeeze %dma_wait3A_125 : memref<1x512xf32, #tpu.memory_space<vmem>> -> memref<512xf32, #tpu.memory_space<vmem>>
      %dma_wait3A_127 = tpu.memref_slice %arg6[%add3A_107] : memref<262144xf32, #tpu.memory_space<hbm>> -> memref<512xf32, #tpu.memory_space<hbm>>
      %dma_wait3A_128 = tpu.memref_slice %arg6[%add3A_107] : memref<262144xf32, #tpu.memory_space<hbm>> -> memref<512xf32, #tpu.memory_space<hbm>>
      %dma_wait3A_129 = arith.constant 0 : i32
      %dma_wait3A_130 = tpu.memref_slice %arg10[%run_scoped3A_109, %dma_wait3A_129] : memref<16x512xf32, #tpu.memory_space<vmem>> -> memref<1x512xf32, #tpu.memory_space<vmem>>
      %dma_wait3A_131 = tpu.memref_squeeze %dma_wait3A_130 : memref<1x512xf32, #tpu.memory_space<vmem>> -> memref<512xf32, #tpu.memory_space<vmem>>
      tpu.wait_dma2 semaphore(%run_scoped3A_116 : memref<!tpu.dma_semaphore, #tpu.memory_space<semaphore_mem>>) src(%dma_wait3A_131 : memref<512xf32, #tpu.memory_space<vmem>>) dst(%dma_wait3A_128 : memref<512xf32, #tpu.memory_space<hbm>>)
      tpu.yield
    }) : () -> ()
    %mul3A_110 = arith.constant 512 : i32
    %mul3A_111 = arith.muli %add3A, %mul3A_110 : i32
    %add3A_112 = arith.constant 245760 : i32
    %add3A_113 = arith.addi %add3A_112, %mul3A_111 : i32
    %run_scoped3A_114 = arith.constant 15 : i32
    "tpu.region"() ({
      %run_scoped3A_116 = tpu.sem_alloc : memref<!tpu.dma_semaphore, #tpu.memory_space<semaphore_mem>>
      %dma_start3A = arith.constant 0 : i32
      %dma_start3A_117 = tpu.memref_slice %arg9[%run_scoped3A_114, %dma_start3A] : memref<16x512xf32, #tpu.memory_space<vmem>> -> memref<1x512xf32, #tpu.memory_space<vmem>>
      %dma_start3A_118 = tpu.memref_squeeze %dma_start3A_117 : memref<1x512xf32, #tpu.memory_space<vmem>> -> memref<512xf32, #tpu.memory_space<vmem>>
      %dma_start3A_119 = tpu.memref_slice %arg5[%add3A_113] : memref<262144xf32, #tpu.memory_space<hbm>> -> memref<512xf32, #tpu.memory_space<hbm>>
      %dma_start3A_120 = tpu.memref_slice %arg5[%add3A_113] : memref<262144xf32, #tpu.memory_space<hbm>> -> memref<512xf32, #tpu.memory_space<hbm>>
      %dma_start3A_121 = arith.constant 0 : i32
      %dma_start3A_122 = tpu.memref_slice %arg9[%run_scoped3A_114, %dma_start3A_121] : memref<16x512xf32, #tpu.memory_space<vmem>> -> memref<1x512xf32, #tpu.memory_space<vmem>>
      %dma_start3A_123 = tpu.memref_squeeze %dma_start3A_122 : memref<1x512xf32, #tpu.memory_space<vmem>> -> memref<512xf32, #tpu.memory_space<vmem>>
      tpu.enqueue_dma source(%dma_start3A_123 : memref<512xf32, #tpu.memory_space<vmem>>) target(%dma_start3A_120 : memref<512xf32, #tpu.memory_space<hbm>>) target_semaphore(%run_scoped3A_116 : memref<!tpu.dma_semaphore, #tpu.memory_space<semaphore_mem>>)
      %dma_wait3A_124 = arith.constant 0 : i32
      %dma_wait3A_125 = tpu.memref_slice %arg9[%run_scoped3A_114, %dma_wait3A_124] : memref<16x512xf32, #tpu.memory_space<vmem>> -> memref<1x512xf32, #tpu.memory_space<vmem>>
      %dma_wait3A_126 = tpu.memref_squeeze %dma_wait3A_125 : memref<1x512xf32, #tpu.memory_space<vmem>> -> memref<512xf32, #tpu.memory_space<vmem>>
      %dma_wait3A_127 = tpu.memref_slice %arg5[%add3A_113] : memref<262144xf32, #tpu.memory_space<hbm>> -> memref<512xf32, #tpu.memory_space<hbm>>
      %dma_wait3A_128 = tpu.memref_slice %arg5[%add3A_113] : memref<262144xf32, #tpu.memory_space<hbm>> -> memref<512xf32, #tpu.memory_space<hbm>>
      %dma_wait3A_129 = arith.constant 0 : i32
      %dma_wait3A_130 = tpu.memref_slice %arg9[%run_scoped3A_114, %dma_wait3A_129] : memref<16x512xf32, #tpu.memory_space<vmem>> -> memref<1x512xf32, #tpu.memory_space<vmem>>
      %dma_wait3A_131 = tpu.memref_squeeze %dma_wait3A_130 : memref<1x512xf32, #tpu.memory_space<vmem>> -> memref<512xf32, #tpu.memory_space<vmem>>
      tpu.wait_dma2 semaphore(%run_scoped3A_116 : memref<!tpu.dma_semaphore, #tpu.memory_space<semaphore_mem>>) src(%dma_wait3A_131 : memref<512xf32, #tpu.memory_space<vmem>>) dst(%dma_wait3A_128 : memref<512xf32, #tpu.memory_space<hbm>>)
      tpu.yield
    }) : () -> ()
    %run_scoped3A_115 = arith.constant 15 : i32
    "tpu.region"() ({
      %run_scoped3A_116 = tpu.sem_alloc : memref<!tpu.dma_semaphore, #tpu.memory_space<semaphore_mem>>
      %dma_start3A = arith.constant 0 : i32
      %dma_start3A_117 = tpu.memref_slice %arg10[%run_scoped3A_115, %dma_start3A] : memref<16x512xf32, #tpu.memory_space<vmem>> -> memref<1x512xf32, #tpu.memory_space<vmem>>
      %dma_start3A_118 = tpu.memref_squeeze %dma_start3A_117 : memref<1x512xf32, #tpu.memory_space<vmem>> -> memref<512xf32, #tpu.memory_space<vmem>>
      %dma_start3A_119 = tpu.memref_slice %arg6[%add3A_113] : memref<262144xf32, #tpu.memory_space<hbm>> -> memref<512xf32, #tpu.memory_space<hbm>>
      %dma_start3A_120 = tpu.memref_slice %arg6[%add3A_113] : memref<262144xf32, #tpu.memory_space<hbm>> -> memref<512xf32, #tpu.memory_space<hbm>>
      %dma_start3A_121 = arith.constant 0 : i32
      %dma_start3A_122 = tpu.memref_slice %arg10[%run_scoped3A_115, %dma_start3A_121] : memref<16x512xf32, #tpu.memory_space<vmem>> -> memref<1x512xf32, #tpu.memory_space<vmem>>
      %dma_start3A_123 = tpu.memref_squeeze %dma_start3A_122 : memref<1x512xf32, #tpu.memory_space<vmem>> -> memref<512xf32, #tpu.memory_space<vmem>>
      tpu.enqueue_dma source(%dma_start3A_123 : memref<512xf32, #tpu.memory_space<vmem>>) target(%dma_start3A_120 : memref<512xf32, #tpu.memory_space<hbm>>) target_semaphore(%run_scoped3A_116 : memref<!tpu.dma_semaphore, #tpu.memory_space<semaphore_mem>>)
      %dma_wait3A_124 = arith.constant 0 : i32
      %dma_wait3A_125 = tpu.memref_slice %arg10[%run_scoped3A_115, %dma_wait3A_124] : memref<16x512xf32, #tpu.memory_space<vmem>> -> memref<1x512xf32, #tpu.memory_space<vmem>>
      %dma_wait3A_126 = tpu.memref_squeeze %dma_wait3A_125 : memref<1x512xf32, #tpu.memory_space<vmem>> -> memref<512xf32, #tpu.memory_space<vmem>>
      %dma_wait3A_127 = tpu.memref_slice %arg6[%add3A_113] : memref<262144xf32, #tpu.memory_space<hbm>> -> memref<512xf32, #tpu.memory_space<hbm>>
      %dma_wait3A_128 = tpu.memref_slice %arg6[%add3A_113] : memref<262144xf32, #tpu.memory_space<hbm>> -> memref<512xf32, #tpu.memory_space<hbm>>
      %dma_wait3A_129 = arith.constant 0 : i32
      %dma_wait3A_130 = tpu.memref_slice %arg10[%run_scoped3A_115, %dma_wait3A_129] : memref<16x512xf32, #tpu.memory_space<vmem>> -> memref<1x512xf32, #tpu.memory_space<vmem>>
      %dma_wait3A_131 = tpu.memref_squeeze %dma_wait3A_130 : memref<1x512xf32, #tpu.memory_space<vmem>> -> memref<512xf32, #tpu.memory_space<vmem>>
      tpu.wait_dma2 semaphore(%run_scoped3A_116 : memref<!tpu.dma_semaphore, #tpu.memory_space<semaphore_mem>>) src(%dma_wait3A_131 : memref<512xf32, #tpu.memory_space<vmem>>) dst(%dma_wait3A_128 : memref<512xf32, #tpu.memory_space<hbm>>)
      tpu.yield
    }) : () -> ()
    return
  }
}

module attributes {stable_mosaic.version = 14 : i64} {
  func.func @_detile_body(%arg0: i32, %arg1: memref<16x131072xf32, #tpu.memory_space<vmem>>, %arg2: memref<16777216xf32, #tpu.memory_space<any>>, %arg3: memref<!tpu.dma_semaphore, #tpu.memory_space<semaphore_mem>>) attributes {dimension_semantics = [#tpu.dimension_semantics<arbitrary>], iteration_bounds = array<i64: 8>, scalar_prefetch = 0 : i64, scratch_operands = 1 : i64, tpu.core_type = #tpu.core_type<tc>, window_params = [{transform_indices = @transform_0, window_bounds = array<i64: 16, 131072>}, {}]} {
    %mul3A = arith.constant 131072 : i32
    %mul3A_0 = arith.muli %arg0, %mul3A : i32
    %add3A = arith.constant 0 : i32
    %add3A_1 = arith.addi %add3A, %mul3A_0 : i32
    %mul3A_2 = arith.constant 131072 : i32
    %mul3A_3 = arith.muli %arg0, %mul3A_2 : i32
    %add3A_4 = arith.constant 1048576 : i32
    %add3A_5 = arith.addi %add3A_4, %mul3A_3 : i32
    %mul3A_6 = arith.constant 131072 : i32
    %mul3A_7 = arith.muli %arg0, %mul3A_6 : i32
    %add3A_8 = arith.constant 2097152 : i32
    %add3A_9 = arith.addi %add3A_8, %mul3A_7 : i32
    %mul3A_10 = arith.constant 131072 : i32
    %mul3A_11 = arith.muli %arg0, %mul3A_10 : i32
    %add3A_12 = arith.constant 3145728 : i32
    %add3A_13 = arith.addi %add3A_12, %mul3A_11 : i32
    %mul3A_14 = arith.constant 131072 : i32
    %mul3A_15 = arith.muli %arg0, %mul3A_14 : i32
    %add3A_16 = arith.constant 4194304 : i32
    %add3A_17 = arith.addi %add3A_16, %mul3A_15 : i32
    %mul3A_18 = arith.constant 131072 : i32
    %mul3A_19 = arith.muli %arg0, %mul3A_18 : i32
    %add3A_20 = arith.constant 5242880 : i32
    %add3A_21 = arith.addi %add3A_20, %mul3A_19 : i32
    %mul3A_22 = arith.constant 131072 : i32
    %mul3A_23 = arith.muli %arg0, %mul3A_22 : i32
    %add3A_24 = arith.constant 6291456 : i32
    %add3A_25 = arith.addi %add3A_24, %mul3A_23 : i32
    %mul3A_26 = arith.constant 131072 : i32
    %mul3A_27 = arith.muli %arg0, %mul3A_26 : i32
    %add3A_28 = arith.constant 7340032 : i32
    %add3A_29 = arith.addi %add3A_28, %mul3A_27 : i32
    %mul3A_30 = arith.constant 131072 : i32
    %mul3A_31 = arith.muli %arg0, %mul3A_30 : i32
    %add3A_32 = arith.constant 8388608 : i32
    %add3A_33 = arith.addi %add3A_32, %mul3A_31 : i32
    %mul3A_34 = arith.constant 131072 : i32
    %mul3A_35 = arith.muli %arg0, %mul3A_34 : i32
    %add3A_36 = arith.constant 9437184 : i32
    %add3A_37 = arith.addi %add3A_36, %mul3A_35 : i32
    %mul3A_38 = arith.constant 131072 : i32
    %mul3A_39 = arith.muli %arg0, %mul3A_38 : i32
    %add3A_40 = arith.constant 10485760 : i32
    %add3A_41 = arith.addi %add3A_40, %mul3A_39 : i32
    %mul3A_42 = arith.constant 131072 : i32
    %mul3A_43 = arith.muli %arg0, %mul3A_42 : i32
    %add3A_44 = arith.constant 11534336 : i32
    %add3A_45 = arith.addi %add3A_44, %mul3A_43 : i32
    %mul3A_46 = arith.constant 131072 : i32
    %mul3A_47 = arith.muli %arg0, %mul3A_46 : i32
    %add3A_48 = arith.constant 12582912 : i32
    %add3A_49 = arith.addi %add3A_48, %mul3A_47 : i32
    %mul3A_50 = arith.constant 131072 : i32
    %mul3A_51 = arith.muli %arg0, %mul3A_50 : i32
    %add3A_52 = arith.constant 13631488 : i32
    %add3A_53 = arith.addi %add3A_52, %mul3A_51 : i32
    %mul3A_54 = arith.constant 131072 : i32
    %mul3A_55 = arith.muli %arg0, %mul3A_54 : i32
    %add3A_56 = arith.constant 14680064 : i32
    %add3A_57 = arith.addi %add3A_56, %mul3A_55 : i32
    %mul3A_58 = arith.constant 131072 : i32
    %mul3A_59 = arith.muli %arg0, %mul3A_58 : i32
    %add3A_60 = arith.constant 15728640 : i32
    %add3A_61 = arith.addi %add3A_60, %mul3A_59 : i32
    %dma_start3A = arith.constant 0 : i32
    %dma_start3A_62 = tpu.memref_slice %arg2[%add3A_1] : memref<16777216xf32, #tpu.memory_space<any>> -> memref<131072xf32, #tpu.memory_space<any>>
    %dma_start3A_63 = arith.constant 0 : i32
    %dma_start3A_64 = tpu.memref_slice %arg1[%dma_start3A, %dma_start3A_63] : memref<16x131072xf32, #tpu.memory_space<vmem>> -> memref<1x131072xf32, #tpu.memory_space<vmem>>
    %dma_start3A_65 = tpu.memref_squeeze %dma_start3A_64 : memref<1x131072xf32, #tpu.memory_space<vmem>> -> memref<131072xf32, #tpu.memory_space<vmem>>
    tpu.enqueue_dma source(%dma_start3A_65 : memref<131072xf32, #tpu.memory_space<vmem>>) target(%dma_start3A_62 : memref<131072xf32, #tpu.memory_space<any>>) target_semaphore(%arg3 : memref<!tpu.dma_semaphore, #tpu.memory_space<semaphore_mem>>)
    %dma_start3A_66 = arith.constant 1 : i32
    %dma_start3A_67 = tpu.memref_slice %arg2[%add3A_5] : memref<16777216xf32, #tpu.memory_space<any>> -> memref<131072xf32, #tpu.memory_space<any>>
    %dma_start3A_68 = arith.constant 0 : i32
    %dma_start3A_69 = tpu.memref_slice %arg1[%dma_start3A_66, %dma_start3A_68] : memref<16x131072xf32, #tpu.memory_space<vmem>> -> memref<1x131072xf32, #tpu.memory_space<vmem>>
    %dma_start3A_70 = tpu.memref_squeeze %dma_start3A_69 : memref<1x131072xf32, #tpu.memory_space<vmem>> -> memref<131072xf32, #tpu.memory_space<vmem>>
    tpu.enqueue_dma source(%dma_start3A_70 : memref<131072xf32, #tpu.memory_space<vmem>>) target(%dma_start3A_67 : memref<131072xf32, #tpu.memory_space<any>>) target_semaphore(%arg3 : memref<!tpu.dma_semaphore, #tpu.memory_space<semaphore_mem>>)
    %dma_start3A_71 = arith.constant 2 : i32
    %dma_start3A_72 = tpu.memref_slice %arg2[%add3A_9] : memref<16777216xf32, #tpu.memory_space<any>> -> memref<131072xf32, #tpu.memory_space<any>>
    %dma_start3A_73 = arith.constant 0 : i32
    %dma_start3A_74 = tpu.memref_slice %arg1[%dma_start3A_71, %dma_start3A_73] : memref<16x131072xf32, #tpu.memory_space<vmem>> -> memref<1x131072xf32, #tpu.memory_space<vmem>>
    %dma_start3A_75 = tpu.memref_squeeze %dma_start3A_74 : memref<1x131072xf32, #tpu.memory_space<vmem>> -> memref<131072xf32, #tpu.memory_space<vmem>>
    tpu.enqueue_dma source(%dma_start3A_75 : memref<131072xf32, #tpu.memory_space<vmem>>) target(%dma_start3A_72 : memref<131072xf32, #tpu.memory_space<any>>) target_semaphore(%arg3 : memref<!tpu.dma_semaphore, #tpu.memory_space<semaphore_mem>>)
    %dma_start3A_76 = arith.constant 3 : i32
    %dma_start3A_77 = tpu.memref_slice %arg2[%add3A_13] : memref<16777216xf32, #tpu.memory_space<any>> -> memref<131072xf32, #tpu.memory_space<any>>
    %dma_start3A_78 = arith.constant 0 : i32
    %dma_start3A_79 = tpu.memref_slice %arg1[%dma_start3A_76, %dma_start3A_78] : memref<16x131072xf32, #tpu.memory_space<vmem>> -> memref<1x131072xf32, #tpu.memory_space<vmem>>
    %dma_start3A_80 = tpu.memref_squeeze %dma_start3A_79 : memref<1x131072xf32, #tpu.memory_space<vmem>> -> memref<131072xf32, #tpu.memory_space<vmem>>
    tpu.enqueue_dma source(%dma_start3A_80 : memref<131072xf32, #tpu.memory_space<vmem>>) target(%dma_start3A_77 : memref<131072xf32, #tpu.memory_space<any>>) target_semaphore(%arg3 : memref<!tpu.dma_semaphore, #tpu.memory_space<semaphore_mem>>)
    %dma_start3A_81 = arith.constant 4 : i32
    %dma_start3A_82 = tpu.memref_slice %arg2[%add3A_17] : memref<16777216xf32, #tpu.memory_space<any>> -> memref<131072xf32, #tpu.memory_space<any>>
    %dma_start3A_83 = arith.constant 0 : i32
    %dma_start3A_84 = tpu.memref_slice %arg1[%dma_start3A_81, %dma_start3A_83] : memref<16x131072xf32, #tpu.memory_space<vmem>> -> memref<1x131072xf32, #tpu.memory_space<vmem>>
    %dma_start3A_85 = tpu.memref_squeeze %dma_start3A_84 : memref<1x131072xf32, #tpu.memory_space<vmem>> -> memref<131072xf32, #tpu.memory_space<vmem>>
    tpu.enqueue_dma source(%dma_start3A_85 : memref<131072xf32, #tpu.memory_space<vmem>>) target(%dma_start3A_82 : memref<131072xf32, #tpu.memory_space<any>>) target_semaphore(%arg3 : memref<!tpu.dma_semaphore, #tpu.memory_space<semaphore_mem>>)
    %dma_start3A_86 = arith.constant 5 : i32
    %dma_start3A_87 = tpu.memref_slice %arg2[%add3A_21] : memref<16777216xf32, #tpu.memory_space<any>> -> memref<131072xf32, #tpu.memory_space<any>>
    %dma_start3A_88 = arith.constant 0 : i32
    %dma_start3A_89 = tpu.memref_slice %arg1[%dma_start3A_86, %dma_start3A_88] : memref<16x131072xf32, #tpu.memory_space<vmem>> -> memref<1x131072xf32, #tpu.memory_space<vmem>>
    %dma_start3A_90 = tpu.memref_squeeze %dma_start3A_89 : memref<1x131072xf32, #tpu.memory_space<vmem>> -> memref<131072xf32, #tpu.memory_space<vmem>>
    tpu.enqueue_dma source(%dma_start3A_90 : memref<131072xf32, #tpu.memory_space<vmem>>) target(%dma_start3A_87 : memref<131072xf32, #tpu.memory_space<any>>) target_semaphore(%arg3 : memref<!tpu.dma_semaphore, #tpu.memory_space<semaphore_mem>>)
    %dma_start3A_91 = arith.constant 6 : i32
    %dma_start3A_92 = tpu.memref_slice %arg2[%add3A_25] : memref<16777216xf32, #tpu.memory_space<any>> -> memref<131072xf32, #tpu.memory_space<any>>
    %dma_start3A_93 = arith.constant 0 : i32
    %dma_start3A_94 = tpu.memref_slice %arg1[%dma_start3A_91, %dma_start3A_93] : memref<16x131072xf32, #tpu.memory_space<vmem>> -> memref<1x131072xf32, #tpu.memory_space<vmem>>
    %dma_start3A_95 = tpu.memref_squeeze %dma_start3A_94 : memref<1x131072xf32, #tpu.memory_space<vmem>> -> memref<131072xf32, #tpu.memory_space<vmem>>
    tpu.enqueue_dma source(%dma_start3A_95 : memref<131072xf32, #tpu.memory_space<vmem>>) target(%dma_start3A_92 : memref<131072xf32, #tpu.memory_space<any>>) target_semaphore(%arg3 : memref<!tpu.dma_semaphore, #tpu.memory_space<semaphore_mem>>)
    %dma_start3A_96 = arith.constant 7 : i32
    %dma_start3A_97 = tpu.memref_slice %arg2[%add3A_29] : memref<16777216xf32, #tpu.memory_space<any>> -> memref<131072xf32, #tpu.memory_space<any>>
    %dma_start3A_98 = arith.constant 0 : i32
    %dma_start3A_99 = tpu.memref_slice %arg1[%dma_start3A_96, %dma_start3A_98] : memref<16x131072xf32, #tpu.memory_space<vmem>> -> memref<1x131072xf32, #tpu.memory_space<vmem>>
    %dma_start3A_100 = tpu.memref_squeeze %dma_start3A_99 : memref<1x131072xf32, #tpu.memory_space<vmem>> -> memref<131072xf32, #tpu.memory_space<vmem>>
    tpu.enqueue_dma source(%dma_start3A_100 : memref<131072xf32, #tpu.memory_space<vmem>>) target(%dma_start3A_97 : memref<131072xf32, #tpu.memory_space<any>>) target_semaphore(%arg3 : memref<!tpu.dma_semaphore, #tpu.memory_space<semaphore_mem>>)
    %dma_start3A_101 = arith.constant 8 : i32
    %dma_start3A_102 = tpu.memref_slice %arg2[%add3A_33] : memref<16777216xf32, #tpu.memory_space<any>> -> memref<131072xf32, #tpu.memory_space<any>>
    %dma_start3A_103 = arith.constant 0 : i32
    %dma_start3A_104 = tpu.memref_slice %arg1[%dma_start3A_101, %dma_start3A_103] : memref<16x131072xf32, #tpu.memory_space<vmem>> -> memref<1x131072xf32, #tpu.memory_space<vmem>>
    %dma_start3A_105 = tpu.memref_squeeze %dma_start3A_104 : memref<1x131072xf32, #tpu.memory_space<vmem>> -> memref<131072xf32, #tpu.memory_space<vmem>>
    tpu.enqueue_dma source(%dma_start3A_105 : memref<131072xf32, #tpu.memory_space<vmem>>) target(%dma_start3A_102 : memref<131072xf32, #tpu.memory_space<any>>) target_semaphore(%arg3 : memref<!tpu.dma_semaphore, #tpu.memory_space<semaphore_mem>>)
    %dma_start3A_106 = arith.constant 9 : i32
    %dma_start3A_107 = tpu.memref_slice %arg2[%add3A_37] : memref<16777216xf32, #tpu.memory_space<any>> -> memref<131072xf32, #tpu.memory_space<any>>
    %dma_start3A_108 = arith.constant 0 : i32
    %dma_start3A_109 = tpu.memref_slice %arg1[%dma_start3A_106, %dma_start3A_108] : memref<16x131072xf32, #tpu.memory_space<vmem>> -> memref<1x131072xf32, #tpu.memory_space<vmem>>
    %dma_start3A_110 = tpu.memref_squeeze %dma_start3A_109 : memref<1x131072xf32, #tpu.memory_space<vmem>> -> memref<131072xf32, #tpu.memory_space<vmem>>
    tpu.enqueue_dma source(%dma_start3A_110 : memref<131072xf32, #tpu.memory_space<vmem>>) target(%dma_start3A_107 : memref<131072xf32, #tpu.memory_space<any>>) target_semaphore(%arg3 : memref<!tpu.dma_semaphore, #tpu.memory_space<semaphore_mem>>)
    %dma_start3A_111 = arith.constant 10 : i32
    %dma_start3A_112 = tpu.memref_slice %arg2[%add3A_41] : memref<16777216xf32, #tpu.memory_space<any>> -> memref<131072xf32, #tpu.memory_space<any>>
    %dma_start3A_113 = arith.constant 0 : i32
    %dma_start3A_114 = tpu.memref_slice %arg1[%dma_start3A_111, %dma_start3A_113] : memref<16x131072xf32, #tpu.memory_space<vmem>> -> memref<1x131072xf32, #tpu.memory_space<vmem>>
    %dma_start3A_115 = tpu.memref_squeeze %dma_start3A_114 : memref<1x131072xf32, #tpu.memory_space<vmem>> -> memref<131072xf32, #tpu.memory_space<vmem>>
    tpu.enqueue_dma source(%dma_start3A_115 : memref<131072xf32, #tpu.memory_space<vmem>>) target(%dma_start3A_112 : memref<131072xf32, #tpu.memory_space<any>>) target_semaphore(%arg3 : memref<!tpu.dma_semaphore, #tpu.memory_space<semaphore_mem>>)
    %dma_start3A_116 = arith.constant 11 : i32
    %dma_start3A_117 = tpu.memref_slice %arg2[%add3A_45] : memref<16777216xf32, #tpu.memory_space<any>> -> memref<131072xf32, #tpu.memory_space<any>>
    %dma_start3A_118 = arith.constant 0 : i32
    %dma_start3A_119 = tpu.memref_slice %arg1[%dma_start3A_116, %dma_start3A_118] : memref<16x131072xf32, #tpu.memory_space<vmem>> -> memref<1x131072xf32, #tpu.memory_space<vmem>>
    %dma_start3A_120 = tpu.memref_squeeze %dma_start3A_119 : memref<1x131072xf32, #tpu.memory_space<vmem>> -> memref<131072xf32, #tpu.memory_space<vmem>>
    tpu.enqueue_dma source(%dma_start3A_120 : memref<131072xf32, #tpu.memory_space<vmem>>) target(%dma_start3A_117 : memref<131072xf32, #tpu.memory_space<any>>) target_semaphore(%arg3 : memref<!tpu.dma_semaphore, #tpu.memory_space<semaphore_mem>>)
    %dma_start3A_121 = arith.constant 12 : i32
    %dma_start3A_122 = tpu.memref_slice %arg2[%add3A_49] : memref<16777216xf32, #tpu.memory_space<any>> -> memref<131072xf32, #tpu.memory_space<any>>
    %dma_start3A_123 = arith.constant 0 : i32
    %dma_start3A_124 = tpu.memref_slice %arg1[%dma_start3A_121, %dma_start3A_123] : memref<16x131072xf32, #tpu.memory_space<vmem>> -> memref<1x131072xf32, #tpu.memory_space<vmem>>
    %dma_start3A_125 = tpu.memref_squeeze %dma_start3A_124 : memref<1x131072xf32, #tpu.memory_space<vmem>> -> memref<131072xf32, #tpu.memory_space<vmem>>
    tpu.enqueue_dma source(%dma_start3A_125 : memref<131072xf32, #tpu.memory_space<vmem>>) target(%dma_start3A_122 : memref<131072xf32, #tpu.memory_space<any>>) target_semaphore(%arg3 : memref<!tpu.dma_semaphore, #tpu.memory_space<semaphore_mem>>)
    %dma_start3A_126 = arith.constant 13 : i32
    %dma_start3A_127 = tpu.memref_slice %arg2[%add3A_53] : memref<16777216xf32, #tpu.memory_space<any>> -> memref<131072xf32, #tpu.memory_space<any>>
    %dma_start3A_128 = arith.constant 0 : i32
    %dma_start3A_129 = tpu.memref_slice %arg1[%dma_start3A_126, %dma_start3A_128] : memref<16x131072xf32, #tpu.memory_space<vmem>> -> memref<1x131072xf32, #tpu.memory_space<vmem>>
    %dma_start3A_130 = tpu.memref_squeeze %dma_start3A_129 : memref<1x131072xf32, #tpu.memory_space<vmem>> -> memref<131072xf32, #tpu.memory_space<vmem>>
    tpu.enqueue_dma source(%dma_start3A_130 : memref<131072xf32, #tpu.memory_space<vmem>>) target(%dma_start3A_127 : memref<131072xf32, #tpu.memory_space<any>>) target_semaphore(%arg3 : memref<!tpu.dma_semaphore, #tpu.memory_space<semaphore_mem>>)
    %dma_start3A_131 = arith.constant 14 : i32
    %dma_start3A_132 = tpu.memref_slice %arg2[%add3A_57] : memref<16777216xf32, #tpu.memory_space<any>> -> memref<131072xf32, #tpu.memory_space<any>>
    %dma_start3A_133 = arith.constant 0 : i32
    %dma_start3A_134 = tpu.memref_slice %arg1[%dma_start3A_131, %dma_start3A_133] : memref<16x131072xf32, #tpu.memory_space<vmem>> -> memref<1x131072xf32, #tpu.memory_space<vmem>>
    %dma_start3A_135 = tpu.memref_squeeze %dma_start3A_134 : memref<1x131072xf32, #tpu.memory_space<vmem>> -> memref<131072xf32, #tpu.memory_space<vmem>>
    tpu.enqueue_dma source(%dma_start3A_135 : memref<131072xf32, #tpu.memory_space<vmem>>) target(%dma_start3A_132 : memref<131072xf32, #tpu.memory_space<any>>) target_semaphore(%arg3 : memref<!tpu.dma_semaphore, #tpu.memory_space<semaphore_mem>>)
    %dma_start3A_136 = arith.constant 15 : i32
    %dma_start3A_137 = tpu.memref_slice %arg2[%add3A_61] : memref<16777216xf32, #tpu.memory_space<any>> -> memref<131072xf32, #tpu.memory_space<any>>
    %dma_start3A_138 = arith.constant 0 : i32
    %dma_start3A_139 = tpu.memref_slice %arg1[%dma_start3A_136, %dma_start3A_138] : memref<16x131072xf32, #tpu.memory_space<vmem>> -> memref<1x131072xf32, #tpu.memory_space<vmem>>
    %dma_start3A_140 = tpu.memref_squeeze %dma_start3A_139 : memref<1x131072xf32, #tpu.memory_space<vmem>> -> memref<131072xf32, #tpu.memory_space<vmem>>
    tpu.enqueue_dma source(%dma_start3A_140 : memref<131072xf32, #tpu.memory_space<vmem>>) target(%dma_start3A_137 : memref<131072xf32, #tpu.memory_space<any>>) target_semaphore(%arg3 : memref<!tpu.dma_semaphore, #tpu.memory_space<semaphore_mem>>)
    %dma_wait3A = arith.constant 0 : i32
    %dma_wait3A_141 = tpu.memref_slice %arg2[%add3A_1] : memref<16777216xf32, #tpu.memory_space<any>> -> memref<131072xf32, #tpu.memory_space<any>>
    %dma_wait3A_142 = arith.constant 0 : i32
    %dma_wait3A_143 = tpu.memref_slice %arg1[%dma_wait3A, %dma_wait3A_142] : memref<16x131072xf32, #tpu.memory_space<vmem>> -> memref<1x131072xf32, #tpu.memory_space<vmem>>
    %dma_wait3A_144 = tpu.memref_squeeze %dma_wait3A_143 : memref<1x131072xf32, #tpu.memory_space<vmem>> -> memref<131072xf32, #tpu.memory_space<vmem>>
    tpu.wait_dma2 semaphore(%arg3 : memref<!tpu.dma_semaphore, #tpu.memory_space<semaphore_mem>>) src(%dma_wait3A_144 : memref<131072xf32, #tpu.memory_space<vmem>>) dst(%dma_wait3A_141 : memref<131072xf32, #tpu.memory_space<any>>)
    %dma_wait3A_145 = arith.constant 1 : i32
    %dma_wait3A_146 = tpu.memref_slice %arg2[%add3A_5] : memref<16777216xf32, #tpu.memory_space<any>> -> memref<131072xf32, #tpu.memory_space<any>>
    %dma_wait3A_147 = arith.constant 0 : i32
    %dma_wait3A_148 = tpu.memref_slice %arg1[%dma_wait3A_145, %dma_wait3A_147] : memref<16x131072xf32, #tpu.memory_space<vmem>> -> memref<1x131072xf32, #tpu.memory_space<vmem>>
    %dma_wait3A_149 = tpu.memref_squeeze %dma_wait3A_148 : memref<1x131072xf32, #tpu.memory_space<vmem>> -> memref<131072xf32, #tpu.memory_space<vmem>>
    tpu.wait_dma2 semaphore(%arg3 : memref<!tpu.dma_semaphore, #tpu.memory_space<semaphore_mem>>) src(%dma_wait3A_149 : memref<131072xf32, #tpu.memory_space<vmem>>) dst(%dma_wait3A_146 : memref<131072xf32, #tpu.memory_space<any>>)
    %dma_wait3A_150 = arith.constant 2 : i32
    %dma_wait3A_151 = tpu.memref_slice %arg2[%add3A_9] : memref<16777216xf32, #tpu.memory_space<any>> -> memref<131072xf32, #tpu.memory_space<any>>
    %dma_wait3A_152 = arith.constant 0 : i32
    %dma_wait3A_153 = tpu.memref_slice %arg1[%dma_wait3A_150, %dma_wait3A_152] : memref<16x131072xf32, #tpu.memory_space<vmem>> -> memref<1x131072xf32, #tpu.memory_space<vmem>>
    %dma_wait3A_154 = tpu.memref_squeeze %dma_wait3A_153 : memref<1x131072xf32, #tpu.memory_space<vmem>> -> memref<131072xf32, #tpu.memory_space<vmem>>
    tpu.wait_dma2 semaphore(%arg3 : memref<!tpu.dma_semaphore, #tpu.memory_space<semaphore_mem>>) src(%dma_wait3A_154 : memref<131072xf32, #tpu.memory_space<vmem>>) dst(%dma_wait3A_151 : memref<131072xf32, #tpu.memory_space<any>>)
    %dma_wait3A_155 = arith.constant 3 : i32
    %dma_wait3A_156 = tpu.memref_slice %arg2[%add3A_13] : memref<16777216xf32, #tpu.memory_space<any>> -> memref<131072xf32, #tpu.memory_space<any>>
    %dma_wait3A_157 = arith.constant 0 : i32
    %dma_wait3A_158 = tpu.memref_slice %arg1[%dma_wait3A_155, %dma_wait3A_157] : memref<16x131072xf32, #tpu.memory_space<vmem>> -> memref<1x131072xf32, #tpu.memory_space<vmem>>
    %dma_wait3A_159 = tpu.memref_squeeze %dma_wait3A_158 : memref<1x131072xf32, #tpu.memory_space<vmem>> -> memref<131072xf32, #tpu.memory_space<vmem>>
    tpu.wait_dma2 semaphore(%arg3 : memref<!tpu.dma_semaphore, #tpu.memory_space<semaphore_mem>>) src(%dma_wait3A_159 : memref<131072xf32, #tpu.memory_space<vmem>>) dst(%dma_wait3A_156 : memref<131072xf32, #tpu.memory_space<any>>)
    %dma_wait3A_160 = arith.constant 4 : i32
    %dma_wait3A_161 = tpu.memref_slice %arg2[%add3A_17] : memref<16777216xf32, #tpu.memory_space<any>> -> memref<131072xf32, #tpu.memory_space<any>>
    %dma_wait3A_162 = arith.constant 0 : i32
    %dma_wait3A_163 = tpu.memref_slice %arg1[%dma_wait3A_160, %dma_wait3A_162] : memref<16x131072xf32, #tpu.memory_space<vmem>> -> memref<1x131072xf32, #tpu.memory_space<vmem>>
    %dma_wait3A_164 = tpu.memref_squeeze %dma_wait3A_163 : memref<1x131072xf32, #tpu.memory_space<vmem>> -> memref<131072xf32, #tpu.memory_space<vmem>>
    tpu.wait_dma2 semaphore(%arg3 : memref<!tpu.dma_semaphore, #tpu.memory_space<semaphore_mem>>) src(%dma_wait3A_164 : memref<131072xf32, #tpu.memory_space<vmem>>) dst(%dma_wait3A_161 : memref<131072xf32, #tpu.memory_space<any>>)
    %dma_wait3A_165 = arith.constant 5 : i32
    %dma_wait3A_166 = tpu.memref_slice %arg2[%add3A_21] : memref<16777216xf32, #tpu.memory_space<any>> -> memref<131072xf32, #tpu.memory_space<any>>
    %dma_wait3A_167 = arith.constant 0 : i32
    %dma_wait3A_168 = tpu.memref_slice %arg1[%dma_wait3A_165, %dma_wait3A_167] : memref<16x131072xf32, #tpu.memory_space<vmem>> -> memref<1x131072xf32, #tpu.memory_space<vmem>>
    %dma_wait3A_169 = tpu.memref_squeeze %dma_wait3A_168 : memref<1x131072xf32, #tpu.memory_space<vmem>> -> memref<131072xf32, #tpu.memory_space<vmem>>
    tpu.wait_dma2 semaphore(%arg3 : memref<!tpu.dma_semaphore, #tpu.memory_space<semaphore_mem>>) src(%dma_wait3A_169 : memref<131072xf32, #tpu.memory_space<vmem>>) dst(%dma_wait3A_166 : memref<131072xf32, #tpu.memory_space<any>>)
    %dma_wait3A_170 = arith.constant 6 : i32
    %dma_wait3A_171 = tpu.memref_slice %arg2[%add3A_25] : memref<16777216xf32, #tpu.memory_space<any>> -> memref<131072xf32, #tpu.memory_space<any>>
    %dma_wait3A_172 = arith.constant 0 : i32
    %dma_wait3A_173 = tpu.memref_slice %arg1[%dma_wait3A_170, %dma_wait3A_172] : memref<16x131072xf32, #tpu.memory_space<vmem>> -> memref<1x131072xf32, #tpu.memory_space<vmem>>
    %dma_wait3A_174 = tpu.memref_squeeze %dma_wait3A_173 : memref<1x131072xf32, #tpu.memory_space<vmem>> -> memref<131072xf32, #tpu.memory_space<vmem>>
    tpu.wait_dma2 semaphore(%arg3 : memref<!tpu.dma_semaphore, #tpu.memory_space<semaphore_mem>>) src(%dma_wait3A_174 : memref<131072xf32, #tpu.memory_space<vmem>>) dst(%dma_wait3A_171 : memref<131072xf32, #tpu.memory_space<any>>)
    %dma_wait3A_175 = arith.constant 7 : i32
    %dma_wait3A_176 = tpu.memref_slice %arg2[%add3A_29] : memref<16777216xf32, #tpu.memory_space<any>> -> memref<131072xf32, #tpu.memory_space<any>>
    %dma_wait3A_177 = arith.constant 0 : i32
    %dma_wait3A_178 = tpu.memref_slice %arg1[%dma_wait3A_175, %dma_wait3A_177] : memref<16x131072xf32, #tpu.memory_space<vmem>> -> memref<1x131072xf32, #tpu.memory_space<vmem>>
    %dma_wait3A_179 = tpu.memref_squeeze %dma_wait3A_178 : memref<1x131072xf32, #tpu.memory_space<vmem>> -> memref<131072xf32, #tpu.memory_space<vmem>>
    tpu.wait_dma2 semaphore(%arg3 : memref<!tpu.dma_semaphore, #tpu.memory_space<semaphore_mem>>) src(%dma_wait3A_179 : memref<131072xf32, #tpu.memory_space<vmem>>) dst(%dma_wait3A_176 : memref<131072xf32, #tpu.memory_space<any>>)
    %dma_wait3A_180 = arith.constant 8 : i32
    %dma_wait3A_181 = tpu.memref_slice %arg2[%add3A_33] : memref<16777216xf32, #tpu.memory_space<any>> -> memref<131072xf32, #tpu.memory_space<any>>
    %dma_wait3A_182 = arith.constant 0 : i32
    %dma_wait3A_183 = tpu.memref_slice %arg1[%dma_wait3A_180, %dma_wait3A_182] : memref<16x131072xf32, #tpu.memory_space<vmem>> -> memref<1x131072xf32, #tpu.memory_space<vmem>>
    %dma_wait3A_184 = tpu.memref_squeeze %dma_wait3A_183 : memref<1x131072xf32, #tpu.memory_space<vmem>> -> memref<131072xf32, #tpu.memory_space<vmem>>
    tpu.wait_dma2 semaphore(%arg3 : memref<!tpu.dma_semaphore, #tpu.memory_space<semaphore_mem>>) src(%dma_wait3A_184 : memref<131072xf32, #tpu.memory_space<vmem>>) dst(%dma_wait3A_181 : memref<131072xf32, #tpu.memory_space<any>>)
    %dma_wait3A_185 = arith.constant 9 : i32
    %dma_wait3A_186 = tpu.memref_slice %arg2[%add3A_37] : memref<16777216xf32, #tpu.memory_space<any>> -> memref<131072xf32, #tpu.memory_space<any>>
    %dma_wait3A_187 = arith.constant 0 : i32
    %dma_wait3A_188 = tpu.memref_slice %arg1[%dma_wait3A_185, %dma_wait3A_187] : memref<16x131072xf32, #tpu.memory_space<vmem>> -> memref<1x131072xf32, #tpu.memory_space<vmem>>
    %dma_wait3A_189 = tpu.memref_squeeze %dma_wait3A_188 : memref<1x131072xf32, #tpu.memory_space<vmem>> -> memref<131072xf32, #tpu.memory_space<vmem>>
    tpu.wait_dma2 semaphore(%arg3 : memref<!tpu.dma_semaphore, #tpu.memory_space<semaphore_mem>>) src(%dma_wait3A_189 : memref<131072xf32, #tpu.memory_space<vmem>>) dst(%dma_wait3A_186 : memref<131072xf32, #tpu.memory_space<any>>)
    %dma_wait3A_190 = arith.constant 10 : i32
    %dma_wait3A_191 = tpu.memref_slice %arg2[%add3A_41] : memref<16777216xf32, #tpu.memory_space<any>> -> memref<131072xf32, #tpu.memory_space<any>>
    %dma_wait3A_192 = arith.constant 0 : i32
    %dma_wait3A_193 = tpu.memref_slice %arg1[%dma_wait3A_190, %dma_wait3A_192] : memref<16x131072xf32, #tpu.memory_space<vmem>> -> memref<1x131072xf32, #tpu.memory_space<vmem>>
    %dma_wait3A_194 = tpu.memref_squeeze %dma_wait3A_193 : memref<1x131072xf32, #tpu.memory_space<vmem>> -> memref<131072xf32, #tpu.memory_space<vmem>>
    tpu.wait_dma2 semaphore(%arg3 : memref<!tpu.dma_semaphore, #tpu.memory_space<semaphore_mem>>) src(%dma_wait3A_194 : memref<131072xf32, #tpu.memory_space<vmem>>) dst(%dma_wait3A_191 : memref<131072xf32, #tpu.memory_space<any>>)
    %dma_wait3A_195 = arith.constant 11 : i32
    %dma_wait3A_196 = tpu.memref_slice %arg2[%add3A_45] : memref<16777216xf32, #tpu.memory_space<any>> -> memref<131072xf32, #tpu.memory_space<any>>
    %dma_wait3A_197 = arith.constant 0 : i32
    %dma_wait3A_198 = tpu.memref_slice %arg1[%dma_wait3A_195, %dma_wait3A_197] : memref<16x131072xf32, #tpu.memory_space<vmem>> -> memref<1x131072xf32, #tpu.memory_space<vmem>>
    %dma_wait3A_199 = tpu.memref_squeeze %dma_wait3A_198 : memref<1x131072xf32, #tpu.memory_space<vmem>> -> memref<131072xf32, #tpu.memory_space<vmem>>
    tpu.wait_dma2 semaphore(%arg3 : memref<!tpu.dma_semaphore, #tpu.memory_space<semaphore_mem>>) src(%dma_wait3A_199 : memref<131072xf32, #tpu.memory_space<vmem>>) dst(%dma_wait3A_196 : memref<131072xf32, #tpu.memory_space<any>>)
    %dma_wait3A_200 = arith.constant 12 : i32
    %dma_wait3A_201 = tpu.memref_slice %arg2[%add3A_49] : memref<16777216xf32, #tpu.memory_space<any>> -> memref<131072xf32, #tpu.memory_space<any>>
    %dma_wait3A_202 = arith.constant 0 : i32
    %dma_wait3A_203 = tpu.memref_slice %arg1[%dma_wait3A_200, %dma_wait3A_202] : memref<16x131072xf32, #tpu.memory_space<vmem>> -> memref<1x131072xf32, #tpu.memory_space<vmem>>
    %dma_wait3A_204 = tpu.memref_squeeze %dma_wait3A_203 : memref<1x131072xf32, #tpu.memory_space<vmem>> -> memref<131072xf32, #tpu.memory_space<vmem>>
    tpu.wait_dma2 semaphore(%arg3 : memref<!tpu.dma_semaphore, #tpu.memory_space<semaphore_mem>>) src(%dma_wait3A_204 : memref<131072xf32, #tpu.memory_space<vmem>>) dst(%dma_wait3A_201 : memref<131072xf32, #tpu.memory_space<any>>)
    %dma_wait3A_205 = arith.constant 13 : i32
    %dma_wait3A_206 = tpu.memref_slice %arg2[%add3A_53] : memref<16777216xf32, #tpu.memory_space<any>> -> memref<131072xf32, #tpu.memory_space<any>>
    %dma_wait3A_207 = arith.constant 0 : i32
    %dma_wait3A_208 = tpu.memref_slice %arg1[%dma_wait3A_205, %dma_wait3A_207] : memref<16x131072xf32, #tpu.memory_space<vmem>> -> memref<1x131072xf32, #tpu.memory_space<vmem>>
    %dma_wait3A_209 = tpu.memref_squeeze %dma_wait3A_208 : memref<1x131072xf32, #tpu.memory_space<vmem>> -> memref<131072xf32, #tpu.memory_space<vmem>>
    tpu.wait_dma2 semaphore(%arg3 : memref<!tpu.dma_semaphore, #tpu.memory_space<semaphore_mem>>) src(%dma_wait3A_209 : memref<131072xf32, #tpu.memory_space<vmem>>) dst(%dma_wait3A_206 : memref<131072xf32, #tpu.memory_space<any>>)
    %dma_wait3A_210 = arith.constant 14 : i32
    %dma_wait3A_211 = tpu.memref_slice %arg2[%add3A_57] : memref<16777216xf32, #tpu.memory_space<any>> -> memref<131072xf32, #tpu.memory_space<any>>
    %dma_wait3A_212 = arith.constant 0 : i32
    %dma_wait3A_213 = tpu.memref_slice %arg1[%dma_wait3A_210, %dma_wait3A_212] : memref<16x131072xf32, #tpu.memory_space<vmem>> -> memref<1x131072xf32, #tpu.memory_space<vmem>>
    %dma_wait3A_214 = tpu.memref_squeeze %dma_wait3A_213 : memref<1x131072xf32, #tpu.memory_space<vmem>> -> memref<131072xf32, #tpu.memory_space<vmem>>
    tpu.wait_dma2 semaphore(%arg3 : memref<!tpu.dma_semaphore, #tpu.memory_space<semaphore_mem>>) src(%dma_wait3A_214 : memref<131072xf32, #tpu.memory_space<vmem>>) dst(%dma_wait3A_211 : memref<131072xf32, #tpu.memory_space<any>>)
    %dma_wait3A_215 = arith.constant 15 : i32
    %dma_wait3A_216 = tpu.memref_slice %arg2[%add3A_61] : memref<16777216xf32, #tpu.memory_space<any>> -> memref<131072xf32, #tpu.memory_space<any>>
    %dma_wait3A_217 = arith.constant 0 : i32
    %dma_wait3A_218 = tpu.memref_slice %arg1[%dma_wait3A_215, %dma_wait3A_217] : memref<16x131072xf32, #tpu.memory_space<vmem>> -> memref<1x131072xf32, #tpu.memory_space<vmem>>
    %dma_wait3A_219 = tpu.memref_squeeze %dma_wait3A_218 : memref<1x131072xf32, #tpu.memory_space<vmem>> -> memref<131072xf32, #tpu.memory_space<vmem>>
    tpu.wait_dma2 semaphore(%arg3 : memref<!tpu.dma_semaphore, #tpu.memory_space<semaphore_mem>>) src(%dma_wait3A_219 : memref<131072xf32, #tpu.memory_space<vmem>>) dst(%dma_wait3A_216 : memref<131072xf32, #tpu.memory_space<any>>)
    return
  }
  func.func @transform_0(%arg0: i32) -> (i32, i32) {
    %c0_i32 = arith.constant 0 : i32
    %c0_i32_0 = arith.constant 0 : i32
    return %c0_i32, %arg0 : i32, i32
  }
}

</mosaic_0001>

<sc_bundles>
// kernel: kernel.6.cloned.1.call-start
scs
__scs_entry_jumppad:
0x0: {  	(pc) =	sbr.rel $0x88, $3  }
0x1: {  	(tag) =	ssettag $0x0;
	lr =	simm.s32 $0x1  }
0x2: {  	[smem:$0x3F9C] =	sst lr;
	_ =	strace $0xD0000000  }
0x3: {  	_ = 	snop  }
0x4: {  	_ = 	snop  }
0x5: {  	_ = 	snop  }
0x6: {  	_ = 	snop  }
0x7: {  	_ = 	snop  }
__scs_overlays_trampoline_lowered:
0x8: {  	[smem:$0x3FAB] =	sst s0  }
0x9: {  	[smem:$0x3FAC] =	sst s1  }
0xa: {  	[smem:$0x3FAD] =	sst s2  }
0xb: {  	[smem:$0x3FAE] =	sst s3  }
0xc: {  	[smem:$0x3FAF] =	sst s4  }
0xd: {  	[smem:$0x3FB0] =	sst s5  }
0xe: {  	[smem:$0x3FB1] =	sst s6  }
0xf: {  	[smem:$0x3FB2] =	sst s7  }
0x10: {  	[smem:$0x3FB3] =	sst s8  }
0x11: {  	[smem:$0x3FB4] =	sst s9;
	s0 =	simm.s32 @!p0 $0x0  }
0x12: {  	s1 =	sld [smem:$0x3F9A];
	s0 =	simm.s32 @p0 $0x1  }
0x13: {  	[smem:$0x3FB5] =	sst s0;
	s0 =	simm.s32 @!p1 $0x0  }
0x14: {  	s2 =	sld [smem:$0x3F99];
	s0 =	simm.s32 @p1 $0x1  }
0x15: {  	[smem:$0x3FB6] =	sst s0;
	s0 =	simm.s32 @!p2 $0x0  }
0x16: {  	s3 =	sld [smem:$0x3FDB];
	s0 =	simm.s32 @p2 $0x1  }
0x17: {  	s4 =	simm.s32 $0x1BF5;
	[smem:$0x3FB8] =	sst s0  }
0x18: {  	s0 =	sld [smem:$0x3F9B];
	_ =	swait.ge [sflag:s4], $0x0  }
0x19: {  	s7 =	sld [smem:$0x3F9C]  }
0x1a: {  	s8 =	sadd.s32 $0xFFFFE003, lr  }
0x1b: {  	s9 =	sadd.s32 $0xFFFFFEF7, lr;
	s5 =	simm.s32 $0xFFFFFFFF;
	p2 =	slt.u32 s8, $0xFFFFF086  }
0x1c: {  	p1 =	slt.u32 s9, $0xF7A;
	s5 =	simm.s32 @!p2 $0x0  }
0x1d: {  	s5 =	simm.s32 @p1 $0x1;
	p0 =	seq.s32 s7, s2  }
0x1e: {  	s7 =	smul.u32 @!p0 $0xF7A, s2;
	p2 =	seq.s32 @!p0 s5, $0x0  }
0x1f: {  	s9 =	smul.u32 $0xF7A, s1;
	s8 =	simm.s32 @!p0 $0x1BF5;
	p2 =	por !p2, p0  }
0x20: {  	[sflag:s8] =	ssyncset.s32 @!p0 $0xFFFFF086;
	s6 =	sadd.s32 @!p0 s3, s7;
	s7 =	simm.s32 @!p0 $0x108  }
0x21: {  	s3 =	sadd.s32 s3, s9;
	s6 =	sadd.s32 @!p0 $0x88, s6;
	s7 =	simm.s32 @p2 $0x1082  }
0x22: {  	[simem:s7], [sflag:s8] =	dma.local @!p0 [hbm:s6], $0xF7A  }
0x23: {  	s9 =	sor.u32 $0xD0000000, s2;
	s6 =	simm.s32 $0x108;
	_ =	swait.ge @!p0 [sflag:s8], $0x0  }
0x24: {  	s3 =	sadd.s32 $0x88, s3;
	s6 =	simm.s32 @!p1 $0x1082;
	[sflag:s4] =	ssyncset.s32 $0xFFFFF086  }
0x25: {  	[simem:s6], [sflag:s4] =	dma.local [hbm:s3], $0xF7A  }
0x26: {  	[smem:$0x3F9C] =	sst s1;
	(tag) =	ssettag s2;
	_ =	strace s9  }
0x27: {  	s1 =	sld [smem:$0x3FAC]  }
0x28: {  	s2 =	sld [smem:$0x3FAD]  }
0x29: {  	s4 =	sld [smem:$0x3FAF]  }
0x2a: {  	p0 =	seq.s32 s5, $0x0;
	s5 =	sld [smem:$0x3FB0]  }
0x2b: {  	s6 =	sld [smem:$0x3FB1]  }
0x2c: {  	s7 =	sld [smem:$0x3FB2]  }
0x2d: {  	s3 =	simm.s32 $0x108;
	s8 =	sld [smem:$0x3FB3]  }
0x2e: {  	s3 =	simm.s32 @!p0 $0x1082;
	s9 =	sld [smem:$0x3FB4]  }
0x2f: {  	lr =	sadd.s32 s0, s3;
	s0 =	sld [smem:$0x3FAB]  }
0x30: {  	s3 =	sld [smem:$0x3FAE]  }
0x31: {  	[smem:$0x3FB7] =	sst s10  }
0x32: {  	s10 =	sld [smem:$0x3FB5];
	_ =	sdelay $0x3  }
0x33: {  	p0 =	seq.s32 s10, $0x1;
	s10 =	sld [smem:$0x3FB7];
	_ =	sdelay $0x3  }
0x34: {  	[smem:$0x3FB7] =	sst s10  }
0x35: {  	s10 =	sld [smem:$0x3FB6];
	_ =	sdelay $0x3  }
0x36: {  	p1 =	seq.s32 s10, $0x1;
	s10 =	sld [smem:$0x3FB7];
	_ =	sdelay $0x3  }
0x37: {  	[smem:$0x3FB7] =	sst s10  }
0x38: {  	s10 =	sld [smem:$0x3FB8]  }
0x39: {  	_ = 	snop;
	(pc) =	sbr.ind lr, $3  }
0x3a: {  	_ = 	snop  }
0x3b: {  	_ = 	snop  }
0x3c: {  	p2 =	seq.s32 s10, $0x1;
	s10 =	sld [smem:$0x3FB7]  }
0x3d: {  	_ =	shalt  }
0x3e: {  	_ =	shalt  }
0x3f: {  	_ =	shalt  }
0x40: {  	_ =	shalt  }
0x41: {  	_ =	shalt  }
0x42: {  	_ =	shalt  }
0x43: {  	_ =	shalt  }
0x44: {  	_ =	shalt  }
0x45: {  	_ =	shalt  }
0x46: {  	_ =	shalt  }
0x47: {  	_ =	shalt  }
0x48: {  	_ =	shalt  }
0x49: {  	_ =	shalt  }
0x4a: {  	_ =	shalt  }
0x4b: {  	_ =	shalt  }
0x4c: {  	_ =	shalt  }
0x4d: {  	_ =	shalt  }
0x4e: {  	_ =	shalt  }
0x4f: {  	_ =	shalt  }
0x50: {  	_ =	shalt  }
0x51: {  	_ =	shalt  }
0x52: {  	_ =	shalt  }
0x53: {  	_ =	shalt  }
0x54: {  	_ =	shalt  }
0x55: {  	_ =	shalt  }
0x56: {  	_ =	shalt  }
0x57: {  	_ =	shalt  }
0x58: {  	_ =	shalt  }
0x59: {  	_ =	shalt  }
0x5a: {  	_ =	shalt  }
0x5b: {  	_ =	shalt  }
0x5c: {  	_ =	shalt  }
0x5d: {  	_ =	shalt  }
0x5e: {  	_ =	shalt  }
0x5f: {  	_ =	shalt  }
0x60: {  	_ =	shalt  }
0x61: {  	_ =	shalt  }
0x62: {  	_ =	shalt  }
0x63: {  	_ =	shalt  }
0x64: {  	_ =	shalt  }
0x65: {  	_ =	shalt  }
0x66: {  	_ =	shalt  }
0x67: {  	_ =	shalt  }
0x68: {  	_ =	shalt  }
0x69: {  	_ =	shalt  }
0x6a: {  	_ =	shalt  }
0x6b: {  	_ =	shalt  }
0x6c: {  	_ =	shalt  }
0x6d: {  	_ =	shalt  }
0x6e: {  	_ =	shalt  }
0x6f: {  	_ =	shalt  }
0x70: {  	_ =	shalt  }
0x71: {  	_ =	shalt  }
0x72: {  	_ =	shalt  }
0x73: {  	_ =	shalt  }
0x74: {  	_ =	shalt  }
0x75: {  	_ =	shalt  }
0x76: {  	_ =	shalt  }
0x77: {  	_ =	shalt  }
0x78: {  	_ =	shalt  }
0x79: {  	_ =	shalt  }
0x7a: {  	_ =	shalt  }
0x7b: {  	_ =	shalt  }
0x7c: {  	_ =	shalt  }
0x7d: {  	_ =	shalt  }
0x7e: {  	_ =	shalt  }
0x7f: {  	_ =	shalt  }
0x80: {  	_ =	shalt  }
0x81: {  	_ =	shalt  }
0x82: {  	_ =	shalt  }
0x83: {  	_ =	shalt  }
0x84: {  	_ =	shalt  }
0x85: {  	_ =	shalt  }
0x86: {  	_ =	shalt  }
0x87: {  	_ =	shalt  }
.Lfunc_end0:
.L_simem_size_0:
called_computation_lowered:
.L_overlay_start_0:
0x88: {  	s2 =	sld [smem:$0x3FD9]  }
0x89: {  	s3 =	sld [smem:$0x3FFE];
	_ =	sdelay $0x1  }
0x8a: {  	s1 =	srdreg.scid  }
0x8b: {  	s0 =	sand.u32 $0x1, s1  }
0x8c: {  	s17 =	sshll.u32 s0, $0xA;
	s2 =	sadd.s32 s3, s2  }
0x8d: {  	s2 =	sadd.s32 s2, s17  }
0x8e: {  	[smem:$0x3FC3] =	sst s2  }
0x8f: {  	_ = 	snop  }
0x90: {  	s2 =	sld [smem:$0x3FC8]  }
0x91: {  	s18 =	sld [smem:$0x3FC7];
	(tm) =	ssettm $0x1  }
0x92: {  	s4 =	sld [smem:$0x3FFB];
	_ =	sdelay $0x3  }
0x93: {  	_ =	strace s4  }
0x94: {  	s4 =	sld [smem:$0x3FFC];
	_ =	sdelay $0x3  }
0x95: {  	_ =	strace s4  }
0x96: {  	s4 =	sld [smem:$0x3FFD];
	_ =	sdelay $0x3  }
0x97: {  	_ =	strace s4  }
0x98: {  	_ =	strace $0x8FFFFFFF  }
0x99: {  	s19 =	sld [smem:$0x3FDB];
	_ =	sdelay $0x1  }
0x9a: {  	s5 =	simm.s32 $_scs_section_size  }
0x9b: {  	s6 =	simm.s32 $_size__tile_overlayer_lowered;
	s7 =	simm.s32 $_tile_overlayer_lowered  }
0x9c: {  	s22 =	simm.s32 $0x1BFF;
	s21 =	sshll.u32 s7, $0x1;
	s4 =	sadd.s32 s5, s19  }
0x9d: {  	s8 =	simm.s32 $0x0;
	s20 =	sshll.u32 s6, $0x1;
	s6 =	sadd.s32 s21, s4  }
0x9e: {  	[timem:s8], [sflag:s22] =	dma.local [hbm:s6], s20  }
0x9f: {  	_ =	swait.ge [sflag:s22], s20  }
0xa0: {  	s5 =	ssub.s32 $0x0, s20;
	[sflag:s22] =	ssyncset.done $0x0  }
0xa1: {  	[sflag:s22] =	ssyncadd.s32 s5;
	_ =	sdelay $0x1  }
0xa2: {  	s23 =	simm.s32 $0x1B8B  }
0xa3: {  	_ =	swait.ge [sflag:s23], $0x1  }
0xa4: {  	[sflag:s23] =	ssyncset.done $0x0  }
0xa5: {  	s25 =	simm.s32 $0x1B8E;
	s24 =	sld [smem:$0x3FFE];
	[sflag:s23] =	ssyncadd.s32 $0xFFFFFFFF  }
0xa6: {  	s26 =	simm.s32 $execute0_lowered;
	[smem:$0x3FD2] =	sst s25  }
0xa7: {  	s6 =	sshll.u32 s26, $0x1;
	_ =	strace $0x80000046;
	[dreg:$0x1] =	wrdreg $0xFFFFFFFF  }
0xa8: {  	s28 =	simm.s32 $_size_execute0_lowered;
	s4 =	sadd.s32 s4, s6;
	[dreg:$0x0] =	wrdreg $0x0  }
0xa9: {  	s6 =	sshll.u32 s28, $0x1;
	[dreg:$0x2] =	wrdreg s4  }
0xaa: {  	[dreg:$0x3] =	wrdreg s6  }
0xab: {  	[dreg:$0x4] =	wrdreg $0xC0  }
0xac: {  	_ =	task [dreg:s8], $0x5FFFF  }
0xad: {  	[dreg:$0x1] =	wrdreg $0xFFFFFFFF  }
0xae: {  	[dreg:$0x0] =	wrdreg $0x60  }
0xaf: {  	[dreg:$0x2] =	wrdreg s24  }
0xb0: {  	[dreg:$0x3] =	wrdreg s2  }
0xb1: {  	[dreg:$0x4] =	wrdreg s18  }
0xb2: {  	[dreg:$0x5] =	wrdreg $0x9  }
0xb3: {  	_ =	task.clear_ibuf [dreg:s8], $0x6FFFF;
	_ =	strace $0x90000046  }
0xb4: {  	s29 =	simm.s32 $0x9;
	_ =	strace $0x80000048  }
0xb5: {  	_ =	swait.ge [sflag:s29], $0x1  }
0xb6: {  	[sflag:s29] =	ssyncadd.s32 $0xFFFFFFFF  }
0xb7: {  	_ =	strace $0x90000048  }
0xb8: {  	_ =	sfence  }
0xb9: {  	s30 =	sld [smem:$0x0];
	_ =	sdelay $0x2  }
0xba: {  	s31 =	sshll.u32 s1, $0xD;
	s1 =	sshrl.u32 s1, $0x2  }
0xbb: {  	s3 =	sand.u32 $0x4000, s31;
	s1 =	sadd.s32 s1, s30  }
0xbc: {  	s0 =	sor.u32 s3, s0;
	s1 =	sshll.u32 s1, $0x11  }
0xbd: {  	s0 =	sor.u32 s1, s0  }
0xbe: {  	s0 =	sadd.s32 $0x8F2B, s0  }
0xbf: {  	[sflag:s0] =	ssyncadd.remote.s32 $0x1  }
0xc0: {  	_ =	sfence.sel $0xFFFF  }
0xc1: {  	[dreg:$0x0] =	wrdreg $0xFFFFFFFF;
	(pc) =	sbr.abs _section_cstart, $3  }
0xc2: {  	[dreg:$0x1] =	wrdreg $0xFFFFFFFF  }
0xc3: {  	_ =	task.clear_ibuf [dreg:s8], $0x2FFFF;
	_ =	strace $0x9FFFFFFF  }
0xc4: {  	(tm) =	ssettm $0x7FFFFFFF  }
0xc5: {  	_ =	shalt  }
tec
execute0_lowered:
.L_overlay_start_1:
0x0: {  	(tag) =	ssettag $0x1  }
0x1: {  	s21 =	rddreg [dreg:$0x0]  }
0x2: {  	s0 =	rddreg [dreg:$0x1]  }
0x3: {  	s2 =	rddreg [dreg:$0x2];
	s3 =	srdreg.scid  }
0x4: {  	s1 =	simm.s32 $0x0;
	s6 =	stileid.u32;
	s3 =	sand.u32 $0x1, s3  }
0x5: {  	s6 =	sshll.u32 s6, $0x7;
	s5 =	ssub.s32 $0x2, s3;
	s3 =	sshll.u32 s3, $0x6  }
0x6: {  	[smem:$0x7FF] =	sst s1;
	s4 =	sadd.s32 $0x201000, s21;
	s6 =	sor.u32 s3, s6  }
0x7: {  	s7 =	sadd.s32 $0x209000, s21;
	s8 =	sshrl.u32 s5, $0x1;
	s0 =	sadd.s32 s0, s6  }
0x8: {  	s25 =	sor.u32 $0x800, s6;
	s2 =	sadd.s32 s2, s6;
	[dreg:$0x4] =	wrdreg s0  }
0x9: {  	s22 =	ssub.s32 s5, s8;
	[dreg:$0x5] =	wrdreg s2;
	s26 =	sadd.s32 s4, s25  }
0xa: {  	s28 =	sor.u32 $0x1000, s6;
	s0 =	sadd.s32 s7, s25;
	[dreg:$0x6] =	wrdreg s26  }
0xb: {  	s30 =	sor.u32 $0x1800, s6;
	s29 =	sadd.s32 s4, s28;
	[dreg:$0x7] =	wrdreg s0  }
0xc: {  	s3 =	sor.u32 $0x2000, s6;
	s2 =	sadd.s32 s7, s28;
	[dreg:$0x8] =	wrdreg s29  }
0xd: {  	s8 =	sor.u32 $0x2800, s6;
	s31 =	sadd.s32 s4, s30;
	[dreg:$0x9] =	wrdreg s2  }
0xe: {  	s10 =	sor.u32 $0x3000, s6;
	s5 =	sadd.s32 s4, s3;
	[dreg:$0xa] =	wrdreg s31  }
0xf: {  	s12 =	sor.u32 $0x3800, s6;
	s9 =	sadd.s32 s4, s8;
	[dreg:$0xc] =	wrdreg s5  }
0x10: {  	s14 =	sor.u32 $0x4000, s6;
	s11 =	sadd.s32 s4, s10;
	[dreg:$0xe] =	wrdreg s9  }
0x11: {  	s16 =	sor.u32 $0x4800, s6;
	s13 =	sadd.s32 s4, s12;
	[dreg:$0x10] =	wrdreg s11  }
0x12: {  	s18 =	sor.u32 $0x5000, s6;
	s15 =	sadd.s32 s4, s14;
	[dreg:$0x12] =	wrdreg s13  }
0x13: {  	s20 =	sor.u32 $0x5800, s6;
	s17 =	sadd.s32 s4, s16;
	[dreg:$0x14] =	wrdreg s15  }
0x14: {  	s24 =	sor.u32 $0x6000, s6;
	s19 =	sadd.s32 s4, s18;
	[dreg:$0x16] =	wrdreg s17  }
0x15: {  	s23 =	sadd.s32 s4, s20;
	s25 =	sadd.s32 s4, s24;
	[dreg:$0x18] =	wrdreg s19  }
0x16: {  	s22 =	smax.u32 s22, $0x1;
	s0 =	sadd.s32 s7, s30;
	[dreg:$0x1a] =	wrdreg s23  }
0x17: {  	s2 =	sadd.s32 s7, s3;
	[dreg:$0x1c] =	wrdreg s25;
	s26 =	sor.u32 $0x6800, s6  }
0x18: {  	s29 =	sor.u32 $0x7000, s6;
	s3 =	sadd.s32 s7, s6;
	s31 =	sor.u32 $0x7800, s6  }
0x19: {  	s9 =	sadd.s32 $0x61000, s21;
	s11 =	sadd.s32 $0xA1000, s21;
	s13 =	sadd.s32 $0xE1000, s21  }
0x1a: {  	s15 =	sadd.s32 $0x121000, s21;
	s17 =	sadd.s32 $0x161000, s21;
	[dreg:$0xb] =	wrdreg s0  }
0x1b: {  	s19 =	sadd.s32 $0x1A1000, s21;
	[dreg:$0xd] =	wrdreg s2;
	s0 =	sadd.s32 s7, s8  }
0x1c: {  	s23 =	simm.s32 $0x2;
	s2 =	sadd.s32 s7, s10;
	[dreg:$0xf] =	wrdreg s0  }
0x1d: {  	s25 =	simm.s32 $0x0;
	s28 =	sadd.s32 s4, s26;
	[dreg:$0x11] =	wrdreg s2  }
0x1e: {  	s30 =	sadd.s32 s4, s29;
	s5 =	sadd.s32 s7, s31;
	[dreg:$0x1e] =	wrdreg s28  }
0x1f: {  	s8 =	sadd.s32 $0x41000, s21;
	s0 =	sadd.s32 s7, s12;
	[smem:$0x7FD] =	sst s30  }
0x20: {  	s10 =	sadd.s32 $0x81000, s21;
	s2 =	sadd.s32 s7, s14;
	[dreg:$0x13] =	wrdreg s0  }
0x21: {  	s12 =	sadd.s32 $0xC1000, s21;
	[dreg:$0x15] =	wrdreg s2;
	s0 =	sadd.s32 s7, s16  }
0x22: {  	s14 =	sadd.s32 $0x101000, s21;
	s2 =	sadd.s32 s7, s18;
	[dreg:$0x17] =	wrdreg s0  }
0x23: {  	s16 =	sadd.s32 $0x141000, s21;
	[dreg:$0x19] =	wrdreg s2;
	s0 =	sadd.s32 s7, s20  }
0x24: {  	s18 =	sadd.s32 $0x181000, s21;
	s2 =	sadd.s32 s7, s24;
	[dreg:$0x1b] =	wrdreg s0  }
0x25: {  	s20 =	sadd.s32 $0x1C1000, s21;
	s24 =	simm.s32 $0x1;
	[dreg:$0x1d] =	wrdreg s2  }
0x26: {  	s0 =	sadd.s32 s7, s26;
	s2 =	sadd.s32 s4, s6;
	s4 =	sadd.s32 s4, s31  }
0x27: {  	s6 =	sadd.s32 $0x1000, s21;
	[dreg:$0x1f] =	wrdreg s0;
	s0 =	sadd.s32 s7, s29  }
0x28: {  	vm0 =	vmmov $0xffff;
	s7 =	sadd.s32 $0x21000, s21;
	s21 =	sadd.s32 $0x1E1000, s21;
	_ =	strace $0x80000047  }
.LBB2_1:
0x29: {  	s26 =	rddreg [dreg:$0x4]  }
0x2a: {  	[tilespmem:s1], [sflag:$0x2] =	stream.linear.gather [hbm4b:s26+s1], $0x200, $0x38;
	[tilespmem:$0x4400] =	vst v63  }
0x2b: {  	_ =	swait.ge [sflag:s23], $0x200  }
0x2c: {  	[sflag:s23] =	ssyncset.done $0x0  }
0x2d: {  	s28 =	simm.s32 $0x200;
	s30 =	rddreg [dreg:$0x5];
	[sflag:s23] =	ssyncadd.s32 $0xFFFFFE00  }
0x2e: {  	[tilespmem:s28], [sflag:$0x2] =	stream.linear.gather [hbm4b:s30+s1], $0x200, $0x38;
	[tilespmem:$0x4400] =	vst v63  }
0x2f: {  	_ =	swait.ge [sflag:s23], $0x200  }
0x30: {  	[sflag:s23] =	ssyncset.done $0x0  }
0x31: {  	s30 =	simm.s32 $0x0;
	[sflag:s23] =	ssyncadd.s32 $0xFFFFFE00  }
0x32: {  	v0 =	vld [tilespmem:s30+$0x0];
	_ =	sdelay $0x6  }
0x33: {  	s30 =	simm.s32 $0x400  }
0x34: {  	[tilespmem:s30], [sflag:$0x1] =	stream.indirect_vreg.gather [hbm4b:s6+s1], $0x1, v0, vm0, $0xb8;
	[tilespmem:$0x4400] =	vst v63  }
0x35: {  	s30 =	simm.s32 $0x600  }
0x36: {  	[tilespmem:s30], [sflag:$0x1] =	stream.indirect_vreg.gather [hbm4b:s7+s1], $0x1, v0, vm0, $0xb8;
	[tilespmem:$0x4400] =	vst v63  }
0x37: {  	s30 =	simm.s32 $0x800  }
0x38: {  	[tilespmem:s30], [sflag:$0x1] =	stream.indirect_vreg.gather [hbm4b:s8+s1], $0x1, v0, vm0, $0xb8;
	[tilespmem:$0x4400] =	vst v63  }
0x39: {  	s30 =	simm.s32 $0xA00  }
0x3a: {  	[tilespmem:s30], [sflag:$0x1] =	stream.indirect_vreg.gather [hbm4b:s9+s1], $0x1, v0, vm0, $0xb8;
	[tilespmem:$0x4400] =	vst v63  }
0x3b: {  	s30 =	simm.s32 $0xC00  }
0x3c: {  	[tilespmem:s30], [sflag:$0x1] =	stream.indirect_vreg.gather [hbm4b:s10+s1], $0x1, v0, vm0, $0xb8;
	[tilespmem:$0x4400] =	vst v63  }
0x3d: {  	s30 =	simm.s32 $0xE00  }
0x3e: {  	[tilespmem:s30], [sflag:$0x1] =	stream.indirect_vreg.gather [hbm4b:s11+s1], $0x1, v0, vm0, $0xb8;
	[tilespmem:$0x4400] =	vst v63  }
0x3f: {  	s30 =	simm.s32 $0x1000  }
0x40: {  	[tilespmem:s30], [sflag:$0x1] =	stream.indirect_vreg.gather [hbm4b:s12+s1], $0x1, v0, vm0, $0xb8;
	[tilespmem:$0x4400] =	vst v63  }
0x41: {  	s30 =	simm.s32 $0x1200  }
0x42: {  	[tilespmem:s30], [sflag:$0x1] =	stream.indirect_vreg.gather [hbm4b:s13+s1], $0x1, v0, vm0, $0xb8;
	[tilespmem:$0x4400] =	vst v63  }
0x43: {  	s30 =	simm.s32 $0x1400  }
0x44: {  	[tilespmem:s30], [sflag:$0x1] =	stream.indirect_vreg.gather [hbm4b:s14+s1], $0x1, v0, vm0, $0xb8;
	[tilespmem:$0x4400] =	vst v63  }
0x45: {  	s30 =	simm.s32 $0x1600  }
0x46: {  	[tilespmem:s30], [sflag:$0x1] =	stream.indirect_vreg.gather [hbm4b:s15+s1], $0x1, v0, vm0, $0xb8;
	[tilespmem:$0x4400] =	vst v63  }
0x47: {  	s30 =	simm.s32 $0x1800  }
0x48: {  	[tilespmem:s30], [sflag:$0x1] =	stream.indirect_vreg.gather [hbm4b:s16+s1], $0x1, v0, vm0, $0xb8;
	[tilespmem:$0x4400] =	vst v63  }
0x49: {  	s30 =	simm.s32 $0x1A00  }
0x4a: {  	[tilespmem:s30], [sflag:$0x1] =	stream.indirect_vreg.gather [hbm4b:s17+s1], $0x1, v0, vm0, $0xb8;
	[tilespmem:$0x4400] =	vst v63  }
0x4b: {  	s30 =	simm.s32 $0x1C00  }
0x4c: {  	[tilespmem:s30], [sflag:$0x1] =	stream.indirect_vreg.gather [hbm4b:s18+s1], $0x1, v0, vm0, $0xb8;
	[tilespmem:$0x4400] =	vst v63  }
0x4d: {  	s29 =	simm.s32 $0x80;
	s31 =	simm.s32 $0x2200;
	s30 =	simm.s32 $0x1E00  }
0x4e: {  	[tilespmem:s30], [sflag:$0x1] =	stream.indirect_vreg.gather [hbm4b:s19+s1], $0x1, v0, vm0, $0xb8;
	[tilespmem:$0x4400] =	vst v63  }
0x4f: {  	s26 =	simm.s32 $0x10;
	s28 =	simm.s32 $0x0;
	s30 =	simm.s32 $0x2000  }
0x50: {  	[tilespmem:s30], [sflag:$0x1] =	stream.indirect_vreg.gather [hbm4b:s20+s1], $0x1, v0, vm0, $0xb8;
	[tilespmem:$0x4400] =	vst v63  }
.LBB2_2:
0x51: {  	[tilespmem:s31], [sflag:$0x1] =	stream.indirect_vreg.gather [hbm4b:s21+s28], $0x1, v0, vm0, $0xb8;
	[tilespmem:$0x4400] =	vst v63  }
0x52: {  	s30 =	sshra.s32 s29, $0x2;
	p0 =	sne.s32 s29, $0x7C0;
	s29 =	sadd.s32 $0x40, s29;
	v0 =	vld [tilespmem:s26+$0x0]  }
0x53: {  	_ =	sdelay $0x5  }
0x54: {  	s31 =	sadd.s32 $0x400, s26;
	s28 =	simm.s32 $0x0  }
0x55: {  	[tilespmem:s31], [sflag:$0x1] =	stream.indirect_vreg.gather [hbm4b:s6+s28], $0x1, v0, vm0, $0xb8;
	[tilespmem:$0x4400] =	vst v63  }
0x56: {  	s31 =	sadd.s32 $0x600, s26  }
0x57: {  	[tilespmem:s31], [sflag:$0x1] =	stream.indirect_vreg.gather [hbm4b:s7+s28], $0x1, v0, vm0, $0xb8;
	[tilespmem:$0x4400] =	vst v63  }
0x58: {  	s31 =	sadd.s32 $0x800, s26  }
0x59: {  	[tilespmem:s31], [sflag:$0x1] =	stream.indirect_vreg.gather [hbm4b:s8+s28], $0x1, v0, vm0, $0xb8;
	[tilespmem:$0x4400] =	vst v63  }
0x5a: {  	s31 =	sadd.s32 $0xA00, s26  }
0x5b: {  	[tilespmem:s31], [sflag:$0x1] =	stream.indirect_vreg.gather [hbm4b:s9+s28], $0x1, v0, vm0, $0xb8;
	[tilespmem:$0x4400] =	vst v63  }
0x5c: {  	s31 =	sadd.s32 $0xC00, s26  }
0x5d: {  	[tilespmem:s31], [sflag:$0x1] =	stream.indirect_vreg.gather [hbm4b:s10+s28], $0x1, v0, vm0, $0xb8;
	[tilespmem:$0x4400] =	vst v63  }
0x5e: {  	s31 =	sadd.s32 $0xE00, s26  }
0x5f: {  	[tilespmem:s31], [sflag:$0x1] =	stream.indirect_vreg.gather [hbm4b:s11+s28], $0x1, v0, vm0, $0xb8;
	[tilespmem:$0x4400] =	vst v63  }
0x60: {  	s31 =	sadd.s32 $0x1000, s26  }
0x61: {  	[tilespmem:s31], [sflag:$0x1] =	stream.indirect_vreg.gather [hbm4b:s12+s28], $0x1, v0, vm0, $0xb8;
	[tilespmem:$0x4400] =	vst v63  }
0x62: {  	s31 =	sadd.s32 $0x1200, s26  }
0x63: {  	[tilespmem:s31], [sflag:$0x1] =	stream.indirect_vreg.gather [hbm4b:s13+s28], $0x1, v0, vm0, $0xb8;
	[tilespmem:$0x4400] =	vst v63  }
0x64: {  	s31 =	sadd.s32 $0x1400, s26  }
0x65: {  	[tilespmem:s31], [sflag:$0x1] =	stream.indirect_vreg.gather [hbm4b:s14+s28], $0x1, v0, vm0, $0xb8;
	[tilespmem:$0x4400] =	vst v63  }
0x66: {  	s31 =	sadd.s32 $0x1600, s26  }
0x67: {  	[tilespmem:s31], [sflag:$0x1] =	stream.indirect_vreg.gather [hbm4b:s15+s28], $0x1, v0, vm0, $0xb8;
	[tilespmem:$0x4400] =	vst v63  }
0x68: {  	s31 =	sadd.s32 $0x1800, s26  }
0x69: {  	[tilespmem:s31], [sflag:$0x1] =	stream.indirect_vreg.gather [hbm4b:s16+s28], $0x1, v0, vm0, $0xb8;
	[tilespmem:$0x4400] =	vst v63  }
0x6a: {  	s31 =	sadd.s32 $0x1A00, s26  }
0x6b: {  	[tilespmem:s31], [sflag:$0x1] =	stream.indirect_vreg.gather [hbm4b:s17+s28], $0x1, v0, vm0, $0xb8;
	[tilespmem:$0x4400] =	vst v63  }
0x6c: {  	s31 =	sadd.s32 $0x1C00, s26  }
0x6d: {  	[tilespmem:s31], [sflag:$0x1] =	stream.indirect_vreg.gather [hbm4b:s18+s28], $0x1, v0, vm0, $0xb8;
	[tilespmem:$0x4400] =	vst v63  }
.Ltmp0:
0x6e: {  	s31 =	sadd.s32 $0x1E00, s26;
	(pc) =	sbr.rel @p0 .LBB2_2-.Ltmp0, $4  }
0x6f: {  	[tilespmem:s31], [sflag:$0x1] =	stream.indirect_vreg.gather [hbm4b:s19+s28], $0x1, v0, vm0, $0xb8;
	[tilespmem:$0x4400] =	vst v63  }
0x70: {  	s31 =	sadd.s32 $0x2000, s26  }
0x71: {  	[tilespmem:s31], [sflag:$0x1] =	stream.indirect_vreg.gather [hbm4b:s20+s28], $0x1, v0, vm0, $0xb8;
	[tilespmem:$0x4400] =	vst v63  }
0x72: {  	s31 =	sadd.s32 $0x2200, s26;
	s26 =	smov.u32 s30  }
0x73: {  	_ =	sdelay $0x3  }
0x74: {  	[tilespmem:s31], [sflag:$0x1] =	stream.indirect_vreg.gather [hbm4b:s21+s28], $0x1, v0, vm0, $0xb8;
	[tilespmem:$0x4400] =	vst v63  }
0x75: {  	v0 =	vld [tilespmem:s26+$0x0];
	_ =	sdelay $0x6  }
0x76: {  	s29 =	sadd.s32 $0x400, s26  }
0x77: {  	[tilespmem:s29], [sflag:$0x1] =	stream.indirect_vreg.gather [hbm4b:s6+s28], $0x1, v0, vm0, $0xb8;
	[tilespmem:$0x4400] =	vst v63  }
0x78: {  	s31 =	sadd.s32 $0x600, s26  }
0x79: {  	[tilespmem:s31], [sflag:$0x1] =	stream.indirect_vreg.gather [hbm4b:s7+s28], $0x1, v0, vm0, $0xb8;
	[tilespmem:$0x4400] =	vst v63  }
0x7a: {  	s30 =	sadd.s32 $0x800, s26  }
0x7b: {  	[tilespmem:s30], [sflag:$0x1] =	stream.indirect_vreg.gather [hbm4b:s8+s28], $0x1, v0, vm0, $0xb8;
	[tilespmem:$0x4400] =	vst v63  }
0x7c: {  	s31 =	sadd.s32 $0xA00, s26  }
0x7d: {  	[tilespmem:s31], [sflag:$0x1] =	stream.indirect_vreg.gather [hbm4b:s9+s28], $0x1, v0, vm0, $0xb8;
	[tilespmem:$0x4400] =	vst v63  }
0x7e: {  	s30 =	sadd.s32 $0xC00, s26  }
0x7f: {  	[tilespmem:s30], [sflag:$0x1] =	stream.indirect_vreg.gather [hbm4b:s10+s28], $0x1, v0, vm0, $0xb8;
	[tilespmem:$0x4400] =	vst v63  }
0x80: {  	s31 =	sadd.s32 $0xE00, s26  }
0x81: {  	[tilespmem:s31], [sflag:$0x1] =	stream.indirect_vreg.gather [hbm4b:s11+s28], $0x1, v0, vm0, $0xb8;
	[tilespmem:$0x4400] =	vst v63  }
0x82: {  	s30 =	sadd.s32 $0x1000, s26  }
0x83: {  	[tilespmem:s30], [sflag:$0x1] =	stream.indirect_vreg.gather [hbm4b:s12+s28], $0x1, v0, vm0, $0xb8;
	[tilespmem:$0x4400] =	vst v63  }
0x84: {  	s31 =	sadd.s32 $0x1200, s26  }
0x85: {  	[tilespmem:s31], [sflag:$0x1] =	stream.indirect_vreg.gather [hbm4b:s13+s28], $0x1, v0, vm0, $0xb8;
	[tilespmem:$0x4400] =	vst v63  }
0x86: {  	s30 =	sadd.s32 $0x1400, s26  }
0x87: {  	[tilespmem:s30], [sflag:$0x1] =	stream.indirect_vreg.gather [hbm4b:s14+s28], $0x1, v0, vm0, $0xb8;
	[tilespmem:$0x4400] =	vst v63  }
0x88: {  	s31 =	sadd.s32 $0x1600, s26  }
0x89: {  	[tilespmem:s31], [sflag:$0x1] =	stream.indirect_vreg.gather [hbm4b:s15+s28], $0x1, v0, vm0, $0xb8;
	[tilespmem:$0x4400] =	vst v63  }
0x8a: {  	s30 =	sadd.s32 $0x1800, s26  }
0x8b: {  	[tilespmem:s30], [sflag:$0x1] =	stream.indirect_vreg.gather [hbm4b:s16+s28], $0x1, v0, vm0, $0xb8;
	[tilespmem:$0x4400] =	vst v63  }
0x8c: {  	s31 =	sadd.s32 $0x1A00, s26  }
0x8d: {  	[tilespmem:s31], [sflag:$0x1] =	stream.indirect_vreg.gather [hbm4b:s17+s28], $0x1, v0, vm0, $0xb8;
	[tilespmem:$0x4400] =	vst v63  }
0x8e: {  	s30 =	sadd.s32 $0x1C00, s26  }
0x8f: {  	[tilespmem:s30], [sflag:$0x1] =	stream.indirect_vreg.gather [hbm4b:s18+s28], $0x1, v0, vm0, $0xb8;
	[tilespmem:$0x4400] =	vst v63  }
0x90: {  	p1 =	por $0x1, $0x1;
	s31 =	sadd.s32 $0x1E00, s26  }
0x91: {  	[tilespmem:s31], [sflag:$0x1] =	stream.indirect_vreg.gather [hbm4b:s19+s28], $0x1, v0, vm0, $0xb8;
	[tilespmem:$0x4400] =	vst v63  }
.Ltmp1:
0x92: {  	_ = 	snop;
	(pc) =	sbr.rel @!p1 .LBB2_4-.Ltmp1, $4  }
0x93: {  	s30 =	sadd.s32 $0x2000, s26  }
0x94: {  	[tilespmem:s30], [sflag:$0x1] =	stream.indirect_vreg.gather [hbm4b:s20+s28], $0x1, v0, vm0, $0xb8;
	[tilespmem:$0x4400] =	vst v63  }
0x95: {  	p0 =	por $0x0, $0x0;
	s31 =	sadd.s32 $0x2200, s26;
	s26 =	simm.s32 $0x0  }
0x96: {  	[tilespmem:s31], [sflag:$0x1] =	stream.indirect_vreg.gather [hbm4b:s21+s28], $0x1, v0, vm0, $0xb8;
	[tilespmem:$0x4400] =	vst v63  }
0x97: {  	v0 =	vld [tilespmem:s26+$0x200];
	_ =	sdelay $0x6  }
0x98: {  	s31 =	simm.s32 $0x2400  }
0x99: {  	[tilespmem:s31], [sflag:$0x1] =	stream.indirect_vreg.gather [hbm4b:s6+s1], $0x1, v0, vm0, $0xb8;
	[tilespmem:$0x4400] =	vst v63  }
0x9a: {  	s29 =	simm.s32 $0x2600  }
0x9b: {  	[tilespmem:s29], [sflag:$0x1] =	stream.indirect_vreg.gather [hbm4b:s7+s1], $0x1, v0, vm0, $0xb8;
	[tilespmem:$0x4400] =	vst v63  }
0x9c: {  	s31 =	simm.s32 $0x2800  }
0x9d: {  	[tilespmem:s31], [sflag:$0x1] =	stream.indirect_vreg.gather [hbm4b:s8+s1], $0x1, v0, vm0, $0xb8;
	[tilespmem:$0x4400] =	vst v63  }
0x9e: {  	s29 =	simm.s32 $0x2A00  }
0x9f: {  	[tilespmem:s29], [sflag:$0x1] =	stream.indirect_vreg.gather [hbm4b:s9+s1], $0x1, v0, vm0, $0xb8;
	[tilespmem:$0x4400] =	vst v63  }
0xa0: {  	s31 =	simm.s32 $0x2C00  }
0xa1: {  	[tilespmem:s31], [sflag:$0x1] =	stream.indirect_vreg.gather [hbm4b:s10+s1], $0x1, v0, vm0, $0xb8;
	[tilespmem:$0x4400] =	vst v63  }
0xa2: {  	s29 =	simm.s32 $0x2E00  }
0xa3: {  	[tilespmem:s29], [sflag:$0x1] =	stream.indirect_vreg.gather [hbm4b:s11+s1], $0x1, v0, vm0, $0xb8;
	[tilespmem:$0x4400] =	vst v63  }
0xa4: {  	s31 =	simm.s32 $0x3000  }
0xa5: {  	[tilespmem:s31], [sflag:$0x1] =	stream.indirect_vreg.gather [hbm4b:s12+s1], $0x1, v0, vm0, $0xb8;
	[tilespmem:$0x4400] =	vst v63  }
0xa6: {  	s29 =	simm.s32 $0x3200  }
0xa7: {  	[tilespmem:s29], [sflag:$0x1] =	stream.indirect_vreg.gather [hbm4b:s13+s1], $0x1, v0, vm0, $0xb8;
	[tilespmem:$0x4400] =	vst v63  }
0xa8: {  	s31 =	simm.s32 $0x3400  }
0xa9: {  	[tilespmem:s31], [sflag:$0x1] =	stream.indirect_vreg.gather [hbm4b:s14+s1], $0x1, v0, vm0, $0xb8;
	[tilespmem:$0x4400] =	vst v63  }
0xaa: {  	s29 =	simm.s32 $0x3600  }
0xab: {  	[tilespmem:s29], [sflag:$0x1] =	stream.indirect_vreg.gather [hbm4b:s15+s1], $0x1, v0, vm0, $0xb8;
	[tilespmem:$0x4400] =	vst v63  }
0xac: {  	s31 =	simm.s32 $0x3800  }
0xad: {  	[tilespmem:s31], [sflag:$0x1] =	stream.indirect_vreg.gather [hbm4b:s16+s1], $0x1, v0, vm0, $0xb8;
	[tilespmem:$0x4400] =	vst v63  }
0xae: {  	s29 =	simm.s32 $0x3A00  }
0xaf: {  	[tilespmem:s29], [sflag:$0x1] =	stream.indirect_vreg.gather [hbm4b:s17+s1], $0x1, v0, vm0, $0xb8;
	[tilespmem:$0x4400] =	vst v63  }
0xb0: {  	p1 =	por $0x1, $0x1;
	s31 =	simm.s32 $0x3C00  }
0xb1: {  	[tilespmem:s31], [sflag:$0x1] =	stream.indirect_vreg.gather [hbm4b:s18+s1], $0x1, v0, vm0, $0xb8;
	[tilespmem:$0x4400] =	vst v63  }
.Ltmp2:
0xb2: {  	_ = 	snop;
	(pc) =	sbr.rel @!p1 .LBB2_6-.Ltmp2, $4  }
0xb3: {  	s26 =	simm.s32 $0x10;
	s28 =	simm.s32 $0x80;
	s29 =	simm.s32 $0x3E00  }
0xb4: {  	[tilespmem:s29], [sflag:$0x1] =	stream.indirect_vreg.gather [hbm4b:s19+s1], $0x1, v0, vm0, $0xb8;
	[tilespmem:$0x4400] =	vst v63  }
0xb5: {  	s30 =	simm.s32 $0x4200;
	p0 =	por $0x1, $0x1;
	s31 =	simm.s32 $0x4000  }
0xb6: {  	[tilespmem:s31], [sflag:$0x1] =	stream.indirect_vreg.gather [hbm4b:s20+s1], $0x1, v0, vm0, $0xb8;
	[tilespmem:$0x4400] =	vst v63  }
.LBB2_7:
0xb7: {  	[tilespmem:s30], [sflag:$0x1] =	stream.indirect_vreg.gather [hbm4b:s21+s1], $0x1, v0, vm0, $0xb8;
	[tilespmem:$0x4400] =	vst v63  }
0xb8: {  	s29 =	sshra.s32 s28, $0x2;
	p1 =	sne.s32 s28, $0x7C0;
	s28 =	sadd.s32 $0x40, s28;
	v0 =	vld [tilespmem:s26+$0x200]  }
0xb9: {  	_ =	sdelay $0x5  }
0xba: {  	s30 =	sadd.s32 $0x2400, s26  }
0xbb: {  	[tilespmem:s30], [sflag:$0x1] =	stream.indirect_vreg.gather [hbm4b:s6+s1], $0x1, v0, vm0, $0xb8;
	[tilespmem:$0x4400] =	vst v63  }
0xbc: {  	s30 =	sadd.s32 $0x2600, s26  }
0xbd: {  	[tilespmem:s30], [sflag:$0x1] =	stream.indirect_vreg.gather [hbm4b:s7+s1], $0x1, v0, vm0, $0xb8;
	[tilespmem:$0x4400] =	vst v63  }
0xbe: {  	s30 =	sadd.s32 $0x2800, s26  }
0xbf: {  	[tilespmem:s30], [sflag:$0x1] =	stream.indirect_vreg.gather [hbm4b:s8+s1], $0x1, v0, vm0, $0xb8;
	[tilespmem:$0x4400] =	vst v63  }
0xc0: {  	s30 =	sadd.s32 $0x2A00, s26  }
0xc1: {  	[tilespmem:s30], [sflag:$0x1] =	stream.indirect_vreg.gather [hbm4b:s9+s1], $0x1, v0, vm0, $0xb8;
	[tilespmem:$0x4400] =	vst v63  }
0xc2: {  	s30 =	sadd.s32 $0x2C00, s26  }
0xc3: {  	[tilespmem:s30], [sflag:$0x1] =	stream.indirect_vreg.gather [hbm4b:s10+s1], $0x1, v0, vm0, $0xb8;
	[tilespmem:$0x4400] =	vst v63  }
0xc4: {  	s30 =	sadd.s32 $0x2E00, s26  }
0xc5: {  	[tilespmem:s30], [sflag:$0x1] =	stream.indirect_vreg.gather [hbm4b:s11+s1], $0x1, v0, vm0, $0xb8;
	[tilespmem:$0x4400] =	vst v63  }
0xc6: {  	s30 =	sadd.s32 $0x3000, s26  }
0xc7: {  	[tilespmem:s30], [sflag:$0x1] =	stream.indirect_vreg.gather [hbm4b:s12+s1], $0x1, v0, vm0, $0xb8;
	[tilespmem:$0x4400] =	vst v63  }
0xc8: {  	s30 =	sadd.s32 $0x3200, s26  }
0xc9: {  	[tilespmem:s30], [sflag:$0x1] =	stream.indirect_vreg.gather [hbm4b:s13+s1], $0x1, v0, vm0, $0xb8;
	[tilespmem:$0x4400] =	vst v63  }
0xca: {  	s30 =	sadd.s32 $0x3400, s26  }
0xcb: {  	[tilespmem:s30], [sflag:$0x1] =	stream.indirect_vreg.gather [hbm4b:s14+s1], $0x1, v0, vm0, $0xb8;
	[tilespmem:$0x4400] =	vst v63  }
0xcc: {  	s30 =	sadd.s32 $0x3600, s26  }
0xcd: {  	[tilespmem:s30], [sflag:$0x1] =	stream.indirect_vreg.gather [hbm4b:s15+s1], $0x1, v0, vm0, $0xb8;
	[tilespmem:$0x4400] =	vst v63  }
0xce: {  	s30 =	sadd.s32 $0x3800, s26  }
0xcf: {  	[tilespmem:s30], [sflag:$0x1] =	stream.indirect_vreg.gather [hbm4b:s16+s1], $0x1, v0, vm0, $0xb8;
	[tilespmem:$0x4400] =	vst v63  }
0xd0: {  	s30 =	sadd.s32 $0x3A00, s26  }
0xd1: {  	[tilespmem:s30], [sflag:$0x1] =	stream.indirect_vreg.gather [hbm4b:s17+s1], $0x1, v0, vm0, $0xb8;
	[tilespmem:$0x4400] =	vst v63  }
0xd2: {  	s30 =	sadd.s32 $0x3C00, s26  }
0xd3: {  	[tilespmem:s30], [sflag:$0x1] =	stream.indirect_vreg.gather [hbm4b:s18+s1], $0x1, v0, vm0, $0xb8;
	[tilespmem:$0x4400] =	vst v63  }
.Ltmp3:
0xd4: {  	s30 =	sadd.s32 $0x3E00, s26;
	(pc) =	sbr.rel @p1 .LBB2_7-.Ltmp3, $4  }
0xd5: {  	[tilespmem:s30], [sflag:$0x1] =	stream.indirect_vreg.gather [hbm4b:s19+s1], $0x1, v0, vm0, $0xb8;
	[tilespmem:$0x4400] =	vst v63  }
0xd6: {  	s30 =	sadd.s32 $0x4000, s26  }
0xd7: {  	[tilespmem:s30], [sflag:$0x1] =	stream.indirect_vreg.gather [hbm4b:s20+s1], $0x1, v0, vm0, $0xb8;
	[tilespmem:$0x4400] =	vst v63  }
0xd8: {  	s30 =	sadd.s32 $0x4200, s26;
	s26 =	smov.u32 s29  }
.LBB2_8:
0xd9: {  	_ =	sdelay $0x3  }
0xda: {  	[tilespmem:s30], [sflag:$0x1] =	stream.indirect_vreg.gather @p0 [hbm4b:s21+s1], $0x1, v0, vm0, $0xb8;
	[tilespmem:$0x4400] =	vst v63  }
0xdb: {  	v0 =	vld [tilespmem:s26+$0x200];
	_ =	sdelay $0x6  }
0xdc: {  	s28 =	sadd.s32 $0x2400, s26  }
0xdd: {  	[tilespmem:s28], [sflag:$0x1] =	stream.indirect_vreg.gather [hbm4b:s6+s1], $0x1, v0, vm0, $0xb8;
	[tilespmem:$0x4400] =	vst v63  }
0xde: {  	s31 =	sadd.s32 $0x2600, s26  }
0xdf: {  	[tilespmem:s31], [sflag:$0x1] =	stream.indirect_vreg.gather [hbm4b:s7+s1], $0x1, v0, vm0, $0xb8;
	[tilespmem:$0x4400] =	vst v63  }
0xe0: {  	s29 =	sadd.s32 $0x2800, s26  }
0xe1: {  	[tilespmem:s29], [sflag:$0x1] =	stream.indirect_vreg.gather [hbm4b:s8+s1], $0x1, v0, vm0, $0xb8;
	[tilespmem:$0x4400] =	vst v63  }
0xe2: {  	s30 =	sadd.s32 $0x2A00, s26  }
0xe3: {  	[tilespmem:s30], [sflag:$0x1] =	stream.indirect_vreg.gather [hbm4b:s9+s1], $0x1, v0, vm0, $0xb8;
	[tilespmem:$0x4400] =	vst v63  }
0xe4: {  	s31 =	sadd.s32 $0x2C00, s26  }
0xe5: {  	[tilespmem:s31], [sflag:$0x1] =	stream.indirect_vreg.gather [hbm4b:s10+s1], $0x1, v0, vm0, $0xb8;
	[tilespmem:$0x4400] =	vst v63  }
0xe6: {  	s29 =	sadd.s32 $0x2E00, s26  }
0xe7: {  	[tilespmem:s29], [sflag:$0x1] =	stream.indirect_vreg.gather [hbm4b:s11+s1], $0x1, v0, vm0, $0xb8;
	[tilespmem:$0x4400] =	vst v63  }
0xe8: {  	s30 =	sadd.s32 $0x3000, s26  }
0xe9: {  	[tilespmem:s30], [sflag:$0x1] =	stream.indirect_vreg.gather [hbm4b:s12+s1], $0x1, v0, vm0, $0xb8;
	[tilespmem:$0x4400] =	vst v63  }
0xea: {  	s31 =	sadd.s32 $0x3200, s26  }
0xeb: {  	[tilespmem:s31], [sflag:$0x1] =	stream.indirect_vreg.gather [hbm4b:s13+s1], $0x1, v0, vm0, $0xb8;
	[tilespmem:$0x4400] =	vst v63  }
0xec: {  	s29 =	sadd.s32 $0x3400, s26  }
0xed: {  	[tilespmem:s29], [sflag:$0x1] =	stream.indirect_vreg.gather [hbm4b:s14+s1], $0x1, v0, vm0, $0xb8;
	[tilespmem:$0x4400] =	vst v63  }
0xee: {  	s30 =	sadd.s32 $0x3600, s26  }
0xef: {  	[tilespmem:s30], [sflag:$0x1] =	stream.indirect_vreg.gather [hbm4b:s15+s1], $0x1, v0, vm0, $0xb8;
	[tilespmem:$0x4400] =	vst v63  }
0xf0: {  	s31 =	sadd.s32 $0x3800, s26  }
0xf1: {  	[tilespmem:s31], [sflag:$0x1] =	stream.indirect_vreg.gather [hbm4b:s16+s1], $0x1, v0, vm0, $0xb8;
	[tilespmem:$0x4400] =	vst v63  }
0xf2: {  	s29 =	sadd.s32 $0x3A00, s26  }
0xf3: {  	[tilespmem:s29], [sflag:$0x1] =	stream.indirect_vreg.gather [hbm4b:s17+s1], $0x1, v0, vm0, $0xb8;
	[tilespmem:$0x4400] =	vst v63  }
0xf4: {  	s30 =	sadd.s32 $0x3C00, s26  }
0xf5: {  	[tilespmem:s30], [sflag:$0x1] =	stream.indirect_vreg.gather [hbm4b:s18+s1], $0x1, v0, vm0, $0xb8;
	[tilespmem:$0x4400] =	vst v63  }
0xf6: {  	s31 =	sadd.s32 $0x3E00, s26  }
0xf7: {  	[tilespmem:s31], [sflag:$0x1] =	stream.indirect_vreg.gather [hbm4b:s19+s1], $0x1, v0, vm0, $0xb8;
	[tilespmem:$0x4400] =	vst v63  }
0xf8: {  	s29 =	sadd.s32 $0x4000, s26  }
0xf9: {  	[tilespmem:s29], [sflag:$0x1] =	stream.indirect_vreg.gather [hbm4b:s20+s1], $0x1, v0, vm0, $0xb8;
	[tilespmem:$0x4400] =	vst v63  }
0xfa: {  	s30 =	sadd.s32 $0x4200, s26  }
0xfb: {  	[tilespmem:s30], [sflag:$0x1] =	stream.indirect_vreg.gather [hbm4b:s21+s1], $0x1, v0, vm0, $0xb8;
	[tilespmem:$0x4400] =	vst v63  }
0xfc: {  	_ =	swait.ge [sflag:s24], $0x2000  }
0xfd: {  	[sflag:s24] =	ssyncset.done $0x0  }
0xfe: {  	[sflag:s24] =	ssyncadd.s32 $0xFFFFE000  }
0xff: {  	_ =	swait.ge [sflag:s24], $0x2000  }
0x100: {  	[sflag:s24] =	ssyncset.done $0x0  }
0x101: {  	s31 =	simm.s32 $0x400;
	[sflag:s24] =	ssyncadd.s32 $0xFFFFE000  }
0x102: {  	[hbm4b:s2+s1] =	stream.linear.scatter [tilespmem:s31], [sflag:$0x2], $0x200, $0x38;
	[tilespmem:$0x4400] =	vst v63  }
0x103: {  	_ =	swait.ge [sflag:s23], $0x200  }
0x104: {  	[sflag:s23] =	ssyncset.done $0x0  }
0x105: {  	s28 =	simm.s32 $0x2400;
	[sflag:s23] =	ssyncadd.s32 $0xFFFFFE00  }
0x106: {  	[hbm4b:s3+s1] =	stream.linear.scatter [tilespmem:s28], [sflag:$0x2], $0x200, $0x38;
	[tilespmem:$0x4400] =	vst v63  }
0x107: {  	_ =	swait.ge [sflag:s23], $0x200  }
0x108: {  	[sflag:s23] =	ssyncset.done $0x0  }
0x109: {  	s30 =	simm.s32 $0x600;
	s29 =	rddreg [dreg:$0x6];
	[sflag:s23] =	ssyncadd.s32 $0xFFFFFE00  }
0x10a: {  	[hbm4b:s29+s1] =	stream.linear.scatter [tilespmem:s30], [sflag:$0x2], $0x200, $0x38;
	[tilespmem:$0x4400] =	vst v63  }
0x10b: {  	_ =	swait.ge [sflag:s23], $0x200  }
0x10c: {  	[sflag:s23] =	ssyncset.done $0x0  }
0x10d: {  	s29 =	simm.s32 $0x2600;
	s31 =	rddreg [dreg:$0x7];
	[sflag:s23] =	ssyncadd.s32 $0xFFFFFE00  }
0x10e: {  	[hbm4b:s31+s1] =	stream.linear.scatter [tilespmem:s29], [sflag:$0x2], $0x200, $0x38;
	[tilespmem:$0x4400] =	vst v63  }
0x10f: {  	_ =	swait.ge [sflag:s23], $0x200  }
0x110: {  	[sflag:s23] =	ssyncset.done $0x0  }
0x111: {  	s31 =	simm.s32 $0x800;
	s30 =	rddreg [dreg:$0x8];
	[sflag:s23] =	ssyncadd.s32 $0xFFFFFE00  }
0x112: {  	[hbm4b:s30+s1] =	stream.linear.scatter [tilespmem:s31], [sflag:$0x2], $0x200, $0x38;
	[tilespmem:$0x4400] =	vst v63  }
0x113: {  	_ =	swait.ge [sflag:s23], $0x200  }
0x114: {  	[sflag:s23] =	ssyncset.done $0x0  }
0x115: {  	s30 =	simm.s32 $0x2800;
	s29 =	rddreg [dreg:$0x9];
	[sflag:s23] =	ssyncadd.s32 $0xFFFFFE00  }
0x116: {  	[hbm4b:s29+s1] =	stream.linear.scatter [tilespmem:s30], [sflag:$0x2], $0x200, $0x38;
	[tilespmem:$0x4400] =	vst v63  }
0x117: {  	_ =	swait.ge [sflag:s23], $0x200  }
0x118: {  	[sflag:s23] =	ssyncset.done $0x0  }
0x119: {  	s29 =	simm.s32 $0xA00;
	s31 =	rddreg [dreg:$0xa];
	[sflag:s23] =	ssyncadd.s32 $0xFFFFFE00  }
0x11a: {  	[hbm4b:s31+s1] =	stream.linear.scatter [tilespmem:s29], [sflag:$0x2], $0x200, $0x38;
	[tilespmem:$0x4400] =	vst v63  }
0x11b: {  	_ =	swait.ge [sflag:s23], $0x200  }
0x11c: {  	[sflag:s23] =	ssyncset.done $0x0  }
0x11d: {  	s31 =	simm.s32 $0x2A00;
	s30 =	rddreg [dreg:$0xb];
	[sflag:s23] =	ssyncadd.s32 $0xFFFFFE00  }
0x11e: {  	[hbm4b:s30+s1] =	stream.linear.scatter [tilespmem:s31], [sflag:$0x2], $0x200, $0x38;
	[tilespmem:$0x4400] =	vst v63  }
0x11f: {  	_ =	swait.ge [sflag:s23], $0x200  }
0x120: {  	[sflag:s23] =	ssyncset.done $0x0  }
0x121: {  	s30 =	simm.s32 $0xC00;
	s29 =	rddreg [dreg:$0xc];
	[sflag:s23] =	ssyncadd.s32 $0xFFFFFE00  }
0x122: {  	[hbm4b:s29+s1] =	stream.linear.scatter [tilespmem:s30], [sflag:$0x2], $0x200, $0x38;
	[tilespmem:$0x4400] =	vst v63  }
0x123: {  	_ =	swait.ge [sflag:s23], $0x200  }
0x124: {  	[sflag:s23] =	ssyncset.done $0x0  }
0x125: {  	s29 =	simm.s32 $0x2C00;
	s31 =	rddreg [dreg:$0xd];
	[sflag:s23] =	ssyncadd.s32 $0xFFFFFE00  }
0x126: {  	[hbm4b:s31+s1] =	stream.linear.scatter [tilespmem:s29], [sflag:$0x2], $0x200, $0x38;
	[tilespmem:$0x4400] =	vst v63  }
0x127: {  	_ =	swait.ge [sflag:s23], $0x200  }
0x128: {  	[sflag:s23] =	ssyncset.done $0x0  }
0x129: {  	s31 =	simm.s32 $0xE00;
	s30 =	rddreg [dreg:$0xe];
	[sflag:s23] =	ssyncadd.s32 $0xFFFFFE00  }
0x12a: {  	[hbm4b:s30+s1] =	stream.linear.scatter [tilespmem:s31], [sflag:$0x2], $0x200, $0x38;
	[tilespmem:$0x4400] =	vst v63  }
0x12b: {  	_ =	swait.ge [sflag:s23], $0x200  }
0x12c: {  	[sflag:s23] =	ssyncset.done $0x0  }
0x12d: {  	s30 =	simm.s32 $0x2E00;
	s29 =	rddreg [dreg:$0xf];
	[sflag:s23] =	ssyncadd.s32 $0xFFFFFE00  }
0x12e: {  	[hbm4b:s29+s1] =	stream.linear.scatter [tilespmem:s30], [sflag:$0x2], $0x200, $0x38;
	[tilespmem:$0x4400] =	vst v63  }
0x12f: {  	_ =	swait.ge [sflag:s23], $0x200  }
0x130: {  	[sflag:s23] =	ssyncset.done $0x0  }
0x131: {  	s29 =	simm.s32 $0x1000;
	s31 =	rddreg [dreg:$0x10];
	[sflag:s23] =	ssyncadd.s32 $0xFFFFFE00  }
0x132: {  	[hbm4b:s31+s1] =	stream.linear.scatter [tilespmem:s29], [sflag:$0x2], $0x200, $0x38;
	[tilespmem:$0x4400] =	vst v63  }
0x133: {  	_ =	swait.ge [sflag:s23], $0x200  }
0x134: {  	[sflag:s23] =	ssyncset.done $0x0  }
0x135: {  	s31 =	simm.s32 $0x3000;
	s30 =	rddreg [dreg:$0x11];
	[sflag:s23] =	ssyncadd.s32 $0xFFFFFE00  }
0x136: {  	[hbm4b:s30+s1] =	stream.linear.scatter [tilespmem:s31], [sflag:$0x2], $0x200, $0x38;
	[tilespmem:$0x4400] =	vst v63  }
0x137: {  	_ =	swait.ge [sflag:s23], $0x200  }
0x138: {  	[sflag:s23] =	ssyncset.done $0x0  }
0x139: {  	s30 =	simm.s32 $0x1200;
	s29 =	rddreg [dreg:$0x12];
	[sflag:s23] =	ssyncadd.s32 $0xFFFFFE00  }
0x13a: {  	[hbm4b:s29+s1] =	stream.linear.scatter [tilespmem:s30], [sflag:$0x2], $0x200, $0x38;
	[tilespmem:$0x4400] =	vst v63  }
0x13b: {  	_ =	swait.ge [sflag:s23], $0x200  }
0x13c: {  	[sflag:s23] =	ssyncset.done $0x0  }
0x13d: {  	s29 =	simm.s32 $0x3200;
	s31 =	rddreg [dreg:$0x13];
	[sflag:s23] =	ssyncadd.s32 $0xFFFFFE00  }
0x13e: {  	[hbm4b:s31+s1] =	stream.linear.scatter [tilespmem:s29], [sflag:$0x2], $0x200, $0x38;
	[tilespmem:$0x4400] =	vst v63  }
0x13f: {  	_ =	swait.ge [sflag:s23], $0x200  }
0x140: {  	[sflag:s23] =	ssyncset.done $0x0  }
0x141: {  	s31 =	simm.s32 $0x1400;
	s30 =	rddreg [dreg:$0x14];
	[sflag:s23] =	ssyncadd.s32 $0xFFFFFE00  }
0x142: {  	[hbm4b:s30+s1] =	stream.linear.scatter [tilespmem:s31], [sflag:$0x2], $0x200, $0x38;
	[tilespmem:$0x4400] =	vst v63  }
0x143: {  	_ =	swait.ge [sflag:s23], $0x200  }
0x144: {  	[sflag:s23] =	ssyncset.done $0x0  }
0x145: {  	s30 =	simm.s32 $0x3400;
	s29 =	rddreg [dreg:$0x15];
	[sflag:s23] =	ssyncadd.s32 $0xFFFFFE00  }
0x146: {  	[hbm4b:s29+s1] =	stream.linear.scatter [tilespmem:s30], [sflag:$0x2], $0x200, $0x38;
	[tilespmem:$0x4400] =	vst v63  }
0x147: {  	_ =	swait.ge [sflag:s23], $0x200  }
0x148: {  	[sflag:s23] =	ssyncset.done $0x0  }
0x149: {  	s29 =	simm.s32 $0x1600;
	s31 =	rddreg [dreg:$0x16];
	[sflag:s23] =	ssyncadd.s32 $0xFFFFFE00  }
0x14a: {  	[hbm4b:s31+s1] =	stream.linear.scatter [tilespmem:s29], [sflag:$0x2], $0x200, $0x38;
	[tilespmem:$0x4400] =	vst v63  }
0x14b: {  	_ =	swait.ge [sflag:s23], $0x200  }
0x14c: {  	[sflag:s23] =	ssyncset.done $0x0  }
0x14d: {  	s31 =	simm.s32 $0x3600;
	s30 =	rddreg [dreg:$0x17];
	[sflag:s23] =	ssyncadd.s32 $0xFFFFFE00  }
0x14e: {  	[hbm4b:s30+s1] =	stream.linear.scatter [tilespmem:s31], [sflag:$0x2], $0x200, $0x38;
	[tilespmem:$0x4400] =	vst v63  }
0x14f: {  	_ =	swait.ge [sflag:s23], $0x200  }
0x150: {  	[sflag:s23] =	ssyncset.done $0x0  }
0x151: {  	s30 =	simm.s32 $0x1800;
	s29 =	rddreg [dreg:$0x18];
	[sflag:s23] =	ssyncadd.s32 $0xFFFFFE00  }
0x152: {  	[hbm4b:s29+s1] =	stream.linear.scatter [tilespmem:s30], [sflag:$0x2], $0x200, $0x38;
	[tilespmem:$0x4400] =	vst v63  }
0x153: {  	_ =	swait.ge [sflag:s23], $0x200  }
0x154: {  	[sflag:s23] =	ssyncset.done $0x0  }
0x155: {  	s29 =	simm.s32 $0x3800;
	s31 =	rddreg [dreg:$0x19];
	[sflag:s23] =	ssyncadd.s32 $0xFFFFFE00  }
0x156: {  	[hbm4b:s31+s1] =	stream.linear.scatter [tilespmem:s29], [sflag:$0x2], $0x200, $0x38;
	[tilespmem:$0x4400] =	vst v63  }
0x157: {  	_ =	swait.ge [sflag:s23], $0x200  }
0x158: {  	[sflag:s23] =	ssyncset.done $0x0  }
0x159: {  	s31 =	simm.s32 $0x1A00;
	s30 =	rddreg [dreg:$0x1a];
	[sflag:s23] =	ssyncadd.s32 $0xFFFFFE00  }
0x15a: {  	[hbm4b:s30+s1] =	stream.linear.scatter [tilespmem:s31], [sflag:$0x2], $0x200, $0x38;
	[tilespmem:$0x4400] =	vst v63  }
0x15b: {  	_ =	swait.ge [sflag:s23], $0x200  }
0x15c: {  	[sflag:s23] =	ssyncset.done $0x0  }
0x15d: {  	s30 =	simm.s32 $0x3A00;
	s29 =	rddreg [dreg:$0x1b];
	[sflag:s23] =	ssyncadd.s32 $0xFFFFFE00  }
0x15e: {  	[hbm4b:s29+s1] =	stream.linear.scatter [tilespmem:s30], [sflag:$0x2], $0x200, $0x38;
	[tilespmem:$0x4400] =	vst v63  }
0x15f: {  	_ =	swait.ge [sflag:s23], $0x200  }
0x160: {  	[sflag:s23] =	ssyncset.done $0x0  }
0x161: {  	s29 =	simm.s32 $0x1C00;
	s31 =	rddreg [dreg:$0x1c];
	[sflag:s23] =	ssyncadd.s32 $0xFFFFFE00  }
0x162: {  	[hbm4b:s31+s1] =	stream.linear.scatter [tilespmem:s29], [sflag:$0x2], $0x200, $0x38;
	[tilespmem:$0x4400] =	vst v63  }
0x163: {  	_ =	swait.ge [sflag:s23], $0x200  }
0x164: {  	[sflag:s23] =	ssyncset.done $0x0  }
0x165: {  	s31 =	simm.s32 $0x3C00;
	s30 =	rddreg [dreg:$0x1d];
	[sflag:s23] =	ssyncadd.s32 $0xFFFFFE00  }
0x166: {  	[hbm4b:s30+s1] =	stream.linear.scatter [tilespmem:s31], [sflag:$0x2], $0x200, $0x38;
	[tilespmem:$0x4400] =	vst v63  }
0x167: {  	_ =	swait.ge [sflag:s23], $0x200  }
0x168: {  	[sflag:s23] =	ssyncset.done $0x0  }
0x169: {  	s30 =	simm.s32 $0x1E00;
	s29 =	rddreg [dreg:$0x1e];
	[sflag:s23] =	ssyncadd.s32 $0xFFFFFE00  }
0x16a: {  	[hbm4b:s29+s1] =	stream.linear.scatter [tilespmem:s30], [sflag:$0x2], $0x200, $0x38;
	[tilespmem:$0x4400] =	vst v63  }
0x16b: {  	_ =	swait.ge [sflag:s23], $0x200  }
0x16c: {  	[sflag:s23] =	ssyncset.done $0x0  }
0x16d: {  	s29 =	simm.s32 $0x3E00;
	s31 =	rddreg [dreg:$0x1f];
	[sflag:s23] =	ssyncadd.s32 $0xFFFFFE00  }
0x16e: {  	[hbm4b:s31+s1] =	stream.linear.scatter [tilespmem:s29], [sflag:$0x2], $0x200, $0x38;
	[tilespmem:$0x4400] =	vst v63  }
0x16f: {  	_ =	swait.ge [sflag:s23], $0x200  }
0x170: {  	s30 =	sld [smem:$0x7FD]  }
0x171: {  	[sflag:s23] =	ssyncset.done $0x0  }
0x172: {  	s31 =	simm.s32 $0x2000;
	[sflag:s23] =	ssyncadd.s32 $0xFFFFFE00  }
0x173: {  	[hbm4b:s30+s1] =	stream.linear.scatter [tilespmem:s31], [sflag:$0x2], $0x200, $0x38;
	[tilespmem:$0x4400] =	vst v63  }
0x174: {  	_ =	swait.ge [sflag:s23], $0x200  }
0x175: {  	[sflag:s23] =	ssyncset.done $0x0  }
0x176: {  	s29 =	simm.s32 $0x4000;
	[sflag:s23] =	ssyncadd.s32 $0xFFFFFE00  }
0x177: {  	[hbm4b:s0+s1] =	stream.linear.scatter [tilespmem:s29], [sflag:$0x2], $0x200, $0x38;
	[tilespmem:$0x4400] =	vst v63  }
0x178: {  	_ =	swait.ge [sflag:s23], $0x200  }
0x179: {  	[sflag:s23] =	ssyncset.done $0x0  }
0x17a: {  	s30 =	simm.s32 $0x2200;
	[sflag:s23] =	ssyncadd.s32 $0xFFFFFE00  }
0x17b: {  	[hbm4b:s4+s1] =	stream.linear.scatter [tilespmem:s30], [sflag:$0x2], $0x200, $0x38;
	[tilespmem:$0x4400] =	vst v63  }
0x17c: {  	_ =	swait.ge [sflag:s23], $0x200  }
0x17d: {  	s25 =	sadd.s32 $0x1, s25;
	[sflag:s23] =	ssyncset.done $0x0  }
0x17e: {  	p0 =	sne.s32 s25, s22;
	s31 =	simm.s32 $0x4200;
	[sflag:s23] =	ssyncadd.s32 $0xFFFFFE00  }
0x17f: {  	[hbm4b:s5+s1] =	stream.linear.scatter [tilespmem:s31], [sflag:$0x2], $0x200, $0x38;
	[tilespmem:$0x4400] =	vst v63  }
.Ltmp4:
0x180: {  	_ = 	snop;
	(pc) =	sbr.rel @p0 .LBB2_1-.Ltmp4, $4  }
.Ltmp5:
0x181: {  	_ = 	snop;
	(pc) =	sbr.rel @!p0 .LBB2_9-.Ltmp5, $4  }
0x182: {  	_ =	swait.ge [sflag:s23], $0x200  }
0x183: {  	[sflag:s23] =	ssyncset.done $0x0  }
0x184: {  	[sflag:s23] =	ssyncadd.s32 $0xFFFFFE00  }
0x185: {  	_ = 	snop  }
.LBB2_4:
.Ltmp6:
0x186: {  	(pc) =	sbr.rel .LBB2_8-.Ltmp6, $2  }
0x187: {  	_ =	sdelay $0x2  }
0x188: {  	_ = 	snop  }
.LBB2_6:
.Ltmp7:
0x189: {  	(pc) =	sbr.rel .LBB2_8-.Ltmp7, $2  }
0x18a: {  	_ =	sdelay $0x2  }
0x18b: {  	s26 =	simm.s32 $0x10  }
.LBB2_9:
0x18c: {  	_ =	sfence.sel $0x180000  }
0x18d: {  	[bflag:$0x0] =	sbarrier.arrive $0xFFFF  }
0x18e: {  	_ =	strace $0x90000047  }
0x18f: {  	s0 =	stileid.u32;
	[bflag:$0x2] =	sbarrier.arrive $0xFFFF  }
0x190: {  	p0 =	sne.s32 s0, $0x0;
	s0 =	rddreg [dreg:$0x3]  }
0x191: {  	s0 =	sadd.s32 @!p0 $0x100000, s0  }
0x192: {  	[sflag:s0] =	ssyncadd.tile.s32 @!p0 $0x1;
	_ =	shalt  }
.Lfunc_end2:
_tile_overlayer_lowered:
.L_overlay_start_2:
0x193: {  	(tag) =	ssettag $0x2  }
0x194: {  	s0 =	rddreg [dreg:$0x0];
	s2 =	stileid.u32  }
0x195: {  	s1 =	rddreg [dreg:$0x1];
	p0 =	sne.s32 s2, $0x0  }
0x196: {  	s3 =	rddreg [dreg:$0x2];
	[bflag:$0x3] =	sbarrier.arrive $0xFFFF;
	s2 =	simm.s32 @!p0 $0x1C02  }
0x197: {  	[timem:s3], [sflag:s2] =	dma.local @!p0 [hbm:s0], s1  }
0x198: {  	s0 =	simm.s32 @!p0 $0x2  }
0x199: {  	_ =	swait.ge @!p0 [sflag:s0], s1  }
0x19a: {  	s1 =	ssub.s32 @!p0 $0x0, s1;
	[sflag:s0] =	ssyncset.done @!p0 $0x0  }
0x19b: {  	[sflag:s0] =	ssyncadd.s32 @!p0 s1  }
0x19c: {  	[bflag:$0x3] =	sbarrier.arrive $0xFFFF  }
0x19d: {  	_ =	shalt  }

// kernel: kernel.9.cloned.1.call-start
scs
__scs_entry_jumppad:
0x0: {  	(pc) =	sbr.rel $0x88, $3  }
0x1: {  	(tag) =	ssettag $0x0;
	lr =	simm.s32 $0x1  }
0x2: {  	[smem:$0x3F9C] =	sst lr;
	_ =	strace $0xD0000000  }
0x3: {  	_ = 	snop  }
0x4: {  	_ = 	snop  }
0x5: {  	_ = 	snop  }
0x6: {  	_ = 	snop  }
0x7: {  	_ = 	snop  }
__scs_overlays_trampoline_lowered:
0x8: {  	[smem:$0x3FAB] =	sst s0  }
0x9: {  	[smem:$0x3FAC] =	sst s1  }
0xa: {  	[smem:$0x3FAD] =	sst s2  }
0xb: {  	[smem:$0x3FAE] =	sst s3  }
0xc: {  	[smem:$0x3FAF] =	sst s4  }
0xd: {  	[smem:$0x3FB0] =	sst s5  }
0xe: {  	[smem:$0x3FB1] =	sst s6  }
0xf: {  	[smem:$0x3FB2] =	sst s7  }
0x10: {  	[smem:$0x3FB3] =	sst s8  }
0x11: {  	[smem:$0x3FB4] =	sst s9;
	s0 =	simm.s32 @!p0 $0x0  }
0x12: {  	s1 =	sld [smem:$0x3F9A];
	s0 =	simm.s32 @p0 $0x1  }
0x13: {  	[smem:$0x3FB5] =	sst s0;
	s0 =	simm.s32 @!p1 $0x0  }
0x14: {  	s2 =	sld [smem:$0x3F99];
	s0 =	simm.s32 @p1 $0x1  }
0x15: {  	[smem:$0x3FB6] =	sst s0;
	s0 =	simm.s32 @!p2 $0x0  }
0x16: {  	s3 =	sld [smem:$0x3FDB];
	s0 =	simm.s32 @p2 $0x1  }
0x17: {  	s4 =	simm.s32 $0x1BF5;
	[smem:$0x3FB8] =	sst s0  }
0x18: {  	s0 =	sld [smem:$0x3F9B];
	_ =	swait.ge [sflag:s4], $0x0  }
0x19: {  	s7 =	sld [smem:$0x3F9C]  }
0x1a: {  	s8 =	sadd.s32 $0xFFFFE003, lr  }
0x1b: {  	s9 =	sadd.s32 $0xFFFFFEF7, lr;
	s5 =	simm.s32 $0xFFFFFFFF;
	p2 =	slt.u32 s8, $0xFFFFF086  }
0x1c: {  	p1 =	slt.u32 s9, $0xF7A;
	s5 =	simm.s32 @!p2 $0x0  }
0x1d: {  	s5 =	simm.s32 @p1 $0x1;
	p0 =	seq.s32 s7, s2  }
0x1e: {  	s7 =	smul.u32 @!p0 $0xF7A, s2;
	p2 =	seq.s32 @!p0 s5, $0x0  }
0x1f: {  	s9 =	smul.u32 $0xF7A, s1;
	s8 =	simm.s32 @!p0 $0x1BF5;
	p2 =	por !p2, p0  }
0x20: {  	[sflag:s8] =	ssyncset.s32 @!p0 $0xFFFFF086;
	s6 =	sadd.s32 @!p0 s3, s7;
	s7 =	simm.s32 @!p0 $0x108  }
0x21: {  	s3 =	sadd.s32 s3, s9;
	s6 =	sadd.s32 @!p0 $0x88, s6;
	s7 =	simm.s32 @p2 $0x1082  }
0x22: {  	[simem:s7], [sflag:s8] =	dma.local @!p0 [hbm:s6], $0xF7A  }
0x23: {  	s9 =	sor.u32 $0xD0000000, s2;
	s6 =	simm.s32 $0x108;
	_ =	swait.ge @!p0 [sflag:s8], $0x0  }
0x24: {  	s3 =	sadd.s32 $0x88, s3;
	s6 =	simm.s32 @!p1 $0x1082;
	[sflag:s4] =	ssyncset.s32 $0xFFFFF086  }
0x25: {  	[simem:s6], [sflag:s4] =	dma.local [hbm:s3], $0xF7A  }
0x26: {  	[smem:$0x3F9C] =	sst s1;
	(tag) =	ssettag s2;
	_ =	strace s9  }
0x27: {  	s1 =	sld [smem:$0x3FAC]  }
0x28: {  	s2 =	sld [smem:$0x3FAD]  }
0x29: {  	s4 =	sld [smem:$0x3FAF]  }
0x2a: {  	p0 =	seq.s32 s5, $0x0;
	s5 =	sld [smem:$0x3FB0]  }
0x2b: {  	s6 =	sld [smem:$0x3FB1]  }
0x2c: {  	s7 =	sld [smem:$0x3FB2]  }
0x2d: {  	s3 =	simm.s32 $0x108;
	s8 =	sld [smem:$0x3FB3]  }
0x2e: {  	s3 =	simm.s32 @!p0 $0x1082;
	s9 =	sld [smem:$0x3FB4]  }
0x2f: {  	lr =	sadd.s32 s0, s3;
	s0 =	sld [smem:$0x3FAB]  }
0x30: {  	s3 =	sld [smem:$0x3FAE]  }
0x31: {  	[smem:$0x3FB7] =	sst s10  }
0x32: {  	s10 =	sld [smem:$0x3FB5];
	_ =	sdelay $0x3  }
0x33: {  	p0 =	seq.s32 s10, $0x1;
	s10 =	sld [smem:$0x3FB7];
	_ =	sdelay $0x3  }
0x34: {  	[smem:$0x3FB7] =	sst s10  }
0x35: {  	s10 =	sld [smem:$0x3FB6];
	_ =	sdelay $0x3  }
0x36: {  	p1 =	seq.s32 s10, $0x1;
	s10 =	sld [smem:$0x3FB7];
	_ =	sdelay $0x3  }
0x37: {  	[smem:$0x3FB7] =	sst s10  }
0x38: {  	s10 =	sld [smem:$0x3FB8]  }
0x39: {  	_ = 	snop;
	(pc) =	sbr.ind lr, $3  }
0x3a: {  	_ = 	snop  }
0x3b: {  	_ = 	snop  }
0x3c: {  	p2 =	seq.s32 s10, $0x1;
	s10 =	sld [smem:$0x3FB7]  }
0x3d: {  	_ =	shalt  }
0x3e: {  	_ =	shalt  }
0x3f: {  	_ =	shalt  }
0x40: {  	_ =	shalt  }
0x41: {  	_ =	shalt  }
0x42: {  	_ =	shalt  }
0x43: {  	_ =	shalt  }
0x44: {  	_ =	shalt  }
0x45: {  	_ =	shalt  }
0x46: {  	_ =	shalt  }
0x47: {  	_ =	shalt  }
0x48: {  	_ =	shalt  }
0x49: {  	_ =	shalt  }
0x4a: {  	_ =	shalt  }
0x4b: {  	_ =	shalt  }
0x4c: {  	_ =	shalt  }
0x4d: {  	_ =	shalt  }
0x4e: {  	_ =	shalt  }
0x4f: {  	_ =	shalt  }
0x50: {  	_ =	shalt  }
0x51: {  	_ =	shalt  }
0x52: {  	_ =	shalt  }
0x53: {  	_ =	shalt  }
0x54: {  	_ =	shalt  }
0x55: {  	_ =	shalt  }
0x56: {  	_ =	shalt  }
0x57: {  	_ =	shalt  }
0x58: {  	_ =	shalt  }
0x59: {  	_ =	shalt  }
0x5a: {  	_ =	shalt  }
0x5b: {  	_ =	shalt  }
0x5c: {  	_ =	shalt  }
0x5d: {  	_ =	shalt  }
0x5e: {  	_ =	shalt  }
0x5f: {  	_ =	shalt  }
0x60: {  	_ =	shalt  }
0x61: {  	_ =	shalt  }
0x62: {  	_ =	shalt  }
0x63: {  	_ =	shalt  }
0x64: {  	_ =	shalt  }
0x65: {  	_ =	shalt  }
0x66: {  	_ =	shalt  }
0x67: {  	_ =	shalt  }
0x68: {  	_ =	shalt  }
0x69: {  	_ =	shalt  }
0x6a: {  	_ =	shalt  }
0x6b: {  	_ =	shalt  }
0x6c: {  	_ =	shalt  }
0x6d: {  	_ =	shalt  }
0x6e: {  	_ =	shalt  }
0x6f: {  	_ =	shalt  }
0x70: {  	_ =	shalt  }
0x71: {  	_ =	shalt  }
0x72: {  	_ =	shalt  }
0x73: {  	_ =	shalt  }
0x74: {  	_ =	shalt  }
0x75: {  	_ =	shalt  }
0x76: {  	_ =	shalt  }
0x77: {  	_ =	shalt  }
0x78: {  	_ =	shalt  }
0x79: {  	_ =	shalt  }
0x7a: {  	_ =	shalt  }
0x7b: {  	_ =	shalt  }
0x7c: {  	_ =	shalt  }
0x7d: {  	_ =	shalt  }
0x7e: {  	_ =	shalt  }
0x7f: {  	_ =	shalt  }
0x80: {  	_ =	shalt  }
0x81: {  	_ =	shalt  }
0x82: {  	_ =	shalt  }
0x83: {  	_ =	shalt  }
0x84: {  	_ =	shalt  }
0x85: {  	_ =	shalt  }
0x86: {  	_ =	shalt  }
0x87: {  	_ =	shalt  }
.Lfunc_end0:
.L_simem_size_0:
called_computation.1_lowered:
.L_overlay_start_0:
0x88: {  	s2 =	sld [smem:$0x3FD9]  }
0x89: {  	s3 =	sld [smem:$0x3FFE];
	_ =	sdelay $0x1  }
0x8a: {  	s1 =	srdreg.scid  }
0x8b: {  	s0 =	sand.u32 $0x1, s1  }
0x8c: {  	s14 =	sshll.u32 s0, $0xA;
	s2 =	sadd.s32 s3, s2  }
0x8d: {  	s2 =	sadd.s32 s2, s14  }
0x8e: {  	[smem:$0x3FC3] =	sst s2  }
0x8f: {  	_ = 	snop  }
0x90: {  	s2 =	sld [smem:$0x3FD0];
	_ =	sdelay $0x2  }
0x91: {  	s4 =	simm.s32 $0xA;
	s5 =	simm.s32 $0x10;
	s15 =	sld [smem:$0x3FC9]  }
0x92: {  	[smem:s5], [sflag:s4] =	dma.local [hbm:s2], $0x1  }
0x93: {  	_ =	swait.eq [sflag:s4], $0x1  }
0x94: {  	[sflag:s4] =	ssyncset.done $0x0  }
0x95: {  	s16 =	sld [smem:$0x10];
	[sflag:s4] =	ssyncadd.s32 $0xFFFFFFFF  }
0x96: {  	s17 =	sld [smem:$0x11];
	(tm) =	ssettm $0x1  }
0x97: {  	s18 =	sld [smem:$0x3FFB];
	_ =	sdelay $0x3  }
0x98: {  	_ =	strace s18  }
0x99: {  	s5 =	sld [smem:$0x3FFC];
	_ =	sdelay $0x3  }
0x9a: {  	_ =	strace s5  }
0x9b: {  	s5 =	sld [smem:$0x3FFD];
	_ =	sdelay $0x3  }
0x9c: {  	_ =	strace s5  }
0x9d: {  	_ =	strace $0x8FFFFFFF  }
0x9e: {  	s19 =	sld [smem:$0x3FDB];
	_ =	sdelay $0x1  }
0x9f: {  	s6 =	simm.s32 $_scs_section_size  }
0xa0: {  	s7 =	simm.s32 $_size__tile_overlayer_lowered;
	s8 =	simm.s32 $_tile_overlayer_lowered  }
0xa1: {  	s22 =	simm.s32 $0x1BFF;
	s21 =	sshll.u32 s8, $0x1;
	s5 =	sadd.s32 s6, s19  }
0xa2: {  	s9 =	simm.s32 $0x0;
	s20 =	sshll.u32 s7, $0x1;
	s7 =	sadd.s32 s21, s5  }
0xa3: {  	[timem:s9], [sflag:s22] =	dma.local [hbm:s7], s20  }
0xa4: {  	_ =	swait.ge [sflag:s22], s20  }
0xa5: {  	s6 =	ssub.s32 $0x0, s20;
	[sflag:s22] =	ssyncset.done $0x0  }
0xa6: {  	[sflag:s22] =	ssyncadd.s32 s6;
	_ =	sdelay $0x1  }
0xa7: {  	s23 =	simm.s32 $0x1B8B  }
0xa8: {  	_ =	swait.ge [sflag:s23], $0x1  }
0xa9: {  	[sflag:s23] =	ssyncset.done $0x0  }
0xaa: {  	s25 =	simm.s32 $0x1B8E;
	s24 =	sld [smem:$0x3FFE];
	[sflag:s23] =	ssyncadd.s32 $0xFFFFFFFF  }
0xab: {  	s26 =	simm.s32 $execute0_lowered;
	[smem:$0x3FD2] =	sst s25  }
0xac: {  	s7 =	sshll.u32 s26, $0x1;
	_ =	strace $0x80000049;
	[dreg:$0x1] =	wrdreg $0xFFFFFFFF  }
0xad: {  	s28 =	simm.s32 $_size_execute0_lowered;
	s5 =	sadd.s32 s5, s7;
	[dreg:$0x0] =	wrdreg $0x0  }
0xae: {  	s7 =	sshll.u32 s28, $0x1;
	[dreg:$0x2] =	wrdreg s5  }
0xaf: {  	[dreg:$0x3] =	wrdreg s7  }
0xb0: {  	[dreg:$0x4] =	wrdreg $0xC0  }
0xb1: {  	_ =	task [dreg:s9], $0x5FFFF  }
0xb2: {  	[dreg:$0x1] =	wrdreg $0xFFFFFFFF  }
0xb3: {  	[dreg:$0x0] =	wrdreg $0x60  }
0xb4: {  	[dreg:$0x2] =	wrdreg s24  }
0xb5: {  	[dreg:$0x3] =	wrdreg s15  }
0xb6: {  	[dreg:$0x4] =	wrdreg s16  }
0xb7: {  	[dreg:$0x5] =	wrdreg s17  }
0xb8: {  	[dreg:$0x6] =	wrdreg $0x9  }
0xb9: {  	_ =	task.clear_ibuf [dreg:s9], $0x7FFFF;
	_ =	strace $0x90000049  }
0xba: {  	s29 =	simm.s32 $0x9;
	_ =	strace $0x8000004B  }
0xbb: {  	_ =	swait.ge [sflag:s29], $0x1  }
0xbc: {  	[sflag:s29] =	ssyncadd.s32 $0xFFFFFFFF  }
0xbd: {  	_ =	strace $0x9000004B  }
0xbe: {  	_ =	sfence  }
0xbf: {  	s30 =	sld [smem:$0x0];
	_ =	sdelay $0x2  }
0xc0: {  	s31 =	sshll.u32 s1, $0xD;
	s1 =	sshrl.u32 s1, $0x2  }
0xc1: {  	s3 =	sand.u32 $0x4000, s31;
	s1 =	sadd.s32 s1, s30  }
0xc2: {  	s0 =	sor.u32 s3, s0;
	s1 =	sshll.u32 s1, $0x11  }
0xc3: {  	s0 =	sor.u32 s1, s0  }
0xc4: {  	s0 =	sadd.s32 $0x8F2B, s0  }
0xc5: {  	[sflag:s0] =	ssyncadd.remote.s32 $0x1  }
0xc6: {  	_ =	sfence.sel $0xFFFF  }
0xc7: {  	[dreg:$0x0] =	wrdreg $0xFFFFFFFF;
	(pc) =	sbr.abs _section_cstart, $3  }
0xc8: {  	[dreg:$0x1] =	wrdreg $0xFFFFFFFF  }
0xc9: {  	_ =	task.clear_ibuf [dreg:s9], $0x2FFFF;
	_ =	strace $0x9FFFFFFF  }
0xca: {  	(tm) =	ssettm $0x7FFFFFFF  }
0xcb: {  	_ =	shalt  }
tec
execute0_lowered:
.L_overlay_start_1:
0x0: {  	(tag) =	ssettag $0x1  }
0x1: {  	s21 =	rddreg [dreg:$0x0]  }
0x2: {  	s0 =	rddreg [dreg:$0x1]  }
0x3: {  	s6 =	rddreg [dreg:$0x2]  }
0x4: {  	s7 =	rddreg [dreg:$0x3]  }
0x5: {  	s1 =	simm.s32 $0x0;
	s3 =	srdreg.scid;
	s8 =	stileid.u32  }
0x6: {  	[smem:$0x7FF] =	sst s1;
	s2 =	sadd.s32 $0x211000, s21;
	s19 =	sand.u32 $0x1, s3  }
0x7: {  	s3 =	sadd.s32 $0x201000, s21;
	s8 =	sshll.u32 s8, $0x7;
	s9 =	sadd.s32 $0x209000, s21  }
0x8: {  	s20 =	sadd.s32 $0x231000, s21;
	_ =	strace $0x8000004A;
	s4 =	ssub.s32 $0x2, s19  }
0x9: {  	[dreg:$0x5] =	wrdreg s2;
	s2 =	sshll.u32 s19, $0x6;
	s5 =	sshrl.u32 s4, $0x1  }
0xa: {  	[dreg:$0x6] =	wrdreg s20;
	s8 =	sor.u32 s2, s8;
	s22 =	ssub.s32 s4, s5  }
0xb: {  	s0 =	sadd.s32 s0, s8;
	s2 =	sor.u32 $0x800, s8;
	s24 =	sor.u32 $0x1000, s8  }
0xc: {  	s26 =	sor.u32 $0x1800, s8;
	[dreg:$0x7] =	wrdreg s0;
	s23 =	sadd.s32 s3, s2  }
0xd: {  	s29 =	sor.u32 $0x2000, s8;
	s2 =	sadd.s32 s9, s2;
	[dreg:$0x8] =	wrdreg s23  }
0xe: {  	s31 =	sor.u32 $0x2800, s8;
	s25 =	sadd.s32 s3, s24;
	[dreg:$0x9] =	wrdreg s2  }
0xf: {  	s5 =	sor.u32 $0x3000, s8;
	s0 =	sadd.s32 s9, s24;
	[dreg:$0xa] =	wrdreg s25  }
0x10: {  	s11 =	sor.u32 $0x3800, s8;
	s28 =	sadd.s32 s3, s26;
	[dreg:$0xb] =	wrdreg s0  }
0x11: {  	s13 =	sor.u32 $0x4000, s8;
	s30 =	sadd.s32 s3, s29;
	[dreg:$0xc] =	wrdreg s28  }
0x12: {  	s15 =	sor.u32 $0x4800, s8;
	s4 =	sadd.s32 s3, s31;
	[dreg:$0xe] =	wrdreg s30  }
0x13: {  	s17 =	sor.u32 $0x5000, s8;
	s10 =	sadd.s32 s3, s5;
	[dreg:$0x10] =	wrdreg s4  }
0x14: {  	s19 =	sor.u32 $0x5800, s8;
	s12 =	sadd.s32 s3, s11;
	[dreg:$0x12] =	wrdreg s10  }
0x15: {  	s6 =	sadd.s32 s6, s8;
	s14 =	sadd.s32 s3, s13;
	[dreg:$0x14] =	wrdreg s12  }
0x16: {  	s7 =	sadd.s32 s7, s8;
	s16 =	sadd.s32 s3, s15;
	[dreg:$0x16] =	wrdreg s14  }
0x17: {  	s18 =	sadd.s32 s3, s17;
	s20 =	sadd.s32 s3, s19;
	[dreg:$0x18] =	wrdreg s16  }
0x18: {  	s22 =	smax.u32 s22, $0x1;
	s2 =	sadd.s32 s9, s26;
	[dreg:$0x1a] =	wrdreg s18  }
0x19: {  	s0 =	sadd.s32 s9, s29;
	[dreg:$0x1c] =	wrdreg s20;
	s23 =	sor.u32 $0x6000, s8  }
0x1a: {  	s25 =	sor.u32 $0x6800, s8;
	s28 =	sor.u32 $0x7000, s8;
	s30 =	sor.u32 $0x7800, s8  }
0x1b: {  	s10 =	sadd.s32 $0x291000, s21;
	s12 =	sadd.s32 $0x2D1000, s21;
	s14 =	sadd.s32 $0x311000, s21  }
0x1c: {  	s16 =	sadd.s32 $0x351000, s21;
	s18 =	sadd.s32 $0x391000, s21;
	[dreg:$0xd] =	wrdreg s2  }
0x1d: {  	s20 =	sadd.s32 $0x3D1000, s21;
	[dreg:$0xf] =	wrdreg s0;
	s2 =	sadd.s32 s9, s31  }
0x1e: {  	s0 =	sadd.s32 s9, s5;
	s24 =	sadd.s32 s3, s23;
	[dreg:$0x11] =	wrdreg s2  }
0x1f: {  	s26 =	sadd.s32 s3, s25;
	s29 =	sadd.s32 s3, s28;
	[dreg:$0x13] =	wrdreg s0  }
0x20: {  	s31 =	sadd.s32 s3, s8;
	s3 =	sadd.s32 s3, s30;
	[dreg:$0x1e] =	wrdreg s24  }
0x21: {  	s4 =	sadd.s32 s9, s30;
	s5 =	sadd.s32 s9, s8;
	[smem:$0x7F9] =	sst s26  }
0x22: {  	s8 =	sadd.s32 $0x251000, s21;
	s2 =	sadd.s32 s9, s11;
	[smem:$0x7FB] =	sst s29  }
0x23: {  	s0 =	sadd.s32 s9, s13;
	[smem:$0x7FD] =	sst s31;
	s11 =	sadd.s32 $0x2B1000, s21  }
0x24: {  	s13 =	sadd.s32 $0x2F1000, s21;
	s24 =	simm.s32 $0x2;
	[dreg:$0x15] =	wrdreg s2  }
0x25: {  	s26 =	simm.s32 $0x0;
	[dreg:$0x17] =	wrdreg s0;
	s2 =	sadd.s32 s9, s15  }
0x26: {  	s0 =	sadd.s32 s9, s17;
	s15 =	sadd.s32 $0x331000, s21;
	[dreg:$0x19] =	wrdreg s2  }
0x27: {  	s17 =	sadd.s32 $0x371000, s21;
	[dreg:$0x1b] =	wrdreg s0;
	s2 =	sadd.s32 s9, s19  }
0x28: {  	s0 =	sadd.s32 s9, s23;
	s19 =	sadd.s32 $0x3B1000, s21;
	[dreg:$0x1d] =	wrdreg s2  }
0x29: {  	s23 =	simm.s32 $0x3;
	[dreg:$0x1f] =	wrdreg s0;
	s2 =	sadd.s32 s9, s25  }
0x2a: {  	s0 =	sadd.s32 s9, s28;
	s9 =	sadd.s32 $0x271000, s21;
	[smem:$0x7FA] =	sst s2  }
0x2b: {  	vm0 =	vmmov $0xffff;
	s21 =	sadd.s32 $0x3F1000, s21;
	s25 =	simm.s32 $0x1;
	[smem:$0x7FC] =	sst s0  }
.LBB2_1:
0x2c: {  	s0 =	rddreg [dreg:$0x7]  }
0x2d: {  	[tilespmem:s1], [sflag:$0x3] =	stream.linear.gather [hbm4b:s0+s1], $0x200, $0x38;
	[tilespmem:$0x6600] =	vst v63  }
0x2e: {  	_ =	swait.ge [sflag:s23], $0x200  }
0x2f: {  	[sflag:s23] =	ssyncset.done $0x0  }
0x30: {  	s28 =	simm.s32 $0x0;
	[sflag:s23] =	ssyncadd.s32 $0xFFFFFE00  }
0x31: {  	v0 =	vld [tilespmem:s28+$0x0];
	_ =	sdelay $0x6  }
0x32: {  	s29 =	simm.s32 $0x200;
	s28 =	rddreg [dreg:$0x5]  }
0x33: {  	[tilespmem:s29], [sflag:$0x1] =	stream.indirect_vreg.gather [hbm4b:s28+s1], $0x1, v0, vm0, $0xb8;
	[tilespmem:$0x6600] =	vst v63  }
0x34: {  	s30 =	rddreg [dreg:$0x6];
	s28 =	simm.s32 $0x400  }
0x35: {  	[tilespmem:s28], [sflag:$0x1] =	stream.indirect_vreg.gather [hbm4b:s30+s1], $0x1, v0, vm0, $0xb8;
	[tilespmem:$0x6600] =	vst v63  }
0x36: {  	s28 =	simm.s32 $0x600  }
0x37: {  	[tilespmem:s28], [sflag:$0x1] =	stream.indirect_vreg.gather [hbm4b:s8+s1], $0x1, v0, vm0, $0xb8;
	[tilespmem:$0x6600] =	vst v63  }
0x38: {  	s28 =	simm.s32 $0x800  }
0x39: {  	[tilespmem:s28], [sflag:$0x1] =	stream.indirect_vreg.gather [hbm4b:s9+s1], $0x1, v0, vm0, $0xb8;
	[tilespmem:$0x6600] =	vst v63  }
0x3a: {  	s28 =	simm.s32 $0xA00  }
0x3b: {  	[tilespmem:s28], [sflag:$0x1] =	stream.indirect_vreg.gather [hbm4b:s10+s1], $0x1, v0, vm0, $0xb8;
	[tilespmem:$0x6600] =	vst v63  }
0x3c: {  	s28 =	simm.s32 $0xC00  }
0x3d: {  	[tilespmem:s28], [sflag:$0x1] =	stream.indirect_vreg.gather [hbm4b:s11+s1], $0x1, v0, vm0, $0xb8;
	[tilespmem:$0x6600] =	vst v63  }
0x3e: {  	s28 =	simm.s32 $0xE00  }
0x3f: {  	[tilespmem:s28], [sflag:$0x1] =	stream.indirect_vreg.gather [hbm4b:s12+s1], $0x1, v0, vm0, $0xb8;
	[tilespmem:$0x6600] =	vst v63  }
0x40: {  	s28 =	simm.s32 $0x1000  }
0x41: {  	[tilespmem:s28], [sflag:$0x1] =	stream.indirect_vreg.gather [hbm4b:s13+s1], $0x1, v0, vm0, $0xb8;
	[tilespmem:$0x6600] =	vst v63  }
0x42: {  	s28 =	simm.s32 $0x1200  }
0x43: {  	[tilespmem:s28], [sflag:$0x1] =	stream.indirect_vreg.gather [hbm4b:s14+s1], $0x1, v0, vm0, $0xb8;
	[tilespmem:$0x6600] =	vst v63  }
0x44: {  	s28 =	simm.s32 $0x1400  }
0x45: {  	[tilespmem:s28], [sflag:$0x1] =	stream.indirect_vreg.gather [hbm4b:s15+s1], $0x1, v0, vm0, $0xb8;
	[tilespmem:$0x6600] =	vst v63  }
0x46: {  	s28 =	simm.s32 $0x1600  }
0x47: {  	[tilespmem:s28], [sflag:$0x1] =	stream.indirect_vreg.gather [hbm4b:s16+s1], $0x1, v0, vm0, $0xb8;
	[tilespmem:$0x6600] =	vst v63  }
0x48: {  	s28 =	simm.s32 $0x1800  }
0x49: {  	[tilespmem:s28], [sflag:$0x1] =	stream.indirect_vreg.gather [hbm4b:s17+s1], $0x1, v0, vm0, $0xb8;
	[tilespmem:$0x6600] =	vst v63  }
0x4a: {  	s28 =	simm.s32 $0x1A00  }
0x4b: {  	[tilespmem:s28], [sflag:$0x1] =	stream.indirect_vreg.gather [hbm4b:s18+s1], $0x1, v0, vm0, $0xb8;
	[tilespmem:$0x6600] =	vst v63  }
0x4c: {  	s28 =	simm.s32 $0x1C00  }
0x4d: {  	[tilespmem:s28], [sflag:$0x1] =	stream.indirect_vreg.gather [hbm4b:s19+s1], $0x1, v0, vm0, $0xb8;
	[tilespmem:$0x6600] =	vst v63  }
0x4e: {  	s28 =	simm.s32 $0x1E00  }
0x4f: {  	[tilespmem:s28], [sflag:$0x1] =	stream.indirect_vreg.gather [hbm4b:s20+s1], $0x1, v0, vm0, $0xb8;
	[tilespmem:$0x6600] =	vst v63  }
0x50: {  	s31 =	simm.s32 $0x2000;
	s29 =	simm.s32 $0x80;
	s28 =	simm.s32 $0x10  }
.LBB2_2:
0x51: {  	[tilespmem:s31], [sflag:$0x1] =	stream.indirect_vreg.gather [hbm4b:s21+s1], $0x1, v0, vm0, $0xb8;
	[tilespmem:$0x6600] =	vst v63  }
0x52: {  	v0 =	vld [tilespmem:s28+$0x0];
	_ =	sdelay $0x6  }
0x53: {  	s31 =	rddreg [dreg:$0x5];
	s0 =	sadd.s32 $0x200, s28  }
0x54: {  	[tilespmem:s0], [sflag:$0x1] =	stream.indirect_vreg.gather [hbm4b:s31+s1], $0x1, v0, vm0, $0xb8;
	[tilespmem:$0x6600] =	vst v63  }
0x55: {  	s2 =	rddreg [dreg:$0x6];
	s0 =	sadd.s32 $0x400, s28  }
0x56: {  	[tilespmem:s0], [sflag:$0x1] =	stream.indirect_vreg.gather [hbm4b:s2+s1], $0x1, v0, vm0, $0xb8;
	[tilespmem:$0x6600] =	vst v63  }
0x57: {  	s2 =	sadd.s32 $0x600, s28  }
0x58: {  	[tilespmem:s2], [sflag:$0x1] =	stream.indirect_vreg.gather [hbm4b:s8+s1], $0x1, v0, vm0, $0xb8;
	[tilespmem:$0x6600] =	vst v63  }
0x59: {  	s2 =	sadd.s32 $0x800, s28  }
0x5a: {  	[tilespmem:s2], [sflag:$0x1] =	stream.indirect_vreg.gather [hbm4b:s9+s1], $0x1, v0, vm0, $0xb8;
	[tilespmem:$0x6600] =	vst v63  }
0x5b: {  	s2 =	sadd.s32 $0xA00, s28  }
0x5c: {  	[tilespmem:s2], [sflag:$0x1] =	stream.indirect_vreg.gather [hbm4b:s10+s1], $0x1, v0, vm0, $0xb8;
	[tilespmem:$0x6600] =	vst v63  }
0x5d: {  	s2 =	sadd.s32 $0xC00, s28  }
0x5e: {  	[tilespmem:s2], [sflag:$0x1] =	stream.indirect_vreg.gather [hbm4b:s11+s1], $0x1, v0, vm0, $0xb8;
	[tilespmem:$0x6600] =	vst v63  }
0x5f: {  	s2 =	sadd.s32 $0xE00, s28  }
0x60: {  	[tilespmem:s2], [sflag:$0x1] =	stream.indirect_vreg.gather [hbm4b:s12+s1], $0x1, v0, vm0, $0xb8;
	[tilespmem:$0x6600] =	vst v63  }
0x61: {  	s2 =	sadd.s32 $0x1000, s28  }
0x62: {  	[tilespmem:s2], [sflag:$0x1] =	stream.indirect_vreg.gather [hbm4b:s13+s1], $0x1, v0, vm0, $0xb8;
	[tilespmem:$0x6600] =	vst v63  }
0x63: {  	s2 =	sadd.s32 $0x1200, s28  }
0x64: {  	[tilespmem:s2], [sflag:$0x1] =	stream.indirect_vreg.gather [hbm4b:s14+s1], $0x1, v0, vm0, $0xb8;
	[tilespmem:$0x6600] =	vst v63  }
0x65: {  	s2 =	sadd.s32 $0x1400, s28  }
0x66: {  	[tilespmem:s2], [sflag:$0x1] =	stream.indirect_vreg.gather [hbm4b:s15+s1], $0x1, v0, vm0, $0xb8;
	[tilespmem:$0x6600] =	vst v63  }
0x67: {  	s2 =	sadd.s32 $0x1600, s28  }
0x68: {  	[tilespmem:s2], [sflag:$0x1] =	stream.indirect_vreg.gather [hbm4b:s16+s1], $0x1, v0, vm0, $0xb8;
	[tilespmem:$0x6600] =	vst v63  }
0x69: {  	s2 =	sadd.s32 $0x1800, s28  }
0x6a: {  	[tilespmem:s2], [sflag:$0x1] =	stream.indirect_vreg.gather [hbm4b:s17+s1], $0x1, v0, vm0, $0xb8;
	[tilespmem:$0x6600] =	vst v63  }
0x6b: {  	p0 =	sne.s32 s29, $0x7C0;
	s2 =	sadd.s32 $0x1A00, s28  }
0x6c: {  	[tilespmem:s2], [sflag:$0x1] =	stream.indirect_vreg.gather [hbm4b:s18+s1], $0x1, v0, vm0, $0xb8;
	[tilespmem:$0x6600] =	vst v63  }
.Ltmp0:
0x6d: {  	_ = 	snop;
	(pc) =	sbr.rel @p0 .LBB2_2-.Ltmp0, $4  }
0x6e: {  	s30 =	sshra.s32 s29, $0x2;
	s29 =	sadd.s32 $0x40, s29;
	s2 =	sadd.s32 $0x1C00, s28  }
0x6f: {  	[tilespmem:s2], [sflag:$0x1] =	stream.indirect_vreg.gather [hbm4b:s19+s1], $0x1, v0, vm0, $0xb8;
	[tilespmem:$0x6600] =	vst v63  }
0x70: {  	s31 =	sadd.s32 $0x2000, s28;
	s2 =	sadd.s32 $0x1E00, s28;
	s28 =	smov.u32 s30  }
0x71: {  	[tilespmem:s2], [sflag:$0x1] =	stream.indirect_vreg.gather [hbm4b:s20+s1], $0x1, v0, vm0, $0xb8;
	[tilespmem:$0x6600] =	vst v63  }
0x72: {  	_ =	sdelay $0x3  }
0x73: {  	[tilespmem:s31], [sflag:$0x1] =	stream.indirect_vreg.gather [hbm4b:s21+s1], $0x1, v0, vm0, $0xb8;
	[tilespmem:$0x6600] =	vst v63  }
0x74: {  	v0 =	vld [tilespmem:s28+$0x0];
	_ =	sdelay $0x6  }
0x75: {  	s0 =	rddreg [dreg:$0x5];
	s2 =	sadd.s32 $0x200, s28  }
0x76: {  	[tilespmem:s2], [sflag:$0x1] =	stream.indirect_vreg.gather [hbm4b:s0+s1], $0x1, v0, vm0, $0xb8;
	[tilespmem:$0x6600] =	vst v63  }
0x77: {  	s29 =	rddreg [dreg:$0x6];
	s2 =	sadd.s32 $0x400, s28  }
0x78: {  	[tilespmem:s2], [sflag:$0x1] =	stream.indirect_vreg.gather [hbm4b:s29+s1], $0x1, v0, vm0, $0xb8;
	[tilespmem:$0x6600] =	vst v63  }
0x79: {  	s31 =	sadd.s32 $0x600, s28  }
0x7a: {  	[tilespmem:s31], [sflag:$0x1] =	stream.indirect_vreg.gather [hbm4b:s8+s1], $0x1, v0, vm0, $0xb8;
	[tilespmem:$0x6600] =	vst v63  }
0x7b: {  	s2 =	sadd.s32 $0x800, s28  }
0x7c: {  	[tilespmem:s2], [sflag:$0x1] =	stream.indirect_vreg.gather [hbm4b:s9+s1], $0x1, v0, vm0, $0xb8;
	[tilespmem:$0x6600] =	vst v63  }
0x7d: {  	s31 =	sadd.s32 $0xA00, s28  }
0x7e: {  	[tilespmem:s31], [sflag:$0x1] =	stream.indirect_vreg.gather [hbm4b:s10+s1], $0x1, v0, vm0, $0xb8;
	[tilespmem:$0x6600] =	vst v63  }
0x7f: {  	s2 =	sadd.s32 $0xC00, s28  }
0x80: {  	[tilespmem:s2], [sflag:$0x1] =	stream.indirect_vreg.gather [hbm4b:s11+s1], $0x1, v0, vm0, $0xb8;
	[tilespmem:$0x6600] =	vst v63  }
0x81: {  	s31 =	sadd.s32 $0xE00, s28  }
0x82: {  	[tilespmem:s31], [sflag:$0x1] =	stream.indirect_vreg.gather [hbm4b:s12+s1], $0x1, v0, vm0, $0xb8;
	[tilespmem:$0x6600] =	vst v63  }
0x83: {  	s2 =	sadd.s32 $0x1000, s28  }
0x84: {  	[tilespmem:s2], [sflag:$0x1] =	stream.indirect_vreg.gather [hbm4b:s13+s1], $0x1, v0, vm0, $0xb8;
	[tilespmem:$0x6600] =	vst v63  }
0x85: {  	s31 =	sadd.s32 $0x1200, s28  }
0x86: {  	[tilespmem:s31], [sflag:$0x1] =	stream.indirect_vreg.gather [hbm4b:s14+s1], $0x1, v0, vm0, $0xb8;
	[tilespmem:$0x6600] =	vst v63  }
0x87: {  	s2 =	sadd.s32 $0x1400, s28  }
0x88: {  	[tilespmem:s2], [sflag:$0x1] =	stream.indirect_vreg.gather [hbm4b:s15+s1], $0x1, v0, vm0, $0xb8;
	[tilespmem:$0x6600] =	vst v63  }
0x89: {  	s31 =	sadd.s32 $0x1600, s28  }
0x8a: {  	[tilespmem:s31], [sflag:$0x1] =	stream.indirect_vreg.gather [hbm4b:s16+s1], $0x1, v0, vm0, $0xb8;
	[tilespmem:$0x6600] =	vst v63  }
0x8b: {  	s2 =	sadd.s32 $0x1800, s28  }
0x8c: {  	[tilespmem:s2], [sflag:$0x1] =	stream.indirect_vreg.gather [hbm4b:s17+s1], $0x1, v0, vm0, $0xb8;
	[tilespmem:$0x6600] =	vst v63  }
0x8d: {  	s31 =	sadd.s32 $0x1A00, s28  }
0x8e: {  	[tilespmem:s31], [sflag:$0x1] =	stream.indirect_vreg.gather [hbm4b:s18+s1], $0x1, v0, vm0, $0xb8;
	[tilespmem:$0x6600] =	vst v63  }
0x8f: {  	s2 =	sadd.s32 $0x1C00, s28  }
0x90: {  	[tilespmem:s2], [sflag:$0x1] =	stream.indirect_vreg.gather [hbm4b:s19+s1], $0x1, v0, vm0, $0xb8;
	[tilespmem:$0x6600] =	vst v63  }
0x91: {  	s31 =	sadd.s32 $0x1E00, s28  }
0x92: {  	[tilespmem:s31], [sflag:$0x1] =	stream.indirect_vreg.gather [hbm4b:s20+s1], $0x1, v0, vm0, $0xb8;
	[tilespmem:$0x6600] =	vst v63  }
0x93: {  	s2 =	sadd.s32 $0x2000, s28;
	s31 =	sld [smem:$0x7FD]  }
0x94: {  	[tilespmem:s2], [sflag:$0x1] =	stream.indirect_vreg.gather [hbm4b:s21+s1], $0x1, v0, vm0, $0xb8;
	[tilespmem:$0x6600] =	vst v63  }
0x95: {  	s0 =	simm.s32 $0x0;
	s28 =	simm.s32 $0x2200  }
0x96: {  	[tilespmem:s28], [sflag:$0x2] =	stream.linear.gather [hbm4b:s31+s0], $0x200, $0x38;
	[tilespmem:$0x6600] =	vst v63  }
0x97: {  	s31 =	simm.s32 $0x4200  }
0x98: {  	[tilespmem:s31], [sflag:$0x2] =	stream.linear.gather [hbm4b:s5+s0], $0x200, $0x38;
	[tilespmem:$0x6600] =	vst v63  }
0x99: {  	s28 =	simm.s32 $0x2400;
	s31 =	rddreg [dreg:$0x8]  }
0x9a: {  	[tilespmem:s28], [sflag:$0x2] =	stream.linear.gather [hbm4b:s31+s0], $0x200, $0x38;
	[tilespmem:$0x6600] =	vst v63  }
0x9b: {  	s31 =	rddreg [dreg:$0x9];
	s28 =	simm.s32 $0x4400  }
0x9c: {  	[tilespmem:s28], [sflag:$0x2] =	stream.linear.gather [hbm4b:s31+s0], $0x200, $0x38;
	[tilespmem:$0x6600] =	vst v63  }
0x9d: {  	s31 =	rddreg [dreg:$0xa];
	s28 =	simm.s32 $0x2600  }
0x9e: {  	[tilespmem:s28], [sflag:$0x2] =	stream.linear.gather [hbm4b:s31+s0], $0x200, $0x38;
	[tilespmem:$0x6600] =	vst v63  }
0x9f: {  	s31 =	rddreg [dreg:$0xb];
	s28 =	simm.s32 $0x4600  }
0xa0: {  	[tilespmem:s28], [sflag:$0x2] =	stream.linear.gather [hbm4b:s31+s0], $0x200, $0x38;
	[tilespmem:$0x6600] =	vst v63  }
0xa1: {  	s31 =	rddreg [dreg:$0xc];
	s28 =	simm.s32 $0x2800  }
0xa2: {  	[tilespmem:s28], [sflag:$0x2] =	stream.linear.gather [hbm4b:s31+s0], $0x200, $0x38;
	[tilespmem:$0x6600] =	vst v63  }
0xa3: {  	s31 =	rddreg [dreg:$0xd];
	s28 =	simm.s32 $0x4800  }
0xa4: {  	[tilespmem:s28], [sflag:$0x2] =	stream.linear.gather [hbm4b:s31+s0], $0x200, $0x38;
	[tilespmem:$0x6600] =	vst v63  }
0xa5: {  	s31 =	rddreg [dreg:$0xe];
	s28 =	simm.s32 $0x2A00  }
0xa6: {  	[tilespmem:s28], [sflag:$0x2] =	stream.linear.gather [hbm4b:s31+s0], $0x200, $0x38;
	[tilespmem:$0x6600] =	vst v63  }
0xa7: {  	s31 =	rddreg [dreg:$0xf];
	s28 =	simm.s32 $0x4A00  }
0xa8: {  	[tilespmem:s28], [sflag:$0x2] =	stream.linear.gather [hbm4b:s31+s0], $0x200, $0x38;
	[tilespmem:$0x6600] =	vst v63  }
0xa9: {  	s31 =	rddreg [dreg:$0x10];
	s28 =	simm.s32 $0x2C00  }
0xaa: {  	[tilespmem:s28], [sflag:$0x2] =	stream.linear.gather [hbm4b:s31+s0], $0x200, $0x38;
	[tilespmem:$0x6600] =	vst v63  }
0xab: {  	s31 =	rddreg [dreg:$0x11];
	s28 =	simm.s32 $0x4C00  }
0xac: {  	[tilespmem:s28], [sflag:$0x2] =	stream.linear.gather [hbm4b:s31+s0], $0x200, $0x38;
	[tilespmem:$0x6600] =	vst v63  }
0xad: {  	s31 =	rddreg [dreg:$0x12];
	s28 =	simm.s32 $0x2E00  }
0xae: {  	[tilespmem:s28], [sflag:$0x2] =	stream.linear.gather [hbm4b:s31+s0], $0x200, $0x38;
	[tilespmem:$0x6600] =	vst v63  }
0xaf: {  	s31 =	rddreg [dreg:$0x13];
	s28 =	simm.s32 $0x4E00  }
0xb0: {  	[tilespmem:s28], [sflag:$0x2] =	stream.linear.gather [hbm4b:s31+s0], $0x200, $0x38;
	[tilespmem:$0x6600] =	vst v63  }
0xb1: {  	s31 =	rddreg [dreg:$0x14];
	s28 =	simm.s32 $0x3000  }
0xb2: {  	[tilespmem:s28], [sflag:$0x2] =	stream.linear.gather [hbm4b:s31+s0], $0x200, $0x38;
	[tilespmem:$0x6600] =	vst v63  }
0xb3: {  	s31 =	rddreg [dreg:$0x15];
	s28 =	simm.s32 $0x5000  }
0xb4: {  	[tilespmem:s28], [sflag:$0x2] =	stream.linear.gather [hbm4b:s31+s0], $0x200, $0x38;
	[tilespmem:$0x6600] =	vst v63  }
0xb5: {  	s31 =	rddreg [dreg:$0x16];
	s28 =	simm.s32 $0x3200  }
0xb6: {  	[tilespmem:s28], [sflag:$0x2] =	stream.linear.gather [hbm4b:s31+s0], $0x200, $0x38;
	[tilespmem:$0x6600] =	vst v63  }
0xb7: {  	s31 =	rddreg [dreg:$0x17];
	s28 =	simm.s32 $0x5200  }
0xb8: {  	[tilespmem:s28], [sflag:$0x2] =	stream.linear.gather [hbm4b:s31+s0], $0x200, $0x38;
	[tilespmem:$0x6600] =	vst v63  }
0xb9: {  	s31 =	rddreg [dreg:$0x18];
	s28 =	simm.s32 $0x3400  }
0xba: {  	[tilespmem:s28], [sflag:$0x2] =	stream.linear.gather [hbm4b:s31+s0], $0x200, $0x38;
	[tilespmem:$0x6600] =	vst v63  }
0xbb: {  	s31 =	rddreg [dreg:$0x19];
	s28 =	simm.s32 $0x5400  }
0xbc: {  	[tilespmem:s28], [sflag:$0x2] =	stream.linear.gather [hbm4b:s31+s0], $0x200, $0x38;
	[tilespmem:$0x6600] =	vst v63  }
0xbd: {  	s31 =	rddreg [dreg:$0x1a];
	s28 =	simm.s32 $0x3600  }
0xbe: {  	[tilespmem:s28], [sflag:$0x2] =	stream.linear.gather [hbm4b:s31+s0], $0x200, $0x38;
	[tilespmem:$0x6600] =	vst v63  }
0xbf: {  	s31 =	rddreg [dreg:$0x1b];
	s28 =	simm.s32 $0x5600  }
0xc0: {  	[tilespmem:s28], [sflag:$0x2] =	stream.linear.gather [hbm4b:s31+s0], $0x200, $0x38;
	[tilespmem:$0x6600] =	vst v63  }
0xc1: {  	s31 =	rddreg [dreg:$0x1c];
	s28 =	simm.s32 $0x3800  }
0xc2: {  	[tilespmem:s28], [sflag:$0x2] =	stream.linear.gather [hbm4b:s31+s0], $0x200, $0x38;
	[tilespmem:$0x6600] =	vst v63  }
0xc3: {  	s31 =	rddreg [dreg:$0x1d];
	s28 =	simm.s32 $0x5800  }
0xc4: {  	[tilespmem:s28], [sflag:$0x2] =	stream.linear.gather [hbm4b:s31+s0], $0x200, $0x38;
	[tilespmem:$0x6600] =	vst v63  }
0xc5: {  	s31 =	rddreg [dreg:$0x1e];
	s28 =	simm.s32 $0x3A00  }
0xc6: {  	[tilespmem:s28], [sflag:$0x2] =	stream.linear.gather [hbm4b:s31+s0], $0x200, $0x38;
	[tilespmem:$0x6600] =	vst v63  }
0xc7: {  	s31 =	rddreg [dreg:$0x1f];
	s28 =	simm.s32 $0x5A00  }
0xc8: {  	[tilespmem:s28], [sflag:$0x2] =	stream.linear.gather [hbm4b:s31+s0], $0x200, $0x38;
	[tilespmem:$0x6600] =	vst v63  }
0xc9: {  	s31 =	sld [smem:$0x7F9];
	_ =	sdelay $0x1  }
0xca: {  	s28 =	simm.s32 $0x3C00  }
0xcb: {  	[tilespmem:s28], [sflag:$0x2] =	stream.linear.gather [hbm4b:s31+s0], $0x200, $0x38;
	[tilespmem:$0x6600] =	vst v63  }
0xcc: {  	s31 =	sld [smem:$0x7FA];
	_ =	sdelay $0x1  }
0xcd: {  	s28 =	simm.s32 $0x5C00  }
0xce: {  	[tilespmem:s28], [sflag:$0x2] =	stream.linear.gather [hbm4b:s31+s0], $0x200, $0x38;
	[tilespmem:$0x6600] =	vst v63  }
0xcf: {  	s31 =	sld [smem:$0x7FB];
	_ =	sdelay $0x1  }
0xd0: {  	s28 =	simm.s32 $0x3E00  }
0xd1: {  	[tilespmem:s28], [sflag:$0x2] =	stream.linear.gather [hbm4b:s31+s0], $0x200, $0x38;
	[tilespmem:$0x6600] =	vst v63  }
0xd2: {  	s31 =	sld [smem:$0x7FC];
	_ =	sdelay $0x1  }
0xd3: {  	s28 =	simm.s32 $0x5E00  }
0xd4: {  	[tilespmem:s28], [sflag:$0x2] =	stream.linear.gather [hbm4b:s31+s0], $0x200, $0x38;
	[tilespmem:$0x6600] =	vst v63  }
0xd5: {  	s31 =	simm.s32 $0x4000  }
0xd6: {  	[tilespmem:s31], [sflag:$0x2] =	stream.linear.gather [hbm4b:s3+s0], $0x200, $0x38;
	[tilespmem:$0x6600] =	vst v63  }
0xd7: {  	s31 =	simm.s32 $0x6000  }
0xd8: {  	[tilespmem:s31], [sflag:$0x2] =	stream.linear.gather [hbm4b:s4+s0], $0x200, $0x38;
	[tilespmem:$0x6600] =	vst v63  }
0xd9: {  	_ =	swait.ge [sflag:s24], $0x200  }
0xda: {  	[sflag:s24] =	ssyncset.done $0x0  }
0xdb: {  	[sflag:s24] =	ssyncadd.s32 $0xFFFFFE00  }
0xdc: {  	_ =	swait.ge [sflag:s24], $0x200  }
0xdd: {  	[sflag:s24] =	ssyncset.done $0x0  }
0xde: {  	[sflag:s24] =	ssyncadd.s32 $0xFFFFFE00  }
0xdf: {  	_ =	swait.ge [sflag:s24], $0x200  }
0xe0: {  	[sflag:s24] =	ssyncset.done $0x0  }
0xe1: {  	[sflag:s24] =	ssyncadd.s32 $0xFFFFFE00  }
0xe2: {  	_ =	swait.ge [sflag:s24], $0x200  }
0xe3: {  	[sflag:s24] =	ssyncset.done $0x0  }
0xe4: {  	[sflag:s24] =	ssyncadd.s32 $0xFFFFFE00  }
0xe5: {  	_ =	swait.ge [sflag:s24], $0x200  }
0xe6: {  	[sflag:s24] =	ssyncset.done $0x0  }
0xe7: {  	[sflag:s24] =	ssyncadd.s32 $0xFFFFFE00  }
0xe8: {  	_ =	swait.ge [sflag:s24], $0x200  }
0xe9: {  	[sflag:s24] =	ssyncset.done $0x0  }
0xea: {  	[sflag:s24] =	ssyncadd.s32 $0xFFFFFE00  }
0xeb: {  	_ =	swait.ge [sflag:s24], $0x200  }
0xec: {  	[sflag:s24] =	ssyncset.done $0x0  }
0xed: {  	[sflag:s24] =	ssyncadd.s32 $0xFFFFFE00  }
0xee: {  	_ =	swait.ge [sflag:s24], $0x200  }
0xef: {  	[sflag:s24] =	ssyncset.done $0x0  }
0xf0: {  	[sflag:s24] =	ssyncadd.s32 $0xFFFFFE00  }
0xf1: {  	_ =	swait.ge [sflag:s24], $0x200  }
0xf2: {  	[sflag:s24] =	ssyncset.done $0x0  }
0xf3: {  	[sflag:s24] =	ssyncadd.s32 $0xFFFFFE00  }
0xf4: {  	_ =	swait.ge [sflag:s24], $0x200  }
0xf5: {  	[sflag:s24] =	ssyncset.done $0x0  }
0xf6: {  	[sflag:s24] =	ssyncadd.s32 $0xFFFFFE00  }
0xf7: {  	_ =	swait.ge [sflag:s24], $0x200  }
0xf8: {  	[sflag:s24] =	ssyncset.done $0x0  }
0xf9: {  	[sflag:s24] =	ssyncadd.s32 $0xFFFFFE00  }
0xfa: {  	_ =	swait.ge [sflag:s24], $0x200  }
0xfb: {  	[sflag:s24] =	ssyncset.done $0x0  }
0xfc: {  	[sflag:s24] =	ssyncadd.s32 $0xFFFFFE00  }
0xfd: {  	_ =	swait.ge [sflag:s24], $0x200  }
0xfe: {  	[sflag:s24] =	ssyncset.done $0x0  }
0xff: {  	[sflag:s24] =	ssyncadd.s32 $0xFFFFFE00  }
0x100: {  	_ =	swait.ge [sflag:s24], $0x200  }
0x101: {  	[sflag:s24] =	ssyncset.done $0x0  }
0x102: {  	[sflag:s24] =	ssyncadd.s32 $0xFFFFFE00  }
0x103: {  	_ =	swait.ge [sflag:s24], $0x200  }
0x104: {  	[sflag:s24] =	ssyncset.done $0x0  }
0x105: {  	[sflag:s24] =	ssyncadd.s32 $0xFFFFFE00  }
0x106: {  	_ =	swait.ge [sflag:s24], $0x200  }
0x107: {  	[sflag:s24] =	ssyncset.done $0x0  }
0x108: {  	[sflag:s24] =	ssyncadd.s32 $0xFFFFFE00  }
0x109: {  	_ =	swait.ge [sflag:s24], $0x200  }
0x10a: {  	[sflag:s24] =	ssyncset.done $0x0  }
0x10b: {  	[sflag:s24] =	ssyncadd.s32 $0xFFFFFE00  }
0x10c: {  	_ =	swait.ge [sflag:s24], $0x200  }
0x10d: {  	[sflag:s24] =	ssyncset.done $0x0  }
0x10e: {  	[sflag:s24] =	ssyncadd.s32 $0xFFFFFE00  }
0x10f: {  	_ =	swait.ge [sflag:s24], $0x200  }
0x110: {  	[sflag:s24] =	ssyncset.done $0x0  }
0x111: {  	[sflag:s24] =	ssyncadd.s32 $0xFFFFFE00  }
0x112: {  	_ =	swait.ge [sflag:s24], $0x200  }
0x113: {  	[sflag:s24] =	ssyncset.done $0x0  }
0x114: {  	[sflag:s24] =	ssyncadd.s32 $0xFFFFFE00  }
0x115: {  	_ =	swait.ge [sflag:s24], $0x200  }
0x116: {  	[sflag:s24] =	ssyncset.done $0x0  }
0x117: {  	[sflag:s24] =	ssyncadd.s32 $0xFFFFFE00  }
0x118: {  	_ =	swait.ge [sflag:s24], $0x200  }
0x119: {  	[sflag:s24] =	ssyncset.done $0x0  }
0x11a: {  	[sflag:s24] =	ssyncadd.s32 $0xFFFFFE00  }
0x11b: {  	_ =	swait.ge [sflag:s24], $0x200  }
0x11c: {  	[sflag:s24] =	ssyncset.done $0x0  }
0x11d: {  	[sflag:s24] =	ssyncadd.s32 $0xFFFFFE00  }
0x11e: {  	_ =	swait.ge [sflag:s24], $0x200  }
0x11f: {  	[sflag:s24] =	ssyncset.done $0x0  }
0x120: {  	[sflag:s24] =	ssyncadd.s32 $0xFFFFFE00  }
0x121: {  	_ =	swait.ge [sflag:s24], $0x200  }
0x122: {  	[sflag:s24] =	ssyncset.done $0x0  }
0x123: {  	[sflag:s24] =	ssyncadd.s32 $0xFFFFFE00  }
0x124: {  	_ =	swait.ge [sflag:s24], $0x200  }
0x125: {  	[sflag:s24] =	ssyncset.done $0x0  }
0x126: {  	[sflag:s24] =	ssyncadd.s32 $0xFFFFFE00  }
0x127: {  	_ =	swait.ge [sflag:s24], $0x200  }
0x128: {  	[sflag:s24] =	ssyncset.done $0x0  }
0x129: {  	[sflag:s24] =	ssyncadd.s32 $0xFFFFFE00  }
0x12a: {  	_ =	swait.ge [sflag:s24], $0x200  }
0x12b: {  	[sflag:s24] =	ssyncset.done $0x0  }
0x12c: {  	[sflag:s24] =	ssyncadd.s32 $0xFFFFFE00  }
0x12d: {  	_ =	swait.ge [sflag:s24], $0x200  }
0x12e: {  	[sflag:s24] =	ssyncset.done $0x0  }
0x12f: {  	[sflag:s24] =	ssyncadd.s32 $0xFFFFFE00  }
0x130: {  	_ =	swait.ge [sflag:s24], $0x200  }
0x131: {  	[sflag:s24] =	ssyncset.done $0x0  }
0x132: {  	[sflag:s24] =	ssyncadd.s32 $0xFFFFFE00  }
0x133: {  	_ =	swait.ge [sflag:s24], $0x200  }
0x134: {  	[sflag:s24] =	ssyncset.done $0x0  }
0x135: {  	[sflag:s24] =	ssyncadd.s32 $0xFFFFFE00  }
0x136: {  	_ =	swait.ge [sflag:s24], $0x200  }
0x137: {  	[sflag:s24] =	ssyncset.done $0x0  }
0x138: {  	[sflag:s24] =	ssyncadd.s32 $0xFFFFFE00  }
0x139: {  	_ =	swait.ge [sflag:s25], $0x2000  }
0x13a: {  	[sflag:s25] =	ssyncset.done $0x0  }
0x13b: {  	s28 =	simm.s32 $0x0;
	[sflag:s25] =	ssyncadd.s32 $0xFFFFE000  }
0x13c: {  	v0 =	vld [tilespmem:s28+$0x200]  }
0x13d: {  	v1 =	vld [tilespmem:s28+$0x4200]  }
0x13e: {  	v5 =	vld [tilespmem:s28+$0x400]  }
0x13f: {  	v2 =	vld [tilespmem:s28+$0x4400]  }
0x140: {  	v6 =	vld [tilespmem:s28+$0x600]  }
0x141: {  	v3 =	vld [tilespmem:s28+$0x4600]  }
0x142: {  	v7 =	vld [tilespmem:s28+$0x800]  }
0x143: {  	v4 =	vld [tilespmem:s28+$0x4800]  }
0x144: {  	v8 =	vld [tilespmem:s28+$0xA00];
	v1 =	vmul.f32 v1, v0  }
0x145: {  	v9 =	vld [tilespmem:s28+$0x4A00]  }
0x146: {  	v10 =	vld [tilespmem:s28+$0xC00];
	v2 =	vmul.f32 v2, v5;
	v1 =	vadd.f32 $0.0e+00, v1  }
0x147: {  	v12 =	vld [tilespmem:s28+$0xE00]  }
0x148: {  	v13 =	vld [tilespmem:s28+$0x1000];
	v1 =	vadd.f32 v2, v1;
	v2 =	vmul.f32 v3, v6  }
0x149: {  	v3 =	vld [tilespmem:s28+$0x4C00]  }
0x14a: {  	v16 =	vld [tilespmem:s28+$0x1200];
	v1 =	vadd.f32 v2, v1;
	v2 =	vmul.f32 v4, v7  }
0x14b: {  	v4 =	vld [tilespmem:s28+$0x4E00]  }
0x14c: {  	v17 =	vld [tilespmem:s28+$0x1400];
	v1 =	vadd.f32 v2, v1;
	v2 =	vmul.f32 v9, v8  }
0x14d: {  	v9 =	vld [tilespmem:s28+$0x5000]  }
0x14e: {  	v18 =	vld [tilespmem:s28+$0x1600];
	v1 =	vadd.f32 v2, v1;
	v2 =	vmul.f32 v3, v10  }
0x14f: {  	v3 =	vld [tilespmem:s28+$0x5200]  }
0x150: {  	v19 =	vld [tilespmem:s28+$0x1800];
	v1 =	vadd.f32 v2, v1;
	v2 =	vmul.f32 v4, v12  }
0x151: {  	v4 =	vld [tilespmem:s28+$0x5400]  }
0x152: {  	v11 =	vld [tilespmem:s28+$0x5800];
	v1 =	vadd.f32 v2, v1;
	v2 =	vmul.f32 v9, v13  }
0x153: {  	v9 =	vld [tilespmem:s28+$0x5600]  }
0x154: {  	v14 =	vld [tilespmem:s28+$0x5A00];
	v3 =	vmul.f32 v3, v16;
	v2 =	vadd.f32 v2, v1  }
0x155: {  	v15 =	vld [tilespmem:s28+$0x5C00]  }
0x156: {  	v20 =	vld [tilespmem:s28+$0x5E00];
	v4 =	vmul.f32 v4, v17;
	v3 =	vadd.f32 v3, v2  }
0x157: {  	v1 =	vld [tilespmem:s28+$0x1A00]  }
0x158: {  	v21 =	vld [tilespmem:s28+$0x2200];
	v9 =	vmul.f32 v9, v18;
	v4 =	vadd.f32 v4, v3  }
0x159: {  	v2 =	vld [tilespmem:s28+$0x1C00]  }
0x15a: {  	v22 =	vld [tilespmem:s28+$0x2600];
	v11 =	vmul.f32 v11, v19;
	v9 =	vadd.f32 v9, v4  }
0x15b: {  	v61 =	vld [tilespmem:s28+$0x2800]  }
0x15c: {  	v23 =	vld [tilespmem:s28+$0x2A00];
	v9 =	vadd.f32 v11, v9;
	v11 =	vmul.f32 v14, v1  }
0x15d: {  	v3 =	vld [tilespmem:s28+$0x1E00]  }
0x15e: {  	v9 =	vadd.f32 v11, v9;
	v11 =	vmul.f32 v15, v2;
	v15 =	vld [tilespmem:s28+$0x2400]  }
0x15f: {  	v4 =	vld [tilespmem:s28+$0x2000]  }
0x160: {  	v0 =	vmul.f32 v21, v0;
	v14 =	vld [tilespmem:s28+$0x6000]  }
0x161: {  	v24 =	vld [tilespmem:s28+$0x2E00]  }
0x162: {  	v62 =	vld [tilespmem:s28+$0x3000];
	v0 =	vadd.f32 $0.0e+00, v0  }
0x163: {  	v25 =	vld [tilespmem:s28+$0x3200];
	v9 =	vadd.f32 v11, v9;
	v11 =	vmul.f32 v20, v3;
	v5 =	vmul.f32 v15, v5  }
0x164: {  	v26 =	vld [tilespmem:s28+$0x3400];
	v6 =	vmul.f32 v22, v6  }
0x165: {  	v9 =	vadd.f32 v11, v9;
	v11 =	vmul.f32 v14, v4;
	v14 =	vld [tilespmem:s28+$0x2C00];
	v0 =	vadd.f32 v5, v0  }
0x166: {  	v63 =	vld [tilespmem:s28+$0x3800]  }
0x167: {  	v7 =	vmul.f32 v61, v7;
	v9 =	vadd.f32 v11, v9;
	v5 =	vld [tilespmem:s28+$0x3600];
	v0 =	vadd.f32 v6, v0  }
0x168: {  	v11 =	vld [tilespmem:s28+$0x3A00]  }
0x169: {  	v8 =	vmul.f32 v23, v8;
	v13 =	vmul.f32 v62, v13;
	[tilespmem:s28+$0x6400] =	vst v9;
	v9 =	vld [tilespmem:s28+$0x3C00];
	v0 =	vadd.f32 v7, v0  }
0x16a: {  	v15 =	vmul.f32 v14, v10;
	v14 =	vmul.f32 v24, v12;
	v6 =	vld [tilespmem:s28+$0x3E00]  }
0x16b: {  	s29 =	simm.s32 $0x10;
	v12 =	vmul.f32 v25, v16;
	v10 =	vmul.f32 v26, v17;
	v7 =	vld [tilespmem:s28+$0x4000];
	v16 =	vadd.f32 v8, v0  }
0x16c: {  	s30 =	simm.s32 $0x80;
	v8 =	vmul.f32 v5, v18;
	v0 =	vld [tilespmem:s29+$0x200];
	v5 =	vmul.f32 v63, v19  }
.LBB2_4:
0x16d: {  	p0 =	sne.s32 s30, $0x7C0;
	v17 =	vld [tilespmem:s29+$0x4200];
	v15 =	vadd.f32 v15, v16;
	v1 =	vmul.f32 v11, v1  }
0x16e: {  	v11 =	vld [tilespmem:s29+$0x400];
	v2 =	vmul.f32 v9, v2  }
0x16f: {  	v9 =	vld [tilespmem:s29+$0x4400];
	v14 =	vadd.f32 v14, v15;
	v3 =	vmul.f32 v6, v3  }
0x170: {  	v6 =	vld [tilespmem:s29+$0x600];
	v4 =	vmul.f32 v7, v4  }
0x171: {  	v7 =	vld [tilespmem:s29+$0x4600];
	v13 =	vadd.f32 v13, v14  }
0x172: {  	v14 =	vmul.f32 v17, v0;
	v15 =	vld [tilespmem:s29+$0x800]  }
0x173: {  	v16 =	vld [tilespmem:s29+$0x4800];
	v12 =	vadd.f32 v12, v13  }
0x174: {  	v13 =	vadd.f32 $0.0e+00, v14;
	v9 =	vmul.f32 v9, v11;
	v14 =	vld [tilespmem:s29+$0xA00]  }
0x175: {  	v17 =	vld [tilespmem:s29+$0x4A00];
	v10 =	vadd.f32 v10, v12  }
0x176: {  	v9 =	vadd.f32 v9, v13;
	v7 =	vmul.f32 v7, v6;
	v12 =	vld [tilespmem:s29+$0xC00]  }
0x177: {  	v13 =	vld [tilespmem:s29+$0x4C00];
	v8 =	vadd.f32 v8, v10  }
0x178: {  	v7 =	vadd.f32 v7, v9;
	v9 =	vmul.f32 v16, v15;
	v10 =	vld [tilespmem:s29+$0xE00]  }
0x179: {  	v16 =	vld [tilespmem:s29+$0x4E00];
	v5 =	vadd.f32 v5, v8  }
0x17a: {  	v7 =	vadd.f32 v9, v7;
	v8 =	vmul.f32 v17, v14;
	v9 =	vld [tilespmem:s29+$0x1000]  }
0x17b: {  	v17 =	vld [tilespmem:s29+$0x5000];
	v1 =	vadd.f32 v1, v5  }
0x17c: {  	v5 =	vadd.f32 v8, v7;
	v7 =	vmul.f32 v13, v12;
	v8 =	vld [tilespmem:s29+$0x1200]  }
0x17d: {  	v13 =	vld [tilespmem:s29+$0x5200];
	v1 =	vadd.f32 v2, v1  }
0x17e: {  	v2 =	vadd.f32 v7, v5;
	v5 =	vmul.f32 v16, v10;
	v7 =	vld [tilespmem:s29+$0x1400]  }
0x17f: {  	v16 =	vld [tilespmem:s29+$0x5400];
	v1 =	vadd.f32 v3, v1  }
0x180: {  	v2 =	vadd.f32 v5, v2;
	v3 =	vmul.f32 v17, v9;
	v5 =	vld [tilespmem:s29+$0x1600]  }
0x181: {  	v17 =	vld [tilespmem:s29+$0x5600];
	v1 =	vadd.f32 v4, v1  }
0x182: {  	v2 =	vadd.f32 v3, v2;
	v3 =	vmul.f32 v13, v8;
	v18 =	vld [tilespmem:s29+$0x1800]  }
0x183: {  	v4 =	vld [tilespmem:s29+$0x5800];
	[tilespmem:s28+$0x6200] =	vst v1;
	s28 =	smov.u32 s29  }
0x184: {  	v2 =	vadd.f32 v3, v2;
	v3 =	vmul.f32 v16, v7;
	v1 =	vld [tilespmem:s28+$0x1A00]  }
0x185: {  	v13 =	vld [tilespmem:s28+$0x5A00]  }
0x186: {  	v3 =	vadd.f32 v3, v2;
	v16 =	vmul.f32 v17, v5;
	v2 =	vld [tilespmem:s28+$0x1C00]  }
0x187: {  	v17 =	vld [tilespmem:s28+$0x5C00]  }
0x188: {  	v16 =	vadd.f32 v16, v3;
	v4 =	vmul.f32 v4, v18;
	v3 =	vld [tilespmem:s28+$0x1E00]  }
0x189: {  	v19 =	vld [tilespmem:s28+$0x5E00]  }
0x18a: {  	v16 =	vadd.f32 v4, v16;
	v13 =	vmul.f32 v13, v1;
	v4 =	vld [tilespmem:s28+$0x2000]  }
0x18b: {  	v20 =	vld [tilespmem:s28+$0x6000]  }
0x18c: {  	v21 =	vld [tilespmem:s28+$0x2200];
	v13 =	vadd.f32 v13, v16;
	v16 =	vmul.f32 v17, v2  }
0x18d: {  	v17 =	vld [tilespmem:s28+$0x2400]  }
0x18e: {  	v22 =	vld [tilespmem:s28+$0x2600];
	v13 =	vadd.f32 v16, v13;
	v16 =	vmul.f32 v19, v3  }
0x18f: {  	v19 =	vld [tilespmem:s28+$0x2800]  }
0x190: {  	v23 =	vld [tilespmem:s28+$0x2A00];
	v13 =	vadd.f32 v16, v13;
	v16 =	vmul.f32 v20, v4  }
0x191: {  	v0 =	vmul.f32 v21, v0;
	v20 =	vld [tilespmem:s28+$0x2C00]  }
0x192: {  	v11 =	vmul.f32 v17, v11;
	v17 =	vld [tilespmem:s28+$0x2E00];
	v13 =	vadd.f32 v16, v13  }
0x193: {  	v0 =	vadd.f32 $0.0e+00, v0;
	v6 =	vmul.f32 v22, v6;
	v16 =	vld [tilespmem:s28+$0x3000]  }
0x194: {  	v19 =	vmul.f32 v19, v15;
	v21 =	vld [tilespmem:s28+$0x3200];
	[tilespmem:s28+$0x6400] =	vst v13  }
0x195: {  	v0 =	vadd.f32 v11, v0;
	v22 =	vmul.f32 v23, v14;
	v23 =	vld [tilespmem:s28+$0x3400]  }
0x196: {  	v15 =	vmul.f32 v20, v12;
	v20 =	vld [tilespmem:s28+$0x3600]  }
0x197: {  	v0 =	vadd.f32 v6, v0;
	v14 =	vmul.f32 v17, v10;
	v17 =	vld [tilespmem:s28+$0x3800]  }
.Ltmp1:
0x198: {  	v13 =	vmul.f32 v16, v9;
	v11 =	vld [tilespmem:s28+$0x3A00];
	(pc) =	sbr.rel @p0 .LBB2_4-.Ltmp1, $4  }
0x199: {  	v0 =	vadd.f32 v19, v0;
	v12 =	vmul.f32 v21, v8;
	v9 =	vld [tilespmem:s28+$0x3C00]  }
0x19a: {  	v10 =	vmul.f32 v23, v7;
	v6 =	vld [tilespmem:s28+$0x3E00]  }
0x19b: {  	s29 =	sshra.s32 s30, $0x2;
	v16 =	vadd.f32 v22, v0;
	v8 =	vmul.f32 v20, v5;
	v7 =	vld [tilespmem:s28+$0x4000]  }
0x19c: {  	s30 =	sadd.s32 $0x40, s30;
	v0 =	vld [tilespmem:s29+$0x200];
	v5 =	vmul.f32 v17, v18  }
0x19d: {  	v17 =	vld [tilespmem:s29+$0x4200];
	v15 =	vadd.f32 v15, v16  }
0x19e: {  	v48 =	vld [tilespmem:s29+$0x400]  }
0x19f: {  	v18 =	vld [tilespmem:s29+$0x4400];
	v14 =	vadd.f32 v14, v15  }
0x1a0: {  	v49 =	vld [tilespmem:s29+$0x600]  }
0x1a1: {  	v19 =	vld [tilespmem:s29+$0x4600];
	v13 =	vadd.f32 v13, v14  }
0x1a2: {  	v50 =	vld [tilespmem:s29+$0x800]  }
0x1a3: {  	v20 =	vld [tilespmem:s29+$0x4800];
	v12 =	vadd.f32 v12, v13  }
0x1a4: {  	v21 =	vld [tilespmem:s29+$0x4A00]  }
0x1a5: {  	v22 =	vld [tilespmem:s29+$0x4C00];
	v10 =	vadd.f32 v10, v12  }
0x1a6: {  	v23 =	vld [tilespmem:s29+$0x4E00]  }
0x1a7: {  	v53 =	vld [tilespmem:s29+$0x5000];
	v8 =	vadd.f32 v8, v10  }
0x1a8: {  	v56 =	vld [tilespmem:s29+$0x5200]  }
0x1a9: {  	v1 =	vmul.f32 v11, v1;
	v59 =	vld [tilespmem:s29+$0x5400];
	v5 =	vadd.f32 v5, v8  }
0x1aa: {  	v60 =	vld [tilespmem:s29+$0x1600]  }
0x1ab: {  	v62 =	vld [tilespmem:s29+$0x5600];
	v2 =	vmul.f32 v9, v2;
	v17 =	vmul.f32 v17, v0;
	v1 =	vadd.f32 v1, v5  }
0x1ac: {  	v63 =	vld [tilespmem:s29+$0x1800];
	v3 =	vmul.f32 v6, v3  }
0x1ad: {  	v24 =	vld [tilespmem:s29+$0x5800];
	v18 =	vmul.f32 v18, v48;
	v17 =	vadd.f32 $0.0e+00, v17;
	v1 =	vadd.f32 v2, v1  }
0x1ae: {  	v4 =	vmul.f32 v7, v4;
	v13 =	vld [tilespmem:s29+$0xA00]  }
0x1af: {  	v52 =	vmul.f32 v19, v49;
	v12 =	vld [tilespmem:s29+$0xC00];
	v51 =	vadd.f32 v18, v17;
	v1 =	vadd.f32 v3, v1  }
0x1b0: {  	v10 =	vld [tilespmem:s29+$0xE00]  }
0x1b1: {  	v55 =	vmul.f32 v20, v50;
	v54 =	vadd.f32 v52, v51;
	v8 =	vld [tilespmem:s29+$0x1000];
	v1 =	vadd.f32 v4, v1  }
0x1b2: {  	v5 =	vld [tilespmem:s29+$0x1200]  }
0x1b3: {  	v58 =	vmul.f32 v21, v13;
	v57 =	vadd.f32 v55, v54;
	v2 =	vld [tilespmem:s29+$0x1400];
	[tilespmem:s28+$0x6200] =	vst v1  }
0x1b4: {  	v33 =	vld [tilespmem:s29+$0x2200]  }
0x1b5: {  	v61 =	vmul.f32 v22, v12;
	v6 =	vadd.f32 v58, v57;
	v27 =	vld [tilespmem:s29+$0x1A00]  }
0x1b6: {  	v36 =	vld [tilespmem:s29+$0x2400]  }
0x1b7: {  	v23 =	vmul.f32 v23, v10;
	v6 =	vadd.f32 v61, v6;
	v28 =	vld [tilespmem:s29+$0x5A00]  }
0x1b8: {  	v39 =	vld [tilespmem:s29+$0x2600]  }
0x1b9: {  	v26 =	vmul.f32 v53, v8;
	v25 =	vadd.f32 v23, v6;
	v30 =	vld [tilespmem:s29+$0x1C00];
	v41 =	vmul.f32 v33, v0  }
0x1ba: {  	v29 =	vmul.f32 v56, v5;
	v43 =	vld [tilespmem:s29+$0x2800]  }
0x1bb: {  	v1 =	vadd.f32 v26, v25;
	v31 =	vld [tilespmem:s29+$0x5C00];
	v9 =	vmul.f32 v36, v48;
	v0 =	vadd.f32 $0.0e+00, v41  }
0x1bc: {  	v32 =	vmul.f32 v59, v2;
	v46 =	vld [tilespmem:s29+$0x2A00]  }
0x1bd: {  	v34 =	vld [tilespmem:s29+$0x1E00];
	v1 =	vadd.f32 v29, v1;
	v15 =	vmul.f32 v39, v49;
	v0 =	vadd.f32 v9, v0  }
0x1be: {  	v35 =	vmul.f32 v62, v60;
	v48 =	vld [tilespmem:s29+$0x2C00]  }
0x1bf: {  	v37 =	vld [tilespmem:s29+$0x5E00];
	v1 =	vadd.f32 v32, v1;
	v11 =	vmul.f32 v43, v50;
	v0 =	vadd.f32 v15, v0  }
0x1c0: {  	v38 =	vmul.f32 v24, v63;
	v49 =	vld [tilespmem:s29+$0x2E00]  }
0x1c1: {  	v40 =	vld [tilespmem:s29+$0x2000];
	v1 =	vadd.f32 v35, v1;
	v13 =	vmul.f32 v46, v13;
	v0 =	vadd.f32 v11, v0  }
0x1c2: {  	v51 =	vld [tilespmem:s29+$0x3000];
	v42 =	vmul.f32 v28, v27  }
0x1c3: {  	v44 =	vld [tilespmem:s29+$0x6000];
	v1 =	vadd.f32 v38, v1;
	v9 =	vmul.f32 v48, v12;
	v0 =	vadd.f32 v13, v0  }
0x1c4: {  	v52 =	vld [tilespmem:s29+$0x3200];
	v45 =	vmul.f32 v31, v30  }
0x1c5: {  	v1 =	vadd.f32 v42, v1;
	v53 =	vmul.f32 v49, v10;
	v0 =	vadd.f32 v9, v0  }
0x1c6: {  	v54 =	vld [tilespmem:s29+$0x3400];
	v47 =	vmul.f32 v37, v34  }
0x1c7: {  	v8 =	vmul.f32 v51, v8;
	v1 =	vadd.f32 v45, v1;
	v0 =	vadd.f32 v53, v0  }
0x1c8: {  	v55 =	vld [tilespmem:s29+$0x3600];
	v50 =	vmul.f32 v44, v40  }
0x1c9: {  	v5 =	vmul.f32 v52, v5;
	v1 =	vadd.f32 v47, v1;
	v0 =	vadd.f32 v8, v0  }
0x1ca: {  	v56 =	vld [tilespmem:s29+$0x3800]  }
0x1cb: {  	v2 =	vmul.f32 v54, v2;
	v1 =	vadd.f32 v50, v1;
	v0 =	vadd.f32 v5, v0  }
0x1cc: {  	v57 =	vld [tilespmem:s29+$0x3A00]  }
0x1cd: {  	[tilespmem:s29+$0x6400] =	vst v1;
	v1 =	vmul.f32 v55, v60;
	v0 =	vadd.f32 v2, v0  }
0x1ce: {  	v58 =	vld [tilespmem:s29+$0x3C00]  }
0x1cf: {  	v59 =	vmul.f32 v56, v63;
	v0 =	vadd.f32 v1, v0  }
0x1d0: {  	v60 =	vld [tilespmem:s29+$0x3E00]  }
0x1d1: {  	v61 =	vmul.f32 v57, v27;
	v0 =	vadd.f32 v59, v0  }
0x1d2: {  	v62 =	vld [tilespmem:s29+$0x4000]  }
0x1d3: {  	v2 =	vmul.f32 v58, v30;
	v0 =	vadd.f32 v61, v0;
	_ =	sdelay $0x1  }
0x1d4: {  	v1 =	vmul.f32 v60, v34;
	v0 =	vadd.f32 v2, v0;
	_ =	sdelay $0x1  }
0x1d5: {  	v63 =	vmul.f32 v62, v40;
	v0 =	vadd.f32 v1, v0;
	_ =	sdelay $0x1  }
0x1d6: {  	v0 =	vadd.f32 v63, v0;
	_ =	sdelay $0x1  }
0x1d7: {  	s0 =	simm.s32 $0x6200;
	[tilespmem:s29+$0x6200] =	vst v0  }
0x1d8: {  	[hbm4b:s6+s1] =	stream.linear.scatter [tilespmem:s0], [sflag:$0x3], $0x200, $0x38;
	[tilespmem:$0x6600] =	vst v63  }
0x1d9: {  	s26 =	sadd.s32 $0x1, s26;
	_ =	swait.ge [sflag:s23], $0x200  }
0x1da: {  	p0 =	sne.s32 s26, s22;
	[sflag:s23] =	ssyncset.done $0x0  }
.Ltmp2:
0x1db: {  	s31 =	simm.s32 $0x6400;
	[sflag:s23] =	ssyncadd.s32 $0xFFFFFE00;
	(pc) =	sbr.rel @p0 .LBB2_1-.Ltmp2, $4  }
0x1dc: {  	[hbm4b:s7+s1] =	stream.linear.scatter [tilespmem:s31], [sflag:$0x3], $0x200, $0x38;
	[tilespmem:$0x6600] =	vst v63  }
0x1dd: {  	_ =	swait.ge [sflag:s23], $0x200  }
0x1de: {  	[sflag:s23] =	ssyncset.done $0x0  }
0x1df: {  	[sflag:s23] =	ssyncadd.s32 $0xFFFFFE00  }
0x1e0: {  	_ =	sfence.sel $0x180000  }
0x1e1: {  	[bflag:$0x0] =	sbarrier.arrive $0xFFFF  }
0x1e2: {  	_ =	strace $0x9000004A  }
0x1e3: {  	s0 =	stileid.u32;
	[bflag:$0x2] =	sbarrier.arrive $0xFFFF  }
0x1e4: {  	p0 =	sne.s32 s0, $0x0;
	s0 =	rddreg [dreg:$0x4]  }
0x1e5: {  	s0 =	sadd.s32 @!p0 $0x100000, s0  }
0x1e6: {  	[sflag:s0] =	ssyncadd.tile.s32 @!p0 $0x1;
	_ =	shalt  }
.Lfunc_end2:
_tile_overlayer_lowered:
.L_overlay_start_2:
0x1e7: {  	(tag) =	ssettag $0x2  }
0x1e8: {  	s0 =	rddreg [dreg:$0x0];
	s2 =	stileid.u32  }
0x1e9: {  	s1 =	rddreg [dreg:$0x1];
	p0 =	sne.s32 s2, $0x0  }
0x1ea: {  	s3 =	rddreg [dreg:$0x2];
	[bflag:$0x3] =	sbarrier.arrive $0xFFFF;
	s2 =	simm.s32 @!p0 $0x1C03  }
0x1eb: {  	[timem:s3], [sflag:s2] =	dma.local @!p0 [hbm:s0], s1  }
0x1ec: {  	s0 =	simm.s32 @!p0 $0x3  }
0x1ed: {  	_ =	swait.ge @!p0 [sflag:s0], s1  }
0x1ee: {  	s1 =	ssub.s32 @!p0 $0x0, s1;
	[sflag:s0] =	ssyncset.done @!p0 $0x0  }
0x1ef: {  	[sflag:s0] =	ssyncadd.s32 @!p0 s1  }
0x1f0: {  	[bflag:$0x3] =	sbarrier.arrive $0xFFFF  }
0x1f1: {  	_ =	shalt  }

</sc_bundles>
